<compile_context>
chip_gen: v7x
topology: tpu7x:2x2x1
jax: 0.10.2.dev20260603
libtpu: 0.0.44.dev20260713+nightly
codegen_flags: <defaults>
</compile_context>

<pallas_src>
import functools

import jax
import jax.numpy as jnp
from jax import lax
from jax.experimental import pallas as pl
from jax.experimental.pallas import tpu as pltpu
from jax.experimental.pallas import tpu_sc as plsc

N = 10000
D = 256
H = 128
E = 160000
CHUNK = 128
NTILES = 16
NROW = N + 240
RPT = NROW // NTILES
E_PAD = 163840
NCH = E_PAD // CHUNK
CPT = NCH // NTILES
G = CPT // 2
RBLK = 1000
GRID = N // RBLK
DCH = 1024
DPT = (E_PAD // 2) // NTILES // DCH

_mesh = plsc.VectorSubcoreMesh(core_axis_name="c", subcore_axis_name="s")



@functools.partial(
    pl.kernel,
    out_type=jax.ShapeDtypeStruct((2, 2, NROW), jnp.float32),
    mesh=_mesh,
    scratch_types=[
        pltpu.VMEM((DCH,), jnp.int32),
        pltpu.VMEM((DCH,), jnp.float32),
        pltpu.VMEM_SHARED((NROW,), jnp.float32),
    ],
)
def _deg_kernel(dst0_hbm, dst1_hbm, ones_hbm, zeros_hbm, out_hbm,
                idx_v, ones_v, acc_sh):
    core = lax.axis_index("c")
    sub = lax.axis_index("s")
    r0 = sub * RPT
    pltpu.sync_copy(ones_hbm, ones_v)
    for v, dref in ((0, dst0_hbm), (1, dst1_hbm)):
        pltpu.sync_copy(zeros_hbm.at[pl.ds(r0, RPT)], acc_sh.at[pl.ds(r0, RPT)])
        plsc.subcore_barrier()
        base0 = (core * (E_PAD // 2)) + sub * (DPT * DCH)

        @pl.loop(0, DPT)
        def _(ci):
            b = base0 + ci * DCH
            pltpu.sync_copy(dref.at[pl.ds(b, DCH)], idx_v)
            pltpu.sync_copy(ones_v, acc_sh.at[idx_v], add=True)
        plsc.subcore_barrier()
        pltpu.sync_copy(acc_sh.at[pl.ds(r0, RPT)],
                        out_hbm.at[v, core, pl.ds(r0, RPT)])


@functools.partial(
    pl.kernel,
    out_type=jax.ShapeDtypeStruct((2, NROW, H), jnp.float32),
    mesh=_mesh,
    scratch_types=[
        pltpu.VMEM((CHUNK,), jnp.int32),
        pltpu.VMEM((CHUNK,), jnp.int32),
        pltpu.VMEM((CHUNK,), jnp.int32),
        pltpu.VMEM((CHUNK,), jnp.int32),
        pltpu.VMEM((CHUNK, H), jnp.float32),
        pltpu.VMEM((CHUNK, H), jnp.float32),
        pltpu.VMEM_SHARED((NROW, H), jnp.float32),
        pltpu.SemaphoreType.DMA,
        pltpu.SemaphoreType.DMA,
    ],
)
def _adj_kernel(sref, dref, yref, zeros_hbm, out_hbm,
                sidx0, didx0, sidx1, didx1, rows0, rows1, acc, sem0, sem1):
    core = lax.axis_index("c")
    sub = lax.axis_index("s")
    r0 = sub * RPT
    bufs = ((sidx0, didx0, rows0, sem0), (sidx1, didx1, rows1, sem1))
    pltpu.sync_copy(zeros_hbm.at[pl.ds(r0, RPT)], acc.at[pl.ds(r0, RPT)])
    plsc.subcore_barrier()
    base0 = sub * (CPT * CHUNK)

    def issue(b, bi):
        si, di, ro, se = bufs[bi]
        pltpu.sync_copy(sref.at[core, pl.ds(b, CHUNK)], si)
        pltpu.sync_copy(dref.at[pl.ds(b, CHUNK)], di)
        pltpu.async_copy(yref.at[si], ro, se)

    def drain_scatter(bi):
        si, di, ro, se = bufs[bi]
        pltpu.make_async_copy(yref.at[si], ro, se).wait()
        pltpu.sync_copy(ro, acc.at[di], add=True)

    issue(base0, 0)

    @pl.loop(0, CPT - 2, step=2)
    def _(ci):
        b = base0 + ci * CHUNK
        issue(b + CHUNK, 1)
        drain_scatter(0)
        issue(b + 2 * CHUNK, 0)
        drain_scatter(1)

    issue(base0 + (CPT - 1) * CHUNK, 1)
    drain_scatter(0)
    drain_scatter(1)
    plsc.subcore_barrier()
    pltpu.sync_copy(acc.at[pl.ds(r0, RPT)],
                    out_hbm.at[core, pl.ds(r0, RPT)])



def _dot(a, w):
    return jnp.dot(a.astype(jnp.bfloat16), w.astype(jnp.bfloat16),
                   preferred_element_type=jnp.float32)


def _row_spec(cols):
    return pl.BlockSpec((RBLK, cols), lambda i: (i, 0))


def _av_spec(c):
    return pl.BlockSpec((1, RBLK, H), lambda i, c=c: (c, i, 0))


def _stk_spec():
    return pl.BlockSpec((2, RBLK, H), lambda i: (0, i, 0))


def _w_spec():
    return pl.BlockSpec((D, D), lambda i: (0, 0))


def _b_spec():
    return pl.BlockSpec((1, D), lambda i: (0, 0))


def _tc1_body(x_ref, deg0_ref, deg1_ref, bW1_ref, bb1_ref, bW2_ref, bb2_ref,
              g0W_ref, g1W_ref, xb_ref, y0_ref, y1_ref, dinv0_ref, dinv1_ref):
    x = x_ref[...]
    dinv0 = lax.rsqrt(deg0_ref[...] + 1.0)
    dinv1 = lax.rsqrt(deg1_ref[...] + 1.0)
    dinv0_ref[...] = dinv0
    dinv1_ref[...] = dinv1
    h = jnp.maximum(_dot(x, bW1_ref[...]) + bb1_ref[...], 0.0)
    xb_ref[...] = jnp.maximum(_dot(h, bW2_ref[...]) + bb2_ref[...], 0.0)
    y0 = dinv0 * _dot(x, g0W_ref[...])
    y1 = dinv1 * _dot(x, g1W_ref[...])
    y0_ref[0] = y0[:, :H]
    y0_ref[1] = y0[:, H:]
    y1_ref[0] = y1[:, :H]
    y1_ref[1] = y1[:, H:]


def _tc2v_body(Aa_ref, Ab_ref, y_ref, dv_ref, b_ref, W_ref, yn_ref):
    d = dv_ref[...]
    A = jnp.concatenate([Aa_ref[0] + y_ref[0], Ab_ref[0] + y_ref[1]], axis=1)
    hcur = jnp.maximum(d * A + b_ref[...], 0.0)
    ynew = d * _dot(hcur, W_ref[...])
    yn_ref[0] = ynew[:, :H]
    yn_ref[1] = ynew[:, H:]


def _tc3v_body(Aa_ref, Ab_ref, y_ref, dv_ref, gb_ref, W1_ref, b1_ref,
               W2_ref, b2_ref, acc_ref, out_ref):
    d = dv_ref[...]
    A = jnp.concatenate([Aa_ref[0] + y_ref[0], Ab_ref[0] + y_ref[1]], axis=1)
    Hcur = jnp.maximum(d * A + gb_ref[...], 0.0)
    h1 = jnp.maximum(_dot(Hcur, W1_ref[...]) + b1_ref[...], 0.0)
    out_ref[...] = acc_ref[...] + jnp.maximum(
        _dot(h1, W2_ref[...]) + b2_ref[...], 0.0)


def kernel(x_initial, edge_index_0, edge_index_1,
           basic_W1, basic_b1, basic_W2, basic_b2,
           gnn0_W0, gnn0_b0, gnn0_W1, gnn0_b1,
           gnn1_W0, gnn1_b0, gnn1_W1, gnn1_b1,
           dec0_W1, dec0_b1, dec0_W2, dec0_b2,
           dec1_W1, dec1_b1, dec1_W2, dec1_b2):
    f32 = jnp.float32
    pad = E_PAD - E
    pad_src = (jnp.arange(pad, dtype=jnp.int32) * 997) % N
    pad_dst = N + (jnp.arange(pad, dtype=jnp.int32) % 240)

    def prep(ei):
        s = jnp.concatenate([ei[0].astype(jnp.int32), pad_src])
        dd = jnp.concatenate([ei[1].astype(jnp.int32), pad_dst])
        return jnp.stack([s, s + N]), dd

    srcs0, dst0 = prep(edge_index_0)
    srcs1, dst1 = prep(edge_index_1)

    zerosH = jnp.zeros((NROW, H), f32)
    ones1 = jnp.ones((DCH,), f32)
    zeros1 = jnp.zeros((NROW,), f32)

    deg_out = _deg_kernel(dst0, dst1, ones1, zeros1)
    deg0 = (deg_out[0, 0, :N] + deg_out[0, 1, :N])[:, None]
    deg1 = (deg_out[1, 0, :N] + deg_out[1, 1, :N])[:, None]

    b = lambda v: v.reshape(1, D)
    row_f = jax.ShapeDtypeStruct((N, D), f32)
    stk_f = jax.ShapeDtypeStruct((2, N, H), f32)
    d1_f = jax.ShapeDtypeStruct((N, 1), f32)

    xb, y0, y1, dinv0, dinv1 = pl.pallas_call(
        _tc1_body,
        grid=(GRID,),
        in_specs=[_row_spec(D), _row_spec(1), _row_spec(1),
                  _w_spec(), _b_spec(), _w_spec(), _b_spec(),
                  _w_spec(), _w_spec()],
        out_specs=[_row_spec(D), _stk_spec(), _stk_spec(),
                   _row_spec(1), _row_spec(1)],
        out_shape=[row_f, stk_f, stk_f, d1_f, d1_f],
    )(x_initial, deg0, deg1, basic_W1, b(basic_b1), basic_W2, b(basic_b2),
      gnn0_W0, gnn1_W0)

    def adj(s, dd, ys):
        return _adj_kernel(s, dd, ys.reshape(2 * N, H), zerosH)

    def tc2v(A, y, dv, bb, W):
        return pl.pallas_call(
            _tc2v_body,
            grid=(GRID,),
            in_specs=[_av_spec(0), _av_spec(1), _stk_spec(), _row_spec(1),
                      _b_spec(), _w_spec()],
            out_specs=_stk_spec(),
            out_shape=stk_f,
        )(A, A, y, dv, b(bb), W)

    def tc3v(B, y, dv, gb, W1, b1, W2, b2, accin):
        return pl.pallas_call(
            _tc3v_body,
            grid=(GRID,),
            in_specs=[_av_spec(0), _av_spec(1), _stk_spec(), _row_spec(1),
                      _b_spec(), _w_spec(), _b_spec(), _w_spec(), _b_spec(),
                      _row_spec(D)],
            out_specs=_row_spec(D),
            out_shape=row_f,
        )(B, B, y, dv, b(gb), W1, b(b1), W2, b(b2), accin)

    A0 = adj(srcs0, dst0, y0)
    A1 = adj(srcs1, dst1, y1)
    y0n = tc2v(A0, y0, dinv0, gnn0_b0, gnn0_W1)
    y1n = tc2v(A1, y1, dinv1, gnn1_b0, gnn1_W1)
    B0 = adj(srcs0, dst0, y0n)
    B1 = adj(srcs1, dst1, y1n)
    t0 = tc3v(B0, y0n, dinv0, gnn0_b1, dec0_W1, dec0_b1, dec0_W2, dec0_b2, xb)
    x_total = tc3v(B1, y1n, dinv1, gnn1_b1,
                   dec1_W1, dec1_b1, dec1_W2, dec1_b2, t0)

    return (x_total, jnp.float32(0.0))

# --- scband reference (transcript-rebuilt; emitter-appended) ---
"""Pipeline reference for scband-i-miracle-36223754174571 (READ-ONLY COPY).

The authoritative reference and input builder live on the scoring server;
editing this copy changes nothing except your own understanding.
"""

import jax, jax.numpy as jnp
import numpy as np

N = 10000
D = 256
E = 160000


def _w(key, shape, scale=0.05):
    return jax.random.normal(key, shape, dtype=jnp.float32) * scale


def setup_inputs(seed: int = 0) -> dict:
    key = jax.random.key(seed)
    ks = jax.random.split(key, 32)
    inp = {}
    inp['x_initial'] = jax.random.normal(ks[0], (N, D), dtype=jnp.float32)
    inp['edge_index_0'] = jax.random.randint(ks[1], (2, E), 0, N, dtype=jnp.int64) if jax.config.jax_enable_x64 else jax.random.randint(ks[1], (2, E), 0, N).astype(jnp.int32)
    inp['edge_index_1'] = jax.random.randint(ks[2], (2, E), 0, N).astype(inp['edge_index_0'].dtype)
    # basic_mlp: Linear(D,H) ReLU Linear(H,O) ReLU
    inp['basic_W1'] = _w(ks[3], (D, D)); inp['basic_b1'] = jnp.zeros((D,), jnp.float32)
    inp['basic_W2'] = _w(ks[4], (D, D)); inp['basic_b2'] = jnp.zeros((D,), jnp.float32)
    # per-view 2-layer GCN stacks
    inp['gnn0_W0'] = _w(ks[5], (D, D)); inp['gnn0_b0'] = jnp.zeros((D,), jnp.float32)
    inp['gnn0_W1'] = _w(ks[6], (D, D)); inp['gnn0_b1'] = jnp.zeros((D,), jnp.float32)
    inp['gnn1_W0'] = _w(ks[7], (D, D)); inp['gnn1_b0'] = jnp.zeros((D,), jnp.float32)
    inp['gnn1_W1'] = _w(ks[8], (D, D)); inp['gnn1_b1'] = jnp.zeros((D,), jnp.float32)
    # per-view decoders: Linear(H,H) ReLU Linear(H,O) ReLU
    inp['dec0_W1'] = _w(ks[9], (D, D)); inp['dec0_b1'] = jnp.zeros((D,), jnp.float32)
    inp['dec0_W2'] = _w(ks[10], (D, D)); inp['dec0_b2'] = jnp.zeros((D,), jnp.float32)
    inp['dec1_W1'] = _w(ks[11], (D, D)); inp['dec1_b1'] = jnp.zeros((D,), jnp.float32)
    inp['dec1_W2'] = _w(ks[12], (D, D)); inp['dec1_b2'] = jnp.zeros((D,), jnp.float32)
    return inp


def gcn_conv(x, edge_index, W, b):
    n = x.shape[0]
    loop = jnp.arange(n, dtype=edge_index.dtype)
    src = jnp.concatenate([edge_index[0], loop])
    dst = jnp.concatenate([edge_index[1], loop])
    xw = x @ W
    deg = jnp.zeros((n,), jnp.float32).at[dst].add(1.0)
    dinv = jnp.where(deg > 0, deg ** -0.5, 0.0)
    norm = dinv[src] * dinv[dst]
    msg = jnp.take(xw, src, axis=0) * norm[:, None]
    out = jnp.zeros((n, xw.shape[1]), jnp.float32).at[dst].add(msg)
    return out + b


def gnn_stack(x, edge_index, W0, b0, W1, b1):
    x = jax.nn.relu(gcn_conv(x, edge_index, W0, b0))
    x = jax.nn.relu(gcn_conv(x, edge_index, W1, b1))
    return x


def mlp(x, W1, b1, W2, b2):
    h = jax.nn.relu(x @ W1 + b1)
    return jax.nn.relu(h @ W2 + b2)


def reference(x_initial, edge_index_0, edge_index_1,
              basic_W1, basic_b1, basic_W2, basic_b2,
              gnn0_W0, gnn0_b0, gnn0_W1, gnn0_b1,
              gnn1_W0, gnn1_b0, gnn1_W1, gnn1_b1,
              dec0_W1, dec0_b1, dec0_W2, dec0_b2,
              dec1_W1, dec1_b1, dec1_W2, dec1_b2):
    x_basic = mlp(x_initial, basic_W1, basic_b1, basic_W2, basic_b2)
    x_total = x_basic
    # view 0
    H0 = gnn_stack(x_initial, edge_index_0, gnn0_W0, gnn0_b0, gnn0_W1, gnn0_b1)
    X0 = mlp(H0, dec0_W1, dec0_b1, dec0_W2, dec0_b2)
    x_total = x_total + X0
    # view 1
    H1 = gnn_stack(x_initial, edge_index_1, gnn1_W0, gnn1_b0, gnn1_W1, gnn1_b1)
    X1 = mlp(H1, dec1_W1, dec1_b1, dec1_W2, dec1_b2)
    x_total = x_total + X1
    spatial_loss_total = jnp.float32(0.0)
    return (x_total, spatial_loss_total)

if __name__ == "__main__":
    import jax
    _d = setup_inputs()
    print(jax.jit(kernel)(*tuple(_d.values())))

</pallas_src>

<mosaic_0001>
#map = affine_map<(d0, d1) -> (0)>
#map1 = affine_map<(d0, d1) -> (0, 0, 0)>
module attributes {stable_mosaic.version = 14 : i64} {
  func.func @_deg_kernel(%arg0: i32, %arg1: i32, %arg2: memref<163840xi32, #tpu.memory_space<hbm>>, %arg3: memref<163840xi32, #tpu.memory_space<hbm>>, %arg4: memref<1024xf32, #tpu.memory_space<hbm>>, %arg5: memref<10240xf32, #tpu.memory_space<hbm>>, %arg6: memref<2x2x10240xf32, #tpu.memory_space<hbm>>, %arg7: memref<1024xi32, #tpu.memory_space<vmem>>, %arg8: memref<1024xf32, #tpu.memory_space<vmem>>, %arg9: memref<10240xf32, #tpu.memory_space<vmem_shared>>) attributes {dimension_semantics = [#tpu.dimension_semantics<core_parallel>, #tpu.dimension_semantics<subcore_parallel>], iteration_bounds = array<i64: 2, 16>, scalar_prefetch = 0 : i64, scratch_operands = 3 : i64, tpu.core_type = #tpu.core_type<sc_vector_subcore>, window_params = [{transform_indices = #map}, {transform_indices = #map}, {transform_indices = #map}, {transform_indices = #map}, {transform_indices = #map1}]} {
    %mul3A = arith.constant 640 : i32
    %mul3A_0 = arith.muli %arg1, %mul3A : i32
    "tpu.region"() ({
      %run_scoped3A_23 = tpu.sem_alloc : memref<!tpu.dma_semaphore, #tpu.memory_space<semaphore_mem>>
      tpu.enqueue_dma source(%arg4 : memref<1024xf32, #tpu.memory_space<hbm>>) target(%arg8 : memref<1024xf32, #tpu.memory_space<vmem>>) target_semaphore(%run_scoped3A_23 : memref<!tpu.dma_semaphore, #tpu.memory_space<semaphore_mem>>)
      tpu.wait_dma2 semaphore(%run_scoped3A_23 : memref<!tpu.dma_semaphore, #tpu.memory_space<semaphore_mem>>) src(%arg4 : memref<1024xf32, #tpu.memory_space<hbm>>) dst(%arg8 : memref<1024xf32, #tpu.memory_space<vmem>>)
      tpu.yield
    }) : () -> ()
    "tpu.region"() ({
      %run_scoped3A_23 = tpu.sem_alloc : memref<!tpu.dma_semaphore, #tpu.memory_space<semaphore_mem>>
      %dma_start3A = tpu.memref_slice %arg9[%mul3A_0] : memref<10240xf32, #tpu.memory_space<vmem_shared>> -> memref<640xf32, #tpu.memory_space<vmem_shared>>
      %dma_start3A_24 = tpu.memref_slice %arg5[%mul3A_0] : memref<10240xf32, #tpu.memory_space<hbm>> -> memref<640xf32, #tpu.memory_space<hbm>>
      tpu.enqueue_dma source(%dma_start3A_24 : memref<640xf32, #tpu.memory_space<hbm>>) target(%dma_start3A : memref<640xf32, #tpu.memory_space<vmem_shared>>) target_semaphore(%run_scoped3A_23 : memref<!tpu.dma_semaphore, #tpu.memory_space<semaphore_mem>>)
      %dma_wait3A = tpu.memref_slice %arg9[%mul3A_0] : memref<10240xf32, #tpu.memory_space<vmem_shared>> -> memref<640xf32, #tpu.memory_space<vmem_shared>>
      %dma_wait3A_25 = tpu.memref_slice %arg5[%mul3A_0] : memref<10240xf32, #tpu.memory_space<hbm>> -> memref<640xf32, #tpu.memory_space<hbm>>
      tpu.wait_dma2 semaphore(%run_scoped3A_23 : memref<!tpu.dma_semaphore, #tpu.memory_space<semaphore_mem>>) src(%dma_wait3A_25 : memref<640xf32, #tpu.memory_space<hbm>>) dst(%dma_wait3A : memref<640xf32, #tpu.memory_space<vmem_shared>>)
      tpu.yield
    }) : () -> ()
    %barrier3A = arith.constant 0 : index
    tpu.barrier barrier_id(%barrier3A)
    %mul3A_1 = arith.constant 81920 : i32
    %mul3A_2 = arith.muli %arg0, %mul3A_1 : i32
    %mul3A_3 = arith.constant 5120 : i32
    %mul3A_4 = arith.muli %arg1, %mul3A_3 : i32
    %add3A = arith.addi %mul3A_2, %mul3A_4 : i32
    %scan3A = arith.constant 0 : i32
    %scan3A_5 = arith.constant 5 : i32
    %scan3A_6 = arith.addi %scan3A, %scan3A_5 : i32
    %scan3A_7 = arith.constant 1 : i32
    scf.for %scan3A_23 = %scan3A to %scan3A_6 step %scan3A_7  : i32 {
      %mul3A_24 = arith.constant 1 : i32
      %mul3A_25 = arith.muli %scan3A_23, %mul3A_24 : i32
      %add3A_26 = arith.constant 0 : i32
      %add3A_27 = arith.addi %add3A_26, %mul3A_25 : i32
      %mul3A_28 = arith.constant 1024 : i32
      %mul3A_29 = arith.muli %add3A_27, %mul3A_28 : i32
      %add3A_30 = arith.addi %add3A, %mul3A_29 : i32
      "tpu.region"() ({
        %run_scoped3A_31 = tpu.sem_alloc : memref<!tpu.dma_semaphore, #tpu.memory_space<semaphore_mem>>
        %dma_start3A = tpu.memref_slice %arg2[%add3A_30] : memref<163840xi32, #tpu.memory_space<hbm>> -> memref<1024xi32, #tpu.memory_space<hbm>>
        %dma_start3A_32 = tpu.memref_slice %arg2[%add3A_30] : memref<163840xi32, #tpu.memory_space<hbm>> -> memref<1024xi32, #tpu.memory_space<hbm>>
        tpu.enqueue_dma source(%dma_start3A_32 : memref<1024xi32, #tpu.memory_space<hbm>>) target(%arg7 : memref<1024xi32, #tpu.memory_space<vmem>>) target_semaphore(%run_scoped3A_31 : memref<!tpu.dma_semaphore, #tpu.memory_space<semaphore_mem>>)
        %dma_wait3A = tpu.memref_slice %arg2[%add3A_30] : memref<163840xi32, #tpu.memory_space<hbm>> -> memref<1024xi32, #tpu.memory_space<hbm>>
        %dma_wait3A_33 = tpu.memref_slice %arg2[%add3A_30] : memref<163840xi32, #tpu.memory_space<hbm>> -> memref<1024xi32, #tpu.memory_space<hbm>>
        tpu.wait_dma2 semaphore(%run_scoped3A_31 : memref<!tpu.dma_semaphore, #tpu.memory_space<semaphore_mem>>) src(%dma_wait3A_33 : memref<1024xi32, #tpu.memory_space<hbm>>) dst(%arg7 : memref<1024xi32, #tpu.memory_space<vmem>>)
        tpu.yield
      }) : () -> ()
      "tpu.region"() ({
        %run_scoped3A_31 = tpu.sem_alloc : memref<!tpu.dma_semaphore, #tpu.memory_space<semaphore_mem>>
        %dma_start3A = arith.constant 0 : i32
        %dma_start3A_32 = tpu.memref_slice %arg9[%dma_start3A] : memref<10240xf32, #tpu.memory_space<vmem_shared>> -> memref<10240xf32, #tpu.memory_space<vmem_shared>>
        tpu.enqueue_indirect_dma source(%arg8 : memref<1024xf32, #tpu.memory_space<vmem>>) target(%dma_start3A_32 : memref<10240xf32, #tpu.memory_space<vmem_shared>>) offsets(%arg7 : memref<1024xi32, #tpu.memory_space<vmem>>) semaphore(%run_scoped3A_31 : memref<!tpu.dma_semaphore, #tpu.memory_space<semaphore_mem>>) {add = true}
        %dma_wait3A = arith.constant 0 : i32
        %dma_wait3A_33 = tpu.memref_slice %arg9[%dma_wait3A] : memref<10240xf32, #tpu.memory_space<vmem_shared>> -> memref<10240xf32, #tpu.memory_space<vmem_shared>>
        tpu.wait_indirect_dma semaphore(%run_scoped3A_31 : memref<!tpu.dma_semaphore, #tpu.memory_space<semaphore_mem>>) src(%arg8 : memref<1024xf32, #tpu.memory_space<vmem>>) dst(%dma_wait3A_33 : memref<10240xf32, #tpu.memory_space<vmem_shared>>)
        tpu.yield
      }) : () -> ()
    }
    %scan3A_8 = arith.constant 5 : i32
    %barrier3A_9 = arith.constant 0 : index
    tpu.barrier barrier_id(%barrier3A_9)
    %run_scoped3A = arith.constant 0 : i32
    "tpu.region"() ({
      %run_scoped3A_23 = tpu.sem_alloc : memref<!tpu.dma_semaphore, #tpu.memory_space<semaphore_mem>>
      %dma_start3A = tpu.memref_slice %arg6[%run_scoped3A, %arg0, %mul3A_0] : memref<2x2x10240xf32, #tpu.memory_space<hbm>> -> memref<1x1x640xf32, #tpu.memory_space<hbm>>
      %dma_start3A_24 = tpu.memref_squeeze %dma_start3A : memref<1x1x640xf32, #tpu.memory_space<hbm>> -> memref<640xf32, #tpu.memory_space<hbm>>
      %dma_start3A_25 = tpu.memref_slice %arg9[%mul3A_0] : memref<10240xf32, #tpu.memory_space<vmem_shared>> -> memref<640xf32, #tpu.memory_space<vmem_shared>>
      tpu.enqueue_dma source(%dma_start3A_25 : memref<640xf32, #tpu.memory_space<vmem_shared>>) target(%dma_start3A_24 : memref<640xf32, #tpu.memory_space<hbm>>) target_semaphore(%run_scoped3A_23 : memref<!tpu.dma_semaphore, #tpu.memory_space<semaphore_mem>>)
      %dma_wait3A = tpu.memref_slice %arg6[%run_scoped3A, %arg0, %mul3A_0] : memref<2x2x10240xf32, #tpu.memory_space<hbm>> -> memref<1x1x640xf32, #tpu.memory_space<hbm>>
      %dma_wait3A_26 = tpu.memref_squeeze %dma_wait3A : memref<1x1x640xf32, #tpu.memory_space<hbm>> -> memref<640xf32, #tpu.memory_space<hbm>>
      %dma_wait3A_27 = tpu.memref_slice %arg9[%mul3A_0] : memref<10240xf32, #tpu.memory_space<vmem_shared>> -> memref<640xf32, #tpu.memory_space<vmem_shared>>
      tpu.wait_dma2 semaphore(%run_scoped3A_23 : memref<!tpu.dma_semaphore, #tpu.memory_space<semaphore_mem>>) src(%dma_wait3A_27 : memref<640xf32, #tpu.memory_space<vmem_shared>>) dst(%dma_wait3A_26 : memref<640xf32, #tpu.memory_space<hbm>>)
      tpu.yield
    }) : () -> ()
    "tpu.region"() ({
      %run_scoped3A_23 = tpu.sem_alloc : memref<!tpu.dma_semaphore, #tpu.memory_space<semaphore_mem>>
      %dma_start3A = tpu.memref_slice %arg9[%mul3A_0] : memref<10240xf32, #tpu.memory_space<vmem_shared>> -> memref<640xf32, #tpu.memory_space<vmem_shared>>
      %dma_start3A_24 = tpu.memref_slice %arg5[%mul3A_0] : memref<10240xf32, #tpu.memory_space<hbm>> -> memref<640xf32, #tpu.memory_space<hbm>>
      tpu.enqueue_dma source(%dma_start3A_24 : memref<640xf32, #tpu.memory_space<hbm>>) target(%dma_start3A : memref<640xf32, #tpu.memory_space<vmem_shared>>) target_semaphore(%run_scoped3A_23 : memref<!tpu.dma_semaphore, #tpu.memory_space<semaphore_mem>>)
      %dma_wait3A = tpu.memref_slice %arg9[%mul3A_0] : memref<10240xf32, #tpu.memory_space<vmem_shared>> -> memref<640xf32, #tpu.memory_space<vmem_shared>>
      %dma_wait3A_25 = tpu.memref_slice %arg5[%mul3A_0] : memref<10240xf32, #tpu.memory_space<hbm>> -> memref<640xf32, #tpu.memory_space<hbm>>
      tpu.wait_dma2 semaphore(%run_scoped3A_23 : memref<!tpu.dma_semaphore, #tpu.memory_space<semaphore_mem>>) src(%dma_wait3A_25 : memref<640xf32, #tpu.memory_space<hbm>>) dst(%dma_wait3A : memref<640xf32, #tpu.memory_space<vmem_shared>>)
      tpu.yield
    }) : () -> ()
    %barrier3A_10 = arith.constant 0 : index
    tpu.barrier barrier_id(%barrier3A_10)
    %mul3A_11 = arith.constant 81920 : i32
    %mul3A_12 = arith.muli %arg0, %mul3A_11 : i32
    %mul3A_13 = arith.constant 5120 : i32
    %mul3A_14 = arith.muli %arg1, %mul3A_13 : i32
    %add3A_15 = arith.addi %mul3A_12, %mul3A_14 : i32
    %scan3A_16 = arith.constant 0 : i32
    %scan3A_17 = arith.constant 5 : i32
    %scan3A_18 = arith.addi %scan3A_16, %scan3A_17 : i32
    %scan3A_19 = arith.constant 1 : i32
    scf.for %scan3A_23 = %scan3A_16 to %scan3A_18 step %scan3A_19  : i32 {
      %mul3A_24 = arith.constant 1 : i32
      %mul3A_25 = arith.muli %scan3A_23, %mul3A_24 : i32
      %add3A_26 = arith.constant 0 : i32
      %add3A_27 = arith.addi %add3A_26, %mul3A_25 : i32
      %mul3A_28 = arith.constant 1024 : i32
      %mul3A_29 = arith.muli %add3A_27, %mul3A_28 : i32
      %add3A_30 = arith.addi %add3A_15, %mul3A_29 : i32
      "tpu.region"() ({
        %run_scoped3A_31 = tpu.sem_alloc : memref<!tpu.dma_semaphore, #tpu.memory_space<semaphore_mem>>
        %dma_start3A = tpu.memref_slice %arg3[%add3A_30] : memref<163840xi32, #tpu.memory_space<hbm>> -> memref<1024xi32, #tpu.memory_space<hbm>>
        %dma_start3A_32 = tpu.memref_slice %arg3[%add3A_30] : memref<163840xi32, #tpu.memory_space<hbm>> -> memref<1024xi32, #tpu.memory_space<hbm>>
        tpu.enqueue_dma source(%dma_start3A_32 : memref<1024xi32, #tpu.memory_space<hbm>>) target(%arg7 : memref<1024xi32, #tpu.memory_space<vmem>>) target_semaphore(%run_scoped3A_31 : memref<!tpu.dma_semaphore, #tpu.memory_space<semaphore_mem>>)
        %dma_wait3A = tpu.memref_slice %arg3[%add3A_30] : memref<163840xi32, #tpu.memory_space<hbm>> -> memref<1024xi32, #tpu.memory_space<hbm>>
        %dma_wait3A_33 = tpu.memref_slice %arg3[%add3A_30] : memref<163840xi32, #tpu.memory_space<hbm>> -> memref<1024xi32, #tpu.memory_space<hbm>>
        tpu.wait_dma2 semaphore(%run_scoped3A_31 : memref<!tpu.dma_semaphore, #tpu.memory_space<semaphore_mem>>) src(%dma_wait3A_33 : memref<1024xi32, #tpu.memory_space<hbm>>) dst(%arg7 : memref<1024xi32, #tpu.memory_space<vmem>>)
        tpu.yield
      }) : () -> ()
      "tpu.region"() ({
        %run_scoped3A_31 = tpu.sem_alloc : memref<!tpu.dma_semaphore, #tpu.memory_space<semaphore_mem>>
        %dma_start3A = arith.constant 0 : i32
        %dma_start3A_32 = tpu.memref_slice %arg9[%dma_start3A] : memref<10240xf32, #tpu.memory_space<vmem_shared>> -> memref<10240xf32, #tpu.memory_space<vmem_shared>>
        tpu.enqueue_indirect_dma source(%arg8 : memref<1024xf32, #tpu.memory_space<vmem>>) target(%dma_start3A_32 : memref<10240xf32, #tpu.memory_space<vmem_shared>>) offsets(%arg7 : memref<1024xi32, #tpu.memory_space<vmem>>) semaphore(%run_scoped3A_31 : memref<!tpu.dma_semaphore, #tpu.memory_space<semaphore_mem>>) {add = true}
        %dma_wait3A = arith.constant 0 : i32
        %dma_wait3A_33 = tpu.memref_slice %arg9[%dma_wait3A] : memref<10240xf32, #tpu.memory_space<vmem_shared>> -> memref<10240xf32, #tpu.memory_space<vmem_shared>>
        tpu.wait_indirect_dma semaphore(%run_scoped3A_31 : memref<!tpu.dma_semaphore, #tpu.memory_space<semaphore_mem>>) src(%arg8 : memref<1024xf32, #tpu.memory_space<vmem>>) dst(%dma_wait3A_33 : memref<10240xf32, #tpu.memory_space<vmem_shared>>)
        tpu.yield
      }) : () -> ()
    }
    %scan3A_20 = arith.constant 5 : i32
    %barrier3A_21 = arith.constant 0 : index
    tpu.barrier barrier_id(%barrier3A_21)
    %run_scoped3A_22 = arith.constant 1 : i32
    "tpu.region"() ({
      %run_scoped3A_23 = tpu.sem_alloc : memref<!tpu.dma_semaphore, #tpu.memory_space<semaphore_mem>>
      %dma_start3A = tpu.memref_slice %arg6[%run_scoped3A_22, %arg0, %mul3A_0] : memref<2x2x10240xf32, #tpu.memory_space<hbm>> -> memref<1x1x640xf32, #tpu.memory_space<hbm>>
      %dma_start3A_24 = tpu.memref_squeeze %dma_start3A : memref<1x1x640xf32, #tpu.memory_space<hbm>> -> memref<640xf32, #tpu.memory_space<hbm>>
      %dma_start3A_25 = tpu.memref_slice %arg9[%mul3A_0] : memref<10240xf32, #tpu.memory_space<vmem_shared>> -> memref<640xf32, #tpu.memory_space<vmem_shared>>
      tpu.enqueue_dma source(%dma_start3A_25 : memref<640xf32, #tpu.memory_space<vmem_shared>>) target(%dma_start3A_24 : memref<640xf32, #tpu.memory_space<hbm>>) target_semaphore(%run_scoped3A_23 : memref<!tpu.dma_semaphore, #tpu.memory_space<semaphore_mem>>)
      %dma_wait3A = tpu.memref_slice %arg6[%run_scoped3A_22, %arg0, %mul3A_0] : memref<2x2x10240xf32, #tpu.memory_space<hbm>> -> memref<1x1x640xf32, #tpu.memory_space<hbm>>
      %dma_wait3A_26 = tpu.memref_squeeze %dma_wait3A : memref<1x1x640xf32, #tpu.memory_space<hbm>> -> memref<640xf32, #tpu.memory_space<hbm>>
      %dma_wait3A_27 = tpu.memref_slice %arg9[%mul3A_0] : memref<10240xf32, #tpu.memory_space<vmem_shared>> -> memref<640xf32, #tpu.memory_space<vmem_shared>>
      tpu.wait_dma2 semaphore(%run_scoped3A_23 : memref<!tpu.dma_semaphore, #tpu.memory_space<semaphore_mem>>) src(%dma_wait3A_27 : memref<640xf32, #tpu.memory_space<vmem_shared>>) dst(%dma_wait3A_26 : memref<640xf32, #tpu.memory_space<hbm>>)
      tpu.yield
    }) : () -> ()
    return
  }
}

#map = affine_map<(d0, d1) -> (0, 0)>
#map1 = affine_map<(d0, d1) -> (0)>
#map2 = affine_map<(d0, d1) -> (0, 0, 0)>
module attributes {stable_mosaic.version = 14 : i64} {
  func.func @_adj_kernel(%arg0: i32, %arg1: i32, %arg2: memref<2x163840xi32, #tpu.memory_space<hbm>>, %arg3: memref<163840xi32, #tpu.memory_space<hbm>>, %arg4: memref<20000x128xf32, #tpu.memory_space<hbm>>, %arg5: memref<10240x128xf32, #tpu.memory_space<hbm>>, %arg6: memref<2x10240x128xf32, #tpu.memory_space<hbm>>, %arg7: memref<128xi32, #tpu.memory_space<vmem>>, %arg8: memref<128xi32, #tpu.memory_space<vmem>>, %arg9: memref<128xi32, #tpu.memory_space<vmem>>, %arg10: memref<128xi32, #tpu.memory_space<vmem>>, %arg11: memref<128x128xf32, #tpu.memory_space<vmem>>, %arg12: memref<128x128xf32, #tpu.memory_space<vmem>>, %arg13: memref<10240x128xf32, #tpu.memory_space<vmem_shared>>, %arg14: memref<!tpu.dma_semaphore, #tpu.memory_space<semaphore_mem>>, %arg15: memref<!tpu.dma_semaphore, #tpu.memory_space<semaphore_mem>>) attributes {dimension_semantics = [#tpu.dimension_semantics<core_parallel>, #tpu.dimension_semantics<subcore_parallel>], iteration_bounds = array<i64: 2, 16>, scalar_prefetch = 0 : i64, scratch_operands = 9 : i64, tpu.core_type = #tpu.core_type<sc_vector_subcore>, window_params = [{transform_indices = #map}, {transform_indices = #map1}, {transform_indices = #map}, {transform_indices = #map}, {transform_indices = #map2}]} {
    %mul3A = arith.constant 640 : i32
    %mul3A_0 = arith.muli %arg1, %mul3A : i32
    "tpu.region"() ({
      %run_scoped3A = tpu.sem_alloc : memref<!tpu.dma_semaphore, #tpu.memory_space<semaphore_mem>>
      %dma_start3A_19 = arith.constant 0 : i32
      %dma_start3A_20 = tpu.memref_slice %arg13[%mul3A_0, %dma_start3A_19] : memref<10240x128xf32, #tpu.memory_space<vmem_shared>> -> memref<640x128xf32, #tpu.memory_space<vmem_shared>>
      %dma_start3A_21 = arith.constant 0 : i32
      %dma_start3A_22 = tpu.memref_slice %arg5[%mul3A_0, %dma_start3A_21] : memref<10240x128xf32, #tpu.memory_space<hbm>> -> memref<640x128xf32, #tpu.memory_space<hbm>>
      tpu.enqueue_dma source(%dma_start3A_22 : memref<640x128xf32, #tpu.memory_space<hbm>>) target(%dma_start3A_20 : memref<640x128xf32, #tpu.memory_space<vmem_shared>>) target_semaphore(%run_scoped3A : memref<!tpu.dma_semaphore, #tpu.memory_space<semaphore_mem>>)
      %dma_wait3A_23 = arith.constant 0 : i32
      %dma_wait3A_24 = tpu.memref_slice %arg13[%mul3A_0, %dma_wait3A_23] : memref<10240x128xf32, #tpu.memory_space<vmem_shared>> -> memref<640x128xf32, #tpu.memory_space<vmem_shared>>
      %dma_wait3A_25 = arith.constant 0 : i32
      %dma_wait3A_26 = tpu.memref_slice %arg5[%mul3A_0, %dma_wait3A_25] : memref<10240x128xf32, #tpu.memory_space<hbm>> -> memref<640x128xf32, #tpu.memory_space<hbm>>
      tpu.wait_dma2 semaphore(%run_scoped3A : memref<!tpu.dma_semaphore, #tpu.memory_space<semaphore_mem>>) src(%dma_wait3A_26 : memref<640x128xf32, #tpu.memory_space<hbm>>) dst(%dma_wait3A_24 : memref<640x128xf32, #tpu.memory_space<vmem_shared>>)
      tpu.yield
    }) : () -> ()
    %barrier3A = arith.constant 0 : index
    tpu.barrier barrier_id(%barrier3A)
    %mul3A_1 = arith.constant 10240 : i32
    %mul3A_2 = arith.muli %arg1, %mul3A_1 : i32
    "tpu.region"() ({
      %run_scoped3A = tpu.sem_alloc : memref<!tpu.dma_semaphore, #tpu.memory_space<semaphore_mem>>
      %dma_start3A_19 = tpu.memref_slice %arg2[%arg0, %mul3A_2] : memref<2x163840xi32, #tpu.memory_space<hbm>> -> memref<1x128xi32, #tpu.memory_space<hbm>>
      %dma_start3A_20 = tpu.memref_squeeze %dma_start3A_19 : memref<1x128xi32, #tpu.memory_space<hbm>> -> memref<128xi32, #tpu.memory_space<hbm>>
      %dma_start3A_21 = tpu.memref_slice %arg2[%arg0, %mul3A_2] : memref<2x163840xi32, #tpu.memory_space<hbm>> -> memref<1x128xi32, #tpu.memory_space<hbm>>
      %dma_start3A_22 = tpu.memref_squeeze %dma_start3A_21 : memref<1x128xi32, #tpu.memory_space<hbm>> -> memref<128xi32, #tpu.memory_space<hbm>>
      tpu.enqueue_dma source(%dma_start3A_22 : memref<128xi32, #tpu.memory_space<hbm>>) target(%arg7 : memref<128xi32, #tpu.memory_space<vmem>>) target_semaphore(%run_scoped3A : memref<!tpu.dma_semaphore, #tpu.memory_space<semaphore_mem>>)
      %dma_wait3A_23 = tpu.memref_slice %arg2[%arg0, %mul3A_2] : memref<2x163840xi32, #tpu.memory_space<hbm>> -> memref<1x128xi32, #tpu.memory_space<hbm>>
      %dma_wait3A_24 = tpu.memref_squeeze %dma_wait3A_23 : memref<1x128xi32, #tpu.memory_space<hbm>> -> memref<128xi32, #tpu.memory_space<hbm>>
      %dma_wait3A_25 = tpu.memref_slice %arg2[%arg0, %mul3A_2] : memref<2x163840xi32, #tpu.memory_space<hbm>> -> memref<1x128xi32, #tpu.memory_space<hbm>>
      %dma_wait3A_26 = tpu.memref_squeeze %dma_wait3A_25 : memref<1x128xi32, #tpu.memory_space<hbm>> -> memref<128xi32, #tpu.memory_space<hbm>>
      tpu.wait_dma2 semaphore(%run_scoped3A : memref<!tpu.dma_semaphore, #tpu.memory_space<semaphore_mem>>) src(%dma_wait3A_26 : memref<128xi32, #tpu.memory_space<hbm>>) dst(%arg7 : memref<128xi32, #tpu.memory_space<vmem>>)
      tpu.yield
    }) : () -> ()
    "tpu.region"() ({
      %run_scoped3A = tpu.sem_alloc : memref<!tpu.dma_semaphore, #tpu.memory_space<semaphore_mem>>
      %dma_start3A_19 = tpu.memref_slice %arg3[%mul3A_2] : memref<163840xi32, #tpu.memory_space<hbm>> -> memref<128xi32, #tpu.memory_space<hbm>>
      %dma_start3A_20 = tpu.memref_slice %arg3[%mul3A_2] : memref<163840xi32, #tpu.memory_space<hbm>> -> memref<128xi32, #tpu.memory_space<hbm>>
      tpu.enqueue_dma source(%dma_start3A_20 : memref<128xi32, #tpu.memory_space<hbm>>) target(%arg8 : memref<128xi32, #tpu.memory_space<vmem>>) target_semaphore(%run_scoped3A : memref<!tpu.dma_semaphore, #tpu.memory_space<semaphore_mem>>)
      %dma_wait3A_21 = tpu.memref_slice %arg3[%mul3A_2] : memref<163840xi32, #tpu.memory_space<hbm>> -> memref<128xi32, #tpu.memory_space<hbm>>
      %dma_wait3A_22 = tpu.memref_slice %arg3[%mul3A_2] : memref<163840xi32, #tpu.memory_space<hbm>> -> memref<128xi32, #tpu.memory_space<hbm>>
      tpu.wait_dma2 semaphore(%run_scoped3A : memref<!tpu.dma_semaphore, #tpu.memory_space<semaphore_mem>>) src(%dma_wait3A_22 : memref<128xi32, #tpu.memory_space<hbm>>) dst(%arg8 : memref<128xi32, #tpu.memory_space<vmem>>)
      tpu.yield
    }) : () -> ()
    %dma_start3A = arith.constant 0 : i32
    %dma_start3A_3 = arith.constant 0 : i32
    %dma_start3A_4 = tpu.memref_slice %arg4[%dma_start3A, %dma_start3A_3] : memref<20000x128xf32, #tpu.memory_space<hbm>> -> memref<20000x128xf32, #tpu.memory_space<hbm>>
    tpu.enqueue_indirect_dma source(%dma_start3A_4 : memref<20000x128xf32, #tpu.memory_space<hbm>>) target(%arg11 : memref<128x128xf32, #tpu.memory_space<vmem>>) offsets(%arg7 : memref<128xi32, #tpu.memory_space<vmem>>) semaphore(%arg14 : memref<!tpu.dma_semaphore, #tpu.memory_space<semaphore_mem>>)
    %scan3A = arith.constant 0 : i32
    %scan3A_5 = arith.constant 39 : i32
    %scan3A_6 = arith.addi %scan3A, %scan3A_5 : i32
    %scan3A_7 = arith.constant 1 : i32
    scf.for %scan3A_19 = %scan3A to %scan3A_6 step %scan3A_7  : i32 {
      %mul3A_20 = arith.constant 2 : i32
      %mul3A_21 = arith.muli %scan3A_19, %mul3A_20 : i32
      %add3A_22 = arith.constant 0 : i32
      %add3A_23 = arith.addi %add3A_22, %mul3A_21 : i32
      %mul3A_24 = arith.constant 128 : i32
      %mul3A_25 = arith.muli %add3A_23, %mul3A_24 : i32
      %add3A_26 = arith.addi %mul3A_2, %mul3A_25 : i32
      %add3A_27 = arith.constant 128 : i32
      %add3A_28 = arith.addi %add3A_26, %add3A_27 : i32
      "tpu.region"() ({
        %run_scoped3A = tpu.sem_alloc : memref<!tpu.dma_semaphore, #tpu.memory_space<semaphore_mem>>
        %dma_start3A_43 = tpu.memref_slice %arg2[%arg0, %add3A_28] : memref<2x163840xi32, #tpu.memory_space<hbm>> -> memref<1x128xi32, #tpu.memory_space<hbm>>
        %dma_start3A_44 = tpu.memref_squeeze %dma_start3A_43 : memref<1x128xi32, #tpu.memory_space<hbm>> -> memref<128xi32, #tpu.memory_space<hbm>>
        %dma_start3A_45 = tpu.memref_slice %arg2[%arg0, %add3A_28] : memref<2x163840xi32, #tpu.memory_space<hbm>> -> memref<1x128xi32, #tpu.memory_space<hbm>>
        %dma_start3A_46 = tpu.memref_squeeze %dma_start3A_45 : memref<1x128xi32, #tpu.memory_space<hbm>> -> memref<128xi32, #tpu.memory_space<hbm>>
        tpu.enqueue_dma source(%dma_start3A_46 : memref<128xi32, #tpu.memory_space<hbm>>) target(%arg9 : memref<128xi32, #tpu.memory_space<vmem>>) target_semaphore(%run_scoped3A : memref<!tpu.dma_semaphore, #tpu.memory_space<semaphore_mem>>)
        %dma_wait3A_47 = tpu.memref_slice %arg2[%arg0, %add3A_28] : memref<2x163840xi32, #tpu.memory_space<hbm>> -> memref<1x128xi32, #tpu.memory_space<hbm>>
        %dma_wait3A_48 = tpu.memref_squeeze %dma_wait3A_47 : memref<1x128xi32, #tpu.memory_space<hbm>> -> memref<128xi32, #tpu.memory_space<hbm>>
        %dma_wait3A_49 = tpu.memref_slice %arg2[%arg0, %add3A_28] : memref<2x163840xi32, #tpu.memory_space<hbm>> -> memref<1x128xi32, #tpu.memory_space<hbm>>
        %dma_wait3A_50 = tpu.memref_squeeze %dma_wait3A_49 : memref<1x128xi32, #tpu.memory_space<hbm>> -> memref<128xi32, #tpu.memory_space<hbm>>
        tpu.wait_dma2 semaphore(%run_scoped3A : memref<!tpu.dma_semaphore, #tpu.memory_space<semaphore_mem>>) src(%dma_wait3A_50 : memref<128xi32, #tpu.memory_space<hbm>>) dst(%arg9 : memref<128xi32, #tpu.memory_space<vmem>>)
        tpu.yield
      }) : () -> ()
      "tpu.region"() ({
        %run_scoped3A = tpu.sem_alloc : memref<!tpu.dma_semaphore, #tpu.memory_space<semaphore_mem>>
        %dma_start3A_43 = tpu.memref_slice %arg3[%add3A_28] : memref<163840xi32, #tpu.memory_space<hbm>> -> memref<128xi32, #tpu.memory_space<hbm>>
        %dma_start3A_44 = tpu.memref_slice %arg3[%add3A_28] : memref<163840xi32, #tpu.memory_space<hbm>> -> memref<128xi32, #tpu.memory_space<hbm>>
        tpu.enqueue_dma source(%dma_start3A_44 : memref<128xi32, #tpu.memory_space<hbm>>) target(%arg10 : memref<128xi32, #tpu.memory_space<vmem>>) target_semaphore(%run_scoped3A : memref<!tpu.dma_semaphore, #tpu.memory_space<semaphore_mem>>)
        %dma_wait3A_45 = tpu.memref_slice %arg3[%add3A_28] : memref<163840xi32, #tpu.memory_space<hbm>> -> memref<128xi32, #tpu.memory_space<hbm>>
        %dma_wait3A_46 = tpu.memref_slice %arg3[%add3A_28] : memref<163840xi32, #tpu.memory_space<hbm>> -> memref<128xi32, #tpu.memory_space<hbm>>
        tpu.wait_dma2 semaphore(%run_scoped3A : memref<!tpu.dma_semaphore, #tpu.memory_space<semaphore_mem>>) src(%dma_wait3A_46 : memref<128xi32, #tpu.memory_space<hbm>>) dst(%arg10 : memref<128xi32, #tpu.memory_space<vmem>>)
        tpu.yield
      }) : () -> ()
      %dma_start3A_29 = arith.constant 0 : i32
      %dma_start3A_30 = arith.constant 0 : i32
      %dma_start3A_31 = tpu.memref_slice %arg4[%dma_start3A_29, %dma_start3A_30] : memref<20000x128xf32, #tpu.memory_space<hbm>> -> memref<20000x128xf32, #tpu.memory_space<hbm>>
      tpu.enqueue_indirect_dma source(%dma_start3A_31 : memref<20000x128xf32, #tpu.memory_space<hbm>>) target(%arg12 : memref<128x128xf32, #tpu.memory_space<vmem>>) offsets(%arg9 : memref<128xi32, #tpu.memory_space<vmem>>) semaphore(%arg15 : memref<!tpu.dma_semaphore, #tpu.memory_space<semaphore_mem>>)
      %dma_wait3A_32 = arith.constant 0 : i32
      %dma_wait3A_33 = arith.constant 0 : i32
      %dma_wait3A_34 = tpu.memref_slice %arg4[%dma_wait3A_32, %dma_wait3A_33] : memref<20000x128xf32, #tpu.memory_space<hbm>> -> memref<20000x128xf32, #tpu.memory_space<hbm>>
      tpu.wait_indirect_dma semaphore(%arg14 : memref<!tpu.dma_semaphore, #tpu.memory_space<semaphore_mem>>) src(%dma_wait3A_34 : memref<20000x128xf32, #tpu.memory_space<hbm>>) dst(%arg11 : memref<128x128xf32, #tpu.memory_space<vmem>>)
      "tpu.region"() ({
        %run_scoped3A = tpu.sem_alloc : memref<!tpu.dma_semaphore, #tpu.memory_space<semaphore_mem>>
        %dma_start3A_43 = arith.constant 0 : i32
        %dma_start3A_44 = arith.constant 0 : i32
        %dma_start3A_45 = tpu.memref_slice %arg13[%dma_start3A_43, %dma_start3A_44] : memref<10240x128xf32, #tpu.memory_space<vmem_shared>> -> memref<10240x128xf32, #tpu.memory_space<vmem_shared>>
        tpu.enqueue_indirect_dma source(%arg11 : memref<128x128xf32, #tpu.memory_space<vmem>>) target(%dma_start3A_45 : memref<10240x128xf32, #tpu.memory_space<vmem_shared>>) offsets(%arg8 : memref<128xi32, #tpu.memory_space<vmem>>) semaphore(%run_scoped3A : memref<!tpu.dma_semaphore, #tpu.memory_space<semaphore_mem>>) {add = true}
        %dma_wait3A_46 = arith.constant 0 : i32
        %dma_wait3A_47 = arith.constant 0 : i32
        %dma_wait3A_48 = tpu.memref_slice %arg13[%dma_wait3A_46, %dma_wait3A_47] : memref<10240x128xf32, #tpu.memory_space<vmem_shared>> -> memref<10240x128xf32, #tpu.memory_space<vmem_shared>>
        tpu.wait_indirect_dma semaphore(%run_scoped3A : memref<!tpu.dma_semaphore, #tpu.memory_space<semaphore_mem>>) src(%arg11 : memref<128x128xf32, #tpu.memory_space<vmem>>) dst(%dma_wait3A_48 : memref<10240x128xf32, #tpu.memory_space<vmem_shared>>)
        tpu.yield
      }) : () -> ()
      %add3A_35 = arith.constant 256 : i32
      %add3A_36 = arith.addi %add3A_26, %add3A_35 : i32
      "tpu.region"() ({
        %run_scoped3A = tpu.sem_alloc : memref<!tpu.dma_semaphore, #tpu.memory_space<semaphore_mem>>
        %dma_start3A_43 = tpu.memref_slice %arg2[%arg0, %add3A_36] : memref<2x163840xi32, #tpu.memory_space<hbm>> -> memref<1x128xi32, #tpu.memory_space<hbm>>
        %dma_start3A_44 = tpu.memref_squeeze %dma_start3A_43 : memref<1x128xi32, #tpu.memory_space<hbm>> -> memref<128xi32, #tpu.memory_space<hbm>>
        %dma_start3A_45 = tpu.memref_slice %arg2[%arg0, %add3A_36] : memref<2x163840xi32, #tpu.memory_space<hbm>> -> memref<1x128xi32, #tpu.memory_space<hbm>>
        %dma_start3A_46 = tpu.memref_squeeze %dma_start3A_45 : memref<1x128xi32, #tpu.memory_space<hbm>> -> memref<128xi32, #tpu.memory_space<hbm>>
        tpu.enqueue_dma source(%dma_start3A_46 : memref<128xi32, #tpu.memory_space<hbm>>) target(%arg7 : memref<128xi32, #tpu.memory_space<vmem>>) target_semaphore(%run_scoped3A : memref<!tpu.dma_semaphore, #tpu.memory_space<semaphore_mem>>)
        %dma_wait3A_47 = tpu.memref_slice %arg2[%arg0, %add3A_36] : memref<2x163840xi32, #tpu.memory_space<hbm>> -> memref<1x128xi32, #tpu.memory_space<hbm>>
        %dma_wait3A_48 = tpu.memref_squeeze %dma_wait3A_47 : memref<1x128xi32, #tpu.memory_space<hbm>> -> memref<128xi32, #tpu.memory_space<hbm>>
        %dma_wait3A_49 = tpu.memref_slice %arg2[%arg0, %add3A_36] : memref<2x163840xi32, #tpu.memory_space<hbm>> -> memref<1x128xi32, #tpu.memory_space<hbm>>
        %dma_wait3A_50 = tpu.memref_squeeze %dma_wait3A_49 : memref<1x128xi32, #tpu.memory_space<hbm>> -> memref<128xi32, #tpu.memory_space<hbm>>
        tpu.wait_dma2 semaphore(%run_scoped3A : memref<!tpu.dma_semaphore, #tpu.memory_space<semaphore_mem>>) src(%dma_wait3A_50 : memref<128xi32, #tpu.memory_space<hbm>>) dst(%arg7 : memref<128xi32, #tpu.memory_space<vmem>>)
        tpu.yield
      }) : () -> ()
      "tpu.region"() ({
        %run_scoped3A = tpu.sem_alloc : memref<!tpu.dma_semaphore, #tpu.memory_space<semaphore_mem>>
        %dma_start3A_43 = tpu.memref_slice %arg3[%add3A_36] : memref<163840xi32, #tpu.memory_space<hbm>> -> memref<128xi32, #tpu.memory_space<hbm>>
        %dma_start3A_44 = tpu.memref_slice %arg3[%add3A_36] : memref<163840xi32, #tpu.memory_space<hbm>> -> memref<128xi32, #tpu.memory_space<hbm>>
        tpu.enqueue_dma source(%dma_start3A_44 : memref<128xi32, #tpu.memory_space<hbm>>) target(%arg8 : memref<128xi32, #tpu.memory_space<vmem>>) target_semaphore(%run_scoped3A : memref<!tpu.dma_semaphore, #tpu.memory_space<semaphore_mem>>)
        %dma_wait3A_45 = tpu.memref_slice %arg3[%add3A_36] : memref<163840xi32, #tpu.memory_space<hbm>> -> memref<128xi32, #tpu.memory_space<hbm>>
        %dma_wait3A_46 = tpu.memref_slice %arg3[%add3A_36] : memref<163840xi32, #tpu.memory_space<hbm>> -> memref<128xi32, #tpu.memory_space<hbm>>
        tpu.wait_dma2 semaphore(%run_scoped3A : memref<!tpu.dma_semaphore, #tpu.memory_space<semaphore_mem>>) src(%dma_wait3A_46 : memref<128xi32, #tpu.memory_space<hbm>>) dst(%arg8 : memref<128xi32, #tpu.memory_space<vmem>>)
        tpu.yield
      }) : () -> ()
      %dma_start3A_37 = arith.constant 0 : i32
      %dma_start3A_38 = arith.constant 0 : i32
      %dma_start3A_39 = tpu.memref_slice %arg4[%dma_start3A_37, %dma_start3A_38] : memref<20000x128xf32, #tpu.memory_space<hbm>> -> memref<20000x128xf32, #tpu.memory_space<hbm>>
      tpu.enqueue_indirect_dma source(%dma_start3A_39 : memref<20000x128xf32, #tpu.memory_space<hbm>>) target(%arg11 : memref<128x128xf32, #tpu.memory_space<vmem>>) offsets(%arg7 : memref<128xi32, #tpu.memory_space<vmem>>) semaphore(%arg14 : memref<!tpu.dma_semaphore, #tpu.memory_space<semaphore_mem>>)
      %dma_wait3A_40 = arith.constant 0 : i32
      %dma_wait3A_41 = arith.constant 0 : i32
      %dma_wait3A_42 = tpu.memref_slice %arg4[%dma_wait3A_40, %dma_wait3A_41] : memref<20000x128xf32, #tpu.memory_space<hbm>> -> memref<20000x128xf32, #tpu.memory_space<hbm>>
      tpu.wait_indirect_dma semaphore(%arg15 : memref<!tpu.dma_semaphore, #tpu.memory_space<semaphore_mem>>) src(%dma_wait3A_42 : memref<20000x128xf32, #tpu.memory_space<hbm>>) dst(%arg12 : memref<128x128xf32, #tpu.memory_space<vmem>>)
      "tpu.region"() ({
        %run_scoped3A = tpu.sem_alloc : memref<!tpu.dma_semaphore, #tpu.memory_space<semaphore_mem>>
        %dma_start3A_43 = arith.constant 0 : i32
        %dma_start3A_44 = arith.constant 0 : i32
        %dma_start3A_45 = tpu.memref_slice %arg13[%dma_start3A_43, %dma_start3A_44] : memref<10240x128xf32, #tpu.memory_space<vmem_shared>> -> memref<10240x128xf32, #tpu.memory_space<vmem_shared>>
        tpu.enqueue_indirect_dma source(%arg12 : memref<128x128xf32, #tpu.memory_space<vmem>>) target(%dma_start3A_45 : memref<10240x128xf32, #tpu.memory_space<vmem_shared>>) offsets(%arg10 : memref<128xi32, #tpu.memory_space<vmem>>) semaphore(%run_scoped3A : memref<!tpu.dma_semaphore, #tpu.memory_space<semaphore_mem>>) {add = true}
        %dma_wait3A_46 = arith.constant 0 : i32
        %dma_wait3A_47 = arith.constant 0 : i32
        %dma_wait3A_48 = tpu.memref_slice %arg13[%dma_wait3A_46, %dma_wait3A_47] : memref<10240x128xf32, #tpu.memory_space<vmem_shared>> -> memref<10240x128xf32, #tpu.memory_space<vmem_shared>>
        tpu.wait_indirect_dma semaphore(%run_scoped3A : memref<!tpu.dma_semaphore, #tpu.memory_space<semaphore_mem>>) src(%arg12 : memref<128x128xf32, #tpu.memory_space<vmem>>) dst(%dma_wait3A_48 : memref<10240x128xf32, #tpu.memory_space<vmem_shared>>)
        tpu.yield
      }) : () -> ()
    }
    %scan3A_8 = arith.constant 39 : i32
    %add3A = arith.constant 10112 : i32
    %add3A_9 = arith.addi %mul3A_2, %add3A : i32
    "tpu.region"() ({
      %run_scoped3A = tpu.sem_alloc : memref<!tpu.dma_semaphore, #tpu.memory_space<semaphore_mem>>
      %dma_start3A_19 = tpu.memref_slice %arg2[%arg0, %add3A_9] : memref<2x163840xi32, #tpu.memory_space<hbm>> -> memref<1x128xi32, #tpu.memory_space<hbm>>
      %dma_start3A_20 = tpu.memref_squeeze %dma_start3A_19 : memref<1x128xi32, #tpu.memory_space<hbm>> -> memref<128xi32, #tpu.memory_space<hbm>>
      %dma_start3A_21 = tpu.memref_slice %arg2[%arg0, %add3A_9] : memref<2x163840xi32, #tpu.memory_space<hbm>> -> memref<1x128xi32, #tpu.memory_space<hbm>>
      %dma_start3A_22 = tpu.memref_squeeze %dma_start3A_21 : memref<1x128xi32, #tpu.memory_space<hbm>> -> memref<128xi32, #tpu.memory_space<hbm>>
      tpu.enqueue_dma source(%dma_start3A_22 : memref<128xi32, #tpu.memory_space<hbm>>) target(%arg9 : memref<128xi32, #tpu.memory_space<vmem>>) target_semaphore(%run_scoped3A : memref<!tpu.dma_semaphore, #tpu.memory_space<semaphore_mem>>)
      %dma_wait3A_23 = tpu.memref_slice %arg2[%arg0, %add3A_9] : memref<2x163840xi32, #tpu.memory_space<hbm>> -> memref<1x128xi32, #tpu.memory_space<hbm>>
      %dma_wait3A_24 = tpu.memref_squeeze %dma_wait3A_23 : memref<1x128xi32, #tpu.memory_space<hbm>> -> memref<128xi32, #tpu.memory_space<hbm>>
      %dma_wait3A_25 = tpu.memref_slice %arg2[%arg0, %add3A_9] : memref<2x163840xi32, #tpu.memory_space<hbm>> -> memref<1x128xi32, #tpu.memory_space<hbm>>
      %dma_wait3A_26 = tpu.memref_squeeze %dma_wait3A_25 : memref<1x128xi32, #tpu.memory_space<hbm>> -> memref<128xi32, #tpu.memory_space<hbm>>
      tpu.wait_dma2 semaphore(%run_scoped3A : memref<!tpu.dma_semaphore, #tpu.memory_space<semaphore_mem>>) src(%dma_wait3A_26 : memref<128xi32, #tpu.memory_space<hbm>>) dst(%arg9 : memref<128xi32, #tpu.memory_space<vmem>>)
      tpu.yield
    }) : () -> ()
    "tpu.region"() ({
      %run_scoped3A = tpu.sem_alloc : memref<!tpu.dma_semaphore, #tpu.memory_space<semaphore_mem>>
      %dma_start3A_19 = tpu.memref_slice %arg3[%add3A_9] : memref<163840xi32, #tpu.memory_space<hbm>> -> memref<128xi32, #tpu.memory_space<hbm>>
      %dma_start3A_20 = tpu.memref_slice %arg3[%add3A_9] : memref<163840xi32, #tpu.memory_space<hbm>> -> memref<128xi32, #tpu.memory_space<hbm>>
      tpu.enqueue_dma source(%dma_start3A_20 : memref<128xi32, #tpu.memory_space<hbm>>) target(%arg10 : memref<128xi32, #tpu.memory_space<vmem>>) target_semaphore(%run_scoped3A : memref<!tpu.dma_semaphore, #tpu.memory_space<semaphore_mem>>)
      %dma_wait3A_21 = tpu.memref_slice %arg3[%add3A_9] : memref<163840xi32, #tpu.memory_space<hbm>> -> memref<128xi32, #tpu.memory_space<hbm>>
      %dma_wait3A_22 = tpu.memref_slice %arg3[%add3A_9] : memref<163840xi32, #tpu.memory_space<hbm>> -> memref<128xi32, #tpu.memory_space<hbm>>
      tpu.wait_dma2 semaphore(%run_scoped3A : memref<!tpu.dma_semaphore, #tpu.memory_space<semaphore_mem>>) src(%dma_wait3A_22 : memref<128xi32, #tpu.memory_space<hbm>>) dst(%arg10 : memref<128xi32, #tpu.memory_space<vmem>>)
      tpu.yield
    }) : () -> ()
    %dma_start3A_10 = arith.constant 0 : i32
    %dma_start3A_11 = arith.constant 0 : i32
    %dma_start3A_12 = tpu.memref_slice %arg4[%dma_start3A_10, %dma_start3A_11] : memref<20000x128xf32, #tpu.memory_space<hbm>> -> memref<20000x128xf32, #tpu.memory_space<hbm>>
    tpu.enqueue_indirect_dma source(%dma_start3A_12 : memref<20000x128xf32, #tpu.memory_space<hbm>>) target(%arg12 : memref<128x128xf32, #tpu.memory_space<vmem>>) offsets(%arg9 : memref<128xi32, #tpu.memory_space<vmem>>) semaphore(%arg15 : memref<!tpu.dma_semaphore, #tpu.memory_space<semaphore_mem>>)
    %dma_wait3A = arith.constant 0 : i32
    %dma_wait3A_13 = arith.constant 0 : i32
    %dma_wait3A_14 = tpu.memref_slice %arg4[%dma_wait3A, %dma_wait3A_13] : memref<20000x128xf32, #tpu.memory_space<hbm>> -> memref<20000x128xf32, #tpu.memory_space<hbm>>
    tpu.wait_indirect_dma semaphore(%arg14 : memref<!tpu.dma_semaphore, #tpu.memory_space<semaphore_mem>>) src(%dma_wait3A_14 : memref<20000x128xf32, #tpu.memory_space<hbm>>) dst(%arg11 : memref<128x128xf32, #tpu.memory_space<vmem>>)
    "tpu.region"() ({
      %run_scoped3A = tpu.sem_alloc : memref<!tpu.dma_semaphore, #tpu.memory_space<semaphore_mem>>
      %dma_start3A_19 = arith.constant 0 : i32
      %dma_start3A_20 = arith.constant 0 : i32
      %dma_start3A_21 = tpu.memref_slice %arg13[%dma_start3A_19, %dma_start3A_20] : memref<10240x128xf32, #tpu.memory_space<vmem_shared>> -> memref<10240x128xf32, #tpu.memory_space<vmem_shared>>
      tpu.enqueue_indirect_dma source(%arg11 : memref<128x128xf32, #tpu.memory_space<vmem>>) target(%dma_start3A_21 : memref<10240x128xf32, #tpu.memory_space<vmem_shared>>) offsets(%arg8 : memref<128xi32, #tpu.memory_space<vmem>>) semaphore(%run_scoped3A : memref<!tpu.dma_semaphore, #tpu.memory_space<semaphore_mem>>) {add = true}
      %dma_wait3A_22 = arith.constant 0 : i32
      %dma_wait3A_23 = arith.constant 0 : i32
      %dma_wait3A_24 = tpu.memref_slice %arg13[%dma_wait3A_22, %dma_wait3A_23] : memref<10240x128xf32, #tpu.memory_space<vmem_shared>> -> memref<10240x128xf32, #tpu.memory_space<vmem_shared>>
      tpu.wait_indirect_dma semaphore(%run_scoped3A : memref<!tpu.dma_semaphore, #tpu.memory_space<semaphore_mem>>) src(%arg11 : memref<128x128xf32, #tpu.memory_space<vmem>>) dst(%dma_wait3A_24 : memref<10240x128xf32, #tpu.memory_space<vmem_shared>>)
      tpu.yield
    }) : () -> ()
    %dma_wait3A_15 = arith.constant 0 : i32
    %dma_wait3A_16 = arith.constant 0 : i32
    %dma_wait3A_17 = tpu.memref_slice %arg4[%dma_wait3A_15, %dma_wait3A_16] : memref<20000x128xf32, #tpu.memory_space<hbm>> -> memref<20000x128xf32, #tpu.memory_space<hbm>>
    tpu.wait_indirect_dma semaphore(%arg15 : memref<!tpu.dma_semaphore, #tpu.memory_space<semaphore_mem>>) src(%dma_wait3A_17 : memref<20000x128xf32, #tpu.memory_space<hbm>>) dst(%arg12 : memref<128x128xf32, #tpu.memory_space<vmem>>)
    "tpu.region"() ({
      %run_scoped3A = tpu.sem_alloc : memref<!tpu.dma_semaphore, #tpu.memory_space<semaphore_mem>>
      %dma_start3A_19 = arith.constant 0 : i32
      %dma_start3A_20 = arith.constant 0 : i32
      %dma_start3A_21 = tpu.memref_slice %arg13[%dma_start3A_19, %dma_start3A_20] : memref<10240x128xf32, #tpu.memory_space<vmem_shared>> -> memref<10240x128xf32, #tpu.memory_space<vmem_shared>>
      tpu.enqueue_indirect_dma source(%arg12 : memref<128x128xf32, #tpu.memory_space<vmem>>) target(%dma_start3A_21 : memref<10240x128xf32, #tpu.memory_space<vmem_shared>>) offsets(%arg10 : memref<128xi32, #tpu.memory_space<vmem>>) semaphore(%run_scoped3A : memref<!tpu.dma_semaphore, #tpu.memory_space<semaphore_mem>>) {add = true}
      %dma_wait3A_22 = arith.constant 0 : i32
      %dma_wait3A_23 = arith.constant 0 : i32
      %dma_wait3A_24 = tpu.memref_slice %arg13[%dma_wait3A_22, %dma_wait3A_23] : memref<10240x128xf32, #tpu.memory_space<vmem_shared>> -> memref<10240x128xf32, #tpu.memory_space<vmem_shared>>
      tpu.wait_indirect_dma semaphore(%run_scoped3A : memref<!tpu.dma_semaphore, #tpu.memory_space<semaphore_mem>>) src(%arg12 : memref<128x128xf32, #tpu.memory_space<vmem>>) dst(%dma_wait3A_24 : memref<10240x128xf32, #tpu.memory_space<vmem_shared>>)
      tpu.yield
    }) : () -> ()
    %barrier3A_18 = arith.constant 0 : index
    tpu.barrier barrier_id(%barrier3A_18)
    "tpu.region"() ({
      %run_scoped3A = tpu.sem_alloc : memref<!tpu.dma_semaphore, #tpu.memory_space<semaphore_mem>>
      %dma_start3A_19 = arith.constant 0 : i32
      %dma_start3A_20 = tpu.memref_slice %arg6[%arg0, %mul3A_0, %dma_start3A_19] : memref<2x10240x128xf32, #tpu.memory_space<hbm>> -> memref<1x640x128xf32, #tpu.memory_space<hbm>>
      %dma_start3A_21 = tpu.memref_squeeze %dma_start3A_20 : memref<1x640x128xf32, #tpu.memory_space<hbm>> -> memref<640x128xf32, #tpu.memory_space<hbm>>
      %dma_start3A_22 = arith.constant 0 : i32
      %dma_start3A_23 = tpu.memref_slice %arg13[%mul3A_0, %dma_start3A_22] : memref<10240x128xf32, #tpu.memory_space<vmem_shared>> -> memref<640x128xf32, #tpu.memory_space<vmem_shared>>
      tpu.enqueue_dma source(%dma_start3A_23 : memref<640x128xf32, #tpu.memory_space<vmem_shared>>) target(%dma_start3A_21 : memref<640x128xf32, #tpu.memory_space<hbm>>) target_semaphore(%run_scoped3A : memref<!tpu.dma_semaphore, #tpu.memory_space<semaphore_mem>>)
      %dma_wait3A_24 = arith.constant 0 : i32
      %dma_wait3A_25 = tpu.memref_slice %arg6[%arg0, %mul3A_0, %dma_wait3A_24] : memref<2x10240x128xf32, #tpu.memory_space<hbm>> -> memref<1x640x128xf32, #tpu.memory_space<hbm>>
      %dma_wait3A_26 = tpu.memref_squeeze %dma_wait3A_25 : memref<1x640x128xf32, #tpu.memory_space<hbm>> -> memref<640x128xf32, #tpu.memory_space<hbm>>
      %dma_wait3A_27 = arith.constant 0 : i32
      %dma_wait3A_28 = tpu.memref_slice %arg13[%mul3A_0, %dma_wait3A_27] : memref<10240x128xf32, #tpu.memory_space<vmem_shared>> -> memref<640x128xf32, #tpu.memory_space<vmem_shared>>
      tpu.wait_dma2 semaphore(%run_scoped3A : memref<!tpu.dma_semaphore, #tpu.memory_space<semaphore_mem>>) src(%dma_wait3A_28 : memref<640x128xf32, #tpu.memory_space<vmem_shared>>) dst(%dma_wait3A_26 : memref<640x128xf32, #tpu.memory_space<hbm>>)
      tpu.yield
    }) : () -> ()
    return
  }
}

#map = affine_map<(d0, d1) -> (0, 0)>
#map1 = affine_map<(d0, d1) -> (0)>
#map2 = affine_map<(d0, d1) -> (0, 0, 0)>
module attributes {stable_mosaic.version = 14 : i64} {
  func.func @_adj_kernel(%arg0: i32, %arg1: i32, %arg2: memref<2x163840xi32, #tpu.memory_space<hbm>>, %arg3: memref<163840xi32, #tpu.memory_space<hbm>>, %arg4: memref<20000x128xf32, #tpu.memory_space<hbm>>, %arg5: memref<10240x128xf32, #tpu.memory_space<hbm>>, %arg6: memref<2x10240x128xf32, #tpu.memory_space<hbm>>, %arg7: memref<128xi32, #tpu.memory_space<vmem>>, %arg8: memref<128xi32, #tpu.memory_space<vmem>>, %arg9: memref<128xi32, #tpu.memory_space<vmem>>, %arg10: memref<128xi32, #tpu.memory_space<vmem>>, %arg11: memref<128x128xf32, #tpu.memory_space<vmem>>, %arg12: memref<128x128xf32, #tpu.memory_space<vmem>>, %arg13: memref<10240x128xf32, #tpu.memory_space<vmem_shared>>, %arg14: memref<!tpu.dma_semaphore, #tpu.memory_space<semaphore_mem>>, %arg15: memref<!tpu.dma_semaphore, #tpu.memory_space<semaphore_mem>>) attributes {dimension_semantics = [#tpu.dimension_semantics<core_parallel>, #tpu.dimension_semantics<subcore_parallel>], iteration_bounds = array<i64: 2, 16>, scalar_prefetch = 0 : i64, scratch_operands = 9 : i64, tpu.core_type = #tpu.core_type<sc_vector_subcore>, window_params = [{transform_indices = #map}, {transform_indices = #map1}, {transform_indices = #map}, {transform_indices = #map}, {transform_indices = #map2}]} {
    %mul3A = arith.constant 640 : i32
    %mul3A_0 = arith.muli %arg1, %mul3A : i32
    "tpu.region"() ({
      %run_scoped3A = tpu.sem_alloc : memref<!tpu.dma_semaphore, #tpu.memory_space<semaphore_mem>>
      %dma_start3A_19 = arith.constant 0 : i32
      %dma_start3A_20 = tpu.memref_slice %arg13[%mul3A_0, %dma_start3A_19] : memref<10240x128xf32, #tpu.memory_space<vmem_shared>> -> memref<640x128xf32, #tpu.memory_space<vmem_shared>>
      %dma_start3A_21 = arith.constant 0 : i32
      %dma_start3A_22 = tpu.memref_slice %arg5[%mul3A_0, %dma_start3A_21] : memref<10240x128xf32, #tpu.memory_space<hbm>> -> memref<640x128xf32, #tpu.memory_space<hbm>>
      tpu.enqueue_dma source(%dma_start3A_22 : memref<640x128xf32, #tpu.memory_space<hbm>>) target(%dma_start3A_20 : memref<640x128xf32, #tpu.memory_space<vmem_shared>>) target_semaphore(%run_scoped3A : memref<!tpu.dma_semaphore, #tpu.memory_space<semaphore_mem>>)
      %dma_wait3A_23 = arith.constant 0 : i32
      %dma_wait3A_24 = tpu.memref_slice %arg13[%mul3A_0, %dma_wait3A_23] : memref<10240x128xf32, #tpu.memory_space<vmem_shared>> -> memref<640x128xf32, #tpu.memory_space<vmem_shared>>
      %dma_wait3A_25 = arith.constant 0 : i32
      %dma_wait3A_26 = tpu.memref_slice %arg5[%mul3A_0, %dma_wait3A_25] : memref<10240x128xf32, #tpu.memory_space<hbm>> -> memref<640x128xf32, #tpu.memory_space<hbm>>
      tpu.wait_dma2 semaphore(%run_scoped3A : memref<!tpu.dma_semaphore, #tpu.memory_space<semaphore_mem>>) src(%dma_wait3A_26 : memref<640x128xf32, #tpu.memory_space<hbm>>) dst(%dma_wait3A_24 : memref<640x128xf32, #tpu.memory_space<vmem_shared>>)
      tpu.yield
    }) : () -> ()
    %barrier3A = arith.constant 0 : index
    tpu.barrier barrier_id(%barrier3A)
    %mul3A_1 = arith.constant 10240 : i32
    %mul3A_2 = arith.muli %arg1, %mul3A_1 : i32
    "tpu.region"() ({
      %run_scoped3A = tpu.sem_alloc : memref<!tpu.dma_semaphore, #tpu.memory_space<semaphore_mem>>
      %dma_start3A_19 = tpu.memref_slice %arg2[%arg0, %mul3A_2] : memref<2x163840xi32, #tpu.memory_space<hbm>> -> memref<1x128xi32, #tpu.memory_space<hbm>>
      %dma_start3A_20 = tpu.memref_squeeze %dma_start3A_19 : memref<1x128xi32, #tpu.memory_space<hbm>> -> memref<128xi32, #tpu.memory_space<hbm>>
      %dma_start3A_21 = tpu.memref_slice %arg2[%arg0, %mul3A_2] : memref<2x163840xi32, #tpu.memory_space<hbm>> -> memref<1x128xi32, #tpu.memory_space<hbm>>
      %dma_start3A_22 = tpu.memref_squeeze %dma_start3A_21 : memref<1x128xi32, #tpu.memory_space<hbm>> -> memref<128xi32, #tpu.memory_space<hbm>>
      tpu.enqueue_dma source(%dma_start3A_22 : memref<128xi32, #tpu.memory_space<hbm>>) target(%arg7 : memref<128xi32, #tpu.memory_space<vmem>>) target_semaphore(%run_scoped3A : memref<!tpu.dma_semaphore, #tpu.memory_space<semaphore_mem>>)
      %dma_wait3A_23 = tpu.memref_slice %arg2[%arg0, %mul3A_2] : memref<2x163840xi32, #tpu.memory_space<hbm>> -> memref<1x128xi32, #tpu.memory_space<hbm>>
      %dma_wait3A_24 = tpu.memref_squeeze %dma_wait3A_23 : memref<1x128xi32, #tpu.memory_space<hbm>> -> memref<128xi32, #tpu.memory_space<hbm>>
      %dma_wait3A_25 = tpu.memref_slice %arg2[%arg0, %mul3A_2] : memref<2x163840xi32, #tpu.memory_space<hbm>> -> memref<1x128xi32, #tpu.memory_space<hbm>>
      %dma_wait3A_26 = tpu.memref_squeeze %dma_wait3A_25 : memref<1x128xi32, #tpu.memory_space<hbm>> -> memref<128xi32, #tpu.memory_space<hbm>>
      tpu.wait_dma2 semaphore(%run_scoped3A : memref<!tpu.dma_semaphore, #tpu.memory_space<semaphore_mem>>) src(%dma_wait3A_26 : memref<128xi32, #tpu.memory_space<hbm>>) dst(%arg7 : memref<128xi32, #tpu.memory_space<vmem>>)
      tpu.yield
    }) : () -> ()
    "tpu.region"() ({
      %run_scoped3A = tpu.sem_alloc : memref<!tpu.dma_semaphore, #tpu.memory_space<semaphore_mem>>
      %dma_start3A_19 = tpu.memref_slice %arg3[%mul3A_2] : memref<163840xi32, #tpu.memory_space<hbm>> -> memref<128xi32, #tpu.memory_space<hbm>>
      %dma_start3A_20 = tpu.memref_slice %arg3[%mul3A_2] : memref<163840xi32, #tpu.memory_space<hbm>> -> memref<128xi32, #tpu.memory_space<hbm>>
      tpu.enqueue_dma source(%dma_start3A_20 : memref<128xi32, #tpu.memory_space<hbm>>) target(%arg8 : memref<128xi32, #tpu.memory_space<vmem>>) target_semaphore(%run_scoped3A : memref<!tpu.dma_semaphore, #tpu.memory_space<semaphore_mem>>)
      %dma_wait3A_21 = tpu.memref_slice %arg3[%mul3A_2] : memref<163840xi32, #tpu.memory_space<hbm>> -> memref<128xi32, #tpu.memory_space<hbm>>
      %dma_wait3A_22 = tpu.memref_slice %arg3[%mul3A_2] : memref<163840xi32, #tpu.memory_space<hbm>> -> memref<128xi32, #tpu.memory_space<hbm>>
      tpu.wait_dma2 semaphore(%run_scoped3A : memref<!tpu.dma_semaphore, #tpu.memory_space<semaphore_mem>>) src(%dma_wait3A_22 : memref<128xi32, #tpu.memory_space<hbm>>) dst(%arg8 : memref<128xi32, #tpu.memory_space<vmem>>)
      tpu.yield
    }) : () -> ()
    %dma_start3A = arith.constant 0 : i32
    %dma_start3A_3 = arith.constant 0 : i32
    %dma_start3A_4 = tpu.memref_slice %arg4[%dma_start3A, %dma_start3A_3] : memref<20000x128xf32, #tpu.memory_space<hbm>> -> memref<20000x128xf32, #tpu.memory_space<hbm>>
    tpu.enqueue_indirect_dma source(%dma_start3A_4 : memref<20000x128xf32, #tpu.memory_space<hbm>>) target(%arg11 : memref<128x128xf32, #tpu.memory_space<vmem>>) offsets(%arg7 : memref<128xi32, #tpu.memory_space<vmem>>) semaphore(%arg14 : memref<!tpu.dma_semaphore, #tpu.memory_space<semaphore_mem>>)
    %scan3A = arith.constant 0 : i32
    %scan3A_5 = arith.constant 39 : i32
    %scan3A_6 = arith.addi %scan3A, %scan3A_5 : i32
    %scan3A_7 = arith.constant 1 : i32
    scf.for %scan3A_19 = %scan3A to %scan3A_6 step %scan3A_7  : i32 {
      %mul3A_20 = arith.constant 2 : i32
      %mul3A_21 = arith.muli %scan3A_19, %mul3A_20 : i32
      %add3A_22 = arith.constant 0 : i32
      %add3A_23 = arith.addi %add3A_22, %mul3A_21 : i32
      %mul3A_24 = arith.constant 128 : i32
      %mul3A_25 = arith.muli %add3A_23, %mul3A_24 : i32
      %add3A_26 = arith.addi %mul3A_2, %mul3A_25 : i32
      %add3A_27 = arith.constant 128 : i32
      %add3A_28 = arith.addi %add3A_26, %add3A_27 : i32
      "tpu.region"() ({
        %run_scoped3A = tpu.sem_alloc : memref<!tpu.dma_semaphore, #tpu.memory_space<semaphore_mem>>
        %dma_start3A_43 = tpu.memref_slice %arg2[%arg0, %add3A_28] : memref<2x163840xi32, #tpu.memory_space<hbm>> -> memref<1x128xi32, #tpu.memory_space<hbm>>
        %dma_start3A_44 = tpu.memref_squeeze %dma_start3A_43 : memref<1x128xi32, #tpu.memory_space<hbm>> -> memref<128xi32, #tpu.memory_space<hbm>>
        %dma_start3A_45 = tpu.memref_slice %arg2[%arg0, %add3A_28] : memref<2x163840xi32, #tpu.memory_space<hbm>> -> memref<1x128xi32, #tpu.memory_space<hbm>>
        %dma_start3A_46 = tpu.memref_squeeze %dma_start3A_45 : memref<1x128xi32, #tpu.memory_space<hbm>> -> memref<128xi32, #tpu.memory_space<hbm>>
        tpu.enqueue_dma source(%dma_start3A_46 : memref<128xi32, #tpu.memory_space<hbm>>) target(%arg9 : memref<128xi32, #tpu.memory_space<vmem>>) target_semaphore(%run_scoped3A : memref<!tpu.dma_semaphore, #tpu.memory_space<semaphore_mem>>)
        %dma_wait3A_47 = tpu.memref_slice %arg2[%arg0, %add3A_28] : memref<2x163840xi32, #tpu.memory_space<hbm>> -> memref<1x128xi32, #tpu.memory_space<hbm>>
        %dma_wait3A_48 = tpu.memref_squeeze %dma_wait3A_47 : memref<1x128xi32, #tpu.memory_space<hbm>> -> memref<128xi32, #tpu.memory_space<hbm>>
        %dma_wait3A_49 = tpu.memref_slice %arg2[%arg0, %add3A_28] : memref<2x163840xi32, #tpu.memory_space<hbm>> -> memref<1x128xi32, #tpu.memory_space<hbm>>
        %dma_wait3A_50 = tpu.memref_squeeze %dma_wait3A_49 : memref<1x128xi32, #tpu.memory_space<hbm>> -> memref<128xi32, #tpu.memory_space<hbm>>
        tpu.wait_dma2 semaphore(%run_scoped3A : memref<!tpu.dma_semaphore, #tpu.memory_space<semaphore_mem>>) src(%dma_wait3A_50 : memref<128xi32, #tpu.memory_space<hbm>>) dst(%arg9 : memref<128xi32, #tpu.memory_space<vmem>>)
        tpu.yield
      }) : () -> ()
      "tpu.region"() ({
        %run_scoped3A = tpu.sem_alloc : memref<!tpu.dma_semaphore, #tpu.memory_space<semaphore_mem>>
        %dma_start3A_43 = tpu.memref_slice %arg3[%add3A_28] : memref<163840xi32, #tpu.memory_space<hbm>> -> memref<128xi32, #tpu.memory_space<hbm>>
        %dma_start3A_44 = tpu.memref_slice %arg3[%add3A_28] : memref<163840xi32, #tpu.memory_space<hbm>> -> memref<128xi32, #tpu.memory_space<hbm>>
        tpu.enqueue_dma source(%dma_start3A_44 : memref<128xi32, #tpu.memory_space<hbm>>) target(%arg10 : memref<128xi32, #tpu.memory_space<vmem>>) target_semaphore(%run_scoped3A : memref<!tpu.dma_semaphore, #tpu.memory_space<semaphore_mem>>)
        %dma_wait3A_45 = tpu.memref_slice %arg3[%add3A_28] : memref<163840xi32, #tpu.memory_space<hbm>> -> memref<128xi32, #tpu.memory_space<hbm>>
        %dma_wait3A_46 = tpu.memref_slice %arg3[%add3A_28] : memref<163840xi32, #tpu.memory_space<hbm>> -> memref<128xi32, #tpu.memory_space<hbm>>
        tpu.wait_dma2 semaphore(%run_scoped3A : memref<!tpu.dma_semaphore, #tpu.memory_space<semaphore_mem>>) src(%dma_wait3A_46 : memref<128xi32, #tpu.memory_space<hbm>>) dst(%arg10 : memref<128xi32, #tpu.memory_space<vmem>>)
        tpu.yield
      }) : () -> ()
      %dma_start3A_29 = arith.constant 0 : i32
      %dma_start3A_30 = arith.constant 0 : i32
      %dma_start3A_31 = tpu.memref_slice %arg4[%dma_start3A_29, %dma_start3A_30] : memref<20000x128xf32, #tpu.memory_space<hbm>> -> memref<20000x128xf32, #tpu.memory_space<hbm>>
      tpu.enqueue_indirect_dma source(%dma_start3A_31 : memref<20000x128xf32, #tpu.memory_space<hbm>>) target(%arg12 : memref<128x128xf32, #tpu.memory_space<vmem>>) offsets(%arg9 : memref<128xi32, #tpu.memory_space<vmem>>) semaphore(%arg15 : memref<!tpu.dma_semaphore, #tpu.memory_space<semaphore_mem>>)
      %dma_wait3A_32 = arith.constant 0 : i32
      %dma_wait3A_33 = arith.constant 0 : i32
      %dma_wait3A_34 = tpu.memref_slice %arg4[%dma_wait3A_32, %dma_wait3A_33] : memref<20000x128xf32, #tpu.memory_space<hbm>> -> memref<20000x128xf32, #tpu.memory_space<hbm>>
      tpu.wait_indirect_dma semaphore(%arg14 : memref<!tpu.dma_semaphore, #tpu.memory_space<semaphore_mem>>) src(%dma_wait3A_34 : memref<20000x128xf32, #tpu.memory_space<hbm>>) dst(%arg11 : memref<128x128xf32, #tpu.memory_space<vmem>>)
      "tpu.region"() ({
        %run_scoped3A = tpu.sem_alloc : memref<!tpu.dma_semaphore, #tpu.memory_space<semaphore_mem>>
        %dma_start3A_43 = arith.constant 0 : i32
        %dma_start3A_44 = arith.constant 0 : i32
        %dma_start3A_45 = tpu.memref_slice %arg13[%dma_start3A_43, %dma_start3A_44] : memref<10240x128xf32, #tpu.memory_space<vmem_shared>> -> memref<10240x128xf32, #tpu.memory_space<vmem_shared>>
        tpu.enqueue_indirect_dma source(%arg11 : memref<128x128xf32, #tpu.memory_space<vmem>>) target(%dma_start3A_45 : memref<10240x128xf32, #tpu.memory_space<vmem_shared>>) offsets(%arg8 : memref<128xi32, #tpu.memory_space<vmem>>) semaphore(%run_scoped3A : memref<!tpu.dma_semaphore, #tpu.memory_space<semaphore_mem>>) {add = true}
        %dma_wait3A_46 = arith.constant 0 : i32
        %dma_wait3A_47 = arith.constant 0 : i32
        %dma_wait3A_48 = tpu.memref_slice %arg13[%dma_wait3A_46, %dma_wait3A_47] : memref<10240x128xf32, #tpu.memory_space<vmem_shared>> -> memref<10240x128xf32, #tpu.memory_space<vmem_shared>>
        tpu.wait_indirect_dma semaphore(%run_scoped3A : memref<!tpu.dma_semaphore, #tpu.memory_space<semaphore_mem>>) src(%arg11 : memref<128x128xf32, #tpu.memory_space<vmem>>) dst(%dma_wait3A_48 : memref<10240x128xf32, #tpu.memory_space<vmem_shared>>)
        tpu.yield
      }) : () -> ()
      %add3A_35 = arith.constant 256 : i32
      %add3A_36 = arith.addi %add3A_26, %add3A_35 : i32
      "tpu.region"() ({
        %run_scoped3A = tpu.sem_alloc : memref<!tpu.dma_semaphore, #tpu.memory_space<semaphore_mem>>
        %dma_start3A_43 = tpu.memref_slice %arg2[%arg0, %add3A_36] : memref<2x163840xi32, #tpu.memory_space<hbm>> -> memref<1x128xi32, #tpu.memory_space<hbm>>
        %dma_start3A_44 = tpu.memref_squeeze %dma_start3A_43 : memref<1x128xi32, #tpu.memory_space<hbm>> -> memref<128xi32, #tpu.memory_space<hbm>>
        %dma_start3A_45 = tpu.memref_slice %arg2[%arg0, %add3A_36] : memref<2x163840xi32, #tpu.memory_space<hbm>> -> memref<1x128xi32, #tpu.memory_space<hbm>>
        %dma_start3A_46 = tpu.memref_squeeze %dma_start3A_45 : memref<1x128xi32, #tpu.memory_space<hbm>> -> memref<128xi32, #tpu.memory_space<hbm>>
        tpu.enqueue_dma source(%dma_start3A_46 : memref<128xi32, #tpu.memory_space<hbm>>) target(%arg7 : memref<128xi32, #tpu.memory_space<vmem>>) target_semaphore(%run_scoped3A : memref<!tpu.dma_semaphore, #tpu.memory_space<semaphore_mem>>)
        %dma_wait3A_47 = tpu.memref_slice %arg2[%arg0, %add3A_36] : memref<2x163840xi32, #tpu.memory_space<hbm>> -> memref<1x128xi32, #tpu.memory_space<hbm>>
        %dma_wait3A_48 = tpu.memref_squeeze %dma_wait3A_47 : memref<1x128xi32, #tpu.memory_space<hbm>> -> memref<128xi32, #tpu.memory_space<hbm>>
        %dma_wait3A_49 = tpu.memref_slice %arg2[%arg0, %add3A_36] : memref<2x163840xi32, #tpu.memory_space<hbm>> -> memref<1x128xi32, #tpu.memory_space<hbm>>
        %dma_wait3A_50 = tpu.memref_squeeze %dma_wait3A_49 : memref<1x128xi32, #tpu.memory_space<hbm>> -> memref<128xi32, #tpu.memory_space<hbm>>
        tpu.wait_dma2 semaphore(%run_scoped3A : memref<!tpu.dma_semaphore, #tpu.memory_space<semaphore_mem>>) src(%dma_wait3A_50 : memref<128xi32, #tpu.memory_space<hbm>>) dst(%arg7 : memref<128xi32, #tpu.memory_space<vmem>>)
        tpu.yield
      }) : () -> ()
      "tpu.region"() ({
        %run_scoped3A = tpu.sem_alloc : memref<!tpu.dma_semaphore, #tpu.memory_space<semaphore_mem>>
        %dma_start3A_43 = tpu.memref_slice %arg3[%add3A_36] : memref<163840xi32, #tpu.memory_space<hbm>> -> memref<128xi32, #tpu.memory_space<hbm>>
        %dma_start3A_44 = tpu.memref_slice %arg3[%add3A_36] : memref<163840xi32, #tpu.memory_space<hbm>> -> memref<128xi32, #tpu.memory_space<hbm>>
        tpu.enqueue_dma source(%dma_start3A_44 : memref<128xi32, #tpu.memory_space<hbm>>) target(%arg8 : memref<128xi32, #tpu.memory_space<vmem>>) target_semaphore(%run_scoped3A : memref<!tpu.dma_semaphore, #tpu.memory_space<semaphore_mem>>)
        %dma_wait3A_45 = tpu.memref_slice %arg3[%add3A_36] : memref<163840xi32, #tpu.memory_space<hbm>> -> memref<128xi32, #tpu.memory_space<hbm>>
        %dma_wait3A_46 = tpu.memref_slice %arg3[%add3A_36] : memref<163840xi32, #tpu.memory_space<hbm>> -> memref<128xi32, #tpu.memory_space<hbm>>
        tpu.wait_dma2 semaphore(%run_scoped3A : memref<!tpu.dma_semaphore, #tpu.memory_space<semaphore_mem>>) src(%dma_wait3A_46 : memref<128xi32, #tpu.memory_space<hbm>>) dst(%arg8 : memref<128xi32, #tpu.memory_space<vmem>>)
        tpu.yield
      }) : () -> ()
      %dma_start3A_37 = arith.constant 0 : i32
      %dma_start3A_38 = arith.constant 0 : i32
      %dma_start3A_39 = tpu.memref_slice %arg4[%dma_start3A_37, %dma_start3A_38] : memref<20000x128xf32, #tpu.memory_space<hbm>> -> memref<20000x128xf32, #tpu.memory_space<hbm>>
      tpu.enqueue_indirect_dma source(%dma_start3A_39 : memref<20000x128xf32, #tpu.memory_space<hbm>>) target(%arg11 : memref<128x128xf32, #tpu.memory_space<vmem>>) offsets(%arg7 : memref<128xi32, #tpu.memory_space<vmem>>) semaphore(%arg14 : memref<!tpu.dma_semaphore, #tpu.memory_space<semaphore_mem>>)
      %dma_wait3A_40 = arith.constant 0 : i32
      %dma_wait3A_41 = arith.constant 0 : i32
      %dma_wait3A_42 = tpu.memref_slice %arg4[%dma_wait3A_40, %dma_wait3A_41] : memref<20000x128xf32, #tpu.memory_space<hbm>> -> memref<20000x128xf32, #tpu.memory_space<hbm>>
      tpu.wait_indirect_dma semaphore(%arg15 : memref<!tpu.dma_semaphore, #tpu.memory_space<semaphore_mem>>) src(%dma_wait3A_42 : memref<20000x128xf32, #tpu.memory_space<hbm>>) dst(%arg12 : memref<128x128xf32, #tpu.memory_space<vmem>>)
      "tpu.region"() ({
        %run_scoped3A = tpu.sem_alloc : memref<!tpu.dma_semaphore, #tpu.memory_space<semaphore_mem>>
        %dma_start3A_43 = arith.constant 0 : i32
        %dma_start3A_44 = arith.constant 0 : i32
        %dma_start3A_45 = tpu.memref_slice %arg13[%dma_start3A_43, %dma_start3A_44] : memref<10240x128xf32, #tpu.memory_space<vmem_shared>> -> memref<10240x128xf32, #tpu.memory_space<vmem_shared>>
        tpu.enqueue_indirect_dma source(%arg12 : memref<128x128xf32, #tpu.memory_space<vmem>>) target(%dma_start3A_45 : memref<10240x128xf32, #tpu.memory_space<vmem_shared>>) offsets(%arg10 : memref<128xi32, #tpu.memory_space<vmem>>) semaphore(%run_scoped3A : memref<!tpu.dma_semaphore, #tpu.memory_space<semaphore_mem>>) {add = true}
        %dma_wait3A_46 = arith.constant 0 : i32
        %dma_wait3A_47 = arith.constant 0 : i32
        %dma_wait3A_48 = tpu.memref_slice %arg13[%dma_wait3A_46, %dma_wait3A_47] : memref<10240x128xf32, #tpu.memory_space<vmem_shared>> -> memref<10240x128xf32, #tpu.memory_space<vmem_shared>>
        tpu.wait_indirect_dma semaphore(%run_scoped3A : memref<!tpu.dma_semaphore, #tpu.memory_space<semaphore_mem>>) src(%arg12 : memref<128x128xf32, #tpu.memory_space<vmem>>) dst(%dma_wait3A_48 : memref<10240x128xf32, #tpu.memory_space<vmem_shared>>)
        tpu.yield
      }) : () -> ()
    }
    %scan3A_8 = arith.constant 39 : i32
    %add3A = arith.constant 10112 : i32
    %add3A_9 = arith.addi %mul3A_2, %add3A : i32
    "tpu.region"() ({
      %run_scoped3A = tpu.sem_alloc : memref<!tpu.dma_semaphore, #tpu.memory_space<semaphore_mem>>
      %dma_start3A_19 = tpu.memref_slice %arg2[%arg0, %add3A_9] : memref<2x163840xi32, #tpu.memory_space<hbm>> -> memref<1x128xi32, #tpu.memory_space<hbm>>
      %dma_start3A_20 = tpu.memref_squeeze %dma_start3A_19 : memref<1x128xi32, #tpu.memory_space<hbm>> -> memref<128xi32, #tpu.memory_space<hbm>>
      %dma_start3A_21 = tpu.memref_slice %arg2[%arg0, %add3A_9] : memref<2x163840xi32, #tpu.memory_space<hbm>> -> memref<1x128xi32, #tpu.memory_space<hbm>>
      %dma_start3A_22 = tpu.memref_squeeze %dma_start3A_21 : memref<1x128xi32, #tpu.memory_space<hbm>> -> memref<128xi32, #tpu.memory_space<hbm>>
      tpu.enqueue_dma source(%dma_start3A_22 : memref<128xi32, #tpu.memory_space<hbm>>) target(%arg9 : memref<128xi32, #tpu.memory_space<vmem>>) target_semaphore(%run_scoped3A : memref<!tpu.dma_semaphore, #tpu.memory_space<semaphore_mem>>)
      %dma_wait3A_23 = tpu.memref_slice %arg2[%arg0, %add3A_9] : memref<2x163840xi32, #tpu.memory_space<hbm>> -> memref<1x128xi32, #tpu.memory_space<hbm>>
      %dma_wait3A_24 = tpu.memref_squeeze %dma_wait3A_23 : memref<1x128xi32, #tpu.memory_space<hbm>> -> memref<128xi32, #tpu.memory_space<hbm>>
      %dma_wait3A_25 = tpu.memref_slice %arg2[%arg0, %add3A_9] : memref<2x163840xi32, #tpu.memory_space<hbm>> -> memref<1x128xi32, #tpu.memory_space<hbm>>
      %dma_wait3A_26 = tpu.memref_squeeze %dma_wait3A_25 : memref<1x128xi32, #tpu.memory_space<hbm>> -> memref<128xi32, #tpu.memory_space<hbm>>
      tpu.wait_dma2 semaphore(%run_scoped3A : memref<!tpu.dma_semaphore, #tpu.memory_space<semaphore_mem>>) src(%dma_wait3A_26 : memref<128xi32, #tpu.memory_space<hbm>>) dst(%arg9 : memref<128xi32, #tpu.memory_space<vmem>>)
      tpu.yield
    }) : () -> ()
    "tpu.region"() ({
      %run_scoped3A = tpu.sem_alloc : memref<!tpu.dma_semaphore, #tpu.memory_space<semaphore_mem>>
      %dma_start3A_19 = tpu.memref_slice %arg3[%add3A_9] : memref<163840xi32, #tpu.memory_space<hbm>> -> memref<128xi32, #tpu.memory_space<hbm>>
      %dma_start3A_20 = tpu.memref_slice %arg3[%add3A_9] : memref<163840xi32, #tpu.memory_space<hbm>> -> memref<128xi32, #tpu.memory_space<hbm>>
      tpu.enqueue_dma source(%dma_start3A_20 : memref<128xi32, #tpu.memory_space<hbm>>) target(%arg10 : memref<128xi32, #tpu.memory_space<vmem>>) target_semaphore(%run_scoped3A : memref<!tpu.dma_semaphore, #tpu.memory_space<semaphore_mem>>)
      %dma_wait3A_21 = tpu.memref_slice %arg3[%add3A_9] : memref<163840xi32, #tpu.memory_space<hbm>> -> memref<128xi32, #tpu.memory_space<hbm>>
      %dma_wait3A_22 = tpu.memref_slice %arg3[%add3A_9] : memref<163840xi32, #tpu.memory_space<hbm>> -> memref<128xi32, #tpu.memory_space<hbm>>
      tpu.wait_dma2 semaphore(%run_scoped3A : memref<!tpu.dma_semaphore, #tpu.memory_space<semaphore_mem>>) src(%dma_wait3A_22 : memref<128xi32, #tpu.memory_space<hbm>>) dst(%arg10 : memref<128xi32, #tpu.memory_space<vmem>>)
      tpu.yield
    }) : () -> ()
    %dma_start3A_10 = arith.constant 0 : i32
    %dma_start3A_11 = arith.constant 0 : i32
    %dma_start3A_12 = tpu.memref_slice %arg4[%dma_start3A_10, %dma_start3A_11] : memref<20000x128xf32, #tpu.memory_space<hbm>> -> memref<20000x128xf32, #tpu.memory_space<hbm>>
    tpu.enqueue_indirect_dma source(%dma_start3A_12 : memref<20000x128xf32, #tpu.memory_space<hbm>>) target(%arg12 : memref<128x128xf32, #tpu.memory_space<vmem>>) offsets(%arg9 : memref<128xi32, #tpu.memory_space<vmem>>) semaphore(%arg15 : memref<!tpu.dma_semaphore, #tpu.memory_space<semaphore_mem>>)
    %dma_wait3A = arith.constant 0 : i32
    %dma_wait3A_13 = arith.constant 0 : i32
    %dma_wait3A_14 = tpu.memref_slice %arg4[%dma_wait3A, %dma_wait3A_13] : memref<20000x128xf32, #tpu.memory_space<hbm>> -> memref<20000x128xf32, #tpu.memory_space<hbm>>
    tpu.wait_indirect_dma semaphore(%arg14 : memref<!tpu.dma_semaphore, #tpu.memory_space<semaphore_mem>>) src(%dma_wait3A_14 : memref<20000x128xf32, #tpu.memory_space<hbm>>) dst(%arg11 : memref<128x128xf32, #tpu.memory_space<vmem>>)
    "tpu.region"() ({
      %run_scoped3A = tpu.sem_alloc : memref<!tpu.dma_semaphore, #tpu.memory_space<semaphore_mem>>
      %dma_start3A_19 = arith.constant 0 : i32
      %dma_start3A_20 = arith.constant 0 : i32
      %dma_start3A_21 = tpu.memref_slice %arg13[%dma_start3A_19, %dma_start3A_20] : memref<10240x128xf32, #tpu.memory_space<vmem_shared>> -> memref<10240x128xf32, #tpu.memory_space<vmem_shared>>
      tpu.enqueue_indirect_dma source(%arg11 : memref<128x128xf32, #tpu.memory_space<vmem>>) target(%dma_start3A_21 : memref<10240x128xf32, #tpu.memory_space<vmem_shared>>) offsets(%arg8 : memref<128xi32, #tpu.memory_space<vmem>>) semaphore(%run_scoped3A : memref<!tpu.dma_semaphore, #tpu.memory_space<semaphore_mem>>) {add = true}
      %dma_wait3A_22 = arith.constant 0 : i32
      %dma_wait3A_23 = arith.constant 0 : i32
      %dma_wait3A_24 = tpu.memref_slice %arg13[%dma_wait3A_22, %dma_wait3A_23] : memref<10240x128xf32, #tpu.memory_space<vmem_shared>> -> memref<10240x128xf32, #tpu.memory_space<vmem_shared>>
      tpu.wait_indirect_dma semaphore(%run_scoped3A : memref<!tpu.dma_semaphore, #tpu.memory_space<semaphore_mem>>) src(%arg11 : memref<128x128xf32, #tpu.memory_space<vmem>>) dst(%dma_wait3A_24 : memref<10240x128xf32, #tpu.memory_space<vmem_shared>>)
      tpu.yield
    }) : () -> ()
    %dma_wait3A_15 = arith.constant 0 : i32
    %dma_wait3A_16 = arith.constant 0 : i32
    %dma_wait3A_17 = tpu.memref_slice %arg4[%dma_wait3A_15, %dma_wait3A_16] : memref<20000x128xf32, #tpu.memory_space<hbm>> -> memref<20000x128xf32, #tpu.memory_space<hbm>>
    tpu.wait_indirect_dma semaphore(%arg15 : memref<!tpu.dma_semaphore, #tpu.memory_space<semaphore_mem>>) src(%dma_wait3A_17 : memref<20000x128xf32, #tpu.memory_space<hbm>>) dst(%arg12 : memref<128x128xf32, #tpu.memory_space<vmem>>)
    "tpu.region"() ({
      %run_scoped3A = tpu.sem_alloc : memref<!tpu.dma_semaphore, #tpu.memory_space<semaphore_mem>>
      %dma_start3A_19 = arith.constant 0 : i32
      %dma_start3A_20 = arith.constant 0 : i32
      %dma_start3A_21 = tpu.memref_slice %arg13[%dma_start3A_19, %dma_start3A_20] : memref<10240x128xf32, #tpu.memory_space<vmem_shared>> -> memref<10240x128xf32, #tpu.memory_space<vmem_shared>>
      tpu.enqueue_indirect_dma source(%arg12 : memref<128x128xf32, #tpu.memory_space<vmem>>) target(%dma_start3A_21 : memref<10240x128xf32, #tpu.memory_space<vmem_shared>>) offsets(%arg10 : memref<128xi32, #tpu.memory_space<vmem>>) semaphore(%run_scoped3A : memref<!tpu.dma_semaphore, #tpu.memory_space<semaphore_mem>>) {add = true}
      %dma_wait3A_22 = arith.constant 0 : i32
      %dma_wait3A_23 = arith.constant 0 : i32
      %dma_wait3A_24 = tpu.memref_slice %arg13[%dma_wait3A_22, %dma_wait3A_23] : memref<10240x128xf32, #tpu.memory_space<vmem_shared>> -> memref<10240x128xf32, #tpu.memory_space<vmem_shared>>
      tpu.wait_indirect_dma semaphore(%run_scoped3A : memref<!tpu.dma_semaphore, #tpu.memory_space<semaphore_mem>>) src(%arg12 : memref<128x128xf32, #tpu.memory_space<vmem>>) dst(%dma_wait3A_24 : memref<10240x128xf32, #tpu.memory_space<vmem_shared>>)
      tpu.yield
    }) : () -> ()
    %barrier3A_18 = arith.constant 0 : index
    tpu.barrier barrier_id(%barrier3A_18)
    "tpu.region"() ({
      %run_scoped3A = tpu.sem_alloc : memref<!tpu.dma_semaphore, #tpu.memory_space<semaphore_mem>>
      %dma_start3A_19 = arith.constant 0 : i32
      %dma_start3A_20 = tpu.memref_slice %arg6[%arg0, %mul3A_0, %dma_start3A_19] : memref<2x10240x128xf32, #tpu.memory_space<hbm>> -> memref<1x640x128xf32, #tpu.memory_space<hbm>>
      %dma_start3A_21 = tpu.memref_squeeze %dma_start3A_20 : memref<1x640x128xf32, #tpu.memory_space<hbm>> -> memref<640x128xf32, #tpu.memory_space<hbm>>
      %dma_start3A_22 = arith.constant 0 : i32
      %dma_start3A_23 = tpu.memref_slice %arg13[%mul3A_0, %dma_start3A_22] : memref<10240x128xf32, #tpu.memory_space<vmem_shared>> -> memref<640x128xf32, #tpu.memory_space<vmem_shared>>
      tpu.enqueue_dma source(%dma_start3A_23 : memref<640x128xf32, #tpu.memory_space<vmem_shared>>) target(%dma_start3A_21 : memref<640x128xf32, #tpu.memory_space<hbm>>) target_semaphore(%run_scoped3A : memref<!tpu.dma_semaphore, #tpu.memory_space<semaphore_mem>>)
      %dma_wait3A_24 = arith.constant 0 : i32
      %dma_wait3A_25 = tpu.memref_slice %arg6[%arg0, %mul3A_0, %dma_wait3A_24] : memref<2x10240x128xf32, #tpu.memory_space<hbm>> -> memref<1x640x128xf32, #tpu.memory_space<hbm>>
      %dma_wait3A_26 = tpu.memref_squeeze %dma_wait3A_25 : memref<1x640x128xf32, #tpu.memory_space<hbm>> -> memref<640x128xf32, #tpu.memory_space<hbm>>
      %dma_wait3A_27 = arith.constant 0 : i32
      %dma_wait3A_28 = tpu.memref_slice %arg13[%mul3A_0, %dma_wait3A_27] : memref<10240x128xf32, #tpu.memory_space<vmem_shared>> -> memref<640x128xf32, #tpu.memory_space<vmem_shared>>
      tpu.wait_dma2 semaphore(%run_scoped3A : memref<!tpu.dma_semaphore, #tpu.memory_space<semaphore_mem>>) src(%dma_wait3A_28 : memref<640x128xf32, #tpu.memory_space<vmem_shared>>) dst(%dma_wait3A_26 : memref<640x128xf32, #tpu.memory_space<hbm>>)
      tpu.yield
    }) : () -> ()
    return
  }
}

#map = affine_map<(d0, d1) -> (0, 0)>
#map1 = affine_map<(d0, d1) -> (0)>
#map2 = affine_map<(d0, d1) -> (0, 0, 0)>
module attributes {stable_mosaic.version = 14 : i64} {
  func.func @_adj_kernel(%arg0: i32, %arg1: i32, %arg2: memref<2x163840xi32, #tpu.memory_space<hbm>>, %arg3: memref<163840xi32, #tpu.memory_space<hbm>>, %arg4: memref<20000x128xf32, #tpu.memory_space<hbm>>, %arg5: memref<10240x128xf32, #tpu.memory_space<hbm>>, %arg6: memref<2x10240x128xf32, #tpu.memory_space<hbm>>, %arg7: memref<128xi32, #tpu.memory_space<vmem>>, %arg8: memref<128xi32, #tpu.memory_space<vmem>>, %arg9: memref<128xi32, #tpu.memory_space<vmem>>, %arg10: memref<128xi32, #tpu.memory_space<vmem>>, %arg11: memref<128x128xf32, #tpu.memory_space<vmem>>, %arg12: memref<128x128xf32, #tpu.memory_space<vmem>>, %arg13: memref<10240x128xf32, #tpu.memory_space<vmem_shared>>, %arg14: memref<!tpu.dma_semaphore, #tpu.memory_space<semaphore_mem>>, %arg15: memref<!tpu.dma_semaphore, #tpu.memory_space<semaphore_mem>>) attributes {dimension_semantics = [#tpu.dimension_semantics<core_parallel>, #tpu.dimension_semantics<subcore_parallel>], iteration_bounds = array<i64: 2, 16>, scalar_prefetch = 0 : i64, scratch_operands = 9 : i64, tpu.core_type = #tpu.core_type<sc_vector_subcore>, window_params = [{transform_indices = #map}, {transform_indices = #map1}, {transform_indices = #map}, {transform_indices = #map}, {transform_indices = #map2}]} {
    %mul3A = arith.constant 640 : i32
    %mul3A_0 = arith.muli %arg1, %mul3A : i32
    "tpu.region"() ({
      %run_scoped3A = tpu.sem_alloc : memref<!tpu.dma_semaphore, #tpu.memory_space<semaphore_mem>>
      %dma_start3A_19 = arith.constant 0 : i32
      %dma_start3A_20 = tpu.memref_slice %arg13[%mul3A_0, %dma_start3A_19] : memref<10240x128xf32, #tpu.memory_space<vmem_shared>> -> memref<640x128xf32, #tpu.memory_space<vmem_shared>>
      %dma_start3A_21 = arith.constant 0 : i32
      %dma_start3A_22 = tpu.memref_slice %arg5[%mul3A_0, %dma_start3A_21] : memref<10240x128xf32, #tpu.memory_space<hbm>> -> memref<640x128xf32, #tpu.memory_space<hbm>>
      tpu.enqueue_dma source(%dma_start3A_22 : memref<640x128xf32, #tpu.memory_space<hbm>>) target(%dma_start3A_20 : memref<640x128xf32, #tpu.memory_space<vmem_shared>>) target_semaphore(%run_scoped3A : memref<!tpu.dma_semaphore, #tpu.memory_space<semaphore_mem>>)
      %dma_wait3A_23 = arith.constant 0 : i32
      %dma_wait3A_24 = tpu.memref_slice %arg13[%mul3A_0, %dma_wait3A_23] : memref<10240x128xf32, #tpu.memory_space<vmem_shared>> -> memref<640x128xf32, #tpu.memory_space<vmem_shared>>
      %dma_wait3A_25 = arith.constant 0 : i32
      %dma_wait3A_26 = tpu.memref_slice %arg5[%mul3A_0, %dma_wait3A_25] : memref<10240x128xf32, #tpu.memory_space<hbm>> -> memref<640x128xf32, #tpu.memory_space<hbm>>
      tpu.wait_dma2 semaphore(%run_scoped3A : memref<!tpu.dma_semaphore, #tpu.memory_space<semaphore_mem>>) src(%dma_wait3A_26 : memref<640x128xf32, #tpu.memory_space<hbm>>) dst(%dma_wait3A_24 : memref<640x128xf32, #tpu.memory_space<vmem_shared>>)
      tpu.yield
    }) : () -> ()
    %barrier3A = arith.constant 0 : index
    tpu.barrier barrier_id(%barrier3A)
    %mul3A_1 = arith.constant 10240 : i32
    %mul3A_2 = arith.muli %arg1, %mul3A_1 : i32
    "tpu.region"() ({
      %run_scoped3A = tpu.sem_alloc : memref<!tpu.dma_semaphore, #tpu.memory_space<semaphore_mem>>
      %dma_start3A_19 = tpu.memref_slice %arg2[%arg0, %mul3A_2] : memref<2x163840xi32, #tpu.memory_space<hbm>> -> memref<1x128xi32, #tpu.memory_space<hbm>>
      %dma_start3A_20 = tpu.memref_squeeze %dma_start3A_19 : memref<1x128xi32, #tpu.memory_space<hbm>> -> memref<128xi32, #tpu.memory_space<hbm>>
      %dma_start3A_21 = tpu.memref_slice %arg2[%arg0, %mul3A_2] : memref<2x163840xi32, #tpu.memory_space<hbm>> -> memref<1x128xi32, #tpu.memory_space<hbm>>
      %dma_start3A_22 = tpu.memref_squeeze %dma_start3A_21 : memref<1x128xi32, #tpu.memory_space<hbm>> -> memref<128xi32, #tpu.memory_space<hbm>>
      tpu.enqueue_dma source(%dma_start3A_22 : memref<128xi32, #tpu.memory_space<hbm>>) target(%arg7 : memref<128xi32, #tpu.memory_space<vmem>>) target_semaphore(%run_scoped3A : memref<!tpu.dma_semaphore, #tpu.memory_space<semaphore_mem>>)
      %dma_wait3A_23 = tpu.memref_slice %arg2[%arg0, %mul3A_2] : memref<2x163840xi32, #tpu.memory_space<hbm>> -> memref<1x128xi32, #tpu.memory_space<hbm>>
      %dma_wait3A_24 = tpu.memref_squeeze %dma_wait3A_23 : memref<1x128xi32, #tpu.memory_space<hbm>> -> memref<128xi32, #tpu.memory_space<hbm>>
      %dma_wait3A_25 = tpu.memref_slice %arg2[%arg0, %mul3A_2] : memref<2x163840xi32, #tpu.memory_space<hbm>> -> memref<1x128xi32, #tpu.memory_space<hbm>>
      %dma_wait3A_26 = tpu.memref_squeeze %dma_wait3A_25 : memref<1x128xi32, #tpu.memory_space<hbm>> -> memref<128xi32, #tpu.memory_space<hbm>>
      tpu.wait_dma2 semaphore(%run_scoped3A : memref<!tpu.dma_semaphore, #tpu.memory_space<semaphore_mem>>) src(%dma_wait3A_26 : memref<128xi32, #tpu.memory_space<hbm>>) dst(%arg7 : memref<128xi32, #tpu.memory_space<vmem>>)
      tpu.yield
    }) : () -> ()
    "tpu.region"() ({
      %run_scoped3A = tpu.sem_alloc : memref<!tpu.dma_semaphore, #tpu.memory_space<semaphore_mem>>
      %dma_start3A_19 = tpu.memref_slice %arg3[%mul3A_2] : memref<163840xi32, #tpu.memory_space<hbm>> -> memref<128xi32, #tpu.memory_space<hbm>>
      %dma_start3A_20 = tpu.memref_slice %arg3[%mul3A_2] : memref<163840xi32, #tpu.memory_space<hbm>> -> memref<128xi32, #tpu.memory_space<hbm>>
      tpu.enqueue_dma source(%dma_start3A_20 : memref<128xi32, #tpu.memory_space<hbm>>) target(%arg8 : memref<128xi32, #tpu.memory_space<vmem>>) target_semaphore(%run_scoped3A : memref<!tpu.dma_semaphore, #tpu.memory_space<semaphore_mem>>)
      %dma_wait3A_21 = tpu.memref_slice %arg3[%mul3A_2] : memref<163840xi32, #tpu.memory_space<hbm>> -> memref<128xi32, #tpu.memory_space<hbm>>
      %dma_wait3A_22 = tpu.memref_slice %arg3[%mul3A_2] : memref<163840xi32, #tpu.memory_space<hbm>> -> memref<128xi32, #tpu.memory_space<hbm>>
      tpu.wait_dma2 semaphore(%run_scoped3A : memref<!tpu.dma_semaphore, #tpu.memory_space<semaphore_mem>>) src(%dma_wait3A_22 : memref<128xi32, #tpu.memory_space<hbm>>) dst(%arg8 : memref<128xi32, #tpu.memory_space<vmem>>)
      tpu.yield
    }) : () -> ()
    %dma_start3A = arith.constant 0 : i32
    %dma_start3A_3 = arith.constant 0 : i32
    %dma_start3A_4 = tpu.memref_slice %arg4[%dma_start3A, %dma_start3A_3] : memref<20000x128xf32, #tpu.memory_space<hbm>> -> memref<20000x128xf32, #tpu.memory_space<hbm>>
    tpu.enqueue_indirect_dma source(%dma_start3A_4 : memref<20000x128xf32, #tpu.memory_space<hbm>>) target(%arg11 : memref<128x128xf32, #tpu.memory_space<vmem>>) offsets(%arg7 : memref<128xi32, #tpu.memory_space<vmem>>) semaphore(%arg14 : memref<!tpu.dma_semaphore, #tpu.memory_space<semaphore_mem>>)
    %scan3A = arith.constant 0 : i32
    %scan3A_5 = arith.constant 39 : i32
    %scan3A_6 = arith.addi %scan3A, %scan3A_5 : i32
    %scan3A_7 = arith.constant 1 : i32
    scf.for %scan3A_19 = %scan3A to %scan3A_6 step %scan3A_7  : i32 {
      %mul3A_20 = arith.constant 2 : i32
      %mul3A_21 = arith.muli %scan3A_19, %mul3A_20 : i32
      %add3A_22 = arith.constant 0 : i32
      %add3A_23 = arith.addi %add3A_22, %mul3A_21 : i32
      %mul3A_24 = arith.constant 128 : i32
      %mul3A_25 = arith.muli %add3A_23, %mul3A_24 : i32
      %add3A_26 = arith.addi %mul3A_2, %mul3A_25 : i32
      %add3A_27 = arith.constant 128 : i32
      %add3A_28 = arith.addi %add3A_26, %add3A_27 : i32
      "tpu.region"() ({
        %run_scoped3A = tpu.sem_alloc : memref<!tpu.dma_semaphore, #tpu.memory_space<semaphore_mem>>
        %dma_start3A_43 = tpu.memref_slice %arg2[%arg0, %add3A_28] : memref<2x163840xi32, #tpu.memory_space<hbm>> -> memref<1x128xi32, #tpu.memory_space<hbm>>
        %dma_start3A_44 = tpu.memref_squeeze %dma_start3A_43 : memref<1x128xi32, #tpu.memory_space<hbm>> -> memref<128xi32, #tpu.memory_space<hbm>>
        %dma_start3A_45 = tpu.memref_slice %arg2[%arg0, %add3A_28] : memref<2x163840xi32, #tpu.memory_space<hbm>> -> memref<1x128xi32, #tpu.memory_space<hbm>>
        %dma_start3A_46 = tpu.memref_squeeze %dma_start3A_45 : memref<1x128xi32, #tpu.memory_space<hbm>> -> memref<128xi32, #tpu.memory_space<hbm>>
        tpu.enqueue_dma source(%dma_start3A_46 : memref<128xi32, #tpu.memory_space<hbm>>) target(%arg9 : memref<128xi32, #tpu.memory_space<vmem>>) target_semaphore(%run_scoped3A : memref<!tpu.dma_semaphore, #tpu.memory_space<semaphore_mem>>)
        %dma_wait3A_47 = tpu.memref_slice %arg2[%arg0, %add3A_28] : memref<2x163840xi32, #tpu.memory_space<hbm>> -> memref<1x128xi32, #tpu.memory_space<hbm>>
        %dma_wait3A_48 = tpu.memref_squeeze %dma_wait3A_47 : memref<1x128xi32, #tpu.memory_space<hbm>> -> memref<128xi32, #tpu.memory_space<hbm>>
        %dma_wait3A_49 = tpu.memref_slice %arg2[%arg0, %add3A_28] : memref<2x163840xi32, #tpu.memory_space<hbm>> -> memref<1x128xi32, #tpu.memory_space<hbm>>
        %dma_wait3A_50 = tpu.memref_squeeze %dma_wait3A_49 : memref<1x128xi32, #tpu.memory_space<hbm>> -> memref<128xi32, #tpu.memory_space<hbm>>
        tpu.wait_dma2 semaphore(%run_scoped3A : memref<!tpu.dma_semaphore, #tpu.memory_space<semaphore_mem>>) src(%dma_wait3A_50 : memref<128xi32, #tpu.memory_space<hbm>>) dst(%arg9 : memref<128xi32, #tpu.memory_space<vmem>>)
        tpu.yield
      }) : () -> ()
      "tpu.region"() ({
        %run_scoped3A = tpu.sem_alloc : memref<!tpu.dma_semaphore, #tpu.memory_space<semaphore_mem>>
        %dma_start3A_43 = tpu.memref_slice %arg3[%add3A_28] : memref<163840xi32, #tpu.memory_space<hbm>> -> memref<128xi32, #tpu.memory_space<hbm>>
        %dma_start3A_44 = tpu.memref_slice %arg3[%add3A_28] : memref<163840xi32, #tpu.memory_space<hbm>> -> memref<128xi32, #tpu.memory_space<hbm>>
        tpu.enqueue_dma source(%dma_start3A_44 : memref<128xi32, #tpu.memory_space<hbm>>) target(%arg10 : memref<128xi32, #tpu.memory_space<vmem>>) target_semaphore(%run_scoped3A : memref<!tpu.dma_semaphore, #tpu.memory_space<semaphore_mem>>)
        %dma_wait3A_45 = tpu.memref_slice %arg3[%add3A_28] : memref<163840xi32, #tpu.memory_space<hbm>> -> memref<128xi32, #tpu.memory_space<hbm>>
        %dma_wait3A_46 = tpu.memref_slice %arg3[%add3A_28] : memref<163840xi32, #tpu.memory_space<hbm>> -> memref<128xi32, #tpu.memory_space<hbm>>
        tpu.wait_dma2 semaphore(%run_scoped3A : memref<!tpu.dma_semaphore, #tpu.memory_space<semaphore_mem>>) src(%dma_wait3A_46 : memref<128xi32, #tpu.memory_space<hbm>>) dst(%arg10 : memref<128xi32, #tpu.memory_space<vmem>>)
        tpu.yield
      }) : () -> ()
      %dma_start3A_29 = arith.constant 0 : i32
      %dma_start3A_30 = arith.constant 0 : i32
      %dma_start3A_31 = tpu.memref_slice %arg4[%dma_start3A_29, %dma_start3A_30] : memref<20000x128xf32, #tpu.memory_space<hbm>> -> memref<20000x128xf32, #tpu.memory_space<hbm>>
      tpu.enqueue_indirect_dma source(%dma_start3A_31 : memref<20000x128xf32, #tpu.memory_space<hbm>>) target(%arg12 : memref<128x128xf32, #tpu.memory_space<vmem>>) offsets(%arg9 : memref<128xi32, #tpu.memory_space<vmem>>) semaphore(%arg15 : memref<!tpu.dma_semaphore, #tpu.memory_space<semaphore_mem>>)
      %dma_wait3A_32 = arith.constant 0 : i32
      %dma_wait3A_33 = arith.constant 0 : i32
      %dma_wait3A_34 = tpu.memref_slice %arg4[%dma_wait3A_32, %dma_wait3A_33] : memref<20000x128xf32, #tpu.memory_space<hbm>> -> memref<20000x128xf32, #tpu.memory_space<hbm>>
      tpu.wait_indirect_dma semaphore(%arg14 : memref<!tpu.dma_semaphore, #tpu.memory_space<semaphore_mem>>) src(%dma_wait3A_34 : memref<20000x128xf32, #tpu.memory_space<hbm>>) dst(%arg11 : memref<128x128xf32, #tpu.memory_space<vmem>>)
      "tpu.region"() ({
        %run_scoped3A = tpu.sem_alloc : memref<!tpu.dma_semaphore, #tpu.memory_space<semaphore_mem>>
        %dma_start3A_43 = arith.constant 0 : i32
        %dma_start3A_44 = arith.constant 0 : i32
        %dma_start3A_45 = tpu.memref_slice %arg13[%dma_start3A_43, %dma_start3A_44] : memref<10240x128xf32, #tpu.memory_space<vmem_shared>> -> memref<10240x128xf32, #tpu.memory_space<vmem_shared>>
        tpu.enqueue_indirect_dma source(%arg11 : memref<128x128xf32, #tpu.memory_space<vmem>>) target(%dma_start3A_45 : memref<10240x128xf32, #tpu.memory_space<vmem_shared>>) offsets(%arg8 : memref<128xi32, #tpu.memory_space<vmem>>) semaphore(%run_scoped3A : memref<!tpu.dma_semaphore, #tpu.memory_space<semaphore_mem>>) {add = true}
        %dma_wait3A_46 = arith.constant 0 : i32
        %dma_wait3A_47 = arith.constant 0 : i32
        %dma_wait3A_48 = tpu.memref_slice %arg13[%dma_wait3A_46, %dma_wait3A_47] : memref<10240x128xf32, #tpu.memory_space<vmem_shared>> -> memref<10240x128xf32, #tpu.memory_space<vmem_shared>>
        tpu.wait_indirect_dma semaphore(%run_scoped3A : memref<!tpu.dma_semaphore, #tpu.memory_space<semaphore_mem>>) src(%arg11 : memref<128x128xf32, #tpu.memory_space<vmem>>) dst(%dma_wait3A_48 : memref<10240x128xf32, #tpu.memory_space<vmem_shared>>)
        tpu.yield
      }) : () -> ()
      %add3A_35 = arith.constant 256 : i32
      %add3A_36 = arith.addi %add3A_26, %add3A_35 : i32
      "tpu.region"() ({
        %run_scoped3A = tpu.sem_alloc : memref<!tpu.dma_semaphore, #tpu.memory_space<semaphore_mem>>
        %dma_start3A_43 = tpu.memref_slice %arg2[%arg0, %add3A_36] : memref<2x163840xi32, #tpu.memory_space<hbm>> -> memref<1x128xi32, #tpu.memory_space<hbm>>
        %dma_start3A_44 = tpu.memref_squeeze %dma_start3A_43 : memref<1x128xi32, #tpu.memory_space<hbm>> -> memref<128xi32, #tpu.memory_space<hbm>>
        %dma_start3A_45 = tpu.memref_slice %arg2[%arg0, %add3A_36] : memref<2x163840xi32, #tpu.memory_space<hbm>> -> memref<1x128xi32, #tpu.memory_space<hbm>>
        %dma_start3A_46 = tpu.memref_squeeze %dma_start3A_45 : memref<1x128xi32, #tpu.memory_space<hbm>> -> memref<128xi32, #tpu.memory_space<hbm>>
        tpu.enqueue_dma source(%dma_start3A_46 : memref<128xi32, #tpu.memory_space<hbm>>) target(%arg7 : memref<128xi32, #tpu.memory_space<vmem>>) target_semaphore(%run_scoped3A : memref<!tpu.dma_semaphore, #tpu.memory_space<semaphore_mem>>)
        %dma_wait3A_47 = tpu.memref_slice %arg2[%arg0, %add3A_36] : memref<2x163840xi32, #tpu.memory_space<hbm>> -> memref<1x128xi32, #tpu.memory_space<hbm>>
        %dma_wait3A_48 = tpu.memref_squeeze %dma_wait3A_47 : memref<1x128xi32, #tpu.memory_space<hbm>> -> memref<128xi32, #tpu.memory_space<hbm>>
        %dma_wait3A_49 = tpu.memref_slice %arg2[%arg0, %add3A_36] : memref<2x163840xi32, #tpu.memory_space<hbm>> -> memref<1x128xi32, #tpu.memory_space<hbm>>
        %dma_wait3A_50 = tpu.memref_squeeze %dma_wait3A_49 : memref<1x128xi32, #tpu.memory_space<hbm>> -> memref<128xi32, #tpu.memory_space<hbm>>
        tpu.wait_dma2 semaphore(%run_scoped3A : memref<!tpu.dma_semaphore, #tpu.memory_space<semaphore_mem>>) src(%dma_wait3A_50 : memref<128xi32, #tpu.memory_space<hbm>>) dst(%arg7 : memref<128xi32, #tpu.memory_space<vmem>>)
        tpu.yield
      }) : () -> ()
      "tpu.region"() ({
        %run_scoped3A = tpu.sem_alloc : memref<!tpu.dma_semaphore, #tpu.memory_space<semaphore_mem>>
        %dma_start3A_43 = tpu.memref_slice %arg3[%add3A_36] : memref<163840xi32, #tpu.memory_space<hbm>> -> memref<128xi32, #tpu.memory_space<hbm>>
        %dma_start3A_44 = tpu.memref_slice %arg3[%add3A_36] : memref<163840xi32, #tpu.memory_space<hbm>> -> memref<128xi32, #tpu.memory_space<hbm>>
        tpu.enqueue_dma source(%dma_start3A_44 : memref<128xi32, #tpu.memory_space<hbm>>) target(%arg8 : memref<128xi32, #tpu.memory_space<vmem>>) target_semaphore(%run_scoped3A : memref<!tpu.dma_semaphore, #tpu.memory_space<semaphore_mem>>)
        %dma_wait3A_45 = tpu.memref_slice %arg3[%add3A_36] : memref<163840xi32, #tpu.memory_space<hbm>> -> memref<128xi32, #tpu.memory_space<hbm>>
        %dma_wait3A_46 = tpu.memref_slice %arg3[%add3A_36] : memref<163840xi32, #tpu.memory_space<hbm>> -> memref<128xi32, #tpu.memory_space<hbm>>
        tpu.wait_dma2 semaphore(%run_scoped3A : memref<!tpu.dma_semaphore, #tpu.memory_space<semaphore_mem>>) src(%dma_wait3A_46 : memref<128xi32, #tpu.memory_space<hbm>>) dst(%arg8 : memref<128xi32, #tpu.memory_space<vmem>>)
        tpu.yield
      }) : () -> ()
      %dma_start3A_37 = arith.constant 0 : i32
      %dma_start3A_38 = arith.constant 0 : i32
      %dma_start3A_39 = tpu.memref_slice %arg4[%dma_start3A_37, %dma_start3A_38] : memref<20000x128xf32, #tpu.memory_space<hbm>> -> memref<20000x128xf32, #tpu.memory_space<hbm>>
      tpu.enqueue_indirect_dma source(%dma_start3A_39 : memref<20000x128xf32, #tpu.memory_space<hbm>>) target(%arg11 : memref<128x128xf32, #tpu.memory_space<vmem>>) offsets(%arg7 : memref<128xi32, #tpu.memory_space<vmem>>) semaphore(%arg14 : memref<!tpu.dma_semaphore, #tpu.memory_space<semaphore_mem>>)
      %dma_wait3A_40 = arith.constant 0 : i32
      %dma_wait3A_41 = arith.constant 0 : i32
      %dma_wait3A_42 = tpu.memref_slice %arg4[%dma_wait3A_40, %dma_wait3A_41] : memref<20000x128xf32, #tpu.memory_space<hbm>> -> memref<20000x128xf32, #tpu.memory_space<hbm>>
      tpu.wait_indirect_dma semaphore(%arg15 : memref<!tpu.dma_semaphore, #tpu.memory_space<semaphore_mem>>) src(%dma_wait3A_42 : memref<20000x128xf32, #tpu.memory_space<hbm>>) dst(%arg12 : memref<128x128xf32, #tpu.memory_space<vmem>>)
      "tpu.region"() ({
        %run_scoped3A = tpu.sem_alloc : memref<!tpu.dma_semaphore, #tpu.memory_space<semaphore_mem>>
        %dma_start3A_43 = arith.constant 0 : i32
        %dma_start3A_44 = arith.constant 0 : i32
        %dma_start3A_45 = tpu.memref_slice %arg13[%dma_start3A_43, %dma_start3A_44] : memref<10240x128xf32, #tpu.memory_space<vmem_shared>> -> memref<10240x128xf32, #tpu.memory_space<vmem_shared>>
        tpu.enqueue_indirect_dma source(%arg12 : memref<128x128xf32, #tpu.memory_space<vmem>>) target(%dma_start3A_45 : memref<10240x128xf32, #tpu.memory_space<vmem_shared>>) offsets(%arg10 : memref<128xi32, #tpu.memory_space<vmem>>) semaphore(%run_scoped3A : memref<!tpu.dma_semaphore, #tpu.memory_space<semaphore_mem>>) {add = true}
        %dma_wait3A_46 = arith.constant 0 : i32
        %dma_wait3A_47 = arith.constant 0 : i32
        %dma_wait3A_48 = tpu.memref_slice %arg13[%dma_wait3A_46, %dma_wait3A_47] : memref<10240x128xf32, #tpu.memory_space<vmem_shared>> -> memref<10240x128xf32, #tpu.memory_space<vmem_shared>>
        tpu.wait_indirect_dma semaphore(%run_scoped3A : memref<!tpu.dma_semaphore, #tpu.memory_space<semaphore_mem>>) src(%arg12 : memref<128x128xf32, #tpu.memory_space<vmem>>) dst(%dma_wait3A_48 : memref<10240x128xf32, #tpu.memory_space<vmem_shared>>)
        tpu.yield
      }) : () -> ()
    }
    %scan3A_8 = arith.constant 39 : i32
    %add3A = arith.constant 10112 : i32
    %add3A_9 = arith.addi %mul3A_2, %add3A : i32
    "tpu.region"() ({
      %run_scoped3A = tpu.sem_alloc : memref<!tpu.dma_semaphore, #tpu.memory_space<semaphore_mem>>
      %dma_start3A_19 = tpu.memref_slice %arg2[%arg0, %add3A_9] : memref<2x163840xi32, #tpu.memory_space<hbm>> -> memref<1x128xi32, #tpu.memory_space<hbm>>
      %dma_start3A_20 = tpu.memref_squeeze %dma_start3A_19 : memref<1x128xi32, #tpu.memory_space<hbm>> -> memref<128xi32, #tpu.memory_space<hbm>>
      %dma_start3A_21 = tpu.memref_slice %arg2[%arg0, %add3A_9] : memref<2x163840xi32, #tpu.memory_space<hbm>> -> memref<1x128xi32, #tpu.memory_space<hbm>>
      %dma_start3A_22 = tpu.memref_squeeze %dma_start3A_21 : memref<1x128xi32, #tpu.memory_space<hbm>> -> memref<128xi32, #tpu.memory_space<hbm>>
      tpu.enqueue_dma source(%dma_start3A_22 : memref<128xi32, #tpu.memory_space<hbm>>) target(%arg9 : memref<128xi32, #tpu.memory_space<vmem>>) target_semaphore(%run_scoped3A : memref<!tpu.dma_semaphore, #tpu.memory_space<semaphore_mem>>)
      %dma_wait3A_23 = tpu.memref_slice %arg2[%arg0, %add3A_9] : memref<2x163840xi32, #tpu.memory_space<hbm>> -> memref<1x128xi32, #tpu.memory_space<hbm>>
      %dma_wait3A_24 = tpu.memref_squeeze %dma_wait3A_23 : memref<1x128xi32, #tpu.memory_space<hbm>> -> memref<128xi32, #tpu.memory_space<hbm>>
      %dma_wait3A_25 = tpu.memref_slice %arg2[%arg0, %add3A_9] : memref<2x163840xi32, #tpu.memory_space<hbm>> -> memref<1x128xi32, #tpu.memory_space<hbm>>
      %dma_wait3A_26 = tpu.memref_squeeze %dma_wait3A_25 : memref<1x128xi32, #tpu.memory_space<hbm>> -> memref<128xi32, #tpu.memory_space<hbm>>
      tpu.wait_dma2 semaphore(%run_scoped3A : memref<!tpu.dma_semaphore, #tpu.memory_space<semaphore_mem>>) src(%dma_wait3A_26 : memref<128xi32, #tpu.memory_space<hbm>>) dst(%arg9 : memref<128xi32, #tpu.memory_space<vmem>>)
      tpu.yield
    }) : () -> ()
    "tpu.region"() ({
      %run_scoped3A = tpu.sem_alloc : memref<!tpu.dma_semaphore, #tpu.memory_space<semaphore_mem>>
      %dma_start3A_19 = tpu.memref_slice %arg3[%add3A_9] : memref<163840xi32, #tpu.memory_space<hbm>> -> memref<128xi32, #tpu.memory_space<hbm>>
      %dma_start3A_20 = tpu.memref_slice %arg3[%add3A_9] : memref<163840xi32, #tpu.memory_space<hbm>> -> memref<128xi32, #tpu.memory_space<hbm>>
      tpu.enqueue_dma source(%dma_start3A_20 : memref<128xi32, #tpu.memory_space<hbm>>) target(%arg10 : memref<128xi32, #tpu.memory_space<vmem>>) target_semaphore(%run_scoped3A : memref<!tpu.dma_semaphore, #tpu.memory_space<semaphore_mem>>)
      %dma_wait3A_21 = tpu.memref_slice %arg3[%add3A_9] : memref<163840xi32, #tpu.memory_space<hbm>> -> memref<128xi32, #tpu.memory_space<hbm>>
      %dma_wait3A_22 = tpu.memref_slice %arg3[%add3A_9] : memref<163840xi32, #tpu.memory_space<hbm>> -> memref<128xi32, #tpu.memory_space<hbm>>
      tpu.wait_dma2 semaphore(%run_scoped3A : memref<!tpu.dma_semaphore, #tpu.memory_space<semaphore_mem>>) src(%dma_wait3A_22 : memref<128xi32, #tpu.memory_space<hbm>>) dst(%arg10 : memref<128xi32, #tpu.memory_space<vmem>>)
      tpu.yield
    }) : () -> ()
    %dma_start3A_10 = arith.constant 0 : i32
    %dma_start3A_11 = arith.constant 0 : i32
    %dma_start3A_12 = tpu.memref_slice %arg4[%dma_start3A_10, %dma_start3A_11] : memref<20000x128xf32, #tpu.memory_space<hbm>> -> memref<20000x128xf32, #tpu.memory_space<hbm>>
    tpu.enqueue_indirect_dma source(%dma_start3A_12 : memref<20000x128xf32, #tpu.memory_space<hbm>>) target(%arg12 : memref<128x128xf32, #tpu.memory_space<vmem>>) offsets(%arg9 : memref<128xi32, #tpu.memory_space<vmem>>) semaphore(%arg15 : memref<!tpu.dma_semaphore, #tpu.memory_space<semaphore_mem>>)
    %dma_wait3A = arith.constant 0 : i32
    %dma_wait3A_13 = arith.constant 0 : i32
    %dma_wait3A_14 = tpu.memref_slice %arg4[%dma_wait3A, %dma_wait3A_13] : memref<20000x128xf32, #tpu.memory_space<hbm>> -> memref<20000x128xf32, #tpu.memory_space<hbm>>
    tpu.wait_indirect_dma semaphore(%arg14 : memref<!tpu.dma_semaphore, #tpu.memory_space<semaphore_mem>>) src(%dma_wait3A_14 : memref<20000x128xf32, #tpu.memory_space<hbm>>) dst(%arg11 : memref<128x128xf32, #tpu.memory_space<vmem>>)
    "tpu.region"() ({
      %run_scoped3A = tpu.sem_alloc : memref<!tpu.dma_semaphore, #tpu.memory_space<semaphore_mem>>
      %dma_start3A_19 = arith.constant 0 : i32
      %dma_start3A_20 = arith.constant 0 : i32
      %dma_start3A_21 = tpu.memref_slice %arg13[%dma_start3A_19, %dma_start3A_20] : memref<10240x128xf32, #tpu.memory_space<vmem_shared>> -> memref<10240x128xf32, #tpu.memory_space<vmem_shared>>
      tpu.enqueue_indirect_dma source(%arg11 : memref<128x128xf32, #tpu.memory_space<vmem>>) target(%dma_start3A_21 : memref<10240x128xf32, #tpu.memory_space<vmem_shared>>) offsets(%arg8 : memref<128xi32, #tpu.memory_space<vmem>>) semaphore(%run_scoped3A : memref<!tpu.dma_semaphore, #tpu.memory_space<semaphore_mem>>) {add = true}
      %dma_wait3A_22 = arith.constant 0 : i32
      %dma_wait3A_23 = arith.constant 0 : i32
      %dma_wait3A_24 = tpu.memref_slice %arg13[%dma_wait3A_22, %dma_wait3A_23] : memref<10240x128xf32, #tpu.memory_space<vmem_shared>> -> memref<10240x128xf32, #tpu.memory_space<vmem_shared>>
      tpu.wait_indirect_dma semaphore(%run_scoped3A : memref<!tpu.dma_semaphore, #tpu.memory_space<semaphore_mem>>) src(%arg11 : memref<128x128xf32, #tpu.memory_space<vmem>>) dst(%dma_wait3A_24 : memref<10240x128xf32, #tpu.memory_space<vmem_shared>>)
      tpu.yield
    }) : () -> ()
    %dma_wait3A_15 = arith.constant 0 : i32
    %dma_wait3A_16 = arith.constant 0 : i32
    %dma_wait3A_17 = tpu.memref_slice %arg4[%dma_wait3A_15, %dma_wait3A_16] : memref<20000x128xf32, #tpu.memory_space<hbm>> -> memref<20000x128xf32, #tpu.memory_space<hbm>>
    tpu.wait_indirect_dma semaphore(%arg15 : memref<!tpu.dma_semaphore, #tpu.memory_space<semaphore_mem>>) src(%dma_wait3A_17 : memref<20000x128xf32, #tpu.memory_space<hbm>>) dst(%arg12 : memref<128x128xf32, #tpu.memory_space<vmem>>)
    "tpu.region"() ({
      %run_scoped3A = tpu.sem_alloc : memref<!tpu.dma_semaphore, #tpu.memory_space<semaphore_mem>>
      %dma_start3A_19 = arith.constant 0 : i32
      %dma_start3A_20 = arith.constant 0 : i32
      %dma_start3A_21 = tpu.memref_slice %arg13[%dma_start3A_19, %dma_start3A_20] : memref<10240x128xf32, #tpu.memory_space<vmem_shared>> -> memref<10240x128xf32, #tpu.memory_space<vmem_shared>>
      tpu.enqueue_indirect_dma source(%arg12 : memref<128x128xf32, #tpu.memory_space<vmem>>) target(%dma_start3A_21 : memref<10240x128xf32, #tpu.memory_space<vmem_shared>>) offsets(%arg10 : memref<128xi32, #tpu.memory_space<vmem>>) semaphore(%run_scoped3A : memref<!tpu.dma_semaphore, #tpu.memory_space<semaphore_mem>>) {add = true}
      %dma_wait3A_22 = arith.constant 0 : i32
      %dma_wait3A_23 = arith.constant 0 : i32
      %dma_wait3A_24 = tpu.memref_slice %arg13[%dma_wait3A_22, %dma_wait3A_23] : memref<10240x128xf32, #tpu.memory_space<vmem_shared>> -> memref<10240x128xf32, #tpu.memory_space<vmem_shared>>
      tpu.wait_indirect_dma semaphore(%run_scoped3A : memref<!tpu.dma_semaphore, #tpu.memory_space<semaphore_mem>>) src(%arg12 : memref<128x128xf32, #tpu.memory_space<vmem>>) dst(%dma_wait3A_24 : memref<10240x128xf32, #tpu.memory_space<vmem_shared>>)
      tpu.yield
    }) : () -> ()
    %barrier3A_18 = arith.constant 0 : index
    tpu.barrier barrier_id(%barrier3A_18)
    "tpu.region"() ({
      %run_scoped3A = tpu.sem_alloc : memref<!tpu.dma_semaphore, #tpu.memory_space<semaphore_mem>>
      %dma_start3A_19 = arith.constant 0 : i32
      %dma_start3A_20 = tpu.memref_slice %arg6[%arg0, %mul3A_0, %dma_start3A_19] : memref<2x10240x128xf32, #tpu.memory_space<hbm>> -> memref<1x640x128xf32, #tpu.memory_space<hbm>>
      %dma_start3A_21 = tpu.memref_squeeze %dma_start3A_20 : memref<1x640x128xf32, #tpu.memory_space<hbm>> -> memref<640x128xf32, #tpu.memory_space<hbm>>
      %dma_start3A_22 = arith.constant 0 : i32
      %dma_start3A_23 = tpu.memref_slice %arg13[%mul3A_0, %dma_start3A_22] : memref<10240x128xf32, #tpu.memory_space<vmem_shared>> -> memref<640x128xf32, #tpu.memory_space<vmem_shared>>
      tpu.enqueue_dma source(%dma_start3A_23 : memref<640x128xf32, #tpu.memory_space<vmem_shared>>) target(%dma_start3A_21 : memref<640x128xf32, #tpu.memory_space<hbm>>) target_semaphore(%run_scoped3A : memref<!tpu.dma_semaphore, #tpu.memory_space<semaphore_mem>>)
      %dma_wait3A_24 = arith.constant 0 : i32
      %dma_wait3A_25 = tpu.memref_slice %arg6[%arg0, %mul3A_0, %dma_wait3A_24] : memref<2x10240x128xf32, #tpu.memory_space<hbm>> -> memref<1x640x128xf32, #tpu.memory_space<hbm>>
      %dma_wait3A_26 = tpu.memref_squeeze %dma_wait3A_25 : memref<1x640x128xf32, #tpu.memory_space<hbm>> -> memref<640x128xf32, #tpu.memory_space<hbm>>
      %dma_wait3A_27 = arith.constant 0 : i32
      %dma_wait3A_28 = tpu.memref_slice %arg13[%mul3A_0, %dma_wait3A_27] : memref<10240x128xf32, #tpu.memory_space<vmem_shared>> -> memref<640x128xf32, #tpu.memory_space<vmem_shared>>
      tpu.wait_dma2 semaphore(%run_scoped3A : memref<!tpu.dma_semaphore, #tpu.memory_space<semaphore_mem>>) src(%dma_wait3A_28 : memref<640x128xf32, #tpu.memory_space<vmem_shared>>) dst(%dma_wait3A_26 : memref<640x128xf32, #tpu.memory_space<hbm>>)
      tpu.yield
    }) : () -> ()
    return
  }
}

#map = affine_map<(d0, d1) -> (0, 0)>
#map1 = affine_map<(d0, d1) -> (0)>
#map2 = affine_map<(d0, d1) -> (0, 0, 0)>
module attributes {stable_mosaic.version = 14 : i64} {
  func.func @_adj_kernel(%arg0: i32, %arg1: i32, %arg2: memref<2x163840xi32, #tpu.memory_space<hbm>>, %arg3: memref<163840xi32, #tpu.memory_space<hbm>>, %arg4: memref<20000x128xf32, #tpu.memory_space<hbm>>, %arg5: memref<10240x128xf32, #tpu.memory_space<hbm>>, %arg6: memref<2x10240x128xf32, #tpu.memory_space<hbm>>, %arg7: memref<128xi32, #tpu.memory_space<vmem>>, %arg8: memref<128xi32, #tpu.memory_space<vmem>>, %arg9: memref<128xi32, #tpu.memory_space<vmem>>, %arg10: memref<128xi32, #tpu.memory_space<vmem>>, %arg11: memref<128x128xf32, #tpu.memory_space<vmem>>, %arg12: memref<128x128xf32, #tpu.memory_space<vmem>>, %arg13: memref<10240x128xf32, #tpu.memory_space<vmem_shared>>, %arg14: memref<!tpu.dma_semaphore, #tpu.memory_space<semaphore_mem>>, %arg15: memref<!tpu.dma_semaphore, #tpu.memory_space<semaphore_mem>>) attributes {dimension_semantics = [#tpu.dimension_semantics<core_parallel>, #tpu.dimension_semantics<subcore_parallel>], iteration_bounds = array<i64: 2, 16>, scalar_prefetch = 0 : i64, scratch_operands = 9 : i64, tpu.core_type = #tpu.core_type<sc_vector_subcore>, window_params = [{transform_indices = #map}, {transform_indices = #map1}, {transform_indices = #map}, {transform_indices = #map}, {transform_indices = #map2}]} {
    %mul3A = arith.constant 640 : i32
    %mul3A_0 = arith.muli %arg1, %mul3A : i32
    "tpu.region"() ({
      %run_scoped3A = tpu.sem_alloc : memref<!tpu.dma_semaphore, #tpu.memory_space<semaphore_mem>>
      %dma_start3A_19 = arith.constant 0 : i32
      %dma_start3A_20 = tpu.memref_slice %arg13[%mul3A_0, %dma_start3A_19] : memref<10240x128xf32, #tpu.memory_space<vmem_shared>> -> memref<640x128xf32, #tpu.memory_space<vmem_shared>>
      %dma_start3A_21 = arith.constant 0 : i32
      %dma_start3A_22 = tpu.memref_slice %arg5[%mul3A_0, %dma_start3A_21] : memref<10240x128xf32, #tpu.memory_space<hbm>> -> memref<640x128xf32, #tpu.memory_space<hbm>>
      tpu.enqueue_dma source(%dma_start3A_22 : memref<640x128xf32, #tpu.memory_space<hbm>>) target(%dma_start3A_20 : memref<640x128xf32, #tpu.memory_space<vmem_shared>>) target_semaphore(%run_scoped3A : memref<!tpu.dma_semaphore, #tpu.memory_space<semaphore_mem>>)
      %dma_wait3A_23 = arith.constant 0 : i32
      %dma_wait3A_24 = tpu.memref_slice %arg13[%mul3A_0, %dma_wait3A_23] : memref<10240x128xf32, #tpu.memory_space<vmem_shared>> -> memref<640x128xf32, #tpu.memory_space<vmem_shared>>
      %dma_wait3A_25 = arith.constant 0 : i32
      %dma_wait3A_26 = tpu.memref_slice %arg5[%mul3A_0, %dma_wait3A_25] : memref<10240x128xf32, #tpu.memory_space<hbm>> -> memref<640x128xf32, #tpu.memory_space<hbm>>
      tpu.wait_dma2 semaphore(%run_scoped3A : memref<!tpu.dma_semaphore, #tpu.memory_space<semaphore_mem>>) src(%dma_wait3A_26 : memref<640x128xf32, #tpu.memory_space<hbm>>) dst(%dma_wait3A_24 : memref<640x128xf32, #tpu.memory_space<vmem_shared>>)
      tpu.yield
    }) : () -> ()
    %barrier3A = arith.constant 0 : index
    tpu.barrier barrier_id(%barrier3A)
    %mul3A_1 = arith.constant 10240 : i32
    %mul3A_2 = arith.muli %arg1, %mul3A_1 : i32
    "tpu.region"() ({
      %run_scoped3A = tpu.sem_alloc : memref<!tpu.dma_semaphore, #tpu.memory_space<semaphore_mem>>
      %dma_start3A_19 = tpu.memref_slice %arg2[%arg0, %mul3A_2] : memref<2x163840xi32, #tpu.memory_space<hbm>> -> memref<1x128xi32, #tpu.memory_space<hbm>>
      %dma_start3A_20 = tpu.memref_squeeze %dma_start3A_19 : memref<1x128xi32, #tpu.memory_space<hbm>> -> memref<128xi32, #tpu.memory_space<hbm>>
      %dma_start3A_21 = tpu.memref_slice %arg2[%arg0, %mul3A_2] : memref<2x163840xi32, #tpu.memory_space<hbm>> -> memref<1x128xi32, #tpu.memory_space<hbm>>
      %dma_start3A_22 = tpu.memref_squeeze %dma_start3A_21 : memref<1x128xi32, #tpu.memory_space<hbm>> -> memref<128xi32, #tpu.memory_space<hbm>>
      tpu.enqueue_dma source(%dma_start3A_22 : memref<128xi32, #tpu.memory_space<hbm>>) target(%arg7 : memref<128xi32, #tpu.memory_space<vmem>>) target_semaphore(%run_scoped3A : memref<!tpu.dma_semaphore, #tpu.memory_space<semaphore_mem>>)
      %dma_wait3A_23 = tpu.memref_slice %arg2[%arg0, %mul3A_2] : memref<2x163840xi32, #tpu.memory_space<hbm>> -> memref<1x128xi32, #tpu.memory_space<hbm>>
      %dma_wait3A_24 = tpu.memref_squeeze %dma_wait3A_23 : memref<1x128xi32, #tpu.memory_space<hbm>> -> memref<128xi32, #tpu.memory_space<hbm>>
      %dma_wait3A_25 = tpu.memref_slice %arg2[%arg0, %mul3A_2] : memref<2x163840xi32, #tpu.memory_space<hbm>> -> memref<1x128xi32, #tpu.memory_space<hbm>>
      %dma_wait3A_26 = tpu.memref_squeeze %dma_wait3A_25 : memref<1x128xi32, #tpu.memory_space<hbm>> -> memref<128xi32, #tpu.memory_space<hbm>>
      tpu.wait_dma2 semaphore(%run_scoped3A : memref<!tpu.dma_semaphore, #tpu.memory_space<semaphore_mem>>) src(%dma_wait3A_26 : memref<128xi32, #tpu.memory_space<hbm>>) dst(%arg7 : memref<128xi32, #tpu.memory_space<vmem>>)
      tpu.yield
    }) : () -> ()
    "tpu.region"() ({
      %run_scoped3A = tpu.sem_alloc : memref<!tpu.dma_semaphore, #tpu.memory_space<semaphore_mem>>
      %dma_start3A_19 = tpu.memref_slice %arg3[%mul3A_2] : memref<163840xi32, #tpu.memory_space<hbm>> -> memref<128xi32, #tpu.memory_space<hbm>>
      %dma_start3A_20 = tpu.memref_slice %arg3[%mul3A_2] : memref<163840xi32, #tpu.memory_space<hbm>> -> memref<128xi32, #tpu.memory_space<hbm>>
      tpu.enqueue_dma source(%dma_start3A_20 : memref<128xi32, #tpu.memory_space<hbm>>) target(%arg8 : memref<128xi32, #tpu.memory_space<vmem>>) target_semaphore(%run_scoped3A : memref<!tpu.dma_semaphore, #tpu.memory_space<semaphore_mem>>)
      %dma_wait3A_21 = tpu.memref_slice %arg3[%mul3A_2] : memref<163840xi32, #tpu.memory_space<hbm>> -> memref<128xi32, #tpu.memory_space<hbm>>
      %dma_wait3A_22 = tpu.memref_slice %arg3[%mul3A_2] : memref<163840xi32, #tpu.memory_space<hbm>> -> memref<128xi32, #tpu.memory_space<hbm>>
      tpu.wait_dma2 semaphore(%run_scoped3A : memref<!tpu.dma_semaphore, #tpu.memory_space<semaphore_mem>>) src(%dma_wait3A_22 : memref<128xi32, #tpu.memory_space<hbm>>) dst(%arg8 : memref<128xi32, #tpu.memory_space<vmem>>)
      tpu.yield
    }) : () -> ()
    %dma_start3A = arith.constant 0 : i32
    %dma_start3A_3 = arith.constant 0 : i32
    %dma_start3A_4 = tpu.memref_slice %arg4[%dma_start3A, %dma_start3A_3] : memref<20000x128xf32, #tpu.memory_space<hbm>> -> memref<20000x128xf32, #tpu.memory_space<hbm>>
    tpu.enqueue_indirect_dma source(%dma_start3A_4 : memref<20000x128xf32, #tpu.memory_space<hbm>>) target(%arg11 : memref<128x128xf32, #tpu.memory_space<vmem>>) offsets(%arg7 : memref<128xi32, #tpu.memory_space<vmem>>) semaphore(%arg14 : memref<!tpu.dma_semaphore, #tpu.memory_space<semaphore_mem>>)
    %scan3A = arith.constant 0 : i32
    %scan3A_5 = arith.constant 39 : i32
    %scan3A_6 = arith.addi %scan3A, %scan3A_5 : i32
    %scan3A_7 = arith.constant 1 : i32
    scf.for %scan3A_19 = %scan3A to %scan3A_6 step %scan3A_7  : i32 {
      %mul3A_20 = arith.constant 2 : i32
      %mul3A_21 = arith.muli %scan3A_19, %mul3A_20 : i32
      %add3A_22 = arith.constant 0 : i32
      %add3A_23 = arith.addi %add3A_22, %mul3A_21 : i32
      %mul3A_24 = arith.constant 128 : i32
      %mul3A_25 = arith.muli %add3A_23, %mul3A_24 : i32
      %add3A_26 = arith.addi %mul3A_2, %mul3A_25 : i32
      %add3A_27 = arith.constant 128 : i32
      %add3A_28 = arith.addi %add3A_26, %add3A_27 : i32
      "tpu.region"() ({
        %run_scoped3A = tpu.sem_alloc : memref<!tpu.dma_semaphore, #tpu.memory_space<semaphore_mem>>
        %dma_start3A_43 = tpu.memref_slice %arg2[%arg0, %add3A_28] : memref<2x163840xi32, #tpu.memory_space<hbm>> -> memref<1x128xi32, #tpu.memory_space<hbm>>
        %dma_start3A_44 = tpu.memref_squeeze %dma_start3A_43 : memref<1x128xi32, #tpu.memory_space<hbm>> -> memref<128xi32, #tpu.memory_space<hbm>>
        %dma_start3A_45 = tpu.memref_slice %arg2[%arg0, %add3A_28] : memref<2x163840xi32, #tpu.memory_space<hbm>> -> memref<1x128xi32, #tpu.memory_space<hbm>>
        %dma_start3A_46 = tpu.memref_squeeze %dma_start3A_45 : memref<1x128xi32, #tpu.memory_space<hbm>> -> memref<128xi32, #tpu.memory_space<hbm>>
        tpu.enqueue_dma source(%dma_start3A_46 : memref<128xi32, #tpu.memory_space<hbm>>) target(%arg9 : memref<128xi32, #tpu.memory_space<vmem>>) target_semaphore(%run_scoped3A : memref<!tpu.dma_semaphore, #tpu.memory_space<semaphore_mem>>)
        %dma_wait3A_47 = tpu.memref_slice %arg2[%arg0, %add3A_28] : memref<2x163840xi32, #tpu.memory_space<hbm>> -> memref<1x128xi32, #tpu.memory_space<hbm>>
        %dma_wait3A_48 = tpu.memref_squeeze %dma_wait3A_47 : memref<1x128xi32, #tpu.memory_space<hbm>> -> memref<128xi32, #tpu.memory_space<hbm>>
        %dma_wait3A_49 = tpu.memref_slice %arg2[%arg0, %add3A_28] : memref<2x163840xi32, #tpu.memory_space<hbm>> -> memref<1x128xi32, #tpu.memory_space<hbm>>
        %dma_wait3A_50 = tpu.memref_squeeze %dma_wait3A_49 : memref<1x128xi32, #tpu.memory_space<hbm>> -> memref<128xi32, #tpu.memory_space<hbm>>
        tpu.wait_dma2 semaphore(%run_scoped3A : memref<!tpu.dma_semaphore, #tpu.memory_space<semaphore_mem>>) src(%dma_wait3A_50 : memref<128xi32, #tpu.memory_space<hbm>>) dst(%arg9 : memref<128xi32, #tpu.memory_space<vmem>>)
        tpu.yield
      }) : () -> ()
      "tpu.region"() ({
        %run_scoped3A = tpu.sem_alloc : memref<!tpu.dma_semaphore, #tpu.memory_space<semaphore_mem>>
        %dma_start3A_43 = tpu.memref_slice %arg3[%add3A_28] : memref<163840xi32, #tpu.memory_space<hbm>> -> memref<128xi32, #tpu.memory_space<hbm>>
        %dma_start3A_44 = tpu.memref_slice %arg3[%add3A_28] : memref<163840xi32, #tpu.memory_space<hbm>> -> memref<128xi32, #tpu.memory_space<hbm>>
        tpu.enqueue_dma source(%dma_start3A_44 : memref<128xi32, #tpu.memory_space<hbm>>) target(%arg10 : memref<128xi32, #tpu.memory_space<vmem>>) target_semaphore(%run_scoped3A : memref<!tpu.dma_semaphore, #tpu.memory_space<semaphore_mem>>)
        %dma_wait3A_45 = tpu.memref_slice %arg3[%add3A_28] : memref<163840xi32, #tpu.memory_space<hbm>> -> memref<128xi32, #tpu.memory_space<hbm>>
        %dma_wait3A_46 = tpu.memref_slice %arg3[%add3A_28] : memref<163840xi32, #tpu.memory_space<hbm>> -> memref<128xi32, #tpu.memory_space<hbm>>
        tpu.wait_dma2 semaphore(%run_scoped3A : memref<!tpu.dma_semaphore, #tpu.memory_space<semaphore_mem>>) src(%dma_wait3A_46 : memref<128xi32, #tpu.memory_space<hbm>>) dst(%arg10 : memref<128xi32, #tpu.memory_space<vmem>>)
        tpu.yield
      }) : () -> ()
      %dma_start3A_29 = arith.constant 0 : i32
      %dma_start3A_30 = arith.constant 0 : i32
      %dma_start3A_31 = tpu.memref_slice %arg4[%dma_start3A_29, %dma_start3A_30] : memref<20000x128xf32, #tpu.memory_space<hbm>> -> memref<20000x128xf32, #tpu.memory_space<hbm>>
      tpu.enqueue_indirect_dma source(%dma_start3A_31 : memref<20000x128xf32, #tpu.memory_space<hbm>>) target(%arg12 : memref<128x128xf32, #tpu.memory_space<vmem>>) offsets(%arg9 : memref<128xi32, #tpu.memory_space<vmem>>) semaphore(%arg15 : memref<!tpu.dma_semaphore, #tpu.memory_space<semaphore_mem>>)
      %dma_wait3A_32 = arith.constant 0 : i32
      %dma_wait3A_33 = arith.constant 0 : i32
      %dma_wait3A_34 = tpu.memref_slice %arg4[%dma_wait3A_32, %dma_wait3A_33] : memref<20000x128xf32, #tpu.memory_space<hbm>> -> memref<20000x128xf32, #tpu.memory_space<hbm>>
      tpu.wait_indirect_dma semaphore(%arg14 : memref<!tpu.dma_semaphore, #tpu.memory_space<semaphore_mem>>) src(%dma_wait3A_34 : memref<20000x128xf32, #tpu.memory_space<hbm>>) dst(%arg11 : memref<128x128xf32, #tpu.memory_space<vmem>>)
      "tpu.region"() ({
        %run_scoped3A = tpu.sem_alloc : memref<!tpu.dma_semaphore, #tpu.memory_space<semaphore_mem>>
        %dma_start3A_43 = arith.constant 0 : i32
        %dma_start3A_44 = arith.constant 0 : i32
        %dma_start3A_45 = tpu.memref_slice %arg13[%dma_start3A_43, %dma_start3A_44] : memref<10240x128xf32, #tpu.memory_space<vmem_shared>> -> memref<10240x128xf32, #tpu.memory_space<vmem_shared>>
        tpu.enqueue_indirect_dma source(%arg11 : memref<128x128xf32, #tpu.memory_space<vmem>>) target(%dma_start3A_45 : memref<10240x128xf32, #tpu.memory_space<vmem_shared>>) offsets(%arg8 : memref<128xi32, #tpu.memory_space<vmem>>) semaphore(%run_scoped3A : memref<!tpu.dma_semaphore, #tpu.memory_space<semaphore_mem>>) {add = true}
        %dma_wait3A_46 = arith.constant 0 : i32
        %dma_wait3A_47 = arith.constant 0 : i32
        %dma_wait3A_48 = tpu.memref_slice %arg13[%dma_wait3A_46, %dma_wait3A_47] : memref<10240x128xf32, #tpu.memory_space<vmem_shared>> -> memref<10240x128xf32, #tpu.memory_space<vmem_shared>>
        tpu.wait_indirect_dma semaphore(%run_scoped3A : memref<!tpu.dma_semaphore, #tpu.memory_space<semaphore_mem>>) src(%arg11 : memref<128x128xf32, #tpu.memory_space<vmem>>) dst(%dma_wait3A_48 : memref<10240x128xf32, #tpu.memory_space<vmem_shared>>)
        tpu.yield
      }) : () -> ()
      %add3A_35 = arith.constant 256 : i32
      %add3A_36 = arith.addi %add3A_26, %add3A_35 : i32
      "tpu.region"() ({
        %run_scoped3A = tpu.sem_alloc : memref<!tpu.dma_semaphore, #tpu.memory_space<semaphore_mem>>
        %dma_start3A_43 = tpu.memref_slice %arg2[%arg0, %add3A_36] : memref<2x163840xi32, #tpu.memory_space<hbm>> -> memref<1x128xi32, #tpu.memory_space<hbm>>
        %dma_start3A_44 = tpu.memref_squeeze %dma_start3A_43 : memref<1x128xi32, #tpu.memory_space<hbm>> -> memref<128xi32, #tpu.memory_space<hbm>>
        %dma_start3A_45 = tpu.memref_slice %arg2[%arg0, %add3A_36] : memref<2x163840xi32, #tpu.memory_space<hbm>> -> memref<1x128xi32, #tpu.memory_space<hbm>>
        %dma_start3A_46 = tpu.memref_squeeze %dma_start3A_45 : memref<1x128xi32, #tpu.memory_space<hbm>> -> memref<128xi32, #tpu.memory_space<hbm>>
        tpu.enqueue_dma source(%dma_start3A_46 : memref<128xi32, #tpu.memory_space<hbm>>) target(%arg7 : memref<128xi32, #tpu.memory_space<vmem>>) target_semaphore(%run_scoped3A : memref<!tpu.dma_semaphore, #tpu.memory_space<semaphore_mem>>)
        %dma_wait3A_47 = tpu.memref_slice %arg2[%arg0, %add3A_36] : memref<2x163840xi32, #tpu.memory_space<hbm>> -> memref<1x128xi32, #tpu.memory_space<hbm>>
        %dma_wait3A_48 = tpu.memref_squeeze %dma_wait3A_47 : memref<1x128xi32, #tpu.memory_space<hbm>> -> memref<128xi32, #tpu.memory_space<hbm>>
        %dma_wait3A_49 = tpu.memref_slice %arg2[%arg0, %add3A_36] : memref<2x163840xi32, #tpu.memory_space<hbm>> -> memref<1x128xi32, #tpu.memory_space<hbm>>
        %dma_wait3A_50 = tpu.memref_squeeze %dma_wait3A_49 : memref<1x128xi32, #tpu.memory_space<hbm>> -> memref<128xi32, #tpu.memory_space<hbm>>
        tpu.wait_dma2 semaphore(%run_scoped3A : memref<!tpu.dma_semaphore, #tpu.memory_space<semaphore_mem>>) src(%dma_wait3A_50 : memref<128xi32, #tpu.memory_space<hbm>>) dst(%arg7 : memref<128xi32, #tpu.memory_space<vmem>>)
        tpu.yield
      }) : () -> ()
      "tpu.region"() ({
        %run_scoped3A = tpu.sem_alloc : memref<!tpu.dma_semaphore, #tpu.memory_space<semaphore_mem>>
        %dma_start3A_43 = tpu.memref_slice %arg3[%add3A_36] : memref<163840xi32, #tpu.memory_space<hbm>> -> memref<128xi32, #tpu.memory_space<hbm>>
        %dma_start3A_44 = tpu.memref_slice %arg3[%add3A_36] : memref<163840xi32, #tpu.memory_space<hbm>> -> memref<128xi32, #tpu.memory_space<hbm>>
        tpu.enqueue_dma source(%dma_start3A_44 : memref<128xi32, #tpu.memory_space<hbm>>) target(%arg8 : memref<128xi32, #tpu.memory_space<vmem>>) target_semaphore(%run_scoped3A : memref<!tpu.dma_semaphore, #tpu.memory_space<semaphore_mem>>)
        %dma_wait3A_45 = tpu.memref_slice %arg3[%add3A_36] : memref<163840xi32, #tpu.memory_space<hbm>> -> memref<128xi32, #tpu.memory_space<hbm>>
        %dma_wait3A_46 = tpu.memref_slice %arg3[%add3A_36] : memref<163840xi32, #tpu.memory_space<hbm>> -> memref<128xi32, #tpu.memory_space<hbm>>
        tpu.wait_dma2 semaphore(%run_scoped3A : memref<!tpu.dma_semaphore, #tpu.memory_space<semaphore_mem>>) src(%dma_wait3A_46 : memref<128xi32, #tpu.memory_space<hbm>>) dst(%arg8 : memref<128xi32, #tpu.memory_space<vmem>>)
        tpu.yield
      }) : () -> ()
      %dma_start3A_37 = arith.constant 0 : i32
      %dma_start3A_38 = arith.constant 0 : i32
      %dma_start3A_39 = tpu.memref_slice %arg4[%dma_start3A_37, %dma_start3A_38] : memref<20000x128xf32, #tpu.memory_space<hbm>> -> memref<20000x128xf32, #tpu.memory_space<hbm>>
      tpu.enqueue_indirect_dma source(%dma_start3A_39 : memref<20000x128xf32, #tpu.memory_space<hbm>>) target(%arg11 : memref<128x128xf32, #tpu.memory_space<vmem>>) offsets(%arg7 : memref<128xi32, #tpu.memory_space<vmem>>) semaphore(%arg14 : memref<!tpu.dma_semaphore, #tpu.memory_space<semaphore_mem>>)
      %dma_wait3A_40 = arith.constant 0 : i32
      %dma_wait3A_41 = arith.constant 0 : i32
      %dma_wait3A_42 = tpu.memref_slice %arg4[%dma_wait3A_40, %dma_wait3A_41] : memref<20000x128xf32, #tpu.memory_space<hbm>> -> memref<20000x128xf32, #tpu.memory_space<hbm>>
      tpu.wait_indirect_dma semaphore(%arg15 : memref<!tpu.dma_semaphore, #tpu.memory_space<semaphore_mem>>) src(%dma_wait3A_42 : memref<20000x128xf32, #tpu.memory_space<hbm>>) dst(%arg12 : memref<128x128xf32, #tpu.memory_space<vmem>>)
      "tpu.region"() ({
        %run_scoped3A = tpu.sem_alloc : memref<!tpu.dma_semaphore, #tpu.memory_space<semaphore_mem>>
        %dma_start3A_43 = arith.constant 0 : i32
        %dma_start3A_44 = arith.constant 0 : i32
        %dma_start3A_45 = tpu.memref_slice %arg13[%dma_start3A_43, %dma_start3A_44] : memref<10240x128xf32, #tpu.memory_space<vmem_shared>> -> memref<10240x128xf32, #tpu.memory_space<vmem_shared>>
        tpu.enqueue_indirect_dma source(%arg12 : memref<128x128xf32, #tpu.memory_space<vmem>>) target(%dma_start3A_45 : memref<10240x128xf32, #tpu.memory_space<vmem_shared>>) offsets(%arg10 : memref<128xi32, #tpu.memory_space<vmem>>) semaphore(%run_scoped3A : memref<!tpu.dma_semaphore, #tpu.memory_space<semaphore_mem>>) {add = true}
        %dma_wait3A_46 = arith.constant 0 : i32
        %dma_wait3A_47 = arith.constant 0 : i32
        %dma_wait3A_48 = tpu.memref_slice %arg13[%dma_wait3A_46, %dma_wait3A_47] : memref<10240x128xf32, #tpu.memory_space<vmem_shared>> -> memref<10240x128xf32, #tpu.memory_space<vmem_shared>>
        tpu.wait_indirect_dma semaphore(%run_scoped3A : memref<!tpu.dma_semaphore, #tpu.memory_space<semaphore_mem>>) src(%arg12 : memref<128x128xf32, #tpu.memory_space<vmem>>) dst(%dma_wait3A_48 : memref<10240x128xf32, #tpu.memory_space<vmem_shared>>)
        tpu.yield
      }) : () -> ()
    }
    %scan3A_8 = arith.constant 39 : i32
    %add3A = arith.constant 10112 : i32
    %add3A_9 = arith.addi %mul3A_2, %add3A : i32
    "tpu.region"() ({
      %run_scoped3A = tpu.sem_alloc : memref<!tpu.dma_semaphore, #tpu.memory_space<semaphore_mem>>
      %dma_start3A_19 = tpu.memref_slice %arg2[%arg0, %add3A_9] : memref<2x163840xi32, #tpu.memory_space<hbm>> -> memref<1x128xi32, #tpu.memory_space<hbm>>
      %dma_start3A_20 = tpu.memref_squeeze %dma_start3A_19 : memref<1x128xi32, #tpu.memory_space<hbm>> -> memref<128xi32, #tpu.memory_space<hbm>>
      %dma_start3A_21 = tpu.memref_slice %arg2[%arg0, %add3A_9] : memref<2x163840xi32, #tpu.memory_space<hbm>> -> memref<1x128xi32, #tpu.memory_space<hbm>>
      %dma_start3A_22 = tpu.memref_squeeze %dma_start3A_21 : memref<1x128xi32, #tpu.memory_space<hbm>> -> memref<128xi32, #tpu.memory_space<hbm>>
      tpu.enqueue_dma source(%dma_start3A_22 : memref<128xi32, #tpu.memory_space<hbm>>) target(%arg9 : memref<128xi32, #tpu.memory_space<vmem>>) target_semaphore(%run_scoped3A : memref<!tpu.dma_semaphore, #tpu.memory_space<semaphore_mem>>)
      %dma_wait3A_23 = tpu.memref_slice %arg2[%arg0, %add3A_9] : memref<2x163840xi32, #tpu.memory_space<hbm>> -> memref<1x128xi32, #tpu.memory_space<hbm>>
      %dma_wait3A_24 = tpu.memref_squeeze %dma_wait3A_23 : memref<1x128xi32, #tpu.memory_space<hbm>> -> memref<128xi32, #tpu.memory_space<hbm>>
      %dma_wait3A_25 = tpu.memref_slice %arg2[%arg0, %add3A_9] : memref<2x163840xi32, #tpu.memory_space<hbm>> -> memref<1x128xi32, #tpu.memory_space<hbm>>
      %dma_wait3A_26 = tpu.memref_squeeze %dma_wait3A_25 : memref<1x128xi32, #tpu.memory_space<hbm>> -> memref<128xi32, #tpu.memory_space<hbm>>
      tpu.wait_dma2 semaphore(%run_scoped3A : memref<!tpu.dma_semaphore, #tpu.memory_space<semaphore_mem>>) src(%dma_wait3A_26 : memref<128xi32, #tpu.memory_space<hbm>>) dst(%arg9 : memref<128xi32, #tpu.memory_space<vmem>>)
      tpu.yield
    }) : () -> ()
    "tpu.region"() ({
      %run_scoped3A = tpu.sem_alloc : memref<!tpu.dma_semaphore, #tpu.memory_space<semaphore_mem>>
      %dma_start3A_19 = tpu.memref_slice %arg3[%add3A_9] : memref<163840xi32, #tpu.memory_space<hbm>> -> memref<128xi32, #tpu.memory_space<hbm>>
      %dma_start3A_20 = tpu.memref_slice %arg3[%add3A_9] : memref<163840xi32, #tpu.memory_space<hbm>> -> memref<128xi32, #tpu.memory_space<hbm>>
      tpu.enqueue_dma source(%dma_start3A_20 : memref<128xi32, #tpu.memory_space<hbm>>) target(%arg10 : memref<128xi32, #tpu.memory_space<vmem>>) target_semaphore(%run_scoped3A : memref<!tpu.dma_semaphore, #tpu.memory_space<semaphore_mem>>)
      %dma_wait3A_21 = tpu.memref_slice %arg3[%add3A_9] : memref<163840xi32, #tpu.memory_space<hbm>> -> memref<128xi32, #tpu.memory_space<hbm>>
      %dma_wait3A_22 = tpu.memref_slice %arg3[%add3A_9] : memref<163840xi32, #tpu.memory_space<hbm>> -> memref<128xi32, #tpu.memory_space<hbm>>
      tpu.wait_dma2 semaphore(%run_scoped3A : memref<!tpu.dma_semaphore, #tpu.memory_space<semaphore_mem>>) src(%dma_wait3A_22 : memref<128xi32, #tpu.memory_space<hbm>>) dst(%arg10 : memref<128xi32, #tpu.memory_space<vmem>>)
      tpu.yield
    }) : () -> ()
    %dma_start3A_10 = arith.constant 0 : i32
    %dma_start3A_11 = arith.constant 0 : i32
    %dma_start3A_12 = tpu.memref_slice %arg4[%dma_start3A_10, %dma_start3A_11] : memref<20000x128xf32, #tpu.memory_space<hbm>> -> memref<20000x128xf32, #tpu.memory_space<hbm>>
    tpu.enqueue_indirect_dma source(%dma_start3A_12 : memref<20000x128xf32, #tpu.memory_space<hbm>>) target(%arg12 : memref<128x128xf32, #tpu.memory_space<vmem>>) offsets(%arg9 : memref<128xi32, #tpu.memory_space<vmem>>) semaphore(%arg15 : memref<!tpu.dma_semaphore, #tpu.memory_space<semaphore_mem>>)
    %dma_wait3A = arith.constant 0 : i32
    %dma_wait3A_13 = arith.constant 0 : i32
    %dma_wait3A_14 = tpu.memref_slice %arg4[%dma_wait3A, %dma_wait3A_13] : memref<20000x128xf32, #tpu.memory_space<hbm>> -> memref<20000x128xf32, #tpu.memory_space<hbm>>
    tpu.wait_indirect_dma semaphore(%arg14 : memref<!tpu.dma_semaphore, #tpu.memory_space<semaphore_mem>>) src(%dma_wait3A_14 : memref<20000x128xf32, #tpu.memory_space<hbm>>) dst(%arg11 : memref<128x128xf32, #tpu.memory_space<vmem>>)
    "tpu.region"() ({
      %run_scoped3A = tpu.sem_alloc : memref<!tpu.dma_semaphore, #tpu.memory_space<semaphore_mem>>
      %dma_start3A_19 = arith.constant 0 : i32
      %dma_start3A_20 = arith.constant 0 : i32
      %dma_start3A_21 = tpu.memref_slice %arg13[%dma_start3A_19, %dma_start3A_20] : memref<10240x128xf32, #tpu.memory_space<vmem_shared>> -> memref<10240x128xf32, #tpu.memory_space<vmem_shared>>
      tpu.enqueue_indirect_dma source(%arg11 : memref<128x128xf32, #tpu.memory_space<vmem>>) target(%dma_start3A_21 : memref<10240x128xf32, #tpu.memory_space<vmem_shared>>) offsets(%arg8 : memref<128xi32, #tpu.memory_space<vmem>>) semaphore(%run_scoped3A : memref<!tpu.dma_semaphore, #tpu.memory_space<semaphore_mem>>) {add = true}
      %dma_wait3A_22 = arith.constant 0 : i32
      %dma_wait3A_23 = arith.constant 0 : i32
      %dma_wait3A_24 = tpu.memref_slice %arg13[%dma_wait3A_22, %dma_wait3A_23] : memref<10240x128xf32, #tpu.memory_space<vmem_shared>> -> memref<10240x128xf32, #tpu.memory_space<vmem_shared>>
      tpu.wait_indirect_dma semaphore(%run_scoped3A : memref<!tpu.dma_semaphore, #tpu.memory_space<semaphore_mem>>) src(%arg11 : memref<128x128xf32, #tpu.memory_space<vmem>>) dst(%dma_wait3A_24 : memref<10240x128xf32, #tpu.memory_space<vmem_shared>>)
      tpu.yield
    }) : () -> ()
    %dma_wait3A_15 = arith.constant 0 : i32
    %dma_wait3A_16 = arith.constant 0 : i32
    %dma_wait3A_17 = tpu.memref_slice %arg4[%dma_wait3A_15, %dma_wait3A_16] : memref<20000x128xf32, #tpu.memory_space<hbm>> -> memref<20000x128xf32, #tpu.memory_space<hbm>>
    tpu.wait_indirect_dma semaphore(%arg15 : memref<!tpu.dma_semaphore, #tpu.memory_space<semaphore_mem>>) src(%dma_wait3A_17 : memref<20000x128xf32, #tpu.memory_space<hbm>>) dst(%arg12 : memref<128x128xf32, #tpu.memory_space<vmem>>)
    "tpu.region"() ({
      %run_scoped3A = tpu.sem_alloc : memref<!tpu.dma_semaphore, #tpu.memory_space<semaphore_mem>>
      %dma_start3A_19 = arith.constant 0 : i32
      %dma_start3A_20 = arith.constant 0 : i32
      %dma_start3A_21 = tpu.memref_slice %arg13[%dma_start3A_19, %dma_start3A_20] : memref<10240x128xf32, #tpu.memory_space<vmem_shared>> -> memref<10240x128xf32, #tpu.memory_space<vmem_shared>>
      tpu.enqueue_indirect_dma source(%arg12 : memref<128x128xf32, #tpu.memory_space<vmem>>) target(%dma_start3A_21 : memref<10240x128xf32, #tpu.memory_space<vmem_shared>>) offsets(%arg10 : memref<128xi32, #tpu.memory_space<vmem>>) semaphore(%run_scoped3A : memref<!tpu.dma_semaphore, #tpu.memory_space<semaphore_mem>>) {add = true}
      %dma_wait3A_22 = arith.constant 0 : i32
      %dma_wait3A_23 = arith.constant 0 : i32
      %dma_wait3A_24 = tpu.memref_slice %arg13[%dma_wait3A_22, %dma_wait3A_23] : memref<10240x128xf32, #tpu.memory_space<vmem_shared>> -> memref<10240x128xf32, #tpu.memory_space<vmem_shared>>
      tpu.wait_indirect_dma semaphore(%run_scoped3A : memref<!tpu.dma_semaphore, #tpu.memory_space<semaphore_mem>>) src(%arg12 : memref<128x128xf32, #tpu.memory_space<vmem>>) dst(%dma_wait3A_24 : memref<10240x128xf32, #tpu.memory_space<vmem_shared>>)
      tpu.yield
    }) : () -> ()
    %barrier3A_18 = arith.constant 0 : index
    tpu.barrier barrier_id(%barrier3A_18)
    "tpu.region"() ({
      %run_scoped3A = tpu.sem_alloc : memref<!tpu.dma_semaphore, #tpu.memory_space<semaphore_mem>>
      %dma_start3A_19 = arith.constant 0 : i32
      %dma_start3A_20 = tpu.memref_slice %arg6[%arg0, %mul3A_0, %dma_start3A_19] : memref<2x10240x128xf32, #tpu.memory_space<hbm>> -> memref<1x640x128xf32, #tpu.memory_space<hbm>>
      %dma_start3A_21 = tpu.memref_squeeze %dma_start3A_20 : memref<1x640x128xf32, #tpu.memory_space<hbm>> -> memref<640x128xf32, #tpu.memory_space<hbm>>
      %dma_start3A_22 = arith.constant 0 : i32
      %dma_start3A_23 = tpu.memref_slice %arg13[%mul3A_0, %dma_start3A_22] : memref<10240x128xf32, #tpu.memory_space<vmem_shared>> -> memref<640x128xf32, #tpu.memory_space<vmem_shared>>
      tpu.enqueue_dma source(%dma_start3A_23 : memref<640x128xf32, #tpu.memory_space<vmem_shared>>) target(%dma_start3A_21 : memref<640x128xf32, #tpu.memory_space<hbm>>) target_semaphore(%run_scoped3A : memref<!tpu.dma_semaphore, #tpu.memory_space<semaphore_mem>>)
      %dma_wait3A_24 = arith.constant 0 : i32
      %dma_wait3A_25 = tpu.memref_slice %arg6[%arg0, %mul3A_0, %dma_wait3A_24] : memref<2x10240x128xf32, #tpu.memory_space<hbm>> -> memref<1x640x128xf32, #tpu.memory_space<hbm>>
      %dma_wait3A_26 = tpu.memref_squeeze %dma_wait3A_25 : memref<1x640x128xf32, #tpu.memory_space<hbm>> -> memref<640x128xf32, #tpu.memory_space<hbm>>
      %dma_wait3A_27 = arith.constant 0 : i32
      %dma_wait3A_28 = tpu.memref_slice %arg13[%mul3A_0, %dma_wait3A_27] : memref<10240x128xf32, #tpu.memory_space<vmem_shared>> -> memref<640x128xf32, #tpu.memory_space<vmem_shared>>
      tpu.wait_dma2 semaphore(%run_scoped3A : memref<!tpu.dma_semaphore, #tpu.memory_space<semaphore_mem>>) src(%dma_wait3A_28 : memref<640x128xf32, #tpu.memory_space<vmem_shared>>) dst(%dma_wait3A_26 : memref<640x128xf32, #tpu.memory_space<hbm>>)
      tpu.yield
    }) : () -> ()
    return
  }
}

module attributes {stable_mosaic.version = 14 : i64} {
  func.func @_tc1_body(%arg0: i32, %arg1: memref<1000x256xf32, #tpu.memory_space<vmem>>, %arg2: memref<1000x1xf32, #tpu.memory_space<vmem>>, %arg3: memref<1000x1xf32, #tpu.memory_space<vmem>>, %arg4: memref<256x256xf32, #tpu.memory_space<vmem>>, %arg5: memref<1x256xf32, #tpu.memory_space<vmem>>, %arg6: memref<256x256xf32, #tpu.memory_space<vmem>>, %arg7: memref<1x256xf32, #tpu.memory_space<vmem>>, %arg8: memref<256x256xf32, #tpu.memory_space<vmem>>, %arg9: memref<256x256xf32, #tpu.memory_space<vmem>>, %arg10: memref<1000x256xf32, #tpu.memory_space<vmem>>, %arg11: memref<2x1000x128xf32, #tpu.memory_space<vmem>>, %arg12: memref<2x1000x128xf32, #tpu.memory_space<vmem>>, %arg13: memref<1000x1xf32, #tpu.memory_space<vmem>>, %arg14: memref<1000x1xf32, #tpu.memory_space<vmem>>) attributes {dimension_semantics = [#tpu.dimension_semantics<arbitrary>], iteration_bounds = array<i64: 10>, scalar_prefetch = 0 : i64, scratch_operands = 0 : i64, tpu.core_type = #tpu.core_type<tc>, window_params = [{transform_indices = @transform_0, window_bounds = array<i64: 1000, 256>}, {transform_indices = @transform_1, window_bounds = array<i64: 1000, 1>}, {transform_indices = @transform_2, window_bounds = array<i64: 1000, 1>}, {pipeline_mode = #tpu.pipeline_mode<synchronous>, transform_indices = @transform_3, window_bounds = array<i64: 256, 256>}, {pipeline_mode = #tpu.pipeline_mode<synchronous>, transform_indices = @transform_4, window_bounds = array<i64: 1, 256>}, {pipeline_mode = #tpu.pipeline_mode<synchronous>, transform_indices = @transform_5, window_bounds = array<i64: 256, 256>}, {pipeline_mode = #tpu.pipeline_mode<synchronous>, transform_indices = @transform_6, window_bounds = array<i64: 1, 256>}, {pipeline_mode = #tpu.pipeline_mode<synchronous>, transform_indices = @transform_7, window_bounds = array<i64: 256, 256>}, {pipeline_mode = #tpu.pipeline_mode<synchronous>, transform_indices = @transform_8, window_bounds = array<i64: 256, 256>}, {transform_indices = @transform_9, window_bounds = array<i64: 1000, 256>}, {transform_indices = @transform_10, window_bounds = array<i64: 2, 1000, 128>}, {transform_indices = @transform_11, window_bounds = array<i64: 2, 1000, 128>}, {transform_indices = @transform_12, window_bounds = array<i64: 1000, 1>}, {transform_indices = @transform_13, window_bounds = array<i64: 1000, 1>}]} {
    %get3A = arith.constant 0 : index
    %get3A_0 = arith.constant 0 : index
    %get3A_1 = vector.load %arg1[%get3A, %get3A_0] : memref<1000x256xf32, #tpu.memory_space<vmem>>, vector<1000x256xf32>
    %get3A_2 = arith.constant 0 : index
    %get3A_3 = arith.constant 0 : index
    %get3A_4 = vector.load %arg2[%get3A_2, %get3A_3] : memref<1000x1xf32, #tpu.memory_space<vmem>>, vector<1000x1xf32>
    %add3A = arith.constant 1.000000e+00 : f32
    %add3A_5 = vector.broadcast %add3A : f32 to vector<1000x1xf32>
    %add3A_6 = arith.addf %get3A_4, %add3A_5 : vector<1000x1xf32>
    %rsqrt3A = math.rsqrt %add3A_6 : vector<1000x1xf32>
    %get3A_7 = arith.constant 0 : index
    %get3A_8 = arith.constant 0 : index
    %get3A_9 = vector.load %arg3[%get3A_7, %get3A_8] : memref<1000x1xf32, #tpu.memory_space<vmem>>, vector<1000x1xf32>
    %add3A_10 = arith.constant 1.000000e+00 : f32
    %add3A_11 = vector.broadcast %add3A_10 : f32 to vector<1000x1xf32>
    %add3A_12 = arith.addf %get3A_9, %add3A_11 : vector<1000x1xf32>
    %rsqrt3A_13 = math.rsqrt %add3A_12 : vector<1000x1xf32>
    %swap3A = arith.constant 0 : index
    %swap3A_14 = arith.constant 0 : index
    %swap3A_15 = vector.load %arg13[%swap3A, %swap3A_14] : memref<1000x1xf32, #tpu.memory_space<vmem>>, vector<1000x1xf32>
    tpu.vector_store %arg13[%swap3A, %swap3A_14], %rsqrt3A {strides = array<i32>} : memref<1000x1xf32, #tpu.memory_space<vmem>>, vector<1000x1xf32>,
    %swap3A_16 = arith.constant 0 : index
    %swap3A_17 = arith.constant 0 : index
    %swap3A_18 = vector.load %arg14[%swap3A_16, %swap3A_17] : memref<1000x1xf32, #tpu.memory_space<vmem>>, vector<1000x1xf32>
    tpu.vector_store %arg14[%swap3A_16, %swap3A_17], %rsqrt3A_13 {strides = array<i32>} : memref<1000x1xf32, #tpu.memory_space<vmem>>, vector<1000x1xf32>,
    %get3A_19 = arith.constant 0 : index
    %get3A_20 = arith.constant 0 : index
    %get3A_21 = vector.load %arg4[%get3A_19, %get3A_20] : memref<256x256xf32, #tpu.memory_space<vmem>>, vector<256x256xf32>
    %convert_element_type3A = arith.truncf %get3A_1 : vector<1000x256xf32> to vector<1000x256xbf16>
    %convert_element_type3A_22 = arith.truncf %get3A_21 : vector<256x256xf32> to vector<256x256xbf16>
    %dot_general3A = arith.constant dense<0.000000e+00> : vector<1000x256xf32>
    %dot_general3A_23 = tpu.matmul %convert_element_type3A, %convert_element_type3A_22, %dot_general3A {dimension_numbers = #tpu.dot_dimension_numbers<[1], [0], [0], [1], [0, 0, 1, 1], [], []>, transpose_lhs_hint = false} : vector<1000x256xbf16>, vector<256x256xbf16>, vector<1000x256xf32> -> vector<1000x256xf32>
    %get3A_24 = arith.constant 0 : index
    %get3A_25 = arith.constant 0 : index
    %get3A_26 = vector.load %arg5[%get3A_24, %get3A_25] : memref<1x256xf32, #tpu.memory_space<vmem>>, vector<1x256xf32>
    %add3A_27 = vector.broadcast %get3A_26 : vector<1x256xf32> to vector<1000x256xf32>
    %add3A_28 = arith.addf %dot_general3A_23, %add3A_27 : vector<1000x256xf32>
    %max3A = arith.constant 0.000000e+00 : f32
    %max3A_29 = vector.broadcast %max3A : f32 to vector<1000x256xf32>
    %max3A_30 = arith.maximumf %add3A_28, %max3A_29 : vector<1000x256xf32>
    %get3A_31 = arith.constant 0 : index
    %get3A_32 = arith.constant 0 : index
    %get3A_33 = vector.load %arg6[%get3A_31, %get3A_32] : memref<256x256xf32, #tpu.memory_space<vmem>>, vector<256x256xf32>
    %convert_element_type3A_34 = arith.truncf %max3A_30 : vector<1000x256xf32> to vector<1000x256xbf16>
    %convert_element_type3A_35 = arith.truncf %get3A_33 : vector<256x256xf32> to vector<256x256xbf16>
    %dot_general3A_36 = arith.constant dense<0.000000e+00> : vector<1000x256xf32>
    %dot_general3A_37 = tpu.matmul %convert_element_type3A_34, %convert_element_type3A_35, %dot_general3A_36 {dimension_numbers = #tpu.dot_dimension_numbers<[1], [0], [0], [1], [0, 0, 1, 1], [], []>, transpose_lhs_hint = false} : vector<1000x256xbf16>, vector<256x256xbf16>, vector<1000x256xf32> -> vector<1000x256xf32>
    %get3A_38 = arith.constant 0 : index
    %get3A_39 = arith.constant 0 : index
    %get3A_40 = vector.load %arg7[%get3A_38, %get3A_39] : memref<1x256xf32, #tpu.memory_space<vmem>>, vector<1x256xf32>
    %add3A_41 = vector.broadcast %get3A_40 : vector<1x256xf32> to vector<1000x256xf32>
    %add3A_42 = arith.addf %dot_general3A_37, %add3A_41 : vector<1000x256xf32>
    %max3A_43 = arith.constant 0.000000e+00 : f32
    %max3A_44 = vector.broadcast %max3A_43 : f32 to vector<1000x256xf32>
    %max3A_45 = arith.maximumf %add3A_42, %max3A_44 : vector<1000x256xf32>
    %swap3A_46 = arith.constant 0 : index
    %swap3A_47 = arith.constant 0 : index
    %swap3A_48 = vector.load %arg10[%swap3A_46, %swap3A_47] : memref<1000x256xf32, #tpu.memory_space<vmem>>, vector<1000x256xf32>
    tpu.vector_store %arg10[%swap3A_46, %swap3A_47], %max3A_45 {strides = array<i32>} : memref<1000x256xf32, #tpu.memory_space<vmem>>, vector<1000x256xf32>,
    %get3A_49 = arith.constant 0 : index
    %get3A_50 = arith.constant 0 : index
    %get3A_51 = vector.load %arg8[%get3A_49, %get3A_50] : memref<256x256xf32, #tpu.memory_space<vmem>>, vector<256x256xf32>
    %convert_element_type3A_52 = arith.truncf %get3A_1 : vector<1000x256xf32> to vector<1000x256xbf16>
    %convert_element_type3A_53 = arith.truncf %get3A_51 : vector<256x256xf32> to vector<256x256xbf16>
    %dot_general3A_54 = arith.constant dense<0.000000e+00> : vector<1000x256xf32>
    %dot_general3A_55 = tpu.matmul %convert_element_type3A_52, %convert_element_type3A_53, %dot_general3A_54 {dimension_numbers = #tpu.dot_dimension_numbers<[1], [0], [0], [1], [0, 0, 1, 1], [], []>, transpose_lhs_hint = false} : vector<1000x256xbf16>, vector<256x256xbf16>, vector<1000x256xf32> -> vector<1000x256xf32>
    %mul3A = vector.broadcast %rsqrt3A : vector<1000x1xf32> to vector<1000x256xf32>
    %mul3A_56 = arith.mulf %mul3A, %dot_general3A_55 : vector<1000x256xf32>
    %get3A_57 = arith.constant 0 : index
    %get3A_58 = arith.constant 0 : index
    %get3A_59 = vector.load %arg9[%get3A_57, %get3A_58] : memref<256x256xf32, #tpu.memory_space<vmem>>, vector<256x256xf32>
    %convert_element_type3A_60 = arith.truncf %get3A_1 : vector<1000x256xf32> to vector<1000x256xbf16>
    %convert_element_type3A_61 = arith.truncf %get3A_59 : vector<256x256xf32> to vector<256x256xbf16>
    %dot_general3A_62 = arith.constant dense<0.000000e+00> : vector<1000x256xf32>
    %dot_general3A_63 = tpu.matmul %convert_element_type3A_60, %convert_element_type3A_61, %dot_general3A_62 {dimension_numbers = #tpu.dot_dimension_numbers<[1], [0], [0], [1], [0, 0, 1, 1], [], []>, transpose_lhs_hint = false} : vector<1000x256xbf16>, vector<256x256xbf16>, vector<1000x256xf32> -> vector<1000x256xf32>
    %mul3A_64 = vector.broadcast %rsqrt3A_13 : vector<1000x1xf32> to vector<1000x256xf32>
    %mul3A_65 = arith.mulf %mul3A_64, %dot_general3A_63 : vector<1000x256xf32>
    %slice3A = vector.extract_strided_slice %mul3A_56 {offsets = [0, 0], sizes = [1000, 128], strides = [1, 1]} : vector<1000x256xf32> to vector<1000x128xf32>
    %swap3A_66 = arith.constant 0 : index
    %swap3A_67 = arith.constant 0 : index
    %swap3A_68 = arith.constant 0 : index
    %swap3A_69 = vector.load %arg11[%swap3A_66, %swap3A_67, %swap3A_68] : memref<2x1000x128xf32, #tpu.memory_space<vmem>>, vector<1x1000x128xf32>
    %swap3A_70 = vector.shape_cast %swap3A_69 : vector<1x1000x128xf32> to vector<1000x128xf32>
    %swap3A_71 = vector.shape_cast %slice3A : vector<1000x128xf32> to vector<1x1000x128xf32>
    tpu.vector_store %arg11[%swap3A_66, %swap3A_67, %swap3A_68], %swap3A_71 {strides = array<i32>} : memref<2x1000x128xf32, #tpu.memory_space<vmem>>, vector<1x1000x128xf32>,
    %slice3A_72 = vector.extract_strided_slice %mul3A_56 {offsets = [0, 128], sizes = [1000, 128], strides = [1, 1]} : vector<1000x256xf32> to vector<1000x128xf32>
    %swap3A_73 = arith.constant 1 : index
    %swap3A_74 = arith.constant 0 : index
    %swap3A_75 = arith.constant 0 : index
    %swap3A_76 = vector.load %arg11[%swap3A_73, %swap3A_74, %swap3A_75] : memref<2x1000x128xf32, #tpu.memory_space<vmem>>, vector<1x1000x128xf32>
    %swap3A_77 = vector.shape_cast %swap3A_76 : vector<1x1000x128xf32> to vector<1000x128xf32>
    %swap3A_78 = vector.shape_cast %slice3A_72 : vector<1000x128xf32> to vector<1x1000x128xf32>
    tpu.vector_store %arg11[%swap3A_73, %swap3A_74, %swap3A_75], %swap3A_78 {strides = array<i32>} : memref<2x1000x128xf32, #tpu.memory_space<vmem>>, vector<1x1000x128xf32>,
    %slice3A_79 = vector.extract_strided_slice %mul3A_65 {offsets = [0, 0], sizes = [1000, 128], strides = [1, 1]} : vector<1000x256xf32> to vector<1000x128xf32>
    %swap3A_80 = arith.constant 0 : index
    %swap3A_81 = arith.constant 0 : index
    %swap3A_82 = arith.constant 0 : index
    %swap3A_83 = vector.load %arg12[%swap3A_80, %swap3A_81, %swap3A_82] : memref<2x1000x128xf32, #tpu.memory_space<vmem>>, vector<1x1000x128xf32>
    %swap3A_84 = vector.shape_cast %swap3A_83 : vector<1x1000x128xf32> to vector<1000x128xf32>
    %swap3A_85 = vector.shape_cast %slice3A_79 : vector<1000x128xf32> to vector<1x1000x128xf32>
    tpu.vector_store %arg12[%swap3A_80, %swap3A_81, %swap3A_82], %swap3A_85 {strides = array<i32>} : memref<2x1000x128xf32, #tpu.memory_space<vmem>>, vector<1x1000x128xf32>,
    %slice3A_86 = vector.extract_strided_slice %mul3A_65 {offsets = [0, 128], sizes = [1000, 128], strides = [1, 1]} : vector<1000x256xf32> to vector<1000x128xf32>
    %swap3A_87 = arith.constant 1 : index
    %swap3A_88 = arith.constant 0 : index
    %swap3A_89 = arith.constant 0 : index
    %swap3A_90 = vector.load %arg12[%swap3A_87, %swap3A_88, %swap3A_89] : memref<2x1000x128xf32, #tpu.memory_space<vmem>>, vector<1x1000x128xf32>
    %swap3A_91 = vector.shape_cast %swap3A_90 : vector<1x1000x128xf32> to vector<1000x128xf32>
    %swap3A_92 = vector.shape_cast %slice3A_86 : vector<1000x128xf32> to vector<1x1000x128xf32>
    tpu.vector_store %arg12[%swap3A_87, %swap3A_88, %swap3A_89], %swap3A_92 {strides = array<i32>} : memref<2x1000x128xf32, #tpu.memory_space<vmem>>, vector<1x1000x128xf32>,
    return
  }
  func.func @transform_0(%arg0: i32) -> (i32, i32) {
    %c0_i32 = arith.constant 0 : i32
    %c0_i32_0 = arith.constant 0 : i32
    return %arg0, %c0_i32 : i32, i32
  }
  func.func @transform_1(%arg0: i32) -> (i32, i32) {
    %c0_i32 = arith.constant 0 : i32
    %c0_i32_0 = arith.constant 0 : i32
    return %arg0, %c0_i32 : i32, i32
  }
  func.func @transform_2(%arg0: i32) -> (i32, i32) {
    %c0_i32 = arith.constant 0 : i32
    %c0_i32_0 = arith.constant 0 : i32
    return %arg0, %c0_i32 : i32, i32
  }
  func.func @transform_3(%arg0: i32) -> (i32, i32) {
    %c0_i32 = arith.constant 0 : i32
    %c0_i32_0 = arith.constant 0 : i32
    %c0_i32_1 = arith.constant 0 : i32
    return %c0_i32, %c0_i32_0 : i32, i32
  }
  func.func @transform_4(%arg0: i32) -> (i32, i32) {
    %c0_i32 = arith.constant 0 : i32
    %c0_i32_0 = arith.constant 0 : i32
    %c0_i32_1 = arith.constant 0 : i32
    return %c0_i32, %c0_i32_0 : i32, i32
  }
  func.func @transform_5(%arg0: i32) -> (i32, i32) {
    %c0_i32 = arith.constant 0 : i32
    %c0_i32_0 = arith.constant 0 : i32
    %c0_i32_1 = arith.constant 0 : i32
    return %c0_i32, %c0_i32_0 : i32, i32
  }
  func.func @transform_6(%arg0: i32) -> (i32, i32) {
    %c0_i32 = arith.constant 0 : i32
    %c0_i32_0 = arith.constant 0 : i32
    %c0_i32_1 = arith.constant 0 : i32
    return %c0_i32, %c0_i32_0 : i32, i32
  }
  func.func @transform_7(%arg0: i32) -> (i32, i32) {
    %c0_i32 = arith.constant 0 : i32
    %c0_i32_0 = arith.constant 0 : i32
    %c0_i32_1 = arith.constant 0 : i32
    return %c0_i32, %c0_i32_0 : i32, i32
  }
  func.func @transform_8(%arg0: i32) -> (i32, i32) {
    %c0_i32 = arith.constant 0 : i32
    %c0_i32_0 = arith.constant 0 : i32
    %c0_i32_1 = arith.constant 0 : i32
    return %c0_i32, %c0_i32_0 : i32, i32
  }
  func.func @transform_9(%arg0: i32) -> (i32, i32) {
    %c0_i32 = arith.constant 0 : i32
    %c0_i32_0 = arith.constant 0 : i32
    return %arg0, %c0_i32 : i32, i32
  }
  func.func @transform_10(%arg0: i32) -> (i32, i32, i32) {
    %c0_i32 = arith.constant 0 : i32
    %c0_i32_0 = arith.constant 0 : i32
    %c0_i32_1 = arith.constant 0 : i32
    return %c0_i32, %arg0, %c0_i32_0 : i32, i32, i32
  }
  func.func @transform_11(%arg0: i32) -> (i32, i32, i32) {
    %c0_i32 = arith.constant 0 : i32
    %c0_i32_0 = arith.constant 0 : i32
    %c0_i32_1 = arith.constant 0 : i32
    return %c0_i32, %arg0, %c0_i32_0 : i32, i32, i32
  }
  func.func @transform_12(%arg0: i32) -> (i32, i32) {
    %c0_i32 = arith.constant 0 : i32
    %c0_i32_0 = arith.constant 0 : i32
    return %arg0, %c0_i32 : i32, i32
  }
  func.func @transform_13(%arg0: i32) -> (i32, i32) {
    %c0_i32 = arith.constant 0 : i32
    %c0_i32_0 = arith.constant 0 : i32
    return %arg0, %c0_i32 : i32, i32
  }
}

module attributes {stable_mosaic.version = 14 : i64} {
  func.func @_tc2v_body(%arg0: i32, %arg1: memref<1x1000x128xf32, #tpu.memory_space<vmem>>, %arg2: memref<1x1000x128xf32, #tpu.memory_space<vmem>>, %arg3: memref<2x1000x128xf32, #tpu.memory_space<vmem>>, %arg4: memref<1000x1xf32, #tpu.memory_space<vmem>>, %arg5: memref<1x256xf32, #tpu.memory_space<vmem>>, %arg6: memref<256x256xf32, #tpu.memory_space<vmem>>, %arg7: memref<2x1000x128xf32, #tpu.memory_space<vmem>>) attributes {dimension_semantics = [#tpu.dimension_semantics<arbitrary>], iteration_bounds = array<i64: 10>, scalar_prefetch = 0 : i64, scratch_operands = 0 : i64, tpu.core_type = #tpu.core_type<tc>, window_params = [{transform_indices = @transform_0, window_bounds = array<i64: 1, 1000, 128>}, {transform_indices = @transform_1, window_bounds = array<i64: 1, 1000, 128>}, {transform_indices = @transform_2, window_bounds = array<i64: 2, 1000, 128>}, {transform_indices = @transform_3, window_bounds = array<i64: 1000, 1>}, {pipeline_mode = #tpu.pipeline_mode<synchronous>, transform_indices = @transform_4, window_bounds = array<i64: 1, 256>}, {pipeline_mode = #tpu.pipeline_mode<synchronous>, transform_indices = @transform_5, window_bounds = array<i64: 256, 256>}, {transform_indices = @transform_6, window_bounds = array<i64: 2, 1000, 128>}]} {
    %get3A = arith.constant 0 : index
    %get3A_0 = arith.constant 0 : index
    %get3A_1 = vector.load %arg4[%get3A, %get3A_0] : memref<1000x1xf32, #tpu.memory_space<vmem>>, vector<1000x1xf32>
    %get3A_2 = arith.constant 0 : index
    %get3A_3 = arith.constant 0 : index
    %get3A_4 = arith.constant 0 : index
    %get3A_5 = vector.load %arg1[%get3A_2, %get3A_3, %get3A_4] : memref<1x1000x128xf32, #tpu.memory_space<vmem>>, vector<1x1000x128xf32>
    %get3A_6 = vector.shape_cast %get3A_5 : vector<1x1000x128xf32> to vector<1000x128xf32>
    %get3A_7 = arith.constant 0 : index
    %get3A_8 = arith.constant 0 : index
    %get3A_9 = arith.constant 0 : index
    %get3A_10 = vector.load %arg3[%get3A_7, %get3A_8, %get3A_9] : memref<2x1000x128xf32, #tpu.memory_space<vmem>>, vector<1x1000x128xf32>
    %get3A_11 = vector.shape_cast %get3A_10 : vector<1x1000x128xf32> to vector<1000x128xf32>
    %add3A = arith.addf %get3A_6, %get3A_11 : vector<1000x128xf32>
    %get3A_12 = arith.constant 0 : index
    %get3A_13 = arith.constant 0 : index
    %get3A_14 = arith.constant 0 : index
    %get3A_15 = vector.load %arg2[%get3A_12, %get3A_13, %get3A_14] : memref<1x1000x128xf32, #tpu.memory_space<vmem>>, vector<1x1000x128xf32>
    %get3A_16 = vector.shape_cast %get3A_15 : vector<1x1000x128xf32> to vector<1000x128xf32>
    %get3A_17 = arith.constant 1 : index
    %get3A_18 = arith.constant 0 : index
    %get3A_19 = arith.constant 0 : index
    %get3A_20 = vector.load %arg3[%get3A_17, %get3A_18, %get3A_19] : memref<2x1000x128xf32, #tpu.memory_space<vmem>>, vector<1x1000x128xf32>
    %get3A_21 = vector.shape_cast %get3A_20 : vector<1x1000x128xf32> to vector<1000x128xf32>
    %add3A_22 = arith.addf %get3A_16, %get3A_21 : vector<1000x128xf32>
    %concatenate3A = tpu.concatenate %add3A, %add3A_22 in 1 : vector<1000x128xf32>, vector<1000x128xf32> -> vector<1000x256xf32>
    %mul3A = vector.broadcast %get3A_1 : vector<1000x1xf32> to vector<1000x256xf32>
    %mul3A_23 = arith.mulf %mul3A, %concatenate3A : vector<1000x256xf32>
    %get3A_24 = arith.constant 0 : index
    %get3A_25 = arith.constant 0 : index
    %get3A_26 = vector.load %arg5[%get3A_24, %get3A_25] : memref<1x256xf32, #tpu.memory_space<vmem>>, vector<1x256xf32>
    %add3A_27 = vector.broadcast %get3A_26 : vector<1x256xf32> to vector<1000x256xf32>
    %add3A_28 = arith.addf %mul3A_23, %add3A_27 : vector<1000x256xf32>
    %max3A = arith.constant 0.000000e+00 : f32
    %max3A_29 = vector.broadcast %max3A : f32 to vector<1000x256xf32>
    %max3A_30 = arith.maximumf %add3A_28, %max3A_29 : vector<1000x256xf32>
    %get3A_31 = arith.constant 0 : index
    %get3A_32 = arith.constant 0 : index
    %get3A_33 = vector.load %arg6[%get3A_31, %get3A_32] : memref<256x256xf32, #tpu.memory_space<vmem>>, vector<256x256xf32>
    %convert_element_type3A = arith.truncf %max3A_30 : vector<1000x256xf32> to vector<1000x256xbf16>
    %convert_element_type3A_34 = arith.truncf %get3A_33 : vector<256x256xf32> to vector<256x256xbf16>
    %dot_general3A = arith.constant dense<0.000000e+00> : vector<1000x256xf32>
    %dot_general3A_35 = tpu.matmul %convert_element_type3A, %convert_element_type3A_34, %dot_general3A {dimension_numbers = #tpu.dot_dimension_numbers<[1], [0], [0], [1], [0, 0, 1, 1], [], []>, transpose_lhs_hint = false} : vector<1000x256xbf16>, vector<256x256xbf16>, vector<1000x256xf32> -> vector<1000x256xf32>
    %mul3A_36 = vector.broadcast %get3A_1 : vector<1000x1xf32> to vector<1000x256xf32>
    %mul3A_37 = arith.mulf %mul3A_36, %dot_general3A_35 : vector<1000x256xf32>
    %slice3A = vector.extract_strided_slice %mul3A_37 {offsets = [0, 0], sizes = [1000, 128], strides = [1, 1]} : vector<1000x256xf32> to vector<1000x128xf32>
    %swap3A = arith.constant 0 : index
    %swap3A_38 = arith.constant 0 : index
    %swap3A_39 = arith.constant 0 : index
    %swap3A_40 = vector.load %arg7[%swap3A, %swap3A_38, %swap3A_39] : memref<2x1000x128xf32, #tpu.memory_space<vmem>>, vector<1x1000x128xf32>
    %swap3A_41 = vector.shape_cast %swap3A_40 : vector<1x1000x128xf32> to vector<1000x128xf32>
    %swap3A_42 = vector.shape_cast %slice3A : vector<1000x128xf32> to vector<1x1000x128xf32>
    tpu.vector_store %arg7[%swap3A, %swap3A_38, %swap3A_39], %swap3A_42 {strides = array<i32>} : memref<2x1000x128xf32, #tpu.memory_space<vmem>>, vector<1x1000x128xf32>,
    %slice3A_43 = vector.extract_strided_slice %mul3A_37 {offsets = [0, 128], sizes = [1000, 128], strides = [1, 1]} : vector<1000x256xf32> to vector<1000x128xf32>
    %swap3A_44 = arith.constant 1 : index
    %swap3A_45 = arith.constant 0 : index
    %swap3A_46 = arith.constant 0 : index
    %swap3A_47 = vector.load %arg7[%swap3A_44, %swap3A_45, %swap3A_46] : memref<2x1000x128xf32, #tpu.memory_space<vmem>>, vector<1x1000x128xf32>
    %swap3A_48 = vector.shape_cast %swap3A_47 : vector<1x1000x128xf32> to vector<1000x128xf32>
    %swap3A_49 = vector.shape_cast %slice3A_43 : vector<1000x128xf32> to vector<1x1000x128xf32>
    tpu.vector_store %arg7[%swap3A_44, %swap3A_45, %swap3A_46], %swap3A_49 {strides = array<i32>} : memref<2x1000x128xf32, #tpu.memory_space<vmem>>, vector<1x1000x128xf32>,
    return
  }
  func.func @transform_0(%arg0: i32) -> (i32, i32, i32) {
    %c0_i32 = arith.constant 0 : i32
    %c0_i32_0 = arith.constant 0 : i32
    %c0_i32_1 = arith.constant 0 : i32
    return %c0_i32, %arg0, %c0_i32_0 : i32, i32, i32
  }
  func.func @transform_1(%arg0: i32) -> (i32, i32, i32) {
    %c1_i32 = arith.constant 1 : i32
    %c0_i32 = arith.constant 0 : i32
    %c0_i32_0 = arith.constant 0 : i32
    return %c1_i32, %arg0, %c0_i32 : i32, i32, i32
  }
  func.func @transform_2(%arg0: i32) -> (i32, i32, i32) {
    %c0_i32 = arith.constant 0 : i32
    %c0_i32_0 = arith.constant 0 : i32
    %c0_i32_1 = arith.constant 0 : i32
    return %c0_i32, %arg0, %c0_i32_0 : i32, i32, i32
  }
  func.func @transform_3(%arg0: i32) -> (i32, i32) {
    %c0_i32 = arith.constant 0 : i32
    %c0_i32_0 = arith.constant 0 : i32
    return %arg0, %c0_i32 : i32, i32
  }
  func.func @transform_4(%arg0: i32) -> (i32, i32) {
    %c0_i32 = arith.constant 0 : i32
    %c0_i32_0 = arith.constant 0 : i32
    %c0_i32_1 = arith.constant 0 : i32
    return %c0_i32, %c0_i32_0 : i32, i32
  }
  func.func @transform_5(%arg0: i32) -> (i32, i32) {
    %c0_i32 = arith.constant 0 : i32
    %c0_i32_0 = arith.constant 0 : i32
    %c0_i32_1 = arith.constant 0 : i32
    return %c0_i32, %c0_i32_0 : i32, i32
  }
  func.func @transform_6(%arg0: i32) -> (i32, i32, i32) {
    %c0_i32 = arith.constant 0 : i32
    %c0_i32_0 = arith.constant 0 : i32
    %c0_i32_1 = arith.constant 0 : i32
    return %c0_i32, %arg0, %c0_i32_0 : i32, i32, i32
  }
}

module attributes {stable_mosaic.version = 14 : i64} {
  func.func @_tc3v_body(%arg0: i32, %arg1: memref<1x1000x128xf32, #tpu.memory_space<vmem>>, %arg2: memref<1x1000x128xf32, #tpu.memory_space<vmem>>, %arg3: memref<2x1000x128xf32, #tpu.memory_space<vmem>>, %arg4: memref<1000x1xf32, #tpu.memory_space<vmem>>, %arg5: memref<1x256xf32, #tpu.memory_space<vmem>>, %arg6: memref<256x256xf32, #tpu.memory_space<vmem>>, %arg7: memref<1x256xf32, #tpu.memory_space<vmem>>, %arg8: memref<256x256xf32, #tpu.memory_space<vmem>>, %arg9: memref<1x256xf32, #tpu.memory_space<vmem>>, %arg10: memref<1000x256xf32, #tpu.memory_space<vmem>>, %arg11: memref<1000x256xf32, #tpu.memory_space<vmem>>) attributes {dimension_semantics = [#tpu.dimension_semantics<arbitrary>], iteration_bounds = array<i64: 10>, scalar_prefetch = 0 : i64, scratch_operands = 0 : i64, tpu.core_type = #tpu.core_type<tc>, window_params = [{transform_indices = @transform_0, window_bounds = array<i64: 1, 1000, 128>}, {transform_indices = @transform_1, window_bounds = array<i64: 1, 1000, 128>}, {transform_indices = @transform_2, window_bounds = array<i64: 2, 1000, 128>}, {transform_indices = @transform_3, window_bounds = array<i64: 1000, 1>}, {pipeline_mode = #tpu.pipeline_mode<synchronous>, transform_indices = @transform_4, window_bounds = array<i64: 1, 256>}, {pipeline_mode = #tpu.pipeline_mode<synchronous>, transform_indices = @transform_5, window_bounds = array<i64: 256, 256>}, {pipeline_mode = #tpu.pipeline_mode<synchronous>, transform_indices = @transform_6, window_bounds = array<i64: 1, 256>}, {pipeline_mode = #tpu.pipeline_mode<synchronous>, transform_indices = @transform_7, window_bounds = array<i64: 256, 256>}, {pipeline_mode = #tpu.pipeline_mode<synchronous>, transform_indices = @transform_8, window_bounds = array<i64: 1, 256>}, {transform_indices = @transform_9, window_bounds = array<i64: 1000, 256>}, {transform_indices = @transform_10, window_bounds = array<i64: 1000, 256>}]} {
    %get3A = arith.constant 0 : index
    %get3A_0 = arith.constant 0 : index
    %get3A_1 = vector.load %arg4[%get3A, %get3A_0] : memref<1000x1xf32, #tpu.memory_space<vmem>>, vector<1000x1xf32>
    %get3A_2 = arith.constant 0 : index
    %get3A_3 = arith.constant 0 : index
    %get3A_4 = arith.constant 0 : index
    %get3A_5 = vector.load %arg1[%get3A_2, %get3A_3, %get3A_4] : memref<1x1000x128xf32, #tpu.memory_space<vmem>>, vector<1x1000x128xf32>
    %get3A_6 = vector.shape_cast %get3A_5 : vector<1x1000x128xf32> to vector<1000x128xf32>
    %get3A_7 = arith.constant 0 : index
    %get3A_8 = arith.constant 0 : index
    %get3A_9 = arith.constant 0 : index
    %get3A_10 = vector.load %arg3[%get3A_7, %get3A_8, %get3A_9] : memref<2x1000x128xf32, #tpu.memory_space<vmem>>, vector<1x1000x128xf32>
    %get3A_11 = vector.shape_cast %get3A_10 : vector<1x1000x128xf32> to vector<1000x128xf32>
    %add3A = arith.addf %get3A_6, %get3A_11 : vector<1000x128xf32>
    %get3A_12 = arith.constant 0 : index
    %get3A_13 = arith.constant 0 : index
    %get3A_14 = arith.constant 0 : index
    %get3A_15 = vector.load %arg2[%get3A_12, %get3A_13, %get3A_14] : memref<1x1000x128xf32, #tpu.memory_space<vmem>>, vector<1x1000x128xf32>
    %get3A_16 = vector.shape_cast %get3A_15 : vector<1x1000x128xf32> to vector<1000x128xf32>
    %get3A_17 = arith.constant 1 : index
    %get3A_18 = arith.constant 0 : index
    %get3A_19 = arith.constant 0 : index
    %get3A_20 = vector.load %arg3[%get3A_17, %get3A_18, %get3A_19] : memref<2x1000x128xf32, #tpu.memory_space<vmem>>, vector<1x1000x128xf32>
    %get3A_21 = vector.shape_cast %get3A_20 : vector<1x1000x128xf32> to vector<1000x128xf32>
    %add3A_22 = arith.addf %get3A_16, %get3A_21 : vector<1000x128xf32>
    %concatenate3A = tpu.concatenate %add3A, %add3A_22 in 1 : vector<1000x128xf32>, vector<1000x128xf32> -> vector<1000x256xf32>
    %mul3A = vector.broadcast %get3A_1 : vector<1000x1xf32> to vector<1000x256xf32>
    %mul3A_23 = arith.mulf %mul3A, %concatenate3A : vector<1000x256xf32>
    %get3A_24 = arith.constant 0 : index
    %get3A_25 = arith.constant 0 : index
    %get3A_26 = vector.load %arg5[%get3A_24, %get3A_25] : memref<1x256xf32, #tpu.memory_space<vmem>>, vector<1x256xf32>
    %add3A_27 = vector.broadcast %get3A_26 : vector<1x256xf32> to vector<1000x256xf32>
    %add3A_28 = arith.addf %mul3A_23, %add3A_27 : vector<1000x256xf32>
    %max3A = arith.constant 0.000000e+00 : f32
    %max3A_29 = vector.broadcast %max3A : f32 to vector<1000x256xf32>
    %max3A_30 = arith.maximumf %add3A_28, %max3A_29 : vector<1000x256xf32>
    %get3A_31 = arith.constant 0 : index
    %get3A_32 = arith.constant 0 : index
    %get3A_33 = vector.load %arg6[%get3A_31, %get3A_32] : memref<256x256xf32, #tpu.memory_space<vmem>>, vector<256x256xf32>
    %convert_element_type3A = arith.truncf %max3A_30 : vector<1000x256xf32> to vector<1000x256xbf16>
    %convert_element_type3A_34 = arith.truncf %get3A_33 : vector<256x256xf32> to vector<256x256xbf16>
    %dot_general3A = arith.constant dense<0.000000e+00> : vector<1000x256xf32>
    %dot_general3A_35 = tpu.matmul %convert_element_type3A, %convert_element_type3A_34, %dot_general3A {dimension_numbers = #tpu.dot_dimension_numbers<[1], [0], [0], [1], [0, 0, 1, 1], [], []>, transpose_lhs_hint = false} : vector<1000x256xbf16>, vector<256x256xbf16>, vector<1000x256xf32> -> vector<1000x256xf32>
    %get3A_36 = arith.constant 0 : index
    %get3A_37 = arith.constant 0 : index
    %get3A_38 = vector.load %arg7[%get3A_36, %get3A_37] : memref<1x256xf32, #tpu.memory_space<vmem>>, vector<1x256xf32>
    %add3A_39 = vector.broadcast %get3A_38 : vector<1x256xf32> to vector<1000x256xf32>
    %add3A_40 = arith.addf %dot_general3A_35, %add3A_39 : vector<1000x256xf32>
    %max3A_41 = arith.constant 0.000000e+00 : f32
    %max3A_42 = vector.broadcast %max3A_41 : f32 to vector<1000x256xf32>
    %max3A_43 = arith.maximumf %add3A_40, %max3A_42 : vector<1000x256xf32>
    %get3A_44 = arith.constant 0 : index
    %get3A_45 = arith.constant 0 : index
    %get3A_46 = vector.load %arg10[%get3A_44, %get3A_45] : memref<1000x256xf32, #tpu.memory_space<vmem>>, vector<1000x256xf32>
    %get3A_47 = arith.constant 0 : index
    %get3A_48 = arith.constant 0 : index
    %get3A_49 = vector.load %arg8[%get3A_47, %get3A_48] : memref<256x256xf32, #tpu.memory_space<vmem>>, vector<256x256xf32>
    %convert_element_type3A_50 = arith.truncf %max3A_43 : vector<1000x256xf32> to vector<1000x256xbf16>
    %convert_element_type3A_51 = arith.truncf %get3A_49 : vector<256x256xf32> to vector<256x256xbf16>
    %dot_general3A_52 = arith.constant dense<0.000000e+00> : vector<1000x256xf32>
    %dot_general3A_53 = tpu.matmul %convert_element_type3A_50, %convert_element_type3A_51, %dot_general3A_52 {dimension_numbers = #tpu.dot_dimension_numbers<[1], [0], [0], [1], [0, 0, 1, 1], [], []>, transpose_lhs_hint = false} : vector<1000x256xbf16>, vector<256x256xbf16>, vector<1000x256xf32> -> vector<1000x256xf32>
    %get3A_54 = arith.constant 0 : index
    %get3A_55 = arith.constant 0 : index
    %get3A_56 = vector.load %arg9[%get3A_54, %get3A_55] : memref<1x256xf32, #tpu.memory_space<vmem>>, vector<1x256xf32>
    %add3A_57 = vector.broadcast %get3A_56 : vector<1x256xf32> to vector<1000x256xf32>
    %add3A_58 = arith.addf %dot_general3A_53, %add3A_57 : vector<1000x256xf32>
    %max3A_59 = arith.constant 0.000000e+00 : f32
    %max3A_60 = vector.broadcast %max3A_59 : f32 to vector<1000x256xf32>
    %max3A_61 = arith.maximumf %add3A_58, %max3A_60 : vector<1000x256xf32>
    %add3A_62 = arith.addf %get3A_46, %max3A_61 : vector<1000x256xf32>
    %swap3A = arith.constant 0 : index
    %swap3A_63 = arith.constant 0 : index
    %swap3A_64 = vector.load %arg11[%swap3A, %swap3A_63] : memref<1000x256xf32, #tpu.memory_space<vmem>>, vector<1000x256xf32>
    tpu.vector_store %arg11[%swap3A, %swap3A_63], %add3A_62 {strides = array<i32>} : memref<1000x256xf32, #tpu.memory_space<vmem>>, vector<1000x256xf32>,
    return
  }
  func.func @transform_0(%arg0: i32) -> (i32, i32, i32) {
    %c0_i32 = arith.constant 0 : i32
    %c0_i32_0 = arith.constant 0 : i32
    %c0_i32_1 = arith.constant 0 : i32
    return %c0_i32, %arg0, %c0_i32_0 : i32, i32, i32
  }
  func.func @transform_1(%arg0: i32) -> (i32, i32, i32) {
    %c1_i32 = arith.constant 1 : i32
    %c0_i32 = arith.constant 0 : i32
    %c0_i32_0 = arith.constant 0 : i32
    return %c1_i32, %arg0, %c0_i32 : i32, i32, i32
  }
  func.func @transform_2(%arg0: i32) -> (i32, i32, i32) {
    %c0_i32 = arith.constant 0 : i32
    %c0_i32_0 = arith.constant 0 : i32
    %c0_i32_1 = arith.constant 0 : i32
    return %c0_i32, %arg0, %c0_i32_0 : i32, i32, i32
  }
  func.func @transform_3(%arg0: i32) -> (i32, i32) {
    %c0_i32 = arith.constant 0 : i32
    %c0_i32_0 = arith.constant 0 : i32
    return %arg0, %c0_i32 : i32, i32
  }
  func.func @transform_4(%arg0: i32) -> (i32, i32) {
    %c0_i32 = arith.constant 0 : i32
    %c0_i32_0 = arith.constant 0 : i32
    %c0_i32_1 = arith.constant 0 : i32
    return %c0_i32, %c0_i32_0 : i32, i32
  }
  func.func @transform_5(%arg0: i32) -> (i32, i32) {
    %c0_i32 = arith.constant 0 : i32
    %c0_i32_0 = arith.constant 0 : i32
    %c0_i32_1 = arith.constant 0 : i32
    return %c0_i32, %c0_i32_0 : i32, i32
  }
  func.func @transform_6(%arg0: i32) -> (i32, i32) {
    %c0_i32 = arith.constant 0 : i32
    %c0_i32_0 = arith.constant 0 : i32
    %c0_i32_1 = arith.constant 0 : i32
    return %c0_i32, %c0_i32_0 : i32, i32
  }
  func.func @transform_7(%arg0: i32) -> (i32, i32) {
    %c0_i32 = arith.constant 0 : i32
    %c0_i32_0 = arith.constant 0 : i32
    %c0_i32_1 = arith.constant 0 : i32
    return %c0_i32, %c0_i32_0 : i32, i32
  }
  func.func @transform_8(%arg0: i32) -> (i32, i32) {
    %c0_i32 = arith.constant 0 : i32
    %c0_i32_0 = arith.constant 0 : i32
    %c0_i32_1 = arith.constant 0 : i32
    return %c0_i32, %c0_i32_0 : i32, i32
  }
  func.func @transform_9(%arg0: i32) -> (i32, i32) {
    %c0_i32 = arith.constant 0 : i32
    %c0_i32_0 = arith.constant 0 : i32
    return %arg0, %c0_i32 : i32, i32
  }
  func.func @transform_10(%arg0: i32) -> (i32, i32) {
    %c0_i32 = arith.constant 0 : i32
    %c0_i32_0 = arith.constant 0 : i32
    return %arg0, %c0_i32 : i32, i32
  }
}

module attributes {stable_mosaic.version = 14 : i64} {
  func.func @_tc3v_body(%arg0: i32, %arg1: memref<1x1000x128xf32, #tpu.memory_space<vmem>>, %arg2: memref<1x1000x128xf32, #tpu.memory_space<vmem>>, %arg3: memref<2x1000x128xf32, #tpu.memory_space<vmem>>, %arg4: memref<1000x1xf32, #tpu.memory_space<vmem>>, %arg5: memref<1x256xf32, #tpu.memory_space<vmem>>, %arg6: memref<256x256xf32, #tpu.memory_space<vmem>>, %arg7: memref<1x256xf32, #tpu.memory_space<vmem>>, %arg8: memref<256x256xf32, #tpu.memory_space<vmem>>, %arg9: memref<1x256xf32, #tpu.memory_space<vmem>>, %arg10: memref<1000x256xf32, #tpu.memory_space<vmem>>, %arg11: memref<1000x256xf32, #tpu.memory_space<vmem>>) attributes {dimension_semantics = [#tpu.dimension_semantics<arbitrary>], iteration_bounds = array<i64: 10>, scalar_prefetch = 0 : i64, scratch_operands = 0 : i64, tpu.core_type = #tpu.core_type<tc>, window_params = [{transform_indices = @transform_0, window_bounds = array<i64: 1, 1000, 128>}, {transform_indices = @transform_1, window_bounds = array<i64: 1, 1000, 128>}, {transform_indices = @transform_2, window_bounds = array<i64: 2, 1000, 128>}, {transform_indices = @transform_3, window_bounds = array<i64: 1000, 1>}, {pipeline_mode = #tpu.pipeline_mode<synchronous>, transform_indices = @transform_4, window_bounds = array<i64: 1, 256>}, {pipeline_mode = #tpu.pipeline_mode<synchronous>, transform_indices = @transform_5, window_bounds = array<i64: 256, 256>}, {pipeline_mode = #tpu.pipeline_mode<synchronous>, transform_indices = @transform_6, window_bounds = array<i64: 1, 256>}, {pipeline_mode = #tpu.pipeline_mode<synchronous>, transform_indices = @transform_7, window_bounds = array<i64: 256, 256>}, {pipeline_mode = #tpu.pipeline_mode<synchronous>, transform_indices = @transform_8, window_bounds = array<i64: 1, 256>}, {transform_indices = @transform_9, window_bounds = array<i64: 1000, 256>}, {transform_indices = @transform_10, window_bounds = array<i64: 1000, 256>}]} {
    %get3A = arith.constant 0 : index
    %get3A_0 = arith.constant 0 : index
    %get3A_1 = vector.load %arg4[%get3A, %get3A_0] : memref<1000x1xf32, #tpu.memory_space<vmem>>, vector<1000x1xf32>
    %get3A_2 = arith.constant 0 : index
    %get3A_3 = arith.constant 0 : index
    %get3A_4 = arith.constant 0 : index
    %get3A_5 = vector.load %arg1[%get3A_2, %get3A_3, %get3A_4] : memref<1x1000x128xf32, #tpu.memory_space<vmem>>, vector<1x1000x128xf32>
    %get3A_6 = vector.shape_cast %get3A_5 : vector<1x1000x128xf32> to vector<1000x128xf32>
    %get3A_7 = arith.constant 0 : index
    %get3A_8 = arith.constant 0 : index
    %get3A_9 = arith.constant 0 : index
    %get3A_10 = vector.load %arg3[%get3A_7, %get3A_8, %get3A_9] : memref<2x1000x128xf32, #tpu.memory_space<vmem>>, vector<1x1000x128xf32>
    %get3A_11 = vector.shape_cast %get3A_10 : vector<1x1000x128xf32> to vector<1000x128xf32>
    %add3A = arith.addf %get3A_6, %get3A_11 : vector<1000x128xf32>
    %get3A_12 = arith.constant 0 : index
    %get3A_13 = arith.constant 0 : index
    %get3A_14 = arith.constant 0 : index
    %get3A_15 = vector.load %arg2[%get3A_12, %get3A_13, %get3A_14] : memref<1x1000x128xf32, #tpu.memory_space<vmem>>, vector<1x1000x128xf32>
    %get3A_16 = vector.shape_cast %get3A_15 : vector<1x1000x128xf32> to vector<1000x128xf32>
    %get3A_17 = arith.constant 1 : index
    %get3A_18 = arith.constant 0 : index
    %get3A_19 = arith.constant 0 : index
    %get3A_20 = vector.load %arg3[%get3A_17, %get3A_18, %get3A_19] : memref<2x1000x128xf32, #tpu.memory_space<vmem>>, vector<1x1000x128xf32>
    %get3A_21 = vector.shape_cast %get3A_20 : vector<1x1000x128xf32> to vector<1000x128xf32>
    %add3A_22 = arith.addf %get3A_16, %get3A_21 : vector<1000x128xf32>
    %concatenate3A = tpu.concatenate %add3A, %add3A_22 in 1 : vector<1000x128xf32>, vector<1000x128xf32> -> vector<1000x256xf32>
    %mul3A = vector.broadcast %get3A_1 : vector<1000x1xf32> to vector<1000x256xf32>
    %mul3A_23 = arith.mulf %mul3A, %concatenate3A : vector<1000x256xf32>
    %get3A_24 = arith.constant 0 : index
    %get3A_25 = arith.constant 0 : index
    %get3A_26 = vector.load %arg5[%get3A_24, %get3A_25] : memref<1x256xf32, #tpu.memory_space<vmem>>, vector<1x256xf32>
    %add3A_27 = vector.broadcast %get3A_26 : vector<1x256xf32> to vector<1000x256xf32>
    %add3A_28 = arith.addf %mul3A_23, %add3A_27 : vector<1000x256xf32>
    %max3A = arith.constant 0.000000e+00 : f32
    %max3A_29 = vector.broadcast %max3A : f32 to vector<1000x256xf32>
    %max3A_30 = arith.maximumf %add3A_28, %max3A_29 : vector<1000x256xf32>
    %get3A_31 = arith.constant 0 : index
    %get3A_32 = arith.constant 0 : index
    %get3A_33 = vector.load %arg6[%get3A_31, %get3A_32] : memref<256x256xf32, #tpu.memory_space<vmem>>, vector<256x256xf32>
    %convert_element_type3A = arith.truncf %max3A_30 : vector<1000x256xf32> to vector<1000x256xbf16>
    %convert_element_type3A_34 = arith.truncf %get3A_33 : vector<256x256xf32> to vector<256x256xbf16>
    %dot_general3A = arith.constant dense<0.000000e+00> : vector<1000x256xf32>
    %dot_general3A_35 = tpu.matmul %convert_element_type3A, %convert_element_type3A_34, %dot_general3A {dimension_numbers = #tpu.dot_dimension_numbers<[1], [0], [0], [1], [0, 0, 1, 1], [], []>, transpose_lhs_hint = false} : vector<1000x256xbf16>, vector<256x256xbf16>, vector<1000x256xf32> -> vector<1000x256xf32>
    %get3A_36 = arith.constant 0 : index
    %get3A_37 = arith.constant 0 : index
    %get3A_38 = vector.load %arg7[%get3A_36, %get3A_37] : memref<1x256xf32, #tpu.memory_space<vmem>>, vector<1x256xf32>
    %add3A_39 = vector.broadcast %get3A_38 : vector<1x256xf32> to vector<1000x256xf32>
    %add3A_40 = arith.addf %dot_general3A_35, %add3A_39 : vector<1000x256xf32>
    %max3A_41 = arith.constant 0.000000e+00 : f32
    %max3A_42 = vector.broadcast %max3A_41 : f32 to vector<1000x256xf32>
    %max3A_43 = arith.maximumf %add3A_40, %max3A_42 : vector<1000x256xf32>
    %get3A_44 = arith.constant 0 : index
    %get3A_45 = arith.constant 0 : index
    %get3A_46 = vector.load %arg10[%get3A_44, %get3A_45] : memref<1000x256xf32, #tpu.memory_space<vmem>>, vector<1000x256xf32>
    %get3A_47 = arith.constant 0 : index
    %get3A_48 = arith.constant 0 : index
    %get3A_49 = vector.load %arg8[%get3A_47, %get3A_48] : memref<256x256xf32, #tpu.memory_space<vmem>>, vector<256x256xf32>
    %convert_element_type3A_50 = arith.truncf %max3A_43 : vector<1000x256xf32> to vector<1000x256xbf16>
    %convert_element_type3A_51 = arith.truncf %get3A_49 : vector<256x256xf32> to vector<256x256xbf16>
    %dot_general3A_52 = arith.constant dense<0.000000e+00> : vector<1000x256xf32>
    %dot_general3A_53 = tpu.matmul %convert_element_type3A_50, %convert_element_type3A_51, %dot_general3A_52 {dimension_numbers = #tpu.dot_dimension_numbers<[1], [0], [0], [1], [0, 0, 1, 1], [], []>, transpose_lhs_hint = false} : vector<1000x256xbf16>, vector<256x256xbf16>, vector<1000x256xf32> -> vector<1000x256xf32>
    %get3A_54 = arith.constant 0 : index
    %get3A_55 = arith.constant 0 : index
    %get3A_56 = vector.load %arg9[%get3A_54, %get3A_55] : memref<1x256xf32, #tpu.memory_space<vmem>>, vector<1x256xf32>
    %add3A_57 = vector.broadcast %get3A_56 : vector<1x256xf32> to vector<1000x256xf32>
    %add3A_58 = arith.addf %dot_general3A_53, %add3A_57 : vector<1000x256xf32>
    %max3A_59 = arith.constant 0.000000e+00 : f32
    %max3A_60 = vector.broadcast %max3A_59 : f32 to vector<1000x256xf32>
    %max3A_61 = arith.maximumf %add3A_58, %max3A_60 : vector<1000x256xf32>
    %add3A_62 = arith.addf %get3A_46, %max3A_61 : vector<1000x256xf32>
    %swap3A = arith.constant 0 : index
    %swap3A_63 = arith.constant 0 : index
    %swap3A_64 = vector.load %arg11[%swap3A, %swap3A_63] : memref<1000x256xf32, #tpu.memory_space<vmem>>, vector<1000x256xf32>
    tpu.vector_store %arg11[%swap3A, %swap3A_63], %add3A_62 {strides = array<i32>} : memref<1000x256xf32, #tpu.memory_space<vmem>>, vector<1000x256xf32>,
    return
  }
  func.func @transform_0(%arg0: i32) -> (i32, i32, i32) {
    %c0_i32 = arith.constant 0 : i32
    %c0_i32_0 = arith.constant 0 : i32
    %c0_i32_1 = arith.constant 0 : i32
    return %c0_i32, %arg0, %c0_i32_0 : i32, i32, i32
  }
  func.func @transform_1(%arg0: i32) -> (i32, i32, i32) {
    %c1_i32 = arith.constant 1 : i32
    %c0_i32 = arith.constant 0 : i32
    %c0_i32_0 = arith.constant 0 : i32
    return %c1_i32, %arg0, %c0_i32 : i32, i32, i32
  }
  func.func @transform_2(%arg0: i32) -> (i32, i32, i32) {
    %c0_i32 = arith.constant 0 : i32
    %c0_i32_0 = arith.constant 0 : i32
    %c0_i32_1 = arith.constant 0 : i32
    return %c0_i32, %arg0, %c0_i32_0 : i32, i32, i32
  }
  func.func @transform_3(%arg0: i32) -> (i32, i32) {
    %c0_i32 = arith.constant 0 : i32
    %c0_i32_0 = arith.constant 0 : i32
    return %arg0, %c0_i32 : i32, i32
  }
  func.func @transform_4(%arg0: i32) -> (i32, i32) {
    %c0_i32 = arith.constant 0 : i32
    %c0_i32_0 = arith.constant 0 : i32
    %c0_i32_1 = arith.constant 0 : i32
    return %c0_i32, %c0_i32_0 : i32, i32
  }
  func.func @transform_5(%arg0: i32) -> (i32, i32) {
    %c0_i32 = arith.constant 0 : i32
    %c0_i32_0 = arith.constant 0 : i32
    %c0_i32_1 = arith.constant 0 : i32
    return %c0_i32, %c0_i32_0 : i32, i32
  }
  func.func @transform_6(%arg0: i32) -> (i32, i32) {
    %c0_i32 = arith.constant 0 : i32
    %c0_i32_0 = arith.constant 0 : i32
    %c0_i32_1 = arith.constant 0 : i32
    return %c0_i32, %c0_i32_0 : i32, i32
  }
  func.func @transform_7(%arg0: i32) -> (i32, i32) {
    %c0_i32 = arith.constant 0 : i32
    %c0_i32_0 = arith.constant 0 : i32
    %c0_i32_1 = arith.constant 0 : i32
    return %c0_i32, %c0_i32_0 : i32, i32
  }
  func.func @transform_8(%arg0: i32) -> (i32, i32) {
    %c0_i32 = arith.constant 0 : i32
    %c0_i32_0 = arith.constant 0 : i32
    %c0_i32_1 = arith.constant 0 : i32
    return %c0_i32, %c0_i32_0 : i32, i32
  }
  func.func @transform_9(%arg0: i32) -> (i32, i32) {
    %c0_i32 = arith.constant 0 : i32
    %c0_i32_0 = arith.constant 0 : i32
    return %arg0, %c0_i32 : i32, i32
  }
  func.func @transform_10(%arg0: i32) -> (i32, i32) {
    %c0_i32 = arith.constant 0 : i32
    %c0_i32_0 = arith.constant 0 : i32
    return %arg0, %c0_i32 : i32, i32
  }
}

</mosaic_0001>

<sc_bundles>
// kernel: kernel.12.cloned.1.call-start
scs
__scs_entry_jumppad:
0x0: {  	(pc) =	sbr.rel $0x88, $3  }
0x1: {  	(tag) =	ssettag $0x0;
	lr =	simm.s32 $0x1  }
0x2: {  	[smem:$0x3F8A] =	sst lr;
	_ =	strace $0xD0000000  }
0x3: {  	_ = 	snop  }
0x4: {  	_ = 	snop  }
0x5: {  	_ = 	snop  }
0x6: {  	_ = 	snop  }
0x7: {  	_ = 	snop  }
__scs_overlays_trampoline_lowered:
0x8: {  	[smem:$0x3F99] =	sst s0  }
0x9: {  	[smem:$0x3F9A] =	sst s1  }
0xa: {  	[smem:$0x3F9B] =	sst s2  }
0xb: {  	[smem:$0x3F9C] =	sst s3  }
0xc: {  	[smem:$0x3F9D] =	sst s4  }
0xd: {  	[smem:$0x3F9E] =	sst s5  }
0xe: {  	[smem:$0x3F9F] =	sst s6  }
0xf: {  	[smem:$0x3FA0] =	sst s7  }
0x10: {  	[smem:$0x3FA1] =	sst s8  }
0x11: {  	[smem:$0x3FA2] =	sst s9;
	s0 =	simm.s32 @!p0 $0x0  }
0x12: {  	s1 =	sld [smem:$0x3F88];
	s0 =	simm.s32 @p0 $0x1  }
0x13: {  	[smem:$0x3FA3] =	sst s0;
	s0 =	simm.s32 @!p1 $0x0  }
0x14: {  	s2 =	sld [smem:$0x3F87];
	s0 =	simm.s32 @p1 $0x1  }
0x15: {  	[smem:$0x3FA4] =	sst s0;
	s0 =	simm.s32 @!p2 $0x0  }
0x16: {  	s3 =	sld [smem:$0x3FDB];
	s0 =	simm.s32 @p2 $0x1  }
0x17: {  	s4 =	simm.s32 $0x1BF5;
	[smem:$0x3FA6] =	sst s0  }
0x18: {  	s0 =	sld [smem:$0x3F89];
	_ =	swait.ge [sflag:s4], $0x0  }
0x19: {  	s7 =	sld [smem:$0x3F8A]  }
0x1a: {  	s8 =	sadd.s32 $0xFFFFE003, lr  }
0x1b: {  	s9 =	sadd.s32 $0xFFFFFEF7, lr;
	s5 =	simm.s32 $0xFFFFFFFF;
	p2 =	slt.u32 s8, $0xFFFFF086  }
0x1c: {  	p1 =	slt.u32 s9, $0xF7A;
	s5 =	simm.s32 @!p2 $0x0  }
0x1d: {  	s5 =	simm.s32 @p1 $0x1;
	p0 =	seq.s32 s7, s2  }
0x1e: {  	s7 =	smul.u32 @!p0 $0xF7A, s2;
	p2 =	seq.s32 @!p0 s5, $0x0  }
0x1f: {  	s9 =	smul.u32 $0xF7A, s1;
	s8 =	simm.s32 @!p0 $0x1BF5;
	p2 =	por !p2, p0  }
0x20: {  	[sflag:s8] =	ssyncset.s32 @!p0 $0xFFFFF086;
	s6 =	sadd.s32 @!p0 s3, s7;
	s7 =	simm.s32 @!p0 $0x108  }
0x21: {  	s3 =	sadd.s32 s3, s9;
	s6 =	sadd.s32 @!p0 $0x88, s6;
	s7 =	simm.s32 @p2 $0x1082  }
0x22: {  	[simem:s7], [sflag:s8] =	dma.local @!p0 [hbm:s6], $0xF7A  }
0x23: {  	s9 =	sor.u32 $0xD0000000, s2;
	s6 =	simm.s32 $0x108;
	_ =	swait.ge @!p0 [sflag:s8], $0x0  }
0x24: {  	s3 =	sadd.s32 $0x88, s3;
	s6 =	simm.s32 @!p1 $0x1082;
	[sflag:s4] =	ssyncset.s32 $0xFFFFF086  }
0x25: {  	[simem:s6], [sflag:s4] =	dma.local [hbm:s3], $0xF7A  }
0x26: {  	[smem:$0x3F8A] =	sst s1;
	(tag) =	ssettag s2;
	_ =	strace s9  }
0x27: {  	s1 =	sld [smem:$0x3F9A]  }
0x28: {  	s2 =	sld [smem:$0x3F9B]  }
0x29: {  	s4 =	sld [smem:$0x3F9D]  }
0x2a: {  	p0 =	seq.s32 s5, $0x0;
	s5 =	sld [smem:$0x3F9E]  }
0x2b: {  	s6 =	sld [smem:$0x3F9F]  }
0x2c: {  	s7 =	sld [smem:$0x3FA0]  }
0x2d: {  	s3 =	simm.s32 $0x108;
	s8 =	sld [smem:$0x3FA1]  }
0x2e: {  	s3 =	simm.s32 @!p0 $0x1082;
	s9 =	sld [smem:$0x3FA2]  }
0x2f: {  	lr =	sadd.s32 s0, s3;
	s0 =	sld [smem:$0x3F99]  }
0x30: {  	s3 =	sld [smem:$0x3F9C]  }
0x31: {  	[smem:$0x3FA5] =	sst s10  }
0x32: {  	s10 =	sld [smem:$0x3FA3];
	_ =	sdelay $0x3  }
0x33: {  	p0 =	seq.s32 s10, $0x1;
	s10 =	sld [smem:$0x3FA5];
	_ =	sdelay $0x3  }
0x34: {  	[smem:$0x3FA5] =	sst s10  }
0x35: {  	s10 =	sld [smem:$0x3FA4];
	_ =	sdelay $0x3  }
0x36: {  	p1 =	seq.s32 s10, $0x1;
	s10 =	sld [smem:$0x3FA5];
	_ =	sdelay $0x3  }
0x37: {  	[smem:$0x3FA5] =	sst s10  }
0x38: {  	s10 =	sld [smem:$0x3FA6]  }
0x39: {  	_ = 	snop;
	(pc) =	sbr.ind lr, $3  }
0x3a: {  	_ = 	snop  }
0x3b: {  	_ = 	snop  }
0x3c: {  	p2 =	seq.s32 s10, $0x1;
	s10 =	sld [smem:$0x3FA5]  }
0x3d: {  	_ =	shalt  }
0x3e: {  	_ =	shalt  }
0x3f: {  	_ =	shalt  }
0x40: {  	_ =	shalt  }
0x41: {  	_ =	shalt  }
0x42: {  	_ =	shalt  }
0x43: {  	_ =	shalt  }
0x44: {  	_ =	shalt  }
0x45: {  	_ =	shalt  }
0x46: {  	_ =	shalt  }
0x47: {  	_ =	shalt  }
0x48: {  	_ =	shalt  }
0x49: {  	_ =	shalt  }
0x4a: {  	_ =	shalt  }
0x4b: {  	_ =	shalt  }
0x4c: {  	_ =	shalt  }
0x4d: {  	_ =	shalt  }
0x4e: {  	_ =	shalt  }
0x4f: {  	_ =	shalt  }
0x50: {  	_ =	shalt  }
0x51: {  	_ =	shalt  }
0x52: {  	_ =	shalt  }
0x53: {  	_ =	shalt  }
0x54: {  	_ =	shalt  }
0x55: {  	_ =	shalt  }
0x56: {  	_ =	shalt  }
0x57: {  	_ =	shalt  }
0x58: {  	_ =	shalt  }
0x59: {  	_ =	shalt  }
0x5a: {  	_ =	shalt  }
0x5b: {  	_ =	shalt  }
0x5c: {  	_ =	shalt  }
0x5d: {  	_ =	shalt  }
0x5e: {  	_ =	shalt  }
0x5f: {  	_ =	shalt  }
0x60: {  	_ =	shalt  }
0x61: {  	_ =	shalt  }
0x62: {  	_ =	shalt  }
0x63: {  	_ =	shalt  }
0x64: {  	_ =	shalt  }
0x65: {  	_ =	shalt  }
0x66: {  	_ =	shalt  }
0x67: {  	_ =	shalt  }
0x68: {  	_ =	shalt  }
0x69: {  	_ =	shalt  }
0x6a: {  	_ =	shalt  }
0x6b: {  	_ =	shalt  }
0x6c: {  	_ =	shalt  }
0x6d: {  	_ =	shalt  }
0x6e: {  	_ =	shalt  }
0x6f: {  	_ =	shalt  }
0x70: {  	_ =	shalt  }
0x71: {  	_ =	shalt  }
0x72: {  	_ =	shalt  }
0x73: {  	_ =	shalt  }
0x74: {  	_ =	shalt  }
0x75: {  	_ =	shalt  }
0x76: {  	_ =	shalt  }
0x77: {  	_ =	shalt  }
0x78: {  	_ =	shalt  }
0x79: {  	_ =	shalt  }
0x7a: {  	_ =	shalt  }
0x7b: {  	_ =	shalt  }
0x7c: {  	_ =	shalt  }
0x7d: {  	_ =	shalt  }
0x7e: {  	_ =	shalt  }
0x7f: {  	_ =	shalt  }
0x80: {  	_ =	shalt  }
0x81: {  	_ =	shalt  }
0x82: {  	_ =	shalt  }
0x83: {  	_ =	shalt  }
0x84: {  	_ =	shalt  }
0x85: {  	_ =	shalt  }
0x86: {  	_ =	shalt  }
0x87: {  	_ =	shalt  }
.Lfunc_end0:
.L_simem_size_0:
called_computation_lowered:
.L_overlay_start_0:
0x88: {  	s2 =	sld [smem:$0x3FD9]  }
0x89: {  	s3 =	sld [smem:$0x3FFE];
	_ =	sdelay $0x1  }
0x8a: {  	s1 =	srdreg.scid  }
0x8b: {  	s0 =	sand.u32 $0x1, s1  }
0x8c: {  	s14 =	sshll.u32 s0, $0xA;
	s2 =	sadd.s32 s3, s2  }
0x8d: {  	s2 =	sadd.s32 s2, s14  }
0x8e: {  	[smem:$0x3FB1] =	sst s2  }
0x8f: {  	_ = 	snop  }
0x90: {  	s2 =	sld [smem:$0x3FD0];
	_ =	sdelay $0x2  }
0x91: {  	s15 =	simm.s32 $0xB;
	s4 =	simm.s32 $0x10  }
0x92: {  	[smem:s4], [sflag:s15] =	dma.local [hbm:s2], $0x1  }
0x93: {  	_ =	swait.eq [sflag:s15], $0x1  }
0x94: {  	[sflag:s15] =	ssyncset.done $0x0  }
0x95: {  	[sflag:s15] =	ssyncadd.s32 $0xFFFFFFFF  }
0x96: {  	s16 =	sld [smem:$0x10];
	(tm) =	ssettm $0x1  }
0x97: {  	s17 =	sld [smem:$0x3FFB];
	_ =	sdelay $0x3  }
0x98: {  	_ =	strace s17  }
0x99: {  	s3 =	sld [smem:$0x3FFC];
	_ =	sdelay $0x3  }
0x9a: {  	_ =	strace s3  }
0x9b: {  	s3 =	sld [smem:$0x3FFD];
	_ =	sdelay $0x3  }
0x9c: {  	_ =	strace s3  }
0x9d: {  	_ =	strace $0x8FFFFFFF  }
0x9e: {  	s18 =	sld [smem:$0x3FDB];
	_ =	sdelay $0x1  }
0x9f: {  	s19 =	simm.s32 $_scs_section_size  }
0xa0: {  	s5 =	simm.s32 $_size__tile_overlayer_lowered;
	s6 =	simm.s32 $_tile_overlayer_lowered  }
0xa1: {  	s22 =	simm.s32 $0x1BFF;
	s21 =	sshll.u32 s6, $0x1;
	s3 =	sadd.s32 s19, s18  }
0xa2: {  	s7 =	simm.s32 $0x0;
	s20 =	sshll.u32 s5, $0x1;
	s5 =	sadd.s32 s21, s3  }
0xa3: {  	[timem:s7], [sflag:s22] =	dma.local [hbm:s5], s20  }
0xa4: {  	_ =	swait.ge [sflag:s22], s20  }
0xa5: {  	s4 =	ssub.s32 $0x0, s20;
	[sflag:s22] =	ssyncset.done $0x0  }
0xa6: {  	[sflag:s22] =	ssyncadd.s32 s4;
	_ =	sdelay $0x1  }
0xa7: {  	s23 =	simm.s32 $0x1B8B  }
0xa8: {  	_ =	swait.ge [sflag:s23], $0x1  }
0xa9: {  	[sflag:s23] =	ssyncset.done $0x0  }
0xaa: {  	s25 =	simm.s32 $0x1B8E;
	s24 =	sld [smem:$0x3FFE];
	[sflag:s23] =	ssyncadd.s32 $0xFFFFFFFF  }
0xab: {  	s26 =	simm.s32 $execute0_lowered;
	[smem:$0x3FD2] =	sst s25  }
0xac: {  	s5 =	sshll.u32 s26, $0x1;
	_ =	strace $0x80000046;
	[dreg:$0x1] =	wrdreg $0xFFFFFFFF  }
0xad: {  	s28 =	simm.s32 $_size_execute0_lowered;
	s3 =	sadd.s32 s3, s5;
	[dreg:$0x0] =	wrdreg $0x0  }
0xae: {  	s5 =	sshll.u32 s28, $0x1;
	[dreg:$0x2] =	wrdreg s3  }
0xaf: {  	[dreg:$0x3] =	wrdreg s5  }
0xb0: {  	[dreg:$0x4] =	wrdreg $0xC0  }
0xb1: {  	_ =	task [dreg:s7], $0x5FFFF  }
0xb2: {  	[dreg:$0x1] =	wrdreg $0xFFFFFFFF  }
0xb3: {  	[dreg:$0x0] =	wrdreg $0x60  }
0xb4: {  	[dreg:$0x2] =	wrdreg s24  }
0xb5: {  	[dreg:$0x3] =	wrdreg s16  }
0xb6: {  	[dreg:$0x4] =	wrdreg $0x8000  }
0xb7: {  	[dreg:$0x5] =	wrdreg $0x9  }
0xb8: {  	_ =	task.clear_ibuf [dreg:s7], $0x6FFFF;
	_ =	strace $0x90000046  }
0xb9: {  	s29 =	simm.s32 $0x9;
	_ =	strace $0x80000048  }
0xba: {  	_ =	swait.ge [sflag:s29], $0x1  }
0xbb: {  	[sflag:s29] =	ssyncadd.s32 $0xFFFFFFFF  }
0xbc: {  	_ =	strace $0x90000048  }
0xbd: {  	_ =	sfence  }
0xbe: {  	s30 =	sld [smem:$0x0];
	_ =	sdelay $0x2  }
0xbf: {  	s31 =	sshll.u32 s1, $0xD;
	s1 =	sshrl.u32 s1, $0x2  }
0xc0: {  	s3 =	sand.u32 $0x4000, s31;
	s1 =	sadd.s32 s1, s30  }
0xc1: {  	s0 =	sor.u32 s3, s0;
	s1 =	sshll.u32 s1, $0x11  }
0xc2: {  	s0 =	sor.u32 s1, s0  }
0xc3: {  	s0 =	sadd.s32 $0x8F2B, s0  }
0xc4: {  	[sflag:s0] =	ssyncadd.remote.s32 $0x1  }
0xc5: {  	_ =	sfence.sel $0xFFFF  }
0xc6: {  	[dreg:$0x0] =	wrdreg $0xFFFFFFFF;
	(pc) =	sbr.abs _section_cstart, $3  }
0xc7: {  	[dreg:$0x1] =	wrdreg $0xFFFFFFFF  }
0xc8: {  	_ =	task.clear_ibuf [dreg:s7], $0x2FFFF;
	_ =	strace $0x9FFFFFFF  }
0xc9: {  	(tm) =	ssettm $0x7FFFFFFF  }
tec
execute0_lowered:
.L_overlay_start_1:
0x0: {  	(tag) =	ssettag $0x1  }
0x1: {  	s18 =	rddreg [dreg:$0x0]  }
0x2: {  	s23 =	rddreg [dreg:$0x1]  }
0x3: {  	s2 =	rddreg [dreg:$0x2]  }
0x4: {  	s1 =	stileid.u32;
	s0 =	rddreg [dreg:$0x3]  }
0x5: {  	s3 =	simm.s32 $0x0;
	s7 =	srdreg.scid;
	s5 =	smul.u32 $0x280, s1  }
0x6: {  	[smem:$0x7FF] =	sst s3;
	s4 =	sadd.s32 $0xEE00, s18;
	s24 =	sand.u32 $0x1, s7  }
0x7: {  	_ =	strace $0x80000047;
	s6 =	sshrl.u32 s5, $0x3;
	s9 =	sadd.s32 s5, s2  }
0x8: {  	s5 =	simm.s32 $0x1;
	s8 =	sadd.s32 s6, s18;
	s6 =	simm.s32 $0x400  }
0x9: {  	[tilespmem:s6], [sflag:$0x1] =	stream.linear.gather [hbm4b:s4+s3], $0x400, $0x38;
	[tilespmem:$0xA80] =	vst v63  }
0xa: {  	s11 =	smul.u32 $0x1400, s1;
	s12 =	sshll.u32 s1, $0x6;
	_ =	swait.ge [sflag:s5], $0x400  }
0xb: {  	s10 =	smul.u32 $0x14000, s24;
	s7 =	sadd.s32 $0xE800, s8;
	[sflag:s5] =	ssyncset.done $0x0  }
0xc: {  	s8 =	sshrl.u32 s9, $0x3;
	s9 =	sor.u32 $0x1C01, s12;
	[sflag:s5] =	ssyncadd.s32 $0xFFFFFC00  }
0xd: {  	[spmem:s8], [sflag:s9] =	dma.local [hbm:s7], $0x50  }
0xe: {  	_ =	swait.ge [sflag:s5], $0x50  }
0xf: {  	s10 =	sadd.s32 s11, s10;
	[sflag:s5] =	ssyncset.done $0x0  }
0x10: {  	s14 =	sadd.s32 $0x4800, s18;
	s19 =	sshrl.u32 s10, $0x3;
	[sflag:s5] =	ssyncadd.s32 $0xFFFFFFB0  }
0x11: {  	s10 =	sadd.s32 s14, s19;
	[bflag:$0x0] =	sbarrier.arrive $0xFFFF  }
0x12: {  	[tilespmem:s3], [sflag:$0x1] =	stream.linear.gather [hbm4b:s10+s3], $0x400, $0x38;
	[tilespmem:$0xA80] =	vst v63  }
0x13: {  	_ =	swait.ge [sflag:s5], $0x400  }
0x14: {  	[sflag:s5] =	ssyncset.done $0x0  }
0x15: {  	[sflag:s5] =	ssyncadd.s32 $0xFFFFFC00  }
0x16: {  	[spmem:s2] =	stream.indirect.scatter.add.f32 [tilespmem:s6], [sflag:$0x1], $0x1, s3, s6, $0xb8;
	[tilespmem:$0xA80] =	vst v63  }
0x17: {  	_ =	swait.ge [sflag:s5], $0x400  }
0x18: {  	s20 =	sadd.s32 $0x80, s19;
	[sflag:s5] =	ssyncset.done $0x0  }
0x19: {  	s11 =	sadd.s32 s14, s20;
	[sflag:s5] =	ssyncadd.s32 $0xFFFFFC00  }
0x1a: {  	[tilespmem:s3], [sflag:$0x1] =	stream.linear.gather [hbm4b:s11+s3], $0x400, $0x38;
	[tilespmem:$0xA80] =	vst v63  }
0x1b: {  	_ =	swait.ge [sflag:s5], $0x400  }
0x1c: {  	[sflag:s5] =	ssyncset.done $0x0  }
0x1d: {  	[sflag:s5] =	ssyncadd.s32 $0xFFFFFC00  }
0x1e: {  	[spmem:s2] =	stream.indirect.scatter.add.f32 [tilespmem:s6], [sflag:$0x1], $0x1, s3, s6, $0xb8;
	[tilespmem:$0xA80] =	vst v63  }
0x1f: {  	_ =	swait.ge [sflag:s5], $0x400  }
0x20: {  	s21 =	sadd.s32 $0x100, s19;
	[sflag:s5] =	ssyncset.done $0x0  }
0x21: {  	s12 =	sadd.s32 s14, s21;
	[sflag:s5] =	ssyncadd.s32 $0xFFFFFC00  }
0x22: {  	[tilespmem:s3], [sflag:$0x1] =	stream.linear.gather [hbm4b:s12+s3], $0x400, $0x38;
	[tilespmem:$0xA80] =	vst v63  }
0x23: {  	_ =	swait.ge [sflag:s5], $0x400  }
0x24: {  	[sflag:s5] =	ssyncset.done $0x0  }
0x25: {  	[sflag:s5] =	ssyncadd.s32 $0xFFFFFC00  }
0x26: {  	[spmem:s2] =	stream.indirect.scatter.add.f32 [tilespmem:s6], [sflag:$0x1], $0x1, s3, s6, $0xb8;
	[tilespmem:$0xA80] =	vst v63  }
0x27: {  	_ =	swait.ge [sflag:s5], $0x400  }
0x28: {  	s22 =	sadd.s32 $0x180, s19;
	[sflag:s5] =	ssyncset.done $0x0  }
0x29: {  	s13 =	sadd.s32 s14, s22;
	[sflag:s5] =	ssyncadd.s32 $0xFFFFFC00  }
0x2a: {  	[tilespmem:s3], [sflag:$0x1] =	stream.linear.gather [hbm4b:s13+s3], $0x400, $0x38;
	[tilespmem:$0xA80] =	vst v63  }
0x2b: {  	_ =	swait.ge [sflag:s5], $0x400  }
0x2c: {  	[sflag:s5] =	ssyncset.done $0x0  }
0x2d: {  	[sflag:s5] =	ssyncadd.s32 $0xFFFFFC00  }
0x2e: {  	[spmem:s2] =	stream.indirect.scatter.add.f32 [tilespmem:s6], [sflag:$0x1], $0x1, s3, s6, $0xb8;
	[tilespmem:$0xA80] =	vst v63  }
0x2f: {  	_ =	swait.ge [sflag:s5], $0x400  }
0x30: {  	s25 =	sadd.s32 $0x200, s19;
	[sflag:s5] =	ssyncset.done $0x0  }
0x31: {  	s14 =	sadd.s32 s14, s25;
	[sflag:s5] =	ssyncadd.s32 $0xFFFFFC00  }
0x32: {  	[tilespmem:s3], [sflag:$0x1] =	stream.linear.gather [hbm4b:s14+s3], $0x400, $0x38;
	[tilespmem:$0xA80] =	vst v63  }
0x33: {  	_ =	swait.ge [sflag:s5], $0x400  }
0x34: {  	[sflag:s5] =	ssyncset.done $0x0  }
0x35: {  	s15 =	smul.u32 $0x500, s1;
	[sflag:s5] =	ssyncadd.s32 $0xFFFFFC00  }
0x36: {  	[spmem:s2] =	stream.indirect.scatter.add.f32 [tilespmem:s6], [sflag:$0x1], $0x1, s3, s6, $0xb8;
	[tilespmem:$0xA80] =	vst v63  }
0x37: {  	s16 =	sshll.u32 s24, $0x7;
	_ =	swait.ge [sflag:s5], $0x400  }
0x38: {  	s26 =	sor.u32 s16, s15;
	[sflag:s5] =	ssyncset.done $0x0  }
0x39: {  	s17 =	simm.s32 $0x10;
	s15 =	sshrl.u32 s26, $0x3;
	[sflag:s5] =	ssyncadd.s32 $0xFFFFFC00  }
0x3a: {  	s16 =	simm.s32 $0x20;
	s15 =	sadd.s32 s23, s15;
	[bflag:$0x0] =	sbarrier.arrive $0xFFFF  }
0x3b: {  	[hbm:s15@s16], [sflag:s9] =	dma.strided [spmem:s8@s17], $0x50, s5, $0x10   }
0x3c: {  	_ =	swait.ge [sflag:s5], $0x50  }
0x3d: {  	[sflag:s5] =	ssyncset.done $0x0  }
0x3e: {  	[sflag:s5] =	ssyncadd.s32 $0xFFFFFFB0  }
0x3f: {  	[spmem:s8], [sflag:s9] =	dma.local [hbm:s7], $0x50  }
0x40: {  	_ =	swait.ge [sflag:s5], $0x50  }
0x41: {  	[sflag:s5] =	ssyncset.done $0x0  }
0x42: {  	s28 =	sadd.s32 $0x9800, s18;
	[sflag:s5] =	ssyncadd.s32 $0xFFFFFFB0  }
0x43: {  	s18 =	sadd.s32 s28, s19;
	[bflag:$0x0] =	sbarrier.arrive $0xFFFF  }
0x44: {  	[tilespmem:s3], [sflag:$0x1] =	stream.linear.gather [hbm4b:s18+s3], $0x400, $0x38;
	[tilespmem:$0xA80] =	vst v63  }
0x45: {  	_ =	swait.ge [sflag:s5], $0x400  }
0x46: {  	[sflag:s5] =	ssyncset.done $0x0  }
0x47: {  	[sflag:s5] =	ssyncadd.s32 $0xFFFFFC00  }
0x48: {  	[spmem:s2] =	stream.indirect.scatter.add.f32 [tilespmem:s6], [sflag:$0x1], $0x1, s3, s6, $0xb8;
	[tilespmem:$0xA80] =	vst v63  }
0x49: {  	_ =	swait.ge [sflag:s5], $0x400  }
0x4a: {  	[sflag:s5] =	ssyncset.done $0x0  }
0x4b: {  	s19 =	sadd.s32 s28, s20;
	[sflag:s5] =	ssyncadd.s32 $0xFFFFFC00  }
0x4c: {  	[tilespmem:s3], [sflag:$0x1] =	stream.linear.gather [hbm4b:s19+s3], $0x400, $0x38;
	[tilespmem:$0xA80] =	vst v63  }
0x4d: {  	_ =	swait.ge [sflag:s5], $0x400  }
0x4e: {  	[sflag:s5] =	ssyncset.done $0x0  }
0x4f: {  	[sflag:s5] =	ssyncadd.s32 $0xFFFFFC00  }
0x50: {  	[spmem:s2] =	stream.indirect.scatter.add.f32 [tilespmem:s6], [sflag:$0x1], $0x1, s3, s6, $0xb8;
	[tilespmem:$0xA80] =	vst v63  }
0x51: {  	_ =	swait.ge [sflag:s5], $0x400  }
0x52: {  	[sflag:s5] =	ssyncset.done $0x0  }
0x53: {  	s20 =	sadd.s32 s28, s21;
	[sflag:s5] =	ssyncadd.s32 $0xFFFFFC00  }
0x54: {  	[tilespmem:s3], [sflag:$0x1] =	stream.linear.gather [hbm4b:s20+s3], $0x400, $0x38;
	[tilespmem:$0xA80] =	vst v63  }
0x55: {  	_ =	swait.ge [sflag:s5], $0x400  }
0x56: {  	[sflag:s5] =	ssyncset.done $0x0  }
0x57: {  	[sflag:s5] =	ssyncadd.s32 $0xFFFFFC00  }
0x58: {  	[spmem:s2] =	stream.indirect.scatter.add.f32 [tilespmem:s6], [sflag:$0x1], $0x1, s3, s6, $0xb8;
	[tilespmem:$0xA80] =	vst v63  }
0x59: {  	_ =	swait.ge [sflag:s5], $0x400  }
0x5a: {  	[sflag:s5] =	ssyncset.done $0x0  }
0x5b: {  	s21 =	sadd.s32 s28, s22;
	[sflag:s5] =	ssyncadd.s32 $0xFFFFFC00  }
0x5c: {  	[tilespmem:s3], [sflag:$0x1] =	stream.linear.gather [hbm4b:s21+s3], $0x400, $0x38;
	[tilespmem:$0xA80] =	vst v63  }
0x5d: {  	_ =	swait.ge [sflag:s5], $0x400  }
0x5e: {  	[sflag:s5] =	ssyncset.done $0x0  }
0x5f: {  	[sflag:s5] =	ssyncadd.s32 $0xFFFFFC00  }
0x60: {  	[spmem:s2] =	stream.indirect.scatter.add.f32 [tilespmem:s6], [sflag:$0x1], $0x1, s3, s6, $0xb8;
	[tilespmem:$0xA80] =	vst v63  }
0x61: {  	_ =	swait.ge [sflag:s5], $0x400  }
0x62: {  	[sflag:s5] =	ssyncset.done $0x0  }
0x63: {  	s22 =	sadd.s32 s28, s25;
	[sflag:s5] =	ssyncadd.s32 $0xFFFFFC00  }
0x64: {  	[tilespmem:s3], [sflag:$0x1] =	stream.linear.gather [hbm4b:s22+s3], $0x400, $0x38;
	[tilespmem:$0xA80] =	vst v63  }
0x65: {  	s24 =	ssub.s32 $0x2, s24;
	_ =	swait.ge [sflag:s5], $0x400  }
0x66: {  	s31 =	sshrl.u32 s24, $0x1;
	[sflag:s5] =	ssyncset.done $0x0  }
0x67: {  	s24 =	ssub.s32 s24, s31;
	[sflag:s5] =	ssyncadd.s32 $0xFFFFFC00  }
0x68: {  	[spmem:s2] =	stream.indirect.scatter.add.f32 [tilespmem:s6], [sflag:$0x1], $0x1, s3, s6, $0xb8;
	[tilespmem:$0xA80] =	vst v63  }
0x69: {  	s24 =	smax.u32 s24, $0x1;
	_ =	swait.ge [sflag:s5], $0x400  }
0x6a: {  	s30 =	sadd.s32 $0x5000, s26;
	p0 =	sne.s32 s24, $0x1;
	[sflag:s5] =	ssyncset.done $0x0  }
.Ltmp0:
0x6b: {  	s25 =	sshrl.u32 s30, $0x3;
	[sflag:s5] =	ssyncadd.s32 $0xFFFFFC00;
	(pc) =	sbr.rel @!p0 .LBB2_2-.Ltmp0, $4  }
0x6c: {  	s23 =	sadd.s32 s23, s25;
	[bflag:$0x0] =	sbarrier.arrive $0xFFFF  }
0x6d: {  	[hbm:s23@s16], [sflag:s9] =	dma.strided [spmem:s8@s17], $0x50, s5, $0x10   }
0x6e: {  	_ =	swait.ge [sflag:s5], $0x50  }
0x6f: {  	s24 =	sadd.s32 $0xFFFFFFFF, s24;
	[sflag:s5] =	ssyncset.done $0x0  }
.LBB2_1:
0x70: {  	p0 =	sne.s32 s24, $0x1;
	s24 =	sadd.s32 $0xFFFFFFFF, s24;
	[sflag:s5] =	ssyncadd.s32 $0xFFFFFFB0  }
0x71: {  	[tilespmem:s6], [sflag:$0x1] =	stream.linear.gather [hbm4b:s4+s3], $0x400, $0x38;
	[tilespmem:$0xA80] =	vst v63  }
0x72: {  	_ =	swait.ge [sflag:s5], $0x400  }
0x73: {  	[sflag:s5] =	ssyncset.done $0x0  }
0x74: {  	[sflag:s5] =	ssyncadd.s32 $0xFFFFFC00  }
0x75: {  	[spmem:s8], [sflag:s9] =	dma.local [hbm:s7], $0x50  }
0x76: {  	_ =	swait.ge [sflag:s5], $0x50  }
0x77: {  	[sflag:s5] =	ssyncset.done $0x0  }
0x78: {  	[sflag:s5] =	ssyncadd.s32 $0xFFFFFFB0  }
0x79: {  	[bflag:$0x0] =	sbarrier.arrive $0xFFFF  }
0x7a: {  	[tilespmem:s3], [sflag:$0x1] =	stream.linear.gather [hbm4b:s10+s3], $0x400, $0x38;
	[tilespmem:$0xA80] =	vst v63  }
0x7b: {  	_ =	swait.ge [sflag:s5], $0x400  }
0x7c: {  	[sflag:s5] =	ssyncset.done $0x0  }
0x7d: {  	[sflag:s5] =	ssyncadd.s32 $0xFFFFFC00  }
0x7e: {  	[spmem:s2] =	stream.indirect.scatter.add.f32 [tilespmem:s6], [sflag:$0x1], $0x1, s3, s6, $0xb8;
	[tilespmem:$0xA80] =	vst v63  }
0x7f: {  	_ =	swait.ge [sflag:s5], $0x400  }
0x80: {  	[sflag:s5] =	ssyncset.done $0x0  }
0x81: {  	[sflag:s5] =	ssyncadd.s32 $0xFFFFFC00  }
0x82: {  	[tilespmem:s3], [sflag:$0x1] =	stream.linear.gather [hbm4b:s11+s3], $0x400, $0x38;
	[tilespmem:$0xA80] =	vst v63  }
0x83: {  	_ =	swait.ge [sflag:s5], $0x400  }
0x84: {  	[sflag:s5] =	ssyncset.done $0x0  }
0x85: {  	[sflag:s5] =	ssyncadd.s32 $0xFFFFFC00  }
0x86: {  	[spmem:s2] =	stream.indirect.scatter.add.f32 [tilespmem:s6], [sflag:$0x1], $0x1, s3, s6, $0xb8;
	[tilespmem:$0xA80] =	vst v63  }
0x87: {  	_ =	swait.ge [sflag:s5], $0x400  }
0x88: {  	[sflag:s5] =	ssyncset.done $0x0  }
0x89: {  	[sflag:s5] =	ssyncadd.s32 $0xFFFFFC00  }
0x8a: {  	[tilespmem:s3], [sflag:$0x1] =	stream.linear.gather [hbm4b:s12+s3], $0x400, $0x38;
	[tilespmem:$0xA80] =	vst v63  }
0x8b: {  	_ =	swait.ge [sflag:s5], $0x400  }
0x8c: {  	[sflag:s5] =	ssyncset.done $0x0  }
0x8d: {  	[sflag:s5] =	ssyncadd.s32 $0xFFFFFC00  }
0x8e: {  	[spmem:s2] =	stream.indirect.scatter.add.f32 [tilespmem:s6], [sflag:$0x1], $0x1, s3, s6, $0xb8;
	[tilespmem:$0xA80] =	vst v63  }
0x8f: {  	_ =	swait.ge [sflag:s5], $0x400  }
0x90: {  	[sflag:s5] =	ssyncset.done $0x0  }
0x91: {  	[sflag:s5] =	ssyncadd.s32 $0xFFFFFC00  }
0x92: {  	[tilespmem:s3], [sflag:$0x1] =	stream.linear.gather [hbm4b:s13+s3], $0x400, $0x38;
	[tilespmem:$0xA80] =	vst v63  }
0x93: {  	_ =	swait.ge [sflag:s5], $0x400  }
0x94: {  	[sflag:s5] =	ssyncset.done $0x0  }
0x95: {  	[sflag:s5] =	ssyncadd.s32 $0xFFFFFC00  }
0x96: {  	[spmem:s2] =	stream.indirect.scatter.add.f32 [tilespmem:s6], [sflag:$0x1], $0x1, s3, s6, $0xb8;
	[tilespmem:$0xA80] =	vst v63  }
0x97: {  	_ =	swait.ge [sflag:s5], $0x400  }
0x98: {  	[sflag:s5] =	ssyncset.done $0x0  }
0x99: {  	[sflag:s5] =	ssyncadd.s32 $0xFFFFFC00  }
0x9a: {  	[tilespmem:s3], [sflag:$0x1] =	stream.linear.gather [hbm4b:s14+s3], $0x400, $0x38;
	[tilespmem:$0xA80] =	vst v63  }
0x9b: {  	_ =	swait.ge [sflag:s5], $0x400  }
0x9c: {  	[sflag:s5] =	ssyncset.done $0x0  }
0x9d: {  	[sflag:s5] =	ssyncadd.s32 $0xFFFFFC00  }
0x9e: {  	[spmem:s2] =	stream.indirect.scatter.add.f32 [tilespmem:s6], [sflag:$0x1], $0x1, s3, s6, $0xb8;
	[tilespmem:$0xA80] =	vst v63  }
0x9f: {  	_ =	swait.ge [sflag:s5], $0x400  }
0xa0: {  	[sflag:s5] =	ssyncset.done $0x0  }
0xa1: {  	[sflag:s5] =	ssyncadd.s32 $0xFFFFFC00  }
0xa2: {  	[bflag:$0x0] =	sbarrier.arrive $0xFFFF  }
0xa3: {  	[hbm:s15@s16], [sflag:s9] =	dma.strided [spmem:s8@s17], $0x50, s5, $0x10   }
0xa4: {  	_ =	swait.ge [sflag:s5], $0x50  }
0xa5: {  	[sflag:s5] =	ssyncset.done $0x0  }
0xa6: {  	[sflag:s5] =	ssyncadd.s32 $0xFFFFFFB0  }
0xa7: {  	[spmem:s8], [sflag:s9] =	dma.local [hbm:s7], $0x50  }
0xa8: {  	_ =	swait.ge [sflag:s5], $0x50  }
0xa9: {  	[sflag:s5] =	ssyncset.done $0x0  }
0xaa: {  	[sflag:s5] =	ssyncadd.s32 $0xFFFFFFB0  }
0xab: {  	[bflag:$0x0] =	sbarrier.arrive $0xFFFF  }
0xac: {  	[tilespmem:s3], [sflag:$0x1] =	stream.linear.gather [hbm4b:s18+s3], $0x400, $0x38;
	[tilespmem:$0xA80] =	vst v63  }
0xad: {  	_ =	swait.ge [sflag:s5], $0x400  }
0xae: {  	[sflag:s5] =	ssyncset.done $0x0  }
0xaf: {  	[sflag:s5] =	ssyncadd.s32 $0xFFFFFC00  }
0xb0: {  	[spmem:s2] =	stream.indirect.scatter.add.f32 [tilespmem:s6], [sflag:$0x1], $0x1, s3, s6, $0xb8;
	[tilespmem:$0xA80] =	vst v63  }
0xb1: {  	_ =	swait.ge [sflag:s5], $0x400  }
0xb2: {  	[sflag:s5] =	ssyncset.done $0x0  }
0xb3: {  	[sflag:s5] =	ssyncadd.s32 $0xFFFFFC00  }
0xb4: {  	[tilespmem:s3], [sflag:$0x1] =	stream.linear.gather [hbm4b:s19+s3], $0x400, $0x38;
	[tilespmem:$0xA80] =	vst v63  }
0xb5: {  	_ =	swait.ge [sflag:s5], $0x400  }
0xb6: {  	[sflag:s5] =	ssyncset.done $0x0  }
0xb7: {  	[sflag:s5] =	ssyncadd.s32 $0xFFFFFC00  }
0xb8: {  	[spmem:s2] =	stream.indirect.scatter.add.f32 [tilespmem:s6], [sflag:$0x1], $0x1, s3, s6, $0xb8;
	[tilespmem:$0xA80] =	vst v63  }
0xb9: {  	_ =	swait.ge [sflag:s5], $0x400  }
0xba: {  	[sflag:s5] =	ssyncset.done $0x0  }
0xbb: {  	[sflag:s5] =	ssyncadd.s32 $0xFFFFFC00  }
0xbc: {  	[tilespmem:s3], [sflag:$0x1] =	stream.linear.gather [hbm4b:s20+s3], $0x400, $0x38;
	[tilespmem:$0xA80] =	vst v63  }
0xbd: {  	_ =	swait.ge [sflag:s5], $0x400  }
0xbe: {  	[sflag:s5] =	ssyncset.done $0x0  }
0xbf: {  	[sflag:s5] =	ssyncadd.s32 $0xFFFFFC00  }
0xc0: {  	[spmem:s2] =	stream.indirect.scatter.add.f32 [tilespmem:s6], [sflag:$0x1], $0x1, s3, s6, $0xb8;
	[tilespmem:$0xA80] =	vst v63  }
0xc1: {  	_ =	swait.ge [sflag:s5], $0x400  }
0xc2: {  	[sflag:s5] =	ssyncset.done $0x0  }
0xc3: {  	[sflag:s5] =	ssyncadd.s32 $0xFFFFFC00  }
0xc4: {  	[tilespmem:s3], [sflag:$0x1] =	stream.linear.gather [hbm4b:s21+s3], $0x400, $0x38;
	[tilespmem:$0xA80] =	vst v63  }
0xc5: {  	_ =	swait.ge [sflag:s5], $0x400  }
0xc6: {  	[sflag:s5] =	ssyncset.done $0x0  }
0xc7: {  	[sflag:s5] =	ssyncadd.s32 $0xFFFFFC00  }
0xc8: {  	[spmem:s2] =	stream.indirect.scatter.add.f32 [tilespmem:s6], [sflag:$0x1], $0x1, s3, s6, $0xb8;
	[tilespmem:$0xA80] =	vst v63  }
0xc9: {  	_ =	swait.ge [sflag:s5], $0x400  }
0xca: {  	[sflag:s5] =	ssyncset.done $0x0  }
0xcb: {  	[sflag:s5] =	ssyncadd.s32 $0xFFFFFC00  }
0xcc: {  	[tilespmem:s3], [sflag:$0x1] =	stream.linear.gather [hbm4b:s22+s3], $0x400, $0x38;
	[tilespmem:$0xA80] =	vst v63  }
0xcd: {  	_ =	swait.ge [sflag:s5], $0x400  }
0xce: {  	[sflag:s5] =	ssyncset.done $0x0  }
0xcf: {  	[sflag:s5] =	ssyncadd.s32 $0xFFFFFC00  }
0xd0: {  	[spmem:s2] =	stream.indirect.scatter.add.f32 [tilespmem:s6], [sflag:$0x1], $0x1, s3, s6, $0xb8;
	[tilespmem:$0xA80] =	vst v63  }
0xd1: {  	_ =	swait.ge [sflag:s5], $0x400  }
0xd2: {  	[sflag:s5] =	ssyncset.done $0x0  }
.Ltmp1:
0xd3: {  	[sflag:s5] =	ssyncadd.s32 $0xFFFFFC00;
	(pc) =	sbr.rel @p0 .LBB2_1-.Ltmp1, $4  }
0xd4: {  	[bflag:$0x0] =	sbarrier.arrive $0xFFFF  }
0xd5: {  	[hbm:s23@s16], [sflag:s9] =	dma.strided [spmem:s8@s17], $0x50, s5, $0x10   }
0xd6: {  	_ =	swait.ge [sflag:s5], $0x50  }
0xd7: {  	[sflag:s5] =	ssyncset.done $0x0  }
.LBB2_2:
0xd8: {  	[sflag:s5] =	ssyncadd.s32 $0xFFFFFFB0  }
0xd9: {  	_ =	sfence.sel $0x180000  }
0xda: {  	[bflag:$0x0] =	sbarrier.arrive $0xFFFF  }
0xdb: {  	p0 =	sne.s32 s1, $0x0;
	_ =	strace $0x90000047  }
0xdc: {  	s0 =	sadd.s32 @!p0 $0x100000, s0;
	[bflag:$0x2] =	sbarrier.arrive $0xFFFF  }
0xdd: {  	[sflag:s0] =	ssyncadd.tile.s32 @!p0 $0x1;
	_ =	shalt  }
.Lfunc_end2:
_tile_overlayer_lowered:
.L_overlay_start_2:
0xde: {  	(tag) =	ssettag $0x2  }
0xdf: {  	s0 =	rddreg [dreg:$0x0];
	s2 =	stileid.u32  }
0xe0: {  	s1 =	rddreg [dreg:$0x1];
	p0 =	sne.s32 s2, $0x0  }
0xe1: {  	s3 =	rddreg [dreg:$0x2];
	[bflag:$0x3] =	sbarrier.arrive $0xFFFF;
	s2 =	simm.s32 @!p0 $0x1C01  }
0xe2: {  	[timem:s3], [sflag:s2] =	dma.local @!p0 [hbm:s0], s1  }
0xe3: {  	s0 =	simm.s32 @!p0 $0x1  }
0xe4: {  	_ =	swait.ge @!p0 [sflag:s0], s1  }
0xe5: {  	s1 =	ssub.s32 @!p0 $0x0, s1;
	[sflag:s0] =	ssyncset.done @!p0 $0x0  }
0xe6: {  	[sflag:s0] =	ssyncadd.s32 @!p0 s1  }
0xe7: {  	[bflag:$0x3] =	sbarrier.arrive $0xFFFF  }
0xe8: {  	_ =	shalt  }

// kernel: kernel.15.cloned.1.call-start
scs
__scs_entry_jumppad:
0x0: {  	(pc) =	sbr.rel $0x88, $3  }
0x1: {  	(tag) =	ssettag $0x0;
	lr =	simm.s32 $0x1  }
0x2: {  	[smem:$0x3F8A] =	sst lr;
	_ =	strace $0xD0000000  }
0x3: {  	_ = 	snop  }
0x4: {  	_ = 	snop  }
0x5: {  	_ = 	snop  }
0x6: {  	_ = 	snop  }
0x7: {  	_ = 	snop  }
__scs_overlays_trampoline_lowered:
0x8: {  	[smem:$0x3F99] =	sst s0  }
0x9: {  	[smem:$0x3F9A] =	sst s1  }
0xa: {  	[smem:$0x3F9B] =	sst s2  }
0xb: {  	[smem:$0x3F9C] =	sst s3  }
0xc: {  	[smem:$0x3F9D] =	sst s4  }
0xd: {  	[smem:$0x3F9E] =	sst s5  }
0xe: {  	[smem:$0x3F9F] =	sst s6  }
0xf: {  	[smem:$0x3FA0] =	sst s7  }
0x10: {  	[smem:$0x3FA1] =	sst s8  }
0x11: {  	[smem:$0x3FA2] =	sst s9;
	s0 =	simm.s32 @!p0 $0x0  }
0x12: {  	s1 =	sld [smem:$0x3F88];
	s0 =	simm.s32 @p0 $0x1  }
0x13: {  	[smem:$0x3FA3] =	sst s0;
	s0 =	simm.s32 @!p1 $0x0  }
0x14: {  	s2 =	sld [smem:$0x3F87];
	s0 =	simm.s32 @p1 $0x1  }
0x15: {  	[smem:$0x3FA4] =	sst s0;
	s0 =	simm.s32 @!p2 $0x0  }
0x16: {  	s3 =	sld [smem:$0x3FDB];
	s0 =	simm.s32 @p2 $0x1  }
0x17: {  	s4 =	simm.s32 $0x1BF5;
	[smem:$0x3FA6] =	sst s0  }
0x18: {  	s0 =	sld [smem:$0x3F89];
	_ =	swait.ge [sflag:s4], $0x0  }
0x19: {  	s7 =	sld [smem:$0x3F8A]  }
0x1a: {  	s8 =	sadd.s32 $0xFFFFE003, lr  }
0x1b: {  	s9 =	sadd.s32 $0xFFFFFEF7, lr;
	s5 =	simm.s32 $0xFFFFFFFF;
	p2 =	slt.u32 s8, $0xFFFFF086  }
0x1c: {  	p1 =	slt.u32 s9, $0xF7A;
	s5 =	simm.s32 @!p2 $0x0  }
0x1d: {  	s5 =	simm.s32 @p1 $0x1;
	p0 =	seq.s32 s7, s2  }
0x1e: {  	s7 =	smul.u32 @!p0 $0xF7A, s2;
	p2 =	seq.s32 @!p0 s5, $0x0  }
0x1f: {  	s9 =	smul.u32 $0xF7A, s1;
	s8 =	simm.s32 @!p0 $0x1BF5;
	p2 =	por !p2, p0  }
0x20: {  	[sflag:s8] =	ssyncset.s32 @!p0 $0xFFFFF086;
	s6 =	sadd.s32 @!p0 s3, s7;
	s7 =	simm.s32 @!p0 $0x108  }
0x21: {  	s3 =	sadd.s32 s3, s9;
	s6 =	sadd.s32 @!p0 $0x88, s6;
	s7 =	simm.s32 @p2 $0x1082  }
0x22: {  	[simem:s7], [sflag:s8] =	dma.local @!p0 [hbm:s6], $0xF7A  }
0x23: {  	s9 =	sor.u32 $0xD0000000, s2;
	s6 =	simm.s32 $0x108;
	_ =	swait.ge @!p0 [sflag:s8], $0x0  }
0x24: {  	s3 =	sadd.s32 $0x88, s3;
	s6 =	simm.s32 @!p1 $0x1082;
	[sflag:s4] =	ssyncset.s32 $0xFFFFF086  }
0x25: {  	[simem:s6], [sflag:s4] =	dma.local [hbm:s3], $0xF7A  }
0x26: {  	[smem:$0x3F8A] =	sst s1;
	(tag) =	ssettag s2;
	_ =	strace s9  }
0x27: {  	s1 =	sld [smem:$0x3F9A]  }
0x28: {  	s2 =	sld [smem:$0x3F9B]  }
0x29: {  	s4 =	sld [smem:$0x3F9D]  }
0x2a: {  	p0 =	seq.s32 s5, $0x0;
	s5 =	sld [smem:$0x3F9E]  }
0x2b: {  	s6 =	sld [smem:$0x3F9F]  }
0x2c: {  	s7 =	sld [smem:$0x3FA0]  }
0x2d: {  	s3 =	simm.s32 $0x108;
	s8 =	sld [smem:$0x3FA1]  }
0x2e: {  	s3 =	simm.s32 @!p0 $0x1082;
	s9 =	sld [smem:$0x3FA2]  }
0x2f: {  	lr =	sadd.s32 s0, s3;
	s0 =	sld [smem:$0x3F99]  }
0x30: {  	s3 =	sld [smem:$0x3F9C]  }
0x31: {  	[smem:$0x3FA5] =	sst s10  }
0x32: {  	s10 =	sld [smem:$0x3FA3];
	_ =	sdelay $0x3  }
0x33: {  	p0 =	seq.s32 s10, $0x1;
	s10 =	sld [smem:$0x3FA5];
	_ =	sdelay $0x3  }
0x34: {  	[smem:$0x3FA5] =	sst s10  }
0x35: {  	s10 =	sld [smem:$0x3FA4];
	_ =	sdelay $0x3  }
0x36: {  	p1 =	seq.s32 s10, $0x1;
	s10 =	sld [smem:$0x3FA5];
	_ =	sdelay $0x3  }
0x37: {  	[smem:$0x3FA5] =	sst s10  }
0x38: {  	s10 =	sld [smem:$0x3FA6]  }
0x39: {  	_ = 	snop;
	(pc) =	sbr.ind lr, $3  }
0x3a: {  	_ = 	snop  }
0x3b: {  	_ = 	snop  }
0x3c: {  	p2 =	seq.s32 s10, $0x1;
	s10 =	sld [smem:$0x3FA5]  }
0x3d: {  	_ =	shalt  }
0x3e: {  	_ =	shalt  }
0x3f: {  	_ =	shalt  }
0x40: {  	_ =	shalt  }
0x41: {  	_ =	shalt  }
0x42: {  	_ =	shalt  }
0x43: {  	_ =	shalt  }
0x44: {  	_ =	shalt  }
0x45: {  	_ =	shalt  }
0x46: {  	_ =	shalt  }
0x47: {  	_ =	shalt  }
0x48: {  	_ =	shalt  }
0x49: {  	_ =	shalt  }
0x4a: {  	_ =	shalt  }
0x4b: {  	_ =	shalt  }
0x4c: {  	_ =	shalt  }
0x4d: {  	_ =	shalt  }
0x4e: {  	_ =	shalt  }
0x4f: {  	_ =	shalt  }
0x50: {  	_ =	shalt  }
0x51: {  	_ =	shalt  }
0x52: {  	_ =	shalt  }
0x53: {  	_ =	shalt  }
0x54: {  	_ =	shalt  }
0x55: {  	_ =	shalt  }
0x56: {  	_ =	shalt  }
0x57: {  	_ =	shalt  }
0x58: {  	_ =	shalt  }
0x59: {  	_ =	shalt  }
0x5a: {  	_ =	shalt  }
0x5b: {  	_ =	shalt  }
0x5c: {  	_ =	shalt  }
0x5d: {  	_ =	shalt  }
0x5e: {  	_ =	shalt  }
0x5f: {  	_ =	shalt  }
0x60: {  	_ =	shalt  }
0x61: {  	_ =	shalt  }
0x62: {  	_ =	shalt  }
0x63: {  	_ =	shalt  }
0x64: {  	_ =	shalt  }
0x65: {  	_ =	shalt  }
0x66: {  	_ =	shalt  }
0x67: {  	_ =	shalt  }
0x68: {  	_ =	shalt  }
0x69: {  	_ =	shalt  }
0x6a: {  	_ =	shalt  }
0x6b: {  	_ =	shalt  }
0x6c: {  	_ =	shalt  }
0x6d: {  	_ =	shalt  }
0x6e: {  	_ =	shalt  }
0x6f: {  	_ =	shalt  }
0x70: {  	_ =	shalt  }
0x71: {  	_ =	shalt  }
0x72: {  	_ =	shalt  }
0x73: {  	_ =	shalt  }
0x74: {  	_ =	shalt  }
0x75: {  	_ =	shalt  }
0x76: {  	_ =	shalt  }
0x77: {  	_ =	shalt  }
0x78: {  	_ =	shalt  }
0x79: {  	_ =	shalt  }
0x7a: {  	_ =	shalt  }
0x7b: {  	_ =	shalt  }
0x7c: {  	_ =	shalt  }
0x7d: {  	_ =	shalt  }
0x7e: {  	_ =	shalt  }
0x7f: {  	_ =	shalt  }
0x80: {  	_ =	shalt  }
0x81: {  	_ =	shalt  }
0x82: {  	_ =	shalt  }
0x83: {  	_ =	shalt  }
0x84: {  	_ =	shalt  }
0x85: {  	_ =	shalt  }
0x86: {  	_ =	shalt  }
0x87: {  	_ =	shalt  }
.Lfunc_end0:
.L_simem_size_0:
called_computation.1_lowered:
.L_overlay_start_0:
0x88: {  	s2 =	sld [smem:$0x3FD9]  }
0x89: {  	s3 =	sld [smem:$0x3FFE];
	_ =	sdelay $0x1  }
0x8a: {  	s1 =	srdreg.scid  }
0x8b: {  	s0 =	sand.u32 $0x1, s1  }
0x8c: {  	s16 =	sshll.u32 s0, $0xA;
	s2 =	sadd.s32 s3, s2  }
0x8d: {  	s2 =	sadd.s32 s2, s16  }
0x8e: {  	[smem:$0x3FB1] =	sst s2  }
0x8f: {  	_ = 	snop  }
0x90: {  	(tm) =	ssettm $0x1  }
0x91: {  	s17 =	sld [smem:$0x3FFB];
	_ =	sdelay $0x3  }
0x92: {  	_ =	strace s17  }
0x93: {  	s2 =	sld [smem:$0x3FFC];
	_ =	sdelay $0x3  }
0x94: {  	_ =	strace s2  }
0x95: {  	s2 =	sld [smem:$0x3FFD];
	_ =	sdelay $0x3  }
0x96: {  	_ =	strace s2  }
0x97: {  	_ =	strace $0x8FFFFFFF  }
0x98: {  	s18 =	sld [smem:$0x3FDB];
	_ =	sdelay $0x1  }
0x99: {  	s19 =	simm.s32 $_scs_section_size  }
0x9a: {  	s4 =	simm.s32 $_size__tile_overlayer_lowered;
	s5 =	simm.s32 $_tile_overlayer_lowered  }
0x9b: {  	s22 =	simm.s32 $0x1BFF;
	s21 =	sshll.u32 s5, $0x1;
	s2 =	sadd.s32 s19, s18  }
0x9c: {  	s6 =	simm.s32 $0x0;
	s20 =	sshll.u32 s4, $0x1;
	s4 =	sadd.s32 s21, s2  }
0x9d: {  	[timem:s6], [sflag:s22] =	dma.local [hbm:s4], s20  }
0x9e: {  	_ =	swait.ge [sflag:s22], s20  }
0x9f: {  	s3 =	ssub.s32 $0x0, s20;
	[sflag:s22] =	ssyncset.done $0x0  }
0xa0: {  	[sflag:s22] =	ssyncadd.s32 s3;
	_ =	sdelay $0x1  }
0xa1: {  	s23 =	simm.s32 $0x1B8B  }
0xa2: {  	_ =	swait.ge [sflag:s23], $0x1  }
0xa3: {  	[sflag:s23] =	ssyncset.done $0x0  }
0xa4: {  	s25 =	simm.s32 $0x1B8E;
	s24 =	sld [smem:$0x3FFE];
	[sflag:s23] =	ssyncadd.s32 $0xFFFFFFFF  }
0xa5: {  	s26 =	simm.s32 $execute0_lowered;
	[smem:$0x3FD2] =	sst s25  }
0xa6: {  	s4 =	sshll.u32 s26, $0x1;
	_ =	strace $0x80000049;
	[dreg:$0x1] =	wrdreg $0xFFFFFFFF  }
0xa7: {  	s28 =	simm.s32 $_size_execute0_lowered;
	s2 =	sadd.s32 s2, s4;
	[dreg:$0x0] =	wrdreg $0x0  }
0xa8: {  	s4 =	sshll.u32 s28, $0x1;
	[dreg:$0x2] =	wrdreg s2  }
0xa9: {  	[dreg:$0x3] =	wrdreg s4  }
0xaa: {  	[dreg:$0x4] =	wrdreg $0xC0  }
0xab: {  	_ =	task [dreg:s6], $0x5FFFF  }
0xac: {  	[dreg:$0x1] =	wrdreg $0xFFFFFFFF  }
0xad: {  	[dreg:$0x0] =	wrdreg $0x60  }
0xae: {  	[dreg:$0x2] =	wrdreg s24  }
0xaf: {  	[dreg:$0x3] =	wrdreg $0x82000  }
0xb0: {  	[dreg:$0x4] =	wrdreg $0xA  }
0xb1: {  	_ =	task.clear_ibuf [dreg:s6], $0x5FFFF;
	_ =	strace $0x90000049  }
0xb2: {  	s29 =	simm.s32 $0xA;
	_ =	strace $0x8000004B  }
0xb3: {  	_ =	swait.ge [sflag:s29], $0x1  }
0xb4: {  	[sflag:s29] =	ssyncadd.s32 $0xFFFFFFFF  }
0xb5: {  	_ =	strace $0x9000004B  }
0xb6: {  	_ =	sfence  }
0xb7: {  	s30 =	sld [smem:$0x0];
	_ =	sdelay $0x2  }
0xb8: {  	s31 =	sshll.u32 s1, $0xD;
	s1 =	sshrl.u32 s1, $0x2  }
0xb9: {  	s3 =	sand.u32 $0x4000, s31;
	s1 =	sadd.s32 s1, s30  }
0xba: {  	s0 =	sor.u32 s3, s0;
	s1 =	sshll.u32 s1, $0x11  }
0xbb: {  	s0 =	sor.u32 s1, s0  }
0xbc: {  	s0 =	sadd.s32 $0x8F2B, s0  }
0xbd: {  	[sflag:s0] =	ssyncadd.remote.s32 $0x1  }
0xbe: {  	_ =	sfence.sel $0xFFFF  }
0xbf: {  	[dreg:$0x0] =	wrdreg $0xFFFFFFFF;
	(pc) =	sbr.abs _section_cstart, $3  }
0xc0: {  	[dreg:$0x1] =	wrdreg $0xFFFFFFFF  }
0xc1: {  	_ =	task.clear_ibuf [dreg:s6], $0x2FFFF;
	_ =	strace $0x9FFFFFFF  }
0xc2: {  	(tm) =	ssettm $0x7FFFFFFF  }
0xc3: {  	_ =	shalt  }
tec
execute0_lowered:
.L_overlay_start_1:
0x0: {  	(tag) =	ssettag $0x1  }
0x1: {  	s0 =	rddreg [dreg:$0x0]  }
0x2: {  	s2 =	rddreg [dreg:$0x1];
	s3 =	simm.s32 $0x0;
	s1 =	stileid.u32  }
0x3: {  	s4 =	srdreg.scid;
	s19 =	simm.s32 $0x80;
	s6 =	smul.u32 $0x14000, s1  }
0x4: {  	s20 =	simm.s32 $0x200;
	[smem:$0x7FF] =	sst s3;
	s10 =	smul.u32 $0x50000, s1  }
0x5: {  	s7 =	sand.u32 $0x1, s4;
	s4 =	sadd.s32 $0xF000, s0;
	s11 =	smul.u32 $0x2800, s1  }
0x6: {  	s13 =	sadd.s32 $0x4800, s0;
	s5 =	sadd.s32 $0x19000, s0;
	s24 =	smul.u32 $0x5000, s1  }
0x7: {  	s26 =	sshll.u32 s1, $0x6;
	s18 =	smul.u32 $0x500, s1;
	_ =	strace $0x8000004A  }
0x8: {  	s8 =	smul.u32 $0x140000, s7;
	s21 =	ssub.s32 $0x2, s7;
	s25 =	sshll.u32 s7, $0x7  }
0x9: {  	s7 =	sor.u32 $0x1C03, s26;
	s26 =	simm.s32 $0x0;
	s9 =	sshrl.u32 s6, $0x3  }
0xa: {  	s22 =	sshrl.u32 s21, $0x1;
	s23 =	sshrl.u32 s10, $0x2;
	s16 =	sor.u32 s25, s24  }
0xb: {  	s28 =	sadd.s32 $0x2780, s11;
	s11 =	sshrl.u32 s11, $0x3;
	s29 =	sadd.s32 s18, s13  }
0xc: {  	s18 =	simm.s32 $0x3;
	s24 =	simm.s32 $0x1;
	s9 =	sadd.s32 s9, s0  }
0xd: {  	s6 =	sadd.s32 s6, s8;
	s14 =	ssub.s32 s21, s22;
	s17 =	sadd.s32 s23, s2  }
0xe: {  	s8 =	sshrl.u32 s16, $0x3;
	s12 =	sshll.u32 s28, $0x1;
	s15 =	sshrl.u32 s28, $0x3  }
0xf: {  	s30 =	sor.u32 $0x100, s16;
	s16 =	sor.u32 $0x200, s16;
	s21 =	simm.s32 $0x100  }
0x10: {  	s22 =	simm.s32 $0x180;
	s23 =	simm.s32 $0x4200;
	s6 =	sshrl.u32 s6, $0x3  }
0x11: {  	s8 =	sadd.s32 s4, s8;
	s31 =	sshrl.u32 s30, $0x3;
	s17 =	sshrl.u32 s17, $0x3  }
0x12: {  	s0 =	sadd.s32 s6, s0;
	s6 =	sadd.s32 $0xDC600, s9;
	s9 =	sor.u32 s25, s12  }
0x13: {  	s25 =	simm.s32 $0x2;
	s12 =	sshrl.u32 s9, $0x3;
	s9 =	sadd.s32 s13, s11  }
0x14: {  	s11 =	sadd.s32 s13, s15;
	s13 =	smax.u32 s14, $0x1;
	s14 =	sadd.s32 $0x10, s29  }
0x15: {  	s15 =	sadd.s32 s31, s4;
	s10 =	sadd.s32 s4, s12;
	s12 =	sadd.s32 $0x104600, s0  }
.LBB2_1:
0x16: {  	[spmem:s17], [sflag:s7] =	dma.local [hbm:s6], $0x2800  }
0x17: {  	_ =	swait.ge [sflag:s18], $0x2800  }
0x18: {  	[sflag:s18] =	ssyncset.done $0x0  }
0x19: {  	[sflag:s18] =	ssyncadd.s32 $0xFFFFD800  }
0x1a: {  	[bflag:$0x0] =	sbarrier.arrive $0xFFFF  }
0x1b: {  	[tilespmem:s3], [sflag:$0x3] =	stream.linear.gather [hbm4b:s8+s3], $0x80, $0x38;
	[tilespmem:$0x1C200] =	vst v63  }
0x1c: {  	_ =	swait.ge [sflag:s18], $0x80  }
0x1d: {  	[sflag:s18] =	ssyncset.done $0x0  }
0x1e: {  	[sflag:s18] =	ssyncadd.s32 $0xFFFFFF80  }
0x1f: {  	[tilespmem:s19], [sflag:$0x3] =	stream.linear.gather [hbm4b:s9+s3], $0x80, $0x38;
	[tilespmem:$0x1C200] =	vst v63  }
0x20: {  	_ =	swait.ge [sflag:s18], $0x80  }
0x21: {  	[sflag:s18] =	ssyncset.done $0x0  }
0x22: {  	[sflag:s18] =	ssyncadd.s32 $0xFFFFFF80  }
0x23: {  	[tilespmem:s20], [sflag:$0x1] =	stream.indirect.gather [hbm4b:s5+s19], $0x80, s3, s19, $0xb8;
	[tilespmem:$0x1C200] =	vst v63  }
0x24: {  	s0 =	sadd.s32 $0x0, s15  }
0x25: {  	[tilespmem:s21], [sflag:$0x3] =	stream.linear.gather [hbm4b:s0+s3], $0x80, $0x38;
	[tilespmem:$0x1C200] =	vst v63  }
0x26: {  	_ =	swait.ge [sflag:s18], $0x80  }
0x27: {  	[sflag:s18] =	ssyncset.done $0x0  }
0x28: {  	[sflag:s18] =	ssyncadd.s32 $0xFFFFFF80  }
0x29: {  	[tilespmem:s22], [sflag:$0x3] =	stream.linear.gather [hbm4b:s14+s3], $0x80, $0x38;
	[tilespmem:$0x1C200] =	vst v63  }
0x2a: {  	_ =	swait.ge [sflag:s18], $0x80  }
0x2b: {  	[sflag:s18] =	ssyncset.done $0x0  }
0x2c: {  	[sflag:s18] =	ssyncadd.s32 $0xFFFFFF80  }
0x2d: {  	[tilespmem:s23], [sflag:$0x2] =	stream.indirect.gather [hbm4b:s5+s19], $0x80, s21, s19, $0xb8;
	[tilespmem:$0x1C200] =	vst v63  }
0x2e: {  	_ =	swait.ge [sflag:s24], $0x4000  }
0x2f: {  	[sflag:s24] =	ssyncset.done $0x0  }
0x30: {  	[sflag:s24] =	ssyncadd.s32 $0xFFFFC000  }
0x31: {  	[spmem:s2] =	stream.indirect.scatter.add.f32 [tilespmem:s20], [sflag:$0x3], $0x80, s19, s19, $0xb8;
	[tilespmem:$0x1C200] =	vst v63  }
0x32: {  	_ =	swait.ge [sflag:s18], $0x4000  }
0x33: {  	s1 =	sshrl.u32 s16, $0x3;
	[sflag:s18] =	ssyncset.done $0x0  }
0x34: {  	s0 =	sadd.s32 s4, s1;
	[sflag:s18] =	ssyncadd.s32 $0xFFFFC000  }
0x35: {  	[tilespmem:s3], [sflag:$0x3] =	stream.linear.gather [hbm4b:s0+s3], $0x80, $0x38;
	[tilespmem:$0x1C200] =	vst v63  }
0x36: {  	_ =	swait.ge [sflag:s18], $0x80  }
0x37: {  	[sflag:s18] =	ssyncset.done $0x0  }
0x38: {  	s1 =	sadd.s32 $0x10, s14;
	[sflag:s18] =	ssyncadd.s32 $0xFFFFFF80  }
0x39: {  	[tilespmem:s19], [sflag:$0x3] =	stream.linear.gather [hbm4b:s1+s3], $0x80, $0x38;
	[tilespmem:$0x1C200] =	vst v63  }
0x3a: {  	_ =	swait.ge [sflag:s18], $0x80  }
0x3b: {  	[sflag:s18] =	ssyncset.done $0x0  }
0x3c: {  	[sflag:s18] =	ssyncadd.s32 $0xFFFFFF80  }
0x3d: {  	[tilespmem:s20], [sflag:$0x1] =	stream.indirect.gather [hbm4b:s5+s19], $0x80, s3, s19, $0xb8;
	[tilespmem:$0x1C200] =	vst v63  }
0x3e: {  	_ =	swait.ge [sflag:s25], $0x4000  }
0x3f: {  	[sflag:s25] =	ssyncset.done $0x0  }
0x40: {  	[sflag:s25] =	ssyncadd.s32 $0xFFFFC000  }
0x41: {  	[spmem:s2] =	stream.indirect.scatter.add.f32 [tilespmem:s23], [sflag:$0x3], $0x80, s22, s19, $0xb8;
	[tilespmem:$0x1C200] =	vst v63  }
0x42: {  	s30 =	simm.s32 $0x40;
	s31 =	simm.s32 $0x80;
	_ =	swait.ge [sflag:s18], $0x4000  }
0x43: {  	s28 =	sadd.s32 $0x20, s14;
	s29 =	sadd.s32 $0x200, s16;
	[sflag:s18] =	ssyncset.done $0x0  }
.LBB2_2:
0x44: {  	s1 =	sadd.s32 s30, s15  }
0x45: {  	[sflag:s18] =	ssyncadd.s32 $0xFFFFC000;
	s30 =	smov.u32 s31;
	s0 =	sadd.s32 $0x40, s31  }
0x46: {  	[tilespmem:s21], [sflag:$0x3] =	stream.linear.gather [hbm4b:s1+s3], $0x80, $0x38;
	[tilespmem:$0x1C200] =	vst v63  }
0x47: {  	p0 =	sne.s32 s31, $0x980;
	_ =	swait.ge [sflag:s18], $0x80  }
0x48: {  	[sflag:s18] =	ssyncset.done $0x0  }
0x49: {  	[sflag:s18] =	ssyncadd.s32 $0xFFFFFF80  }
0x4a: {  	[tilespmem:s22], [sflag:$0x3] =	stream.linear.gather [hbm4b:s28+s3], $0x80, $0x38;
	[tilespmem:$0x1C200] =	vst v63  }
0x4b: {  	_ =	swait.ge [sflag:s18], $0x80  }
0x4c: {  	[sflag:s18] =	ssyncset.done $0x0  }
0x4d: {  	[sflag:s18] =	ssyncadd.s32 $0xFFFFFF80  }
0x4e: {  	[tilespmem:s23], [sflag:$0x2] =	stream.indirect.gather [hbm4b:s5+s19], $0x80, s21, s19, $0xb8;
	[tilespmem:$0x1C200] =	vst v63  }
0x4f: {  	_ =	swait.ge [sflag:s24], $0x4000  }
0x50: {  	[sflag:s24] =	ssyncset.done $0x0  }
0x51: {  	[sflag:s24] =	ssyncadd.s32 $0xFFFFC000  }
0x52: {  	[spmem:s2] =	stream.indirect.scatter.add.f32 [tilespmem:s20], [sflag:$0x3], $0x80, s19, s19, $0xb8;
	[tilespmem:$0x1C200] =	vst v63  }
0x53: {  	_ =	swait.ge [sflag:s18], $0x4000  }
0x54: {  	s1 =	sshrl.u32 s29, $0x3;
	[sflag:s18] =	ssyncset.done $0x0  }
0x55: {  	s1 =	sadd.s32 s4, s1;
	[sflag:s18] =	ssyncadd.s32 $0xFFFFC000  }
0x56: {  	[tilespmem:s3], [sflag:$0x3] =	stream.linear.gather [hbm4b:s1+s3], $0x80, $0x38;
	[tilespmem:$0x1C200] =	vst v63  }
0x57: {  	_ =	swait.ge [sflag:s18], $0x80  }
0x58: {  	[sflag:s18] =	ssyncset.done $0x0  }
0x59: {  	s1 =	sadd.s32 $0x10, s28;
	[sflag:s18] =	ssyncadd.s32 $0xFFFFFF80  }
0x5a: {  	[tilespmem:s19], [sflag:$0x3] =	stream.linear.gather [hbm4b:s1+s3], $0x80, $0x38;
	[tilespmem:$0x1C200] =	vst v63  }
0x5b: {  	_ =	swait.ge [sflag:s18], $0x80  }
0x5c: {  	[sflag:s18] =	ssyncset.done $0x0  }
0x5d: {  	[sflag:s18] =	ssyncadd.s32 $0xFFFFFF80  }
0x5e: {  	[tilespmem:s20], [sflag:$0x1] =	stream.indirect.gather [hbm4b:s5+s19], $0x80, s3, s19, $0xb8;
	[tilespmem:$0x1C200] =	vst v63  }
0x5f: {  	_ =	swait.ge [sflag:s25], $0x4000  }
.Ltmp0:
0x60: {  	[sflag:s25] =	ssyncset.done $0x0;
	(pc) =	sbr.rel @p0 .LBB2_2-.Ltmp0, $4  }
0x61: {  	[sflag:s25] =	ssyncadd.s32 $0xFFFFC000  }
0x62: {  	[spmem:s2] =	stream.indirect.scatter.add.f32 [tilespmem:s23], [sflag:$0x3], $0x80, s22, s19, $0xb8;
	[tilespmem:$0x1C200] =	vst v63  }
0x63: {  	s29 =	sadd.s32 $0x200, s29;
	_ =	swait.ge [sflag:s18], $0x4000  }
0x64: {  	s31 =	smov.u32 s0;
	s28 =	sadd.s32 $0x20, s28;
	[sflag:s18] =	ssyncset.done $0x0  }
0x65: {  	s0 =	sadd.s32 s30, s15;
	[sflag:s18] =	ssyncadd.s32 $0xFFFFC000  }
0x66: {  	[tilespmem:s21], [sflag:$0x3] =	stream.linear.gather [hbm4b:s0+s3], $0x80, $0x38;
	[tilespmem:$0x1C200] =	vst v63  }
0x67: {  	_ =	swait.ge [sflag:s18], $0x80  }
0x68: {  	[sflag:s18] =	ssyncset.done $0x0  }
0x69: {  	[sflag:s18] =	ssyncadd.s32 $0xFFFFFF80  }
0x6a: {  	[tilespmem:s22], [sflag:$0x3] =	stream.linear.gather [hbm4b:s28+s3], $0x80, $0x38;
	[tilespmem:$0x1C200] =	vst v63  }
0x6b: {  	_ =	swait.ge [sflag:s18], $0x80  }
0x6c: {  	[sflag:s18] =	ssyncset.done $0x0  }
0x6d: {  	[sflag:s18] =	ssyncadd.s32 $0xFFFFFF80  }
0x6e: {  	[tilespmem:s23], [sflag:$0x2] =	stream.indirect.gather [hbm4b:s5+s19], $0x80, s21, s19, $0xb8;
	[tilespmem:$0x1C200] =	vst v63  }
0x6f: {  	_ =	swait.ge [sflag:s24], $0x4000  }
0x70: {  	[sflag:s24] =	ssyncset.done $0x0  }
0x71: {  	[sflag:s24] =	ssyncadd.s32 $0xFFFFC000  }
0x72: {  	[spmem:s2] =	stream.indirect.scatter.add.f32 [tilespmem:s20], [sflag:$0x3], $0x80, s19, s19, $0xb8;
	[tilespmem:$0x1C200] =	vst v63  }
0x73: {  	_ =	swait.ge [sflag:s18], $0x4000  }
0x74: {  	s30 =	sshrl.u32 s29, $0x3;
	[sflag:s18] =	ssyncset.done $0x0  }
0x75: {  	s0 =	sadd.s32 s4, s30;
	[sflag:s18] =	ssyncadd.s32 $0xFFFFC000  }
0x76: {  	[tilespmem:s3], [sflag:$0x3] =	stream.linear.gather [hbm4b:s0+s3], $0x80, $0x38;
	[tilespmem:$0x1C200] =	vst v63  }
0x77: {  	_ =	swait.ge [sflag:s18], $0x80  }
0x78: {  	[sflag:s18] =	ssyncset.done $0x0  }
0x79: {  	s31 =	sadd.s32 $0x10, s28;
	[sflag:s18] =	ssyncadd.s32 $0xFFFFFF80  }
0x7a: {  	[tilespmem:s19], [sflag:$0x3] =	stream.linear.gather [hbm4b:s31+s3], $0x80, $0x38;
	[tilespmem:$0x1C200] =	vst v63  }
0x7b: {  	_ =	swait.ge [sflag:s18], $0x80  }
0x7c: {  	[sflag:s18] =	ssyncset.done $0x0  }
0x7d: {  	[sflag:s18] =	ssyncadd.s32 $0xFFFFFF80  }
0x7e: {  	[tilespmem:s20], [sflag:$0x1] =	stream.indirect.gather [hbm4b:s5+s19], $0x80, s3, s19, $0xb8;
	[tilespmem:$0x1C200] =	vst v63  }
0x7f: {  	_ =	swait.ge [sflag:s25], $0x4000  }
0x80: {  	[sflag:s25] =	ssyncset.done $0x0  }
0x81: {  	[sflag:s25] =	ssyncadd.s32 $0xFFFFC000  }
0x82: {  	[spmem:s2] =	stream.indirect.scatter.add.f32 [tilespmem:s23], [sflag:$0x3], $0x80, s22, s19, $0xb8;
	[tilespmem:$0x1C200] =	vst v63  }
0x83: {  	_ =	swait.ge [sflag:s18], $0x4000  }
0x84: {  	[sflag:s18] =	ssyncset.done $0x0  }
0x85: {  	[sflag:s18] =	ssyncadd.s32 $0xFFFFC000  }
0x86: {  	[tilespmem:s21], [sflag:$0x3] =	stream.linear.gather [hbm4b:s10+s3], $0x80, $0x38;
	[tilespmem:$0x1C200] =	vst v63  }
0x87: {  	_ =	swait.ge [sflag:s18], $0x80  }
0x88: {  	[sflag:s18] =	ssyncset.done $0x0  }
0x89: {  	[sflag:s18] =	ssyncadd.s32 $0xFFFFFF80  }
0x8a: {  	[tilespmem:s22], [sflag:$0x3] =	stream.linear.gather [hbm4b:s11+s3], $0x80, $0x38;
	[tilespmem:$0x1C200] =	vst v63  }
0x8b: {  	_ =	swait.ge [sflag:s18], $0x80  }
0x8c: {  	[sflag:s18] =	ssyncset.done $0x0  }
0x8d: {  	[sflag:s18] =	ssyncadd.s32 $0xFFFFFF80  }
0x8e: {  	[tilespmem:s23], [sflag:$0x2] =	stream.indirect.gather [hbm4b:s5+s19], $0x80, s21, s19, $0xb8;
	[tilespmem:$0x1C200] =	vst v63  }
0x8f: {  	_ =	swait.ge [sflag:s24], $0x4000  }
0x90: {  	[sflag:s24] =	ssyncset.done $0x0  }
0x91: {  	[sflag:s24] =	ssyncadd.s32 $0xFFFFC000  }
0x92: {  	[spmem:s2] =	stream.indirect.scatter.add.f32 [tilespmem:s20], [sflag:$0x3], $0x80, s19, s19, $0xb8;
	[tilespmem:$0x1C200] =	vst v63  }
0x93: {  	_ =	swait.ge [sflag:s18], $0x4000  }
0x94: {  	[sflag:s18] =	ssyncset.done $0x0  }
0x95: {  	[sflag:s18] =	ssyncadd.s32 $0xFFFFC000  }
0x96: {  	_ =	swait.ge [sflag:s25], $0x4000  }
0x97: {  	[sflag:s25] =	ssyncset.done $0x0  }
0x98: {  	[sflag:s25] =	ssyncadd.s32 $0xFFFFC000  }
0x99: {  	[spmem:s2] =	stream.indirect.scatter.add.f32 [tilespmem:s23], [sflag:$0x3], $0x80, s22, s19, $0xb8;
	[tilespmem:$0x1C200] =	vst v63  }
0x9a: {  	_ =	swait.ge [sflag:s18], $0x4000  }
0x9b: {  	s26 =	sadd.s32 $0x1, s26;
	[sflag:s18] =	ssyncset.done $0x0  }
0x9c: {  	p0 =	sne.s32 s26, s13;
	[sflag:s18] =	ssyncadd.s32 $0xFFFFC000  }
.Ltmp1:
0x9d: {  	[bflag:$0x0] =	sbarrier.arrive $0xFFFF;
	(pc) =	sbr.rel @p0 .LBB2_1-.Ltmp1, $4  }
0x9e: {  	[hbm:s12], [sflag:s7] =	dma.local [spmem:s17], $0x2800  }
0x9f: {  	_ =	swait.ge [sflag:s18], $0x2800  }
0xa0: {  	[sflag:s18] =	ssyncset.done $0x0  }
0xa1: {  	[sflag:s18] =	ssyncadd.s32 $0xFFFFD800  }
0xa2: {  	_ =	sfence.sel $0x180000  }
0xa3: {  	[bflag:$0x0] =	sbarrier.arrive $0xFFFF  }
0xa4: {  	_ =	strace $0x9000004A  }
0xa5: {  	s0 =	stileid.u32;
	[bflag:$0x2] =	sbarrier.arrive $0xFFFF  }
0xa6: {  	p0 =	sne.s32 s0, $0x0;
	s0 =	rddreg [dreg:$0x2]  }
0xa7: {  	s0 =	sadd.s32 @!p0 $0x100000, s0  }
0xa8: {  	[sflag:s0] =	ssyncadd.tile.s32 @!p0 $0x1;
	_ =	shalt  }
.Lfunc_end2:
_tile_overlayer_lowered:
.L_overlay_start_2:
0xa9: {  	(tag) =	ssettag $0x2  }
0xaa: {  	s0 =	rddreg [dreg:$0x0];
	s2 =	stileid.u32  }
0xab: {  	s1 =	rddreg [dreg:$0x1];
	p0 =	sne.s32 s2, $0x0  }
0xac: {  	s3 =	rddreg [dreg:$0x2];
	[bflag:$0x3] =	sbarrier.arrive $0xFFFF;
	s2 =	simm.s32 @!p0 $0x1C03  }
0xad: {  	[timem:s3], [sflag:s2] =	dma.local @!p0 [hbm:s0], s1  }
0xae: {  	s0 =	simm.s32 @!p0 $0x3  }
0xaf: {  	_ =	swait.ge @!p0 [sflag:s0], s1  }
0xb0: {  	s1 =	ssub.s32 @!p0 $0x0, s1;
	[sflag:s0] =	ssyncset.done @!p0 $0x0  }
0xb1: {  	[sflag:s0] =	ssyncadd.s32 @!p0 s1  }
0xb2: {  	[bflag:$0x3] =	sbarrier.arrive $0xFFFF  }
0xb3: {  	_ =	shalt  }

// kernel: kernel.18.cloned.1.call-start
scs
__scs_entry_jumppad:
0x0: {  	(pc) =	sbr.rel $0x88, $3  }
0x1: {  	(tag) =	ssettag $0x0;
	lr =	simm.s32 $0x1  }
0x2: {  	[smem:$0x3F8A] =	sst lr;
	_ =	strace $0xD0000000  }
0x3: {  	_ = 	snop  }
0x4: {  	_ = 	snop  }
0x5: {  	_ = 	snop  }
0x6: {  	_ = 	snop  }
0x7: {  	_ = 	snop  }
__scs_overlays_trampoline_lowered:
0x8: {  	[smem:$0x3F99] =	sst s0  }
0x9: {  	[smem:$0x3F9A] =	sst s1  }
0xa: {  	[smem:$0x3F9B] =	sst s2  }
0xb: {  	[smem:$0x3F9C] =	sst s3  }
0xc: {  	[smem:$0x3F9D] =	sst s4  }
0xd: {  	[smem:$0x3F9E] =	sst s5  }
0xe: {  	[smem:$0x3F9F] =	sst s6  }
0xf: {  	[smem:$0x3FA0] =	sst s7  }
0x10: {  	[smem:$0x3FA1] =	sst s8  }
0x11: {  	[smem:$0x3FA2] =	sst s9;
	s0 =	simm.s32 @!p0 $0x0  }
0x12: {  	s1 =	sld [smem:$0x3F88];
	s0 =	simm.s32 @p0 $0x1  }
0x13: {  	[smem:$0x3FA3] =	sst s0;
	s0 =	simm.s32 @!p1 $0x0  }
0x14: {  	s2 =	sld [smem:$0x3F87];
	s0 =	simm.s32 @p1 $0x1  }
0x15: {  	[smem:$0x3FA4] =	sst s0;
	s0 =	simm.s32 @!p2 $0x0  }
0x16: {  	s3 =	sld [smem:$0x3FDB];
	s0 =	simm.s32 @p2 $0x1  }
0x17: {  	s4 =	simm.s32 $0x1BF5;
	[smem:$0x3FA6] =	sst s0  }
0x18: {  	s0 =	sld [smem:$0x3F89];
	_ =	swait.ge [sflag:s4], $0x0  }
0x19: {  	s7 =	sld [smem:$0x3F8A]  }
0x1a: {  	s8 =	sadd.s32 $0xFFFFE003, lr  }
0x1b: {  	s9 =	sadd.s32 $0xFFFFFEF7, lr;
	s5 =	simm.s32 $0xFFFFFFFF;
	p2 =	slt.u32 s8, $0xFFFFF086  }
0x1c: {  	p1 =	slt.u32 s9, $0xF7A;
	s5 =	simm.s32 @!p2 $0x0  }
0x1d: {  	s5 =	simm.s32 @p1 $0x1;
	p0 =	seq.s32 s7, s2  }
0x1e: {  	s7 =	smul.u32 @!p0 $0xF7A, s2;
	p2 =	seq.s32 @!p0 s5, $0x0  }
0x1f: {  	s9 =	smul.u32 $0xF7A, s1;
	s8 =	simm.s32 @!p0 $0x1BF5;
	p2 =	por !p2, p0  }
0x20: {  	[sflag:s8] =	ssyncset.s32 @!p0 $0xFFFFF086;
	s6 =	sadd.s32 @!p0 s3, s7;
	s7 =	simm.s32 @!p0 $0x108  }
0x21: {  	s3 =	sadd.s32 s3, s9;
	s6 =	sadd.s32 @!p0 $0x88, s6;
	s7 =	simm.s32 @p2 $0x1082  }
0x22: {  	[simem:s7], [sflag:s8] =	dma.local @!p0 [hbm:s6], $0xF7A  }
0x23: {  	s9 =	sor.u32 $0xD0000000, s2;
	s6 =	simm.s32 $0x108;
	_ =	swait.ge @!p0 [sflag:s8], $0x0  }
0x24: {  	s3 =	sadd.s32 $0x88, s3;
	s6 =	simm.s32 @!p1 $0x1082;
	[sflag:s4] =	ssyncset.s32 $0xFFFFF086  }
0x25: {  	[simem:s6], [sflag:s4] =	dma.local [hbm:s3], $0xF7A  }
0x26: {  	[smem:$0x3F8A] =	sst s1;
	(tag) =	ssettag s2;
	_ =	strace s9  }
0x27: {  	s1 =	sld [smem:$0x3F9A]  }
0x28: {  	s2 =	sld [smem:$0x3F9B]  }
0x29: {  	s4 =	sld [smem:$0x3F9D]  }
0x2a: {  	p0 =	seq.s32 s5, $0x0;
	s5 =	sld [smem:$0x3F9E]  }
0x2b: {  	s6 =	sld [smem:$0x3F9F]  }
0x2c: {  	s7 =	sld [smem:$0x3FA0]  }
0x2d: {  	s3 =	simm.s32 $0x108;
	s8 =	sld [smem:$0x3FA1]  }
0x2e: {  	s3 =	simm.s32 @!p0 $0x1082;
	s9 =	sld [smem:$0x3FA2]  }
0x2f: {  	lr =	sadd.s32 s0, s3;
	s0 =	sld [smem:$0x3F99]  }
0x30: {  	s3 =	sld [smem:$0x3F9C]  }
0x31: {  	[smem:$0x3FA5] =	sst s10  }
0x32: {  	s10 =	sld [smem:$0x3FA3];
	_ =	sdelay $0x3  }
0x33: {  	p0 =	seq.s32 s10, $0x1;
	s10 =	sld [smem:$0x3FA5];
	_ =	sdelay $0x3  }
0x34: {  	[smem:$0x3FA5] =	sst s10  }
0x35: {  	s10 =	sld [smem:$0x3FA4];
	_ =	sdelay $0x3  }
0x36: {  	p1 =	seq.s32 s10, $0x1;
	s10 =	sld [smem:$0x3FA5];
	_ =	sdelay $0x3  }
0x37: {  	[smem:$0x3FA5] =	sst s10  }
0x38: {  	s10 =	sld [smem:$0x3FA6]  }
0x39: {  	_ = 	snop;
	(pc) =	sbr.ind lr, $3  }
0x3a: {  	_ = 	snop  }
0x3b: {  	_ = 	snop  }
0x3c: {  	p2 =	seq.s32 s10, $0x1;
	s10 =	sld [smem:$0x3FA5]  }
0x3d: {  	_ =	shalt  }
0x3e: {  	_ =	shalt  }
0x3f: {  	_ =	shalt  }
0x40: {  	_ =	shalt  }
0x41: {  	_ =	shalt  }
0x42: {  	_ =	shalt  }
0x43: {  	_ =	shalt  }
0x44: {  	_ =	shalt  }
0x45: {  	_ =	shalt  }
0x46: {  	_ =	shalt  }
0x47: {  	_ =	shalt  }
0x48: {  	_ =	shalt  }
0x49: {  	_ =	shalt  }
0x4a: {  	_ =	shalt  }
0x4b: {  	_ =	shalt  }
0x4c: {  	_ =	shalt  }
0x4d: {  	_ =	shalt  }
0x4e: {  	_ =	shalt  }
0x4f: {  	_ =	shalt  }
0x50: {  	_ =	shalt  }
0x51: {  	_ =	shalt  }
0x52: {  	_ =	shalt  }
0x53: {  	_ =	shalt  }
0x54: {  	_ =	shalt  }
0x55: {  	_ =	shalt  }
0x56: {  	_ =	shalt  }
0x57: {  	_ =	shalt  }
0x58: {  	_ =	shalt  }
0x59: {  	_ =	shalt  }
0x5a: {  	_ =	shalt  }
0x5b: {  	_ =	shalt  }
0x5c: {  	_ =	shalt  }
0x5d: {  	_ =	shalt  }
0x5e: {  	_ =	shalt  }
0x5f: {  	_ =	shalt  }
0x60: {  	_ =	shalt  }
0x61: {  	_ =	shalt  }
0x62: {  	_ =	shalt  }
0x63: {  	_ =	shalt  }
0x64: {  	_ =	shalt  }
0x65: {  	_ =	shalt  }
0x66: {  	_ =	shalt  }
0x67: {  	_ =	shalt  }
0x68: {  	_ =	shalt  }
0x69: {  	_ =	shalt  }
0x6a: {  	_ =	shalt  }
0x6b: {  	_ =	shalt  }
0x6c: {  	_ =	shalt  }
0x6d: {  	_ =	shalt  }
0x6e: {  	_ =	shalt  }
0x6f: {  	_ =	shalt  }
0x70: {  	_ =	shalt  }
0x71: {  	_ =	shalt  }
0x72: {  	_ =	shalt  }
0x73: {  	_ =	shalt  }
0x74: {  	_ =	shalt  }
0x75: {  	_ =	shalt  }
0x76: {  	_ =	shalt  }
0x77: {  	_ =	shalt  }
0x78: {  	_ =	shalt  }
0x79: {  	_ =	shalt  }
0x7a: {  	_ =	shalt  }
0x7b: {  	_ =	shalt  }
0x7c: {  	_ =	shalt  }
0x7d: {  	_ =	shalt  }
0x7e: {  	_ =	shalt  }
0x7f: {  	_ =	shalt  }
0x80: {  	_ =	shalt  }
0x81: {  	_ =	shalt  }
0x82: {  	_ =	shalt  }
0x83: {  	_ =	shalt  }
0x84: {  	_ =	shalt  }
0x85: {  	_ =	shalt  }
0x86: {  	_ =	shalt  }
0x87: {  	_ =	shalt  }
.Lfunc_end0:
.L_simem_size_0:
called_computation.2_lowered:
.L_overlay_start_0:
0x88: {  	s2 =	sld [smem:$0x3FD9]  }
0x89: {  	s3 =	sld [smem:$0x3FFE];
	_ =	sdelay $0x1  }
0x8a: {  	s1 =	srdreg.scid  }
0x8b: {  	s0 =	sand.u32 $0x1, s1  }
0x8c: {  	s17 =	sshll.u32 s0, $0xA;
	s2 =	sadd.s32 s3, s2  }
0x8d: {  	s2 =	sadd.s32 s2, s17  }
0x8e: {  	[smem:$0x3FB1] =	sst s2  }
0x8f: {  	_ = 	snop  }
0x90: {  	(tm) =	ssettm $0x1  }
0x91: {  	s18 =	sld [smem:$0x3FFB];
	_ =	sdelay $0x3  }
0x92: {  	_ =	strace s18  }
0x93: {  	s2 =	sld [smem:$0x3FFC];
	_ =	sdelay $0x3  }
0x94: {  	_ =	strace s2  }
0x95: {  	s2 =	sld [smem:$0x3FFD];
	_ =	sdelay $0x3  }
0x96: {  	_ =	strace s2  }
0x97: {  	_ =	strace $0x8FFFFFFF  }
0x98: {  	s19 =	sld [smem:$0x3FDB];
	_ =	sdelay $0x1  }
0x99: {  	s20 =	simm.s32 $_scs_section_size  }
0x9a: {  	s4 =	simm.s32 $_size__tile_overlayer_lowered;
	s5 =	simm.s32 $_tile_overlayer_lowered  }
0x9b: {  	s6 =	simm.s32 $0x1BFF;
	s21 =	sshll.u32 s5, $0x1;
	s3 =	sadd.s32 s20, s19  }
0x9c: {  	s22 =	simm.s32 $0x0;
	s4 =	sshll.u32 s4, $0x1;
	s5 =	sadd.s32 s21, s3  }
0x9d: {  	[timem:s22], [sflag:s6] =	dma.local [hbm:s5], s4  }
0x9e: {  	_ =	swait.ge [sflag:s6], s4  }
0x9f: {  	s4 =	ssub.s32 $0x0, s4;
	[sflag:s6] =	ssyncset.done $0x0  }
0xa0: {  	[sflag:s6] =	ssyncadd.s32 s4;
	_ =	sdelay $0x1  }
0xa1: {  	s23 =	simm.s32 $0x1B8B  }
0xa2: {  	_ =	swait.ge [sflag:s23], $0x1  }
0xa3: {  	[sflag:s23] =	ssyncset.done $0x0  }
0xa4: {  	[sflag:s23] =	ssyncadd.s32 $0xFFFFFFFF  }
0xa5: {  	s4 =	sld [smem:$0x0]  }
0xa6: {  	s5 =	sand.u32 $0xFFFFFFFE, s1  }
0xa7: {  	p0 =	sne.s32 s1, s5  }
0xa8: {  	s5 =	sshll.u32 @p0 s5, $0xE  }
0xa9: {  	s5 =	sadd.s32 @p0 $0x11B8D, s5;
	s6 =	sshll.u32 @p0 s4, $0x11  }
0xaa: {  	s5 =	sor.u32 @p0 s6, s5  }
0xab: {  	[sflag:s5] =	ssyncadd.remote.s32 @p0 $0x1;
	_ =	sdelay $0x1  }
0xac: {  	s5 =	simm.s32 @p0 $0x1B8D  }
0xad: {  	_ =	swait.eq @p0 [sflag:s5], $0x1  }
0xae: {  	[sflag:s5] =	ssyncadd.s32 @p0 $0xFFFFFFFF  }
0xaf: {  	s6 =	sshll.u32 @!p0 s1, $0xE  }
0xb0: {  	s6 =	sor.u32 @!p0 $0x4000, s6;
	s5 =	simm.s32 @!p0 $0x1B8D  }
0xb1: {  	s4 =	sshll.u32 @!p0 s4, $0x11;
	s6 =	sadd.s32 @!p0 $0x11B8D, s6;
	_ =	swait.eq @!p0 [sflag:s5], $0x1  }
0xb2: {  	s4 =	sor.u32 @!p0 s4, s6;
	[sflag:s5] =	ssyncadd.s32 @!p0 $0xFFFFFFFF  }
0xb3: {  	s25 =	simm.s32 $0x1B8E;
	s24 =	sld [smem:$0x3FFE];
	[sflag:s4] =	ssyncadd.remote.s32 @!p0 $0x1  }
0xb4: {  	s26 =	simm.s32 $execute0_lowered;
	[smem:$0x3FD2] =	sst s25  }
0xb5: {  	s5 =	sshll.u32 s26, $0x1;
	_ =	strace $0x8000004C;
	[dreg:$0x1] =	wrdreg $0xFFFFFFFF  }
0xb6: {  	s28 =	simm.s32 $_size_execute0_lowered;
	s3 =	sadd.s32 s3, s5;
	[dreg:$0x0] =	wrdreg $0x0  }
0xb7: {  	s5 =	sshll.u32 s28, $0x1;
	[dreg:$0x2] =	wrdreg s3  }
0xb8: {  	[dreg:$0x3] =	wrdreg s5  }
0xb9: {  	[dreg:$0x4] =	wrdreg $0xC0  }
0xba: {  	_ =	task [dreg:s22], $0x5FFFF  }
0xbb: {  	[dreg:$0x1] =	wrdreg $0xFFFFFFFF  }
0xbc: {  	[dreg:$0x0] =	wrdreg $0x60  }
0xbd: {  	[dreg:$0x2] =	wrdreg s24  }
0xbe: {  	[dreg:$0x3] =	wrdreg $0x82000  }
0xbf: {  	[dreg:$0x4] =	wrdreg $0x9  }
0xc0: {  	_ =	task.clear_ibuf [dreg:s22], $0x5FFFF;
	_ =	strace $0x9000004C  }
0xc1: {  	s29 =	simm.s32 $0x9;
	_ =	strace $0x8000004E  }
0xc2: {  	_ =	swait.ge [sflag:s29], $0x1  }
0xc3: {  	[sflag:s29] =	ssyncadd.s32 $0xFFFFFFFF  }
0xc4: {  	_ =	strace $0x9000004E  }
0xc5: {  	_ =	sfence  }
0xc6: {  	s30 =	sld [smem:$0x0];
	_ =	sdelay $0x2  }
0xc7: {  	s31 =	sshll.u32 s1, $0xD;
	s1 =	sshrl.u32 s1, $0x2  }
0xc8: {  	s4 =	sand.u32 $0x4000, s31;
	s1 =	sadd.s32 s1, s30  }
0xc9: {  	s0 =	sor.u32 s4, s0;
	s1 =	sshll.u32 s1, $0x11  }
0xca: {  	s0 =	sor.u32 s1, s0  }
0xcb: {  	s0 =	sadd.s32 $0x8F2B, s0  }
0xcc: {  	[sflag:s0] =	ssyncadd.remote.s32 $0x1  }
0xcd: {  	_ =	sfence.sel $0xFFFF  }
0xce: {  	[dreg:$0x0] =	wrdreg $0xFFFFFFFF;
	(pc) =	sbr.abs _section_cstart, $3  }
0xcf: {  	[dreg:$0x1] =	wrdreg $0xFFFFFFFF  }
0xd0: {  	_ =	task.clear_ibuf [dreg:s22], $0x2FFFF;
	_ =	strace $0x9FFFFFFF  }
0xd1: {  	(tm) =	ssettm $0x7FFFFFFF  }
tec
execute0_lowered:
.L_overlay_start_1:
0x0: {  	(tag) =	ssettag $0x1  }
0x1: {  	s0 =	rddreg [dreg:$0x0]  }
0x2: {  	s2 =	rddreg [dreg:$0x1];
	s3 =	simm.s32 $0x0;
	s1 =	stileid.u32  }
0x3: {  	s4 =	srdreg.scid;
	s19 =	simm.s32 $0x80;
	s6 =	smul.u32 $0x14000, s1  }
0x4: {  	s20 =	simm.s32 $0x200;
	[smem:$0x7FF] =	sst s3;
	s10 =	smul.u32 $0x50000, s1  }
0x5: {  	s7 =	sand.u32 $0x1, s4;
	s4 =	sadd.s32 $0x154600, s0;
	s11 =	smul.u32 $0x2800, s1  }
0x6: {  	s13 =	sadd.s32 $0x9800, s0;
	s5 =	sadd.s32 $0x67200, s0;
	s24 =	smul.u32 $0x5000, s1  }
0x7: {  	s26 =	sshll.u32 s1, $0x6;
	s18 =	smul.u32 $0x500, s1;
	_ =	strace $0x8000004D  }
0x8: {  	s8 =	smul.u32 $0x140000, s7;
	s21 =	ssub.s32 $0x2, s7;
	s25 =	sshll.u32 s7, $0x7  }
0x9: {  	s7 =	sor.u32 $0x1C03, s26;
	s26 =	simm.s32 $0x0;
	s9 =	sshrl.u32 s6, $0x3  }
0xa: {  	s22 =	sshrl.u32 s21, $0x1;
	s23 =	sshrl.u32 s10, $0x2;
	s16 =	sor.u32 s25, s24  }
0xb: {  	s28 =	sadd.s32 $0x2780, s11;
	s11 =	sshrl.u32 s11, $0x3;
	s29 =	sadd.s32 s18, s13  }
0xc: {  	s18 =	simm.s32 $0x3;
	s24 =	simm.s32 $0x1;
	s9 =	sadd.s32 s9, s0  }
0xd: {  	s6 =	sadd.s32 s6, s8;
	s14 =	ssub.s32 s21, s22;
	s17 =	sadd.s32 s23, s2  }
0xe: {  	s8 =	sshrl.u32 s16, $0x3;
	s12 =	sshll.u32 s28, $0x1;
	s15 =	sshrl.u32 s28, $0x3  }
0xf: {  	s30 =	sor.u32 $0x100, s16;
	s16 =	sor.u32 $0x200, s16;
	s21 =	simm.s32 $0x100  }
0x10: {  	s22 =	simm.s32 $0x180;
	s23 =	simm.s32 $0x4200;
	s6 =	sshrl.u32 s6, $0x3  }
0x11: {  	s8 =	sadd.s32 s4, s8;
	s31 =	sshrl.u32 s30, $0x3;
	s17 =	sshrl.u32 s17, $0x3  }
0x12: {  	s0 =	sadd.s32 s6, s0;
	s6 =	sadd.s32 $0xDC600, s9;
	s9 =	sor.u32 s25, s12  }
0x13: {  	s25 =	simm.s32 $0x2;
	s12 =	sshrl.u32 s9, $0x3;
	s9 =	sadd.s32 s13, s11  }
0x14: {  	s11 =	sadd.s32 s13, s15;
	s13 =	smax.u32 s14, $0x1;
	s14 =	sadd.s32 $0x10, s29  }
0x15: {  	s15 =	sadd.s32 s31, s4;
	s10 =	sadd.s32 s4, s12;
	s12 =	sadd.s32 $0x15E600, s0  }
.LBB2_1:
0x16: {  	[spmem:s17], [sflag:s7] =	dma.local [hbm:s6], $0x2800  }
0x17: {  	_ =	swait.ge [sflag:s18], $0x2800  }
0x18: {  	[sflag:s18] =	ssyncset.done $0x0  }
0x19: {  	[sflag:s18] =	ssyncadd.s32 $0xFFFFD800  }
0x1a: {  	[bflag:$0x0] =	sbarrier.arrive $0xFFFF  }
0x1b: {  	[tilespmem:s3], [sflag:$0x3] =	stream.linear.gather [hbm4b:s8+s3], $0x80, $0x38;
	[tilespmem:$0x1C200] =	vst v63  }
0x1c: {  	_ =	swait.ge [sflag:s18], $0x80  }
0x1d: {  	[sflag:s18] =	ssyncset.done $0x0  }
0x1e: {  	[sflag:s18] =	ssyncadd.s32 $0xFFFFFF80  }
0x1f: {  	[tilespmem:s19], [sflag:$0x3] =	stream.linear.gather [hbm4b:s9+s3], $0x80, $0x38;
	[tilespmem:$0x1C200] =	vst v63  }
0x20: {  	_ =	swait.ge [sflag:s18], $0x80  }
0x21: {  	[sflag:s18] =	ssyncset.done $0x0  }
0x22: {  	[sflag:s18] =	ssyncadd.s32 $0xFFFFFF80  }
0x23: {  	[tilespmem:s20], [sflag:$0x1] =	stream.indirect.gather [hbm4b:s5+s19], $0x80, s3, s19, $0xb8;
	[tilespmem:$0x1C200] =	vst v63  }
0x24: {  	s0 =	sadd.s32 $0x0, s15  }
0x25: {  	[tilespmem:s21], [sflag:$0x3] =	stream.linear.gather [hbm4b:s0+s3], $0x80, $0x38;
	[tilespmem:$0x1C200] =	vst v63  }
0x26: {  	_ =	swait.ge [sflag:s18], $0x80  }
0x27: {  	[sflag:s18] =	ssyncset.done $0x0  }
0x28: {  	[sflag:s18] =	ssyncadd.s32 $0xFFFFFF80  }
0x29: {  	[tilespmem:s22], [sflag:$0x3] =	stream.linear.gather [hbm4b:s14+s3], $0x80, $0x38;
	[tilespmem:$0x1C200] =	vst v63  }
0x2a: {  	_ =	swait.ge [sflag:s18], $0x80  }
0x2b: {  	[sflag:s18] =	ssyncset.done $0x0  }
0x2c: {  	[sflag:s18] =	ssyncadd.s32 $0xFFFFFF80  }
0x2d: {  	[tilespmem:s23], [sflag:$0x2] =	stream.indirect.gather [hbm4b:s5+s19], $0x80, s21, s19, $0xb8;
	[tilespmem:$0x1C200] =	vst v63  }
0x2e: {  	_ =	swait.ge [sflag:s24], $0x4000  }
0x2f: {  	[sflag:s24] =	ssyncset.done $0x0  }
0x30: {  	[sflag:s24] =	ssyncadd.s32 $0xFFFFC000  }
0x31: {  	[spmem:s2] =	stream.indirect.scatter.add.f32 [tilespmem:s20], [sflag:$0x3], $0x80, s19, s19, $0xb8;
	[tilespmem:$0x1C200] =	vst v63  }
0x32: {  	_ =	swait.ge [sflag:s18], $0x4000  }
0x33: {  	s1 =	sshrl.u32 s16, $0x3;
	[sflag:s18] =	ssyncset.done $0x0  }
0x34: {  	s0 =	sadd.s32 s4, s1;
	[sflag:s18] =	ssyncadd.s32 $0xFFFFC000  }
0x35: {  	[tilespmem:s3], [sflag:$0x3] =	stream.linear.gather [hbm4b:s0+s3], $0x80, $0x38;
	[tilespmem:$0x1C200] =	vst v63  }
0x36: {  	_ =	swait.ge [sflag:s18], $0x80  }
0x37: {  	[sflag:s18] =	ssyncset.done $0x0  }
0x38: {  	s1 =	sadd.s32 $0x10, s14;
	[sflag:s18] =	ssyncadd.s32 $0xFFFFFF80  }
0x39: {  	[tilespmem:s19], [sflag:$0x3] =	stream.linear.gather [hbm4b:s1+s3], $0x80, $0x38;
	[tilespmem:$0x1C200] =	vst v63  }
0x3a: {  	_ =	swait.ge [sflag:s18], $0x80  }
0x3b: {  	[sflag:s18] =	ssyncset.done $0x0  }
0x3c: {  	[sflag:s18] =	ssyncadd.s32 $0xFFFFFF80  }
0x3d: {  	[tilespmem:s20], [sflag:$0x1] =	stream.indirect.gather [hbm4b:s5+s19], $0x80, s3, s19, $0xb8;
	[tilespmem:$0x1C200] =	vst v63  }
0x3e: {  	_ =	swait.ge [sflag:s25], $0x4000  }
0x3f: {  	[sflag:s25] =	ssyncset.done $0x0  }
0x40: {  	[sflag:s25] =	ssyncadd.s32 $0xFFFFC000  }
0x41: {  	[spmem:s2] =	stream.indirect.scatter.add.f32 [tilespmem:s23], [sflag:$0x3], $0x80, s22, s19, $0xb8;
	[tilespmem:$0x1C200] =	vst v63  }
0x42: {  	s30 =	simm.s32 $0x40;
	s31 =	simm.s32 $0x80;
	_ =	swait.ge [sflag:s18], $0x4000  }
0x43: {  	s28 =	sadd.s32 $0x20, s14;
	s29 =	sadd.s32 $0x200, s16;
	[sflag:s18] =	ssyncset.done $0x0  }
.LBB2_2:
0x44: {  	s1 =	sadd.s32 s30, s15  }
0x45: {  	[sflag:s18] =	ssyncadd.s32 $0xFFFFC000;
	s30 =	smov.u32 s31;
	s0 =	sadd.s32 $0x40, s31  }
0x46: {  	[tilespmem:s21], [sflag:$0x3] =	stream.linear.gather [hbm4b:s1+s3], $0x80, $0x38;
	[tilespmem:$0x1C200] =	vst v63  }
0x47: {  	p0 =	sne.s32 s31, $0x980;
	_ =	swait.ge [sflag:s18], $0x80  }
0x48: {  	[sflag:s18] =	ssyncset.done $0x0  }
0x49: {  	[sflag:s18] =	ssyncadd.s32 $0xFFFFFF80  }
0x4a: {  	[tilespmem:s22], [sflag:$0x3] =	stream.linear.gather [hbm4b:s28+s3], $0x80, $0x38;
	[tilespmem:$0x1C200] =	vst v63  }
0x4b: {  	_ =	swait.ge [sflag:s18], $0x80  }
0x4c: {  	[sflag:s18] =	ssyncset.done $0x0  }
0x4d: {  	[sflag:s18] =	ssyncadd.s32 $0xFFFFFF80  }
0x4e: {  	[tilespmem:s23], [sflag:$0x2] =	stream.indirect.gather [hbm4b:s5+s19], $0x80, s21, s19, $0xb8;
	[tilespmem:$0x1C200] =	vst v63  }
0x4f: {  	_ =	swait.ge [sflag:s24], $0x4000  }
0x50: {  	[sflag:s24] =	ssyncset.done $0x0  }
0x51: {  	[sflag:s24] =	ssyncadd.s32 $0xFFFFC000  }
0x52: {  	[spmem:s2] =	stream.indirect.scatter.add.f32 [tilespmem:s20], [sflag:$0x3], $0x80, s19, s19, $0xb8;
	[tilespmem:$0x1C200] =	vst v63  }
0x53: {  	_ =	swait.ge [sflag:s18], $0x4000  }
0x54: {  	s1 =	sshrl.u32 s29, $0x3;
	[sflag:s18] =	ssyncset.done $0x0  }
0x55: {  	s1 =	sadd.s32 s4, s1;
	[sflag:s18] =	ssyncadd.s32 $0xFFFFC000  }
0x56: {  	[tilespmem:s3], [sflag:$0x3] =	stream.linear.gather [hbm4b:s1+s3], $0x80, $0x38;
	[tilespmem:$0x1C200] =	vst v63  }
0x57: {  	_ =	swait.ge [sflag:s18], $0x80  }
0x58: {  	[sflag:s18] =	ssyncset.done $0x0  }
0x59: {  	s1 =	sadd.s32 $0x10, s28;
	[sflag:s18] =	ssyncadd.s32 $0xFFFFFF80  }
0x5a: {  	[tilespmem:s19], [sflag:$0x3] =	stream.linear.gather [hbm4b:s1+s3], $0x80, $0x38;
	[tilespmem:$0x1C200] =	vst v63  }
0x5b: {  	_ =	swait.ge [sflag:s18], $0x80  }
0x5c: {  	[sflag:s18] =	ssyncset.done $0x0  }
0x5d: {  	[sflag:s18] =	ssyncadd.s32 $0xFFFFFF80  }
0x5e: {  	[tilespmem:s20], [sflag:$0x1] =	stream.indirect.gather [hbm4b:s5+s19], $0x80, s3, s19, $0xb8;
	[tilespmem:$0x1C200] =	vst v63  }
0x5f: {  	_ =	swait.ge [sflag:s25], $0x4000  }
.Ltmp0:
0x60: {  	[sflag:s25] =	ssyncset.done $0x0;
	(pc) =	sbr.rel @p0 .LBB2_2-.Ltmp0, $4  }
0x61: {  	[sflag:s25] =	ssyncadd.s32 $0xFFFFC000  }
0x62: {  	[spmem:s2] =	stream.indirect.scatter.add.f32 [tilespmem:s23], [sflag:$0x3], $0x80, s22, s19, $0xb8;
	[tilespmem:$0x1C200] =	vst v63  }
0x63: {  	s29 =	sadd.s32 $0x200, s29;
	_ =	swait.ge [sflag:s18], $0x4000  }
0x64: {  	s31 =	smov.u32 s0;
	s28 =	sadd.s32 $0x20, s28;
	[sflag:s18] =	ssyncset.done $0x0  }
0x65: {  	s0 =	sadd.s32 s30, s15;
	[sflag:s18] =	ssyncadd.s32 $0xFFFFC000  }
0x66: {  	[tilespmem:s21], [sflag:$0x3] =	stream.linear.gather [hbm4b:s0+s3], $0x80, $0x38;
	[tilespmem:$0x1C200] =	vst v63  }
0x67: {  	_ =	swait.ge [sflag:s18], $0x80  }
0x68: {  	[sflag:s18] =	ssyncset.done $0x0  }
0x69: {  	[sflag:s18] =	ssyncadd.s32 $0xFFFFFF80  }
0x6a: {  	[tilespmem:s22], [sflag:$0x3] =	stream.linear.gather [hbm4b:s28+s3], $0x80, $0x38;
	[tilespmem:$0x1C200] =	vst v63  }
0x6b: {  	_ =	swait.ge [sflag:s18], $0x80  }
0x6c: {  	[sflag:s18] =	ssyncset.done $0x0  }
0x6d: {  	[sflag:s18] =	ssyncadd.s32 $0xFFFFFF80  }
0x6e: {  	[tilespmem:s23], [sflag:$0x2] =	stream.indirect.gather [hbm4b:s5+s19], $0x80, s21, s19, $0xb8;
	[tilespmem:$0x1C200] =	vst v63  }
0x6f: {  	_ =	swait.ge [sflag:s24], $0x4000  }
0x70: {  	[sflag:s24] =	ssyncset.done $0x0  }
0x71: {  	[sflag:s24] =	ssyncadd.s32 $0xFFFFC000  }
0x72: {  	[spmem:s2] =	stream.indirect.scatter.add.f32 [tilespmem:s20], [sflag:$0x3], $0x80, s19, s19, $0xb8;
	[tilespmem:$0x1C200] =	vst v63  }
0x73: {  	_ =	swait.ge [sflag:s18], $0x4000  }
0x74: {  	s30 =	sshrl.u32 s29, $0x3;
	[sflag:s18] =	ssyncset.done $0x0  }
0x75: {  	s0 =	sadd.s32 s4, s30;
	[sflag:s18] =	ssyncadd.s32 $0xFFFFC000  }
0x76: {  	[tilespmem:s3], [sflag:$0x3] =	stream.linear.gather [hbm4b:s0+s3], $0x80, $0x38;
	[tilespmem:$0x1C200] =	vst v63  }
0x77: {  	_ =	swait.ge [sflag:s18], $0x80  }
0x78: {  	[sflag:s18] =	ssyncset.done $0x0  }
0x79: {  	s31 =	sadd.s32 $0x10, s28;
	[sflag:s18] =	ssyncadd.s32 $0xFFFFFF80  }
0x7a: {  	[tilespmem:s19], [sflag:$0x3] =	stream.linear.gather [hbm4b:s31+s3], $0x80, $0x38;
	[tilespmem:$0x1C200] =	vst v63  }
0x7b: {  	_ =	swait.ge [sflag:s18], $0x80  }
0x7c: {  	[sflag:s18] =	ssyncset.done $0x0  }
0x7d: {  	[sflag:s18] =	ssyncadd.s32 $0xFFFFFF80  }
0x7e: {  	[tilespmem:s20], [sflag:$0x1] =	stream.indirect.gather [hbm4b:s5+s19], $0x80, s3, s19, $0xb8;
	[tilespmem:$0x1C200] =	vst v63  }
0x7f: {  	_ =	swait.ge [sflag:s25], $0x4000  }
0x80: {  	[sflag:s25] =	ssyncset.done $0x0  }
0x81: {  	[sflag:s25] =	ssyncadd.s32 $0xFFFFC000  }
0x82: {  	[spmem:s2] =	stream.indirect.scatter.add.f32 [tilespmem:s23], [sflag:$0x3], $0x80, s22, s19, $0xb8;
	[tilespmem:$0x1C200] =	vst v63  }
0x83: {  	_ =	swait.ge [sflag:s18], $0x4000  }
0x84: {  	[sflag:s18] =	ssyncset.done $0x0  }
0x85: {  	[sflag:s18] =	ssyncadd.s32 $0xFFFFC000  }
0x86: {  	[tilespmem:s21], [sflag:$0x3] =	stream.linear.gather [hbm4b:s10+s3], $0x80, $0x38;
	[tilespmem:$0x1C200] =	vst v63  }
0x87: {  	_ =	swait.ge [sflag:s18], $0x80  }
0x88: {  	[sflag:s18] =	ssyncset.done $0x0  }
0x89: {  	[sflag:s18] =	ssyncadd.s32 $0xFFFFFF80  }
0x8a: {  	[tilespmem:s22], [sflag:$0x3] =	stream.linear.gather [hbm4b:s11+s3], $0x80, $0x38;
	[tilespmem:$0x1C200] =	vst v63  }
0x8b: {  	_ =	swait.ge [sflag:s18], $0x80  }
0x8c: {  	[sflag:s18] =	ssyncset.done $0x0  }
0x8d: {  	[sflag:s18] =	ssyncadd.s32 $0xFFFFFF80  }
0x8e: {  	[tilespmem:s23], [sflag:$0x2] =	stream.indirect.gather [hbm4b:s5+s19], $0x80, s21, s19, $0xb8;
	[tilespmem:$0x1C200] =	vst v63  }
0x8f: {  	_ =	swait.ge [sflag:s24], $0x4000  }
0x90: {  	[sflag:s24] =	ssyncset.done $0x0  }
0x91: {  	[sflag:s24] =	ssyncadd.s32 $0xFFFFC000  }
0x92: {  	[spmem:s2] =	stream.indirect.scatter.add.f32 [tilespmem:s20], [sflag:$0x3], $0x80, s19, s19, $0xb8;
	[tilespmem:$0x1C200] =	vst v63  }
0x93: {  	_ =	swait.ge [sflag:s18], $0x4000  }
0x94: {  	[sflag:s18] =	ssyncset.done $0x0  }
0x95: {  	[sflag:s18] =	ssyncadd.s32 $0xFFFFC000  }
0x96: {  	_ =	swait.ge [sflag:s25], $0x4000  }
0x97: {  	[sflag:s25] =	ssyncset.done $0x0  }
0x98: {  	[sflag:s25] =	ssyncadd.s32 $0xFFFFC000  }
0x99: {  	[spmem:s2] =	stream.indirect.scatter.add.f32 [tilespmem:s23], [sflag:$0x3], $0x80, s22, s19, $0xb8;
	[tilespmem:$0x1C200] =	vst v63  }
0x9a: {  	_ =	swait.ge [sflag:s18], $0x4000  }
0x9b: {  	s26 =	sadd.s32 $0x1, s26;
	[sflag:s18] =	ssyncset.done $0x0  }
0x9c: {  	p0 =	sne.s32 s26, s13;
	[sflag:s18] =	ssyncadd.s32 $0xFFFFC000  }
.Ltmp1:
0x9d: {  	[bflag:$0x0] =	sbarrier.arrive $0xFFFF;
	(pc) =	sbr.rel @p0 .LBB2_1-.Ltmp1, $4  }
0x9e: {  	[hbm:s12], [sflag:s7] =	dma.local [spmem:s17], $0x2800  }
0x9f: {  	_ =	swait.ge [sflag:s18], $0x2800  }
0xa0: {  	[sflag:s18] =	ssyncset.done $0x0  }
0xa1: {  	[sflag:s18] =	ssyncadd.s32 $0xFFFFD800  }
0xa2: {  	_ =	sfence.sel $0x180000  }
0xa3: {  	[bflag:$0x0] =	sbarrier.arrive $0xFFFF  }
0xa4: {  	_ =	strace $0x9000004D  }
0xa5: {  	s0 =	stileid.u32;
	[bflag:$0x2] =	sbarrier.arrive $0xFFFF  }
0xa6: {  	p0 =	sne.s32 s0, $0x0;
	s0 =	rddreg [dreg:$0x2]  }
0xa7: {  	s0 =	sadd.s32 @!p0 $0x100000, s0  }
0xa8: {  	[sflag:s0] =	ssyncadd.tile.s32 @!p0 $0x1;
	_ =	shalt  }
.Lfunc_end2:
_tile_overlayer_lowered:
.L_overlay_start_2:
0xa9: {  	(tag) =	ssettag $0x2  }
0xaa: {  	s0 =	rddreg [dreg:$0x0];
	s2 =	stileid.u32  }
0xab: {  	s1 =	rddreg [dreg:$0x1];
	p0 =	sne.s32 s2, $0x0  }
0xac: {  	s3 =	rddreg [dreg:$0x2];
	[bflag:$0x3] =	sbarrier.arrive $0xFFFF;
	s2 =	simm.s32 @!p0 $0x1C03  }
0xad: {  	[timem:s3], [sflag:s2] =	dma.local @!p0 [hbm:s0], s1  }
0xae: {  	s0 =	simm.s32 @!p0 $0x3  }
0xaf: {  	_ =	swait.ge @!p0 [sflag:s0], s1  }
0xb0: {  	s1 =	ssub.s32 @!p0 $0x0, s1;
	[sflag:s0] =	ssyncset.done @!p0 $0x0  }
0xb1: {  	[sflag:s0] =	ssyncadd.s32 @!p0 s1  }
0xb2: {  	[bflag:$0x3] =	sbarrier.arrive $0xFFFF  }
0xb3: {  	_ =	shalt  }

// kernel: kernel.21.cloned.1.call-start
scs
__scs_entry_jumppad:
0x0: {  	(pc) =	sbr.rel $0x88, $3  }
0x1: {  	(tag) =	ssettag $0x0;
	lr =	simm.s32 $0x1  }
0x2: {  	[smem:$0x3F8A] =	sst lr;
	_ =	strace $0xD0000000  }
0x3: {  	_ = 	snop  }
0x4: {  	_ = 	snop  }
0x5: {  	_ = 	snop  }
0x6: {  	_ = 	snop  }
0x7: {  	_ = 	snop  }
__scs_overlays_trampoline_lowered:
0x8: {  	[smem:$0x3F99] =	sst s0  }
0x9: {  	[smem:$0x3F9A] =	sst s1  }
0xa: {  	[smem:$0x3F9B] =	sst s2  }
0xb: {  	[smem:$0x3F9C] =	sst s3  }
0xc: {  	[smem:$0x3F9D] =	sst s4  }
0xd: {  	[smem:$0x3F9E] =	sst s5  }
0xe: {  	[smem:$0x3F9F] =	sst s6  }
0xf: {  	[smem:$0x3FA0] =	sst s7  }
0x10: {  	[smem:$0x3FA1] =	sst s8  }
0x11: {  	[smem:$0x3FA2] =	sst s9;
	s0 =	simm.s32 @!p0 $0x0  }
0x12: {  	s1 =	sld [smem:$0x3F88];
	s0 =	simm.s32 @p0 $0x1  }
0x13: {  	[smem:$0x3FA3] =	sst s0;
	s0 =	simm.s32 @!p1 $0x0  }
0x14: {  	s2 =	sld [smem:$0x3F87];
	s0 =	simm.s32 @p1 $0x1  }
0x15: {  	[smem:$0x3FA4] =	sst s0;
	s0 =	simm.s32 @!p2 $0x0  }
0x16: {  	s3 =	sld [smem:$0x3FDB];
	s0 =	simm.s32 @p2 $0x1  }
0x17: {  	s4 =	simm.s32 $0x1BF5;
	[smem:$0x3FA6] =	sst s0  }
0x18: {  	s0 =	sld [smem:$0x3F89];
	_ =	swait.ge [sflag:s4], $0x0  }
0x19: {  	s7 =	sld [smem:$0x3F8A]  }
0x1a: {  	s8 =	sadd.s32 $0xFFFFE003, lr  }
0x1b: {  	s9 =	sadd.s32 $0xFFFFFEF7, lr;
	s5 =	simm.s32 $0xFFFFFFFF;
	p2 =	slt.u32 s8, $0xFFFFF086  }
0x1c: {  	p1 =	slt.u32 s9, $0xF7A;
	s5 =	simm.s32 @!p2 $0x0  }
0x1d: {  	s5 =	simm.s32 @p1 $0x1;
	p0 =	seq.s32 s7, s2  }
0x1e: {  	s7 =	smul.u32 @!p0 $0xF7A, s2;
	p2 =	seq.s32 @!p0 s5, $0x0  }
0x1f: {  	s9 =	smul.u32 $0xF7A, s1;
	s8 =	simm.s32 @!p0 $0x1BF5;
	p2 =	por !p2, p0  }
0x20: {  	[sflag:s8] =	ssyncset.s32 @!p0 $0xFFFFF086;
	s6 =	sadd.s32 @!p0 s3, s7;
	s7 =	simm.s32 @!p0 $0x108  }
0x21: {  	s3 =	sadd.s32 s3, s9;
	s6 =	sadd.s32 @!p0 $0x88, s6;
	s7 =	simm.s32 @p2 $0x1082  }
0x22: {  	[simem:s7], [sflag:s8] =	dma.local @!p0 [hbm:s6], $0xF7A  }
0x23: {  	s9 =	sor.u32 $0xD0000000, s2;
	s6 =	simm.s32 $0x108;
	_ =	swait.ge @!p0 [sflag:s8], $0x0  }
0x24: {  	s3 =	sadd.s32 $0x88, s3;
	s6 =	simm.s32 @!p1 $0x1082;
	[sflag:s4] =	ssyncset.s32 $0xFFFFF086  }
0x25: {  	[simem:s6], [sflag:s4] =	dma.local [hbm:s3], $0xF7A  }
0x26: {  	[smem:$0x3F8A] =	sst s1;
	(tag) =	ssettag s2;
	_ =	strace s9  }
0x27: {  	s1 =	sld [smem:$0x3F9A]  }
0x28: {  	s2 =	sld [smem:$0x3F9B]  }
0x29: {  	s4 =	sld [smem:$0x3F9D]  }
0x2a: {  	p0 =	seq.s32 s5, $0x0;
	s5 =	sld [smem:$0x3F9E]  }
0x2b: {  	s6 =	sld [smem:$0x3F9F]  }
0x2c: {  	s7 =	sld [smem:$0x3FA0]  }
0x2d: {  	s3 =	simm.s32 $0x108;
	s8 =	sld [smem:$0x3FA1]  }
0x2e: {  	s3 =	simm.s32 @!p0 $0x1082;
	s9 =	sld [smem:$0x3FA2]  }
0x2f: {  	lr =	sadd.s32 s0, s3;
	s0 =	sld [smem:$0x3F99]  }
0x30: {  	s3 =	sld [smem:$0x3F9C]  }
0x31: {  	[smem:$0x3FA5] =	sst s10  }
0x32: {  	s10 =	sld [smem:$0x3FA3];
	_ =	sdelay $0x3  }
0x33: {  	p0 =	seq.s32 s10, $0x1;
	s10 =	sld [smem:$0x3FA5];
	_ =	sdelay $0x3  }
0x34: {  	[smem:$0x3FA5] =	sst s10  }
0x35: {  	s10 =	sld [smem:$0x3FA4];
	_ =	sdelay $0x3  }
0x36: {  	p1 =	seq.s32 s10, $0x1;
	s10 =	sld [smem:$0x3FA5];
	_ =	sdelay $0x3  }
0x37: {  	[smem:$0x3FA5] =	sst s10  }
0x38: {  	s10 =	sld [smem:$0x3FA6]  }
0x39: {  	_ = 	snop;
	(pc) =	sbr.ind lr, $3  }
0x3a: {  	_ = 	snop  }
0x3b: {  	_ = 	snop  }
0x3c: {  	p2 =	seq.s32 s10, $0x1;
	s10 =	sld [smem:$0x3FA5]  }
0x3d: {  	_ =	shalt  }
0x3e: {  	_ =	shalt  }
0x3f: {  	_ =	shalt  }
0x40: {  	_ =	shalt  }
0x41: {  	_ =	shalt  }
0x42: {  	_ =	shalt  }
0x43: {  	_ =	shalt  }
0x44: {  	_ =	shalt  }
0x45: {  	_ =	shalt  }
0x46: {  	_ =	shalt  }
0x47: {  	_ =	shalt  }
0x48: {  	_ =	shalt  }
0x49: {  	_ =	shalt  }
0x4a: {  	_ =	shalt  }
0x4b: {  	_ =	shalt  }
0x4c: {  	_ =	shalt  }
0x4d: {  	_ =	shalt  }
0x4e: {  	_ =	shalt  }
0x4f: {  	_ =	shalt  }
0x50: {  	_ =	shalt  }
0x51: {  	_ =	shalt  }
0x52: {  	_ =	shalt  }
0x53: {  	_ =	shalt  }
0x54: {  	_ =	shalt  }
0x55: {  	_ =	shalt  }
0x56: {  	_ =	shalt  }
0x57: {  	_ =	shalt  }
0x58: {  	_ =	shalt  }
0x59: {  	_ =	shalt  }
0x5a: {  	_ =	shalt  }
0x5b: {  	_ =	shalt  }
0x5c: {  	_ =	shalt  }
0x5d: {  	_ =	shalt  }
0x5e: {  	_ =	shalt  }
0x5f: {  	_ =	shalt  }
0x60: {  	_ =	shalt  }
0x61: {  	_ =	shalt  }
0x62: {  	_ =	shalt  }
0x63: {  	_ =	shalt  }
0x64: {  	_ =	shalt  }
0x65: {  	_ =	shalt  }
0x66: {  	_ =	shalt  }
0x67: {  	_ =	shalt  }
0x68: {  	_ =	shalt  }
0x69: {  	_ =	shalt  }
0x6a: {  	_ =	shalt  }
0x6b: {  	_ =	shalt  }
0x6c: {  	_ =	shalt  }
0x6d: {  	_ =	shalt  }
0x6e: {  	_ =	shalt  }
0x6f: {  	_ =	shalt  }
0x70: {  	_ =	shalt  }
0x71: {  	_ =	shalt  }
0x72: {  	_ =	shalt  }
0x73: {  	_ =	shalt  }
0x74: {  	_ =	shalt  }
0x75: {  	_ =	shalt  }
0x76: {  	_ =	shalt  }
0x77: {  	_ =	shalt  }
0x78: {  	_ =	shalt  }
0x79: {  	_ =	shalt  }
0x7a: {  	_ =	shalt  }
0x7b: {  	_ =	shalt  }
0x7c: {  	_ =	shalt  }
0x7d: {  	_ =	shalt  }
0x7e: {  	_ =	shalt  }
0x7f: {  	_ =	shalt  }
0x80: {  	_ =	shalt  }
0x81: {  	_ =	shalt  }
0x82: {  	_ =	shalt  }
0x83: {  	_ =	shalt  }
0x84: {  	_ =	shalt  }
0x85: {  	_ =	shalt  }
0x86: {  	_ =	shalt  }
0x87: {  	_ =	shalt  }
.Lfunc_end0:
.L_simem_size_0:
called_computation.3_lowered:
.L_overlay_start_0:
0x88: {  	s2 =	sld [smem:$0x3FD9]  }
0x89: {  	s3 =	sld [smem:$0x3FFE];
	_ =	sdelay $0x1  }
0x8a: {  	s1 =	srdreg.scid  }
0x8b: {  	s0 =	sand.u32 $0x1, s1  }
0x8c: {  	s17 =	sshll.u32 s0, $0xA;
	s2 =	sadd.s32 s3, s2  }
0x8d: {  	s2 =	sadd.s32 s2, s17  }
0x8e: {  	[smem:$0x3FB1] =	sst s2  }
0x8f: {  	_ = 	snop  }
0x90: {  	(tm) =	ssettm $0x1  }
0x91: {  	s18 =	sld [smem:$0x3FFB];
	_ =	sdelay $0x3  }
0x92: {  	_ =	strace s18  }
0x93: {  	s2 =	sld [smem:$0x3FFC];
	_ =	sdelay $0x3  }
0x94: {  	_ =	strace s2  }
0x95: {  	s2 =	sld [smem:$0x3FFD];
	_ =	sdelay $0x3  }
0x96: {  	_ =	strace s2  }
0x97: {  	_ =	strace $0x8FFFFFFF  }
0x98: {  	s19 =	sld [smem:$0x3FDB];
	_ =	sdelay $0x1  }
0x99: {  	s20 =	simm.s32 $_scs_section_size  }
0x9a: {  	s4 =	simm.s32 $_size__tile_overlayer_lowered;
	s5 =	simm.s32 $_tile_overlayer_lowered  }
0x9b: {  	s6 =	simm.s32 $0x1BFF;
	s21 =	sshll.u32 s5, $0x1;
	s3 =	sadd.s32 s20, s19  }
0x9c: {  	s22 =	simm.s32 $0x0;
	s4 =	sshll.u32 s4, $0x1;
	s5 =	sadd.s32 s21, s3  }
0x9d: {  	[timem:s22], [sflag:s6] =	dma.local [hbm:s5], s4  }
0x9e: {  	_ =	swait.ge [sflag:s6], s4  }
0x9f: {  	s4 =	ssub.s32 $0x0, s4;
	[sflag:s6] =	ssyncset.done $0x0  }
0xa0: {  	[sflag:s6] =	ssyncadd.s32 s4;
	_ =	sdelay $0x1  }
0xa1: {  	s23 =	simm.s32 $0x1B8B  }
0xa2: {  	_ =	swait.ge [sflag:s23], $0x1  }
0xa3: {  	[sflag:s23] =	ssyncset.done $0x0  }
0xa4: {  	[sflag:s23] =	ssyncadd.s32 $0xFFFFFFFF  }
0xa5: {  	s4 =	sld [smem:$0x0]  }
0xa6: {  	s5 =	sand.u32 $0xFFFFFFFE, s1  }
0xa7: {  	p0 =	sne.s32 s1, s5  }
0xa8: {  	s5 =	sshll.u32 @p0 s5, $0xE  }
0xa9: {  	s5 =	sadd.s32 @p0 $0x11B8D, s5;
	s6 =	sshll.u32 @p0 s4, $0x11  }
0xaa: {  	s5 =	sor.u32 @p0 s6, s5  }
0xab: {  	[sflag:s5] =	ssyncadd.remote.s32 @p0 $0x1;
	_ =	sdelay $0x1  }
0xac: {  	s5 =	simm.s32 @p0 $0x1B8D  }
0xad: {  	_ =	swait.eq @p0 [sflag:s5], $0x1  }
0xae: {  	[sflag:s5] =	ssyncadd.s32 @p0 $0xFFFFFFFF  }
0xaf: {  	s6 =	sshll.u32 @!p0 s1, $0xE  }
0xb0: {  	s6 =	sor.u32 @!p0 $0x4000, s6;
	s5 =	simm.s32 @!p0 $0x1B8D  }
0xb1: {  	s4 =	sshll.u32 @!p0 s4, $0x11;
	s6 =	sadd.s32 @!p0 $0x11B8D, s6;
	_ =	swait.eq @!p0 [sflag:s5], $0x1  }
0xb2: {  	s4 =	sor.u32 @!p0 s4, s6;
	[sflag:s5] =	ssyncadd.s32 @!p0 $0xFFFFFFFF  }
0xb3: {  	s25 =	simm.s32 $0x1B8E;
	s24 =	sld [smem:$0x3FFE];
	[sflag:s4] =	ssyncadd.remote.s32 @!p0 $0x1  }
0xb4: {  	s26 =	simm.s32 $execute0_lowered;
	[smem:$0x3FD2] =	sst s25  }
0xb5: {  	s5 =	sshll.u32 s26, $0x1;
	_ =	strace $0x8000004F;
	[dreg:$0x1] =	wrdreg $0xFFFFFFFF  }
0xb6: {  	s28 =	simm.s32 $_size_execute0_lowered;
	s3 =	sadd.s32 s3, s5;
	[dreg:$0x0] =	wrdreg $0x0  }
0xb7: {  	s5 =	sshll.u32 s28, $0x1;
	[dreg:$0x2] =	wrdreg s3  }
0xb8: {  	[dreg:$0x3] =	wrdreg s5  }
0xb9: {  	[dreg:$0x4] =	wrdreg $0xC0  }
0xba: {  	_ =	task [dreg:s22], $0x5FFFF  }
0xbb: {  	[dreg:$0x1] =	wrdreg $0xFFFFFFFF  }
0xbc: {  	[dreg:$0x0] =	wrdreg $0x60  }
0xbd: {  	[dreg:$0x2] =	wrdreg s24  }
0xbe: {  	[dreg:$0x3] =	wrdreg $0x82000  }
0xbf: {  	[dreg:$0x4] =	wrdreg $0xA  }
0xc0: {  	_ =	task.clear_ibuf [dreg:s22], $0x5FFFF;
	_ =	strace $0x9000004F  }
0xc1: {  	s29 =	simm.s32 $0xA;
	_ =	strace $0x80000051  }
0xc2: {  	_ =	swait.ge [sflag:s29], $0x1  }
0xc3: {  	[sflag:s29] =	ssyncadd.s32 $0xFFFFFFFF  }
0xc4: {  	_ =	strace $0x90000051  }
0xc5: {  	_ =	sfence  }
0xc6: {  	s30 =	sld [smem:$0x0];
	_ =	sdelay $0x2  }
0xc7: {  	s31 =	sshll.u32 s1, $0xD;
	s1 =	sshrl.u32 s1, $0x2  }
0xc8: {  	s4 =	sand.u32 $0x4000, s31;
	s1 =	sadd.s32 s1, s30  }
0xc9: {  	s0 =	sor.u32 s4, s0;
	s1 =	sshll.u32 s1, $0x11  }
0xca: {  	s0 =	sor.u32 s1, s0  }
0xcb: {  	s0 =	sadd.s32 $0x8F2B, s0  }
0xcc: {  	[sflag:s0] =	ssyncadd.remote.s32 $0x1  }
0xcd: {  	_ =	sfence.sel $0xFFFF  }
0xce: {  	[dreg:$0x0] =	wrdreg $0xFFFFFFFF;
	(pc) =	sbr.abs _section_cstart, $3  }
0xcf: {  	[dreg:$0x1] =	wrdreg $0xFFFFFFFF  }
0xd0: {  	_ =	task.clear_ibuf [dreg:s22], $0x2FFFF;
	_ =	strace $0x9FFFFFFF  }
0xd1: {  	(tm) =	ssettm $0x7FFFFFFF  }
tec
execute0_lowered:
.L_overlay_start_1:
0x0: {  	(tag) =	ssettag $0x1  }
0x1: {  	s0 =	rddreg [dreg:$0x0]  }
0x2: {  	s2 =	rddreg [dreg:$0x1];
	s3 =	simm.s32 $0x0;
	s1 =	stileid.u32  }
0x3: {  	s4 =	srdreg.scid;
	s19 =	simm.s32 $0x80;
	s6 =	smul.u32 $0x14000, s1  }
0x4: {  	s20 =	simm.s32 $0x200;
	[smem:$0x7FF] =	sst s3;
	s10 =	smul.u32 $0x50000, s1  }
0x5: {  	s7 =	sand.u32 $0x1, s4;
	s4 =	sadd.s32 $0xF000, s0;
	s11 =	smul.u32 $0x2800, s1  }
0x6: {  	s13 =	sadd.s32 $0x4800, s0;
	s5 =	sadd.s32 $0x19000, s0;
	s24 =	smul.u32 $0x5000, s1  }
0x7: {  	s26 =	sshll.u32 s1, $0x6;
	s18 =	smul.u32 $0x500, s1;
	_ =	strace $0x80000050  }
0x8: {  	s8 =	smul.u32 $0x140000, s7;
	s21 =	ssub.s32 $0x2, s7;
	s25 =	sshll.u32 s7, $0x7  }
0x9: {  	s7 =	sor.u32 $0x1C03, s26;
	s26 =	simm.s32 $0x0;
	s9 =	sshrl.u32 s6, $0x3  }
0xa: {  	s22 =	sshrl.u32 s21, $0x1;
	s23 =	sshrl.u32 s10, $0x2;
	s16 =	sor.u32 s25, s24  }
0xb: {  	s28 =	sadd.s32 $0x2780, s11;
	s11 =	sshrl.u32 s11, $0x3;
	s29 =	sadd.s32 s18, s13  }
0xc: {  	s18 =	simm.s32 $0x3;
	s24 =	simm.s32 $0x1;
	s9 =	sadd.s32 s9, s0  }
0xd: {  	s6 =	sadd.s32 s6, s8;
	s14 =	ssub.s32 s21, s22;
	s17 =	sadd.s32 s23, s2  }
0xe: {  	s8 =	sshrl.u32 s16, $0x3;
	s12 =	sshll.u32 s28, $0x1;
	s15 =	sshrl.u32 s28, $0x3  }
0xf: {  	s30 =	sor.u32 $0x100, s16;
	s16 =	sor.u32 $0x200, s16;
	s21 =	simm.s32 $0x100  }
0x10: {  	s22 =	simm.s32 $0x180;
	s23 =	simm.s32 $0x4200;
	s6 =	sshrl.u32 s6, $0x3  }
0x11: {  	s8 =	sadd.s32 s4, s8;
	s31 =	sshrl.u32 s30, $0x3;
	s17 =	sshrl.u32 s17, $0x3  }
0x12: {  	s0 =	sadd.s32 s6, s0;
	s6 =	sadd.s32 $0xDC600, s9;
	s9 =	sor.u32 s25, s12  }
0x13: {  	s25 =	simm.s32 $0x2;
	s12 =	sshrl.u32 s9, $0x3;
	s9 =	sadd.s32 s13, s11  }
0x14: {  	s11 =	sadd.s32 s13, s15;
	s13 =	smax.u32 s14, $0x1;
	s14 =	sadd.s32 $0x10, s29  }
0x15: {  	s15 =	sadd.s32 s31, s4;
	s10 =	sadd.s32 s4, s12;
	s12 =	sadd.s32 $0x104600, s0  }
.LBB2_1:
0x16: {  	[spmem:s17], [sflag:s7] =	dma.local [hbm:s6], $0x2800  }
0x17: {  	_ =	swait.ge [sflag:s18], $0x2800  }
0x18: {  	[sflag:s18] =	ssyncset.done $0x0  }
0x19: {  	[sflag:s18] =	ssyncadd.s32 $0xFFFFD800  }
0x1a: {  	[bflag:$0x0] =	sbarrier.arrive $0xFFFF  }
0x1b: {  	[tilespmem:s3], [sflag:$0x3] =	stream.linear.gather [hbm4b:s8+s3], $0x80, $0x38;
	[tilespmem:$0x1C200] =	vst v63  }
0x1c: {  	_ =	swait.ge [sflag:s18], $0x80  }
0x1d: {  	[sflag:s18] =	ssyncset.done $0x0  }
0x1e: {  	[sflag:s18] =	ssyncadd.s32 $0xFFFFFF80  }
0x1f: {  	[tilespmem:s19], [sflag:$0x3] =	stream.linear.gather [hbm4b:s9+s3], $0x80, $0x38;
	[tilespmem:$0x1C200] =	vst v63  }
0x20: {  	_ =	swait.ge [sflag:s18], $0x80  }
0x21: {  	[sflag:s18] =	ssyncset.done $0x0  }
0x22: {  	[sflag:s18] =	ssyncadd.s32 $0xFFFFFF80  }
0x23: {  	[tilespmem:s20], [sflag:$0x1] =	stream.indirect.gather [hbm4b:s5+s19], $0x80, s3, s19, $0xb8;
	[tilespmem:$0x1C200] =	vst v63  }
0x24: {  	s0 =	sadd.s32 $0x0, s15  }
0x25: {  	[tilespmem:s21], [sflag:$0x3] =	stream.linear.gather [hbm4b:s0+s3], $0x80, $0x38;
	[tilespmem:$0x1C200] =	vst v63  }
0x26: {  	_ =	swait.ge [sflag:s18], $0x80  }
0x27: {  	[sflag:s18] =	ssyncset.done $0x0  }
0x28: {  	[sflag:s18] =	ssyncadd.s32 $0xFFFFFF80  }
0x29: {  	[tilespmem:s22], [sflag:$0x3] =	stream.linear.gather [hbm4b:s14+s3], $0x80, $0x38;
	[tilespmem:$0x1C200] =	vst v63  }
0x2a: {  	_ =	swait.ge [sflag:s18], $0x80  }
0x2b: {  	[sflag:s18] =	ssyncset.done $0x0  }
0x2c: {  	[sflag:s18] =	ssyncadd.s32 $0xFFFFFF80  }
0x2d: {  	[tilespmem:s23], [sflag:$0x2] =	stream.indirect.gather [hbm4b:s5+s19], $0x80, s21, s19, $0xb8;
	[tilespmem:$0x1C200] =	vst v63  }
0x2e: {  	_ =	swait.ge [sflag:s24], $0x4000  }
0x2f: {  	[sflag:s24] =	ssyncset.done $0x0  }
0x30: {  	[sflag:s24] =	ssyncadd.s32 $0xFFFFC000  }
0x31: {  	[spmem:s2] =	stream.indirect.scatter.add.f32 [tilespmem:s20], [sflag:$0x3], $0x80, s19, s19, $0xb8;
	[tilespmem:$0x1C200] =	vst v63  }
0x32: {  	_ =	swait.ge [sflag:s18], $0x4000  }
0x33: {  	s1 =	sshrl.u32 s16, $0x3;
	[sflag:s18] =	ssyncset.done $0x0  }
0x34: {  	s0 =	sadd.s32 s4, s1;
	[sflag:s18] =	ssyncadd.s32 $0xFFFFC000  }
0x35: {  	[tilespmem:s3], [sflag:$0x3] =	stream.linear.gather [hbm4b:s0+s3], $0x80, $0x38;
	[tilespmem:$0x1C200] =	vst v63  }
0x36: {  	_ =	swait.ge [sflag:s18], $0x80  }
0x37: {  	[sflag:s18] =	ssyncset.done $0x0  }
0x38: {  	s1 =	sadd.s32 $0x10, s14;
	[sflag:s18] =	ssyncadd.s32 $0xFFFFFF80  }
0x39: {  	[tilespmem:s19], [sflag:$0x3] =	stream.linear.gather [hbm4b:s1+s3], $0x80, $0x38;
	[tilespmem:$0x1C200] =	vst v63  }
0x3a: {  	_ =	swait.ge [sflag:s18], $0x80  }
0x3b: {  	[sflag:s18] =	ssyncset.done $0x0  }
0x3c: {  	[sflag:s18] =	ssyncadd.s32 $0xFFFFFF80  }
0x3d: {  	[tilespmem:s20], [sflag:$0x1] =	stream.indirect.gather [hbm4b:s5+s19], $0x80, s3, s19, $0xb8;
	[tilespmem:$0x1C200] =	vst v63  }
0x3e: {  	_ =	swait.ge [sflag:s25], $0x4000  }
0x3f: {  	[sflag:s25] =	ssyncset.done $0x0  }
0x40: {  	[sflag:s25] =	ssyncadd.s32 $0xFFFFC000  }
0x41: {  	[spmem:s2] =	stream.indirect.scatter.add.f32 [tilespmem:s23], [sflag:$0x3], $0x80, s22, s19, $0xb8;
	[tilespmem:$0x1C200] =	vst v63  }
0x42: {  	s30 =	simm.s32 $0x40;
	s31 =	simm.s32 $0x80;
	_ =	swait.ge [sflag:s18], $0x4000  }
0x43: {  	s28 =	sadd.s32 $0x20, s14;
	s29 =	sadd.s32 $0x200, s16;
	[sflag:s18] =	ssyncset.done $0x0  }
.LBB2_2:
0x44: {  	s1 =	sadd.s32 s30, s15  }
0x45: {  	[sflag:s18] =	ssyncadd.s32 $0xFFFFC000;
	s30 =	smov.u32 s31;
	s0 =	sadd.s32 $0x40, s31  }
0x46: {  	[tilespmem:s21], [sflag:$0x3] =	stream.linear.gather [hbm4b:s1+s3], $0x80, $0x38;
	[tilespmem:$0x1C200] =	vst v63  }
0x47: {  	p0 =	sne.s32 s31, $0x980;
	_ =	swait.ge [sflag:s18], $0x80  }
0x48: {  	[sflag:s18] =	ssyncset.done $0x0  }
0x49: {  	[sflag:s18] =	ssyncadd.s32 $0xFFFFFF80  }
0x4a: {  	[tilespmem:s22], [sflag:$0x3] =	stream.linear.gather [hbm4b:s28+s3], $0x80, $0x38;
	[tilespmem:$0x1C200] =	vst v63  }
0x4b: {  	_ =	swait.ge [sflag:s18], $0x80  }
0x4c: {  	[sflag:s18] =	ssyncset.done $0x0  }
0x4d: {  	[sflag:s18] =	ssyncadd.s32 $0xFFFFFF80  }
0x4e: {  	[tilespmem:s23], [sflag:$0x2] =	stream.indirect.gather [hbm4b:s5+s19], $0x80, s21, s19, $0xb8;
	[tilespmem:$0x1C200] =	vst v63  }
0x4f: {  	_ =	swait.ge [sflag:s24], $0x4000  }
0x50: {  	[sflag:s24] =	ssyncset.done $0x0  }
0x51: {  	[sflag:s24] =	ssyncadd.s32 $0xFFFFC000  }
0x52: {  	[spmem:s2] =	stream.indirect.scatter.add.f32 [tilespmem:s20], [sflag:$0x3], $0x80, s19, s19, $0xb8;
	[tilespmem:$0x1C200] =	vst v63  }
0x53: {  	_ =	swait.ge [sflag:s18], $0x4000  }
0x54: {  	s1 =	sshrl.u32 s29, $0x3;
	[sflag:s18] =	ssyncset.done $0x0  }
0x55: {  	s1 =	sadd.s32 s4, s1;
	[sflag:s18] =	ssyncadd.s32 $0xFFFFC000  }
0x56: {  	[tilespmem:s3], [sflag:$0x3] =	stream.linear.gather [hbm4b:s1+s3], $0x80, $0x38;
	[tilespmem:$0x1C200] =	vst v63  }
0x57: {  	_ =	swait.ge [sflag:s18], $0x80  }
0x58: {  	[sflag:s18] =	ssyncset.done $0x0  }
0x59: {  	s1 =	sadd.s32 $0x10, s28;
	[sflag:s18] =	ssyncadd.s32 $0xFFFFFF80  }
0x5a: {  	[tilespmem:s19], [sflag:$0x3] =	stream.linear.gather [hbm4b:s1+s3], $0x80, $0x38;
	[tilespmem:$0x1C200] =	vst v63  }
0x5b: {  	_ =	swait.ge [sflag:s18], $0x80  }
0x5c: {  	[sflag:s18] =	ssyncset.done $0x0  }
0x5d: {  	[sflag:s18] =	ssyncadd.s32 $0xFFFFFF80  }
0x5e: {  	[tilespmem:s20], [sflag:$0x1] =	stream.indirect.gather [hbm4b:s5+s19], $0x80, s3, s19, $0xb8;
	[tilespmem:$0x1C200] =	vst v63  }
0x5f: {  	_ =	swait.ge [sflag:s25], $0x4000  }
.Ltmp0:
0x60: {  	[sflag:s25] =	ssyncset.done $0x0;
	(pc) =	sbr.rel @p0 .LBB2_2-.Ltmp0, $4  }
0x61: {  	[sflag:s25] =	ssyncadd.s32 $0xFFFFC000  }
0x62: {  	[spmem:s2] =	stream.indirect.scatter.add.f32 [tilespmem:s23], [sflag:$0x3], $0x80, s22, s19, $0xb8;
	[tilespmem:$0x1C200] =	vst v63  }
0x63: {  	s29 =	sadd.s32 $0x200, s29;
	_ =	swait.ge [sflag:s18], $0x4000  }
0x64: {  	s31 =	smov.u32 s0;
	s28 =	sadd.s32 $0x20, s28;
	[sflag:s18] =	ssyncset.done $0x0  }
0x65: {  	s0 =	sadd.s32 s30, s15;
	[sflag:s18] =	ssyncadd.s32 $0xFFFFC000  }
0x66: {  	[tilespmem:s21], [sflag:$0x3] =	stream.linear.gather [hbm4b:s0+s3], $0x80, $0x38;
	[tilespmem:$0x1C200] =	vst v63  }
0x67: {  	_ =	swait.ge [sflag:s18], $0x80  }
0x68: {  	[sflag:s18] =	ssyncset.done $0x0  }
0x69: {  	[sflag:s18] =	ssyncadd.s32 $0xFFFFFF80  }
0x6a: {  	[tilespmem:s22], [sflag:$0x3] =	stream.linear.gather [hbm4b:s28+s3], $0x80, $0x38;
	[tilespmem:$0x1C200] =	vst v63  }
0x6b: {  	_ =	swait.ge [sflag:s18], $0x80  }
0x6c: {  	[sflag:s18] =	ssyncset.done $0x0  }
0x6d: {  	[sflag:s18] =	ssyncadd.s32 $0xFFFFFF80  }
0x6e: {  	[tilespmem:s23], [sflag:$0x2] =	stream.indirect.gather [hbm4b:s5+s19], $0x80, s21, s19, $0xb8;
	[tilespmem:$0x1C200] =	vst v63  }
0x6f: {  	_ =	swait.ge [sflag:s24], $0x4000  }
0x70: {  	[sflag:s24] =	ssyncset.done $0x0  }
0x71: {  	[sflag:s24] =	ssyncadd.s32 $0xFFFFC000  }
0x72: {  	[spmem:s2] =	stream.indirect.scatter.add.f32 [tilespmem:s20], [sflag:$0x3], $0x80, s19, s19, $0xb8;
	[tilespmem:$0x1C200] =	vst v63  }
0x73: {  	_ =	swait.ge [sflag:s18], $0x4000  }
0x74: {  	s30 =	sshrl.u32 s29, $0x3;
	[sflag:s18] =	ssyncset.done $0x0  }
0x75: {  	s0 =	sadd.s32 s4, s30;
	[sflag:s18] =	ssyncadd.s32 $0xFFFFC000  }
0x76: {  	[tilespmem:s3], [sflag:$0x3] =	stream.linear.gather [hbm4b:s0+s3], $0x80, $0x38;
	[tilespmem:$0x1C200] =	vst v63  }
0x77: {  	_ =	swait.ge [sflag:s18], $0x80  }
0x78: {  	[sflag:s18] =	ssyncset.done $0x0  }
0x79: {  	s31 =	sadd.s32 $0x10, s28;
	[sflag:s18] =	ssyncadd.s32 $0xFFFFFF80  }
0x7a: {  	[tilespmem:s19], [sflag:$0x3] =	stream.linear.gather [hbm4b:s31+s3], $0x80, $0x38;
	[tilespmem:$0x1C200] =	vst v63  }
0x7b: {  	_ =	swait.ge [sflag:s18], $0x80  }
0x7c: {  	[sflag:s18] =	ssyncset.done $0x0  }
0x7d: {  	[sflag:s18] =	ssyncadd.s32 $0xFFFFFF80  }
0x7e: {  	[tilespmem:s20], [sflag:$0x1] =	stream.indirect.gather [hbm4b:s5+s19], $0x80, s3, s19, $0xb8;
	[tilespmem:$0x1C200] =	vst v63  }
0x7f: {  	_ =	swait.ge [sflag:s25], $0x4000  }
0x80: {  	[sflag:s25] =	ssyncset.done $0x0  }
0x81: {  	[sflag:s25] =	ssyncadd.s32 $0xFFFFC000  }
0x82: {  	[spmem:s2] =	stream.indirect.scatter.add.f32 [tilespmem:s23], [sflag:$0x3], $0x80, s22, s19, $0xb8;
	[tilespmem:$0x1C200] =	vst v63  }
0x83: {  	_ =	swait.ge [sflag:s18], $0x4000  }
0x84: {  	[sflag:s18] =	ssyncset.done $0x0  }
0x85: {  	[sflag:s18] =	ssyncadd.s32 $0xFFFFC000  }
0x86: {  	[tilespmem:s21], [sflag:$0x3] =	stream.linear.gather [hbm4b:s10+s3], $0x80, $0x38;
	[tilespmem:$0x1C200] =	vst v63  }
0x87: {  	_ =	swait.ge [sflag:s18], $0x80  }
0x88: {  	[sflag:s18] =	ssyncset.done $0x0  }
0x89: {  	[sflag:s18] =	ssyncadd.s32 $0xFFFFFF80  }
0x8a: {  	[tilespmem:s22], [sflag:$0x3] =	stream.linear.gather [hbm4b:s11+s3], $0x80, $0x38;
	[tilespmem:$0x1C200] =	vst v63  }
0x8b: {  	_ =	swait.ge [sflag:s18], $0x80  }
0x8c: {  	[sflag:s18] =	ssyncset.done $0x0  }
0x8d: {  	[sflag:s18] =	ssyncadd.s32 $0xFFFFFF80  }
0x8e: {  	[tilespmem:s23], [sflag:$0x2] =	stream.indirect.gather [hbm4b:s5+s19], $0x80, s21, s19, $0xb8;
	[tilespmem:$0x1C200] =	vst v63  }
0x8f: {  	_ =	swait.ge [sflag:s24], $0x4000  }
0x90: {  	[sflag:s24] =	ssyncset.done $0x0  }
0x91: {  	[sflag:s24] =	ssyncadd.s32 $0xFFFFC000  }
0x92: {  	[spmem:s2] =	stream.indirect.scatter.add.f32 [tilespmem:s20], [sflag:$0x3], $0x80, s19, s19, $0xb8;
	[tilespmem:$0x1C200] =	vst v63  }
0x93: {  	_ =	swait.ge [sflag:s18], $0x4000  }
0x94: {  	[sflag:s18] =	ssyncset.done $0x0  }
0x95: {  	[sflag:s18] =	ssyncadd.s32 $0xFFFFC000  }
0x96: {  	_ =	swait.ge [sflag:s25], $0x4000  }
0x97: {  	[sflag:s25] =	ssyncset.done $0x0  }
0x98: {  	[sflag:s25] =	ssyncadd.s32 $0xFFFFC000  }
0x99: {  	[spmem:s2] =	stream.indirect.scatter.add.f32 [tilespmem:s23], [sflag:$0x3], $0x80, s22, s19, $0xb8;
	[tilespmem:$0x1C200] =	vst v63  }
0x9a: {  	_ =	swait.ge [sflag:s18], $0x4000  }
0x9b: {  	s26 =	sadd.s32 $0x1, s26;
	[sflag:s18] =	ssyncset.done $0x0  }
0x9c: {  	p0 =	sne.s32 s26, s13;
	[sflag:s18] =	ssyncadd.s32 $0xFFFFC000  }
.Ltmp1:
0x9d: {  	[bflag:$0x0] =	sbarrier.arrive $0xFFFF;
	(pc) =	sbr.rel @p0 .LBB2_1-.Ltmp1, $4  }
0x9e: {  	[hbm:s12], [sflag:s7] =	dma.local [spmem:s17], $0x2800  }
0x9f: {  	_ =	swait.ge [sflag:s18], $0x2800  }
0xa0: {  	[sflag:s18] =	ssyncset.done $0x0  }
0xa1: {  	[sflag:s18] =	ssyncadd.s32 $0xFFFFD800  }
0xa2: {  	_ =	sfence.sel $0x180000  }
0xa3: {  	[bflag:$0x0] =	sbarrier.arrive $0xFFFF  }
0xa4: {  	_ =	strace $0x90000050  }
0xa5: {  	s0 =	stileid.u32;
	[bflag:$0x2] =	sbarrier.arrive $0xFFFF  }
0xa6: {  	p0 =	sne.s32 s0, $0x0;
	s0 =	rddreg [dreg:$0x2]  }
0xa7: {  	s0 =	sadd.s32 @!p0 $0x100000, s0  }
0xa8: {  	[sflag:s0] =	ssyncadd.tile.s32 @!p0 $0x1;
	_ =	shalt  }
.Lfunc_end2:
_tile_overlayer_lowered:
.L_overlay_start_2:
0xa9: {  	(tag) =	ssettag $0x2  }
0xaa: {  	s0 =	rddreg [dreg:$0x0];
	s2 =	stileid.u32  }
0xab: {  	s1 =	rddreg [dreg:$0x1];
	p0 =	sne.s32 s2, $0x0  }
0xac: {  	s3 =	rddreg [dreg:$0x2];
	[bflag:$0x3] =	sbarrier.arrive $0xFFFF;
	s2 =	simm.s32 @!p0 $0x1C03  }
0xad: {  	[timem:s3], [sflag:s2] =	dma.local @!p0 [hbm:s0], s1  }
0xae: {  	s0 =	simm.s32 @!p0 $0x3  }
0xaf: {  	_ =	swait.ge @!p0 [sflag:s0], s1  }
0xb0: {  	s1 =	ssub.s32 @!p0 $0x0, s1;
	[sflag:s0] =	ssyncset.done @!p0 $0x0  }
0xb1: {  	[sflag:s0] =	ssyncadd.s32 @!p0 s1  }
0xb2: {  	[bflag:$0x3] =	sbarrier.arrive $0xFFFF  }
0xb3: {  	_ =	shalt  }

// kernel: kernel.24.cloned.1.call-start
scs
__scs_entry_jumppad:
0x0: {  	(pc) =	sbr.rel $0x88, $3  }
0x1: {  	(tag) =	ssettag $0x0;
	lr =	simm.s32 $0x1  }
0x2: {  	[smem:$0x3F8A] =	sst lr;
	_ =	strace $0xD0000000  }
0x3: {  	_ = 	snop  }
0x4: {  	_ = 	snop  }
0x5: {  	_ = 	snop  }
0x6: {  	_ = 	snop  }
0x7: {  	_ = 	snop  }
__scs_overlays_trampoline_lowered:
0x8: {  	[smem:$0x3F99] =	sst s0  }
0x9: {  	[smem:$0x3F9A] =	sst s1  }
0xa: {  	[smem:$0x3F9B] =	sst s2  }
0xb: {  	[smem:$0x3F9C] =	sst s3  }
0xc: {  	[smem:$0x3F9D] =	sst s4  }
0xd: {  	[smem:$0x3F9E] =	sst s5  }
0xe: {  	[smem:$0x3F9F] =	sst s6  }
0xf: {  	[smem:$0x3FA0] =	sst s7  }
0x10: {  	[smem:$0x3FA1] =	sst s8  }
0x11: {  	[smem:$0x3FA2] =	sst s9;
	s0 =	simm.s32 @!p0 $0x0  }
0x12: {  	s1 =	sld [smem:$0x3F88];
	s0 =	simm.s32 @p0 $0x1  }
0x13: {  	[smem:$0x3FA3] =	sst s0;
	s0 =	simm.s32 @!p1 $0x0  }
0x14: {  	s2 =	sld [smem:$0x3F87];
	s0 =	simm.s32 @p1 $0x1  }
0x15: {  	[smem:$0x3FA4] =	sst s0;
	s0 =	simm.s32 @!p2 $0x0  }
0x16: {  	s3 =	sld [smem:$0x3FDB];
	s0 =	simm.s32 @p2 $0x1  }
0x17: {  	s4 =	simm.s32 $0x1BF5;
	[smem:$0x3FA6] =	sst s0  }
0x18: {  	s0 =	sld [smem:$0x3F89];
	_ =	swait.ge [sflag:s4], $0x0  }
0x19: {  	s7 =	sld [smem:$0x3F8A]  }
0x1a: {  	s8 =	sadd.s32 $0xFFFFE003, lr  }
0x1b: {  	s9 =	sadd.s32 $0xFFFFFEF7, lr;
	s5 =	simm.s32 $0xFFFFFFFF;
	p2 =	slt.u32 s8, $0xFFFFF086  }
0x1c: {  	p1 =	slt.u32 s9, $0xF7A;
	s5 =	simm.s32 @!p2 $0x0  }
0x1d: {  	s5 =	simm.s32 @p1 $0x1;
	p0 =	seq.s32 s7, s2  }
0x1e: {  	s7 =	smul.u32 @!p0 $0xF7A, s2;
	p2 =	seq.s32 @!p0 s5, $0x0  }
0x1f: {  	s9 =	smul.u32 $0xF7A, s1;
	s8 =	simm.s32 @!p0 $0x1BF5;
	p2 =	por !p2, p0  }
0x20: {  	[sflag:s8] =	ssyncset.s32 @!p0 $0xFFFFF086;
	s6 =	sadd.s32 @!p0 s3, s7;
	s7 =	simm.s32 @!p0 $0x108  }
0x21: {  	s3 =	sadd.s32 s3, s9;
	s6 =	sadd.s32 @!p0 $0x88, s6;
	s7 =	simm.s32 @p2 $0x1082  }
0x22: {  	[simem:s7], [sflag:s8] =	dma.local @!p0 [hbm:s6], $0xF7A  }
0x23: {  	s9 =	sor.u32 $0xD0000000, s2;
	s6 =	simm.s32 $0x108;
	_ =	swait.ge @!p0 [sflag:s8], $0x0  }
0x24: {  	s3 =	sadd.s32 $0x88, s3;
	s6 =	simm.s32 @!p1 $0x1082;
	[sflag:s4] =	ssyncset.s32 $0xFFFFF086  }
0x25: {  	[simem:s6], [sflag:s4] =	dma.local [hbm:s3], $0xF7A  }
0x26: {  	[smem:$0x3F8A] =	sst s1;
	(tag) =	ssettag s2;
	_ =	strace s9  }
0x27: {  	s1 =	sld [smem:$0x3F9A]  }
0x28: {  	s2 =	sld [smem:$0x3F9B]  }
0x29: {  	s4 =	sld [smem:$0x3F9D]  }
0x2a: {  	p0 =	seq.s32 s5, $0x0;
	s5 =	sld [smem:$0x3F9E]  }
0x2b: {  	s6 =	sld [smem:$0x3F9F]  }
0x2c: {  	s7 =	sld [smem:$0x3FA0]  }
0x2d: {  	s3 =	simm.s32 $0x108;
	s8 =	sld [smem:$0x3FA1]  }
0x2e: {  	s3 =	simm.s32 @!p0 $0x1082;
	s9 =	sld [smem:$0x3FA2]  }
0x2f: {  	lr =	sadd.s32 s0, s3;
	s0 =	sld [smem:$0x3F99]  }
0x30: {  	s3 =	sld [smem:$0x3F9C]  }
0x31: {  	[smem:$0x3FA5] =	sst s10  }
0x32: {  	s10 =	sld [smem:$0x3FA3];
	_ =	sdelay $0x3  }
0x33: {  	p0 =	seq.s32 s10, $0x1;
	s10 =	sld [smem:$0x3FA5];
	_ =	sdelay $0x3  }
0x34: {  	[smem:$0x3FA5] =	sst s10  }
0x35: {  	s10 =	sld [smem:$0x3FA4];
	_ =	sdelay $0x3  }
0x36: {  	p1 =	seq.s32 s10, $0x1;
	s10 =	sld [smem:$0x3FA5];
	_ =	sdelay $0x3  }
0x37: {  	[smem:$0x3FA5] =	sst s10  }
0x38: {  	s10 =	sld [smem:$0x3FA6]  }
0x39: {  	_ = 	snop;
	(pc) =	sbr.ind lr, $3  }
0x3a: {  	_ = 	snop  }
0x3b: {  	_ = 	snop  }
0x3c: {  	p2 =	seq.s32 s10, $0x1;
	s10 =	sld [smem:$0x3FA5]  }
0x3d: {  	_ =	shalt  }
0x3e: {  	_ =	shalt  }
0x3f: {  	_ =	shalt  }
0x40: {  	_ =	shalt  }
0x41: {  	_ =	shalt  }
0x42: {  	_ =	shalt  }
0x43: {  	_ =	shalt  }
0x44: {  	_ =	shalt  }
0x45: {  	_ =	shalt  }
0x46: {  	_ =	shalt  }
0x47: {  	_ =	shalt  }
0x48: {  	_ =	shalt  }
0x49: {  	_ =	shalt  }
0x4a: {  	_ =	shalt  }
0x4b: {  	_ =	shalt  }
0x4c: {  	_ =	shalt  }
0x4d: {  	_ =	shalt  }
0x4e: {  	_ =	shalt  }
0x4f: {  	_ =	shalt  }
0x50: {  	_ =	shalt  }
0x51: {  	_ =	shalt  }
0x52: {  	_ =	shalt  }
0x53: {  	_ =	shalt  }
0x54: {  	_ =	shalt  }
0x55: {  	_ =	shalt  }
0x56: {  	_ =	shalt  }
0x57: {  	_ =	shalt  }
0x58: {  	_ =	shalt  }
0x59: {  	_ =	shalt  }
0x5a: {  	_ =	shalt  }
0x5b: {  	_ =	shalt  }
0x5c: {  	_ =	shalt  }
0x5d: {  	_ =	shalt  }
0x5e: {  	_ =	shalt  }
0x5f: {  	_ =	shalt  }
0x60: {  	_ =	shalt  }
0x61: {  	_ =	shalt  }
0x62: {  	_ =	shalt  }
0x63: {  	_ =	shalt  }
0x64: {  	_ =	shalt  }
0x65: {  	_ =	shalt  }
0x66: {  	_ =	shalt  }
0x67: {  	_ =	shalt  }
0x68: {  	_ =	shalt  }
0x69: {  	_ =	shalt  }
0x6a: {  	_ =	shalt  }
0x6b: {  	_ =	shalt  }
0x6c: {  	_ =	shalt  }
0x6d: {  	_ =	shalt  }
0x6e: {  	_ =	shalt  }
0x6f: {  	_ =	shalt  }
0x70: {  	_ =	shalt  }
0x71: {  	_ =	shalt  }
0x72: {  	_ =	shalt  }
0x73: {  	_ =	shalt  }
0x74: {  	_ =	shalt  }
0x75: {  	_ =	shalt  }
0x76: {  	_ =	shalt  }
0x77: {  	_ =	shalt  }
0x78: {  	_ =	shalt  }
0x79: {  	_ =	shalt  }
0x7a: {  	_ =	shalt  }
0x7b: {  	_ =	shalt  }
0x7c: {  	_ =	shalt  }
0x7d: {  	_ =	shalt  }
0x7e: {  	_ =	shalt  }
0x7f: {  	_ =	shalt  }
0x80: {  	_ =	shalt  }
0x81: {  	_ =	shalt  }
0x82: {  	_ =	shalt  }
0x83: {  	_ =	shalt  }
0x84: {  	_ =	shalt  }
0x85: {  	_ =	shalt  }
0x86: {  	_ =	shalt  }
0x87: {  	_ =	shalt  }
.Lfunc_end0:
.L_simem_size_0:
called_computation.4_lowered:
.L_overlay_start_0:
0x88: {  	s2 =	sld [smem:$0x3FD9]  }
0x89: {  	s3 =	sld [smem:$0x3FFE];
	_ =	sdelay $0x1  }
0x8a: {  	s1 =	srdreg.scid  }
0x8b: {  	s0 =	sand.u32 $0x1, s1  }
0x8c: {  	s17 =	sshll.u32 s0, $0xA;
	s2 =	sadd.s32 s3, s2  }
0x8d: {  	s2 =	sadd.s32 s2, s17  }
0x8e: {  	[smem:$0x3FB1] =	sst s2  }
0x8f: {  	_ = 	snop  }
0x90: {  	(tm) =	ssettm $0x1  }
0x91: {  	s18 =	sld [smem:$0x3FFB];
	_ =	sdelay $0x3  }
0x92: {  	_ =	strace s18  }
0x93: {  	s2 =	sld [smem:$0x3FFC];
	_ =	sdelay $0x3  }
0x94: {  	_ =	strace s2  }
0x95: {  	s2 =	sld [smem:$0x3FFD];
	_ =	sdelay $0x3  }
0x96: {  	_ =	strace s2  }
0x97: {  	_ =	strace $0x8FFFFFFF  }
0x98: {  	s19 =	sld [smem:$0x3FDB];
	_ =	sdelay $0x1  }
0x99: {  	s20 =	simm.s32 $_scs_section_size  }
0x9a: {  	s4 =	simm.s32 $_size__tile_overlayer_lowered;
	s5 =	simm.s32 $_tile_overlayer_lowered  }
0x9b: {  	s6 =	simm.s32 $0x1BFF;
	s21 =	sshll.u32 s5, $0x1;
	s3 =	sadd.s32 s20, s19  }
0x9c: {  	s22 =	simm.s32 $0x0;
	s4 =	sshll.u32 s4, $0x1;
	s5 =	sadd.s32 s21, s3  }
0x9d: {  	[timem:s22], [sflag:s6] =	dma.local [hbm:s5], s4  }
0x9e: {  	_ =	swait.ge [sflag:s6], s4  }
0x9f: {  	s4 =	ssub.s32 $0x0, s4;
	[sflag:s6] =	ssyncset.done $0x0  }
0xa0: {  	[sflag:s6] =	ssyncadd.s32 s4;
	_ =	sdelay $0x1  }
0xa1: {  	s23 =	simm.s32 $0x1B8B  }
0xa2: {  	_ =	swait.ge [sflag:s23], $0x1  }
0xa3: {  	[sflag:s23] =	ssyncset.done $0x0  }
0xa4: {  	[sflag:s23] =	ssyncadd.s32 $0xFFFFFFFF  }
0xa5: {  	s4 =	sld [smem:$0x0]  }
0xa6: {  	s5 =	sand.u32 $0xFFFFFFFE, s1  }
0xa7: {  	p0 =	sne.s32 s1, s5  }
0xa8: {  	s5 =	sshll.u32 @p0 s5, $0xE  }
0xa9: {  	s5 =	sadd.s32 @p0 $0x11B8D, s5;
	s6 =	sshll.u32 @p0 s4, $0x11  }
0xaa: {  	s5 =	sor.u32 @p0 s6, s5  }
0xab: {  	[sflag:s5] =	ssyncadd.remote.s32 @p0 $0x1;
	_ =	sdelay $0x1  }
0xac: {  	s5 =	simm.s32 @p0 $0x1B8D  }
0xad: {  	_ =	swait.eq @p0 [sflag:s5], $0x1  }
0xae: {  	[sflag:s5] =	ssyncadd.s32 @p0 $0xFFFFFFFF  }
0xaf: {  	s6 =	sshll.u32 @!p0 s1, $0xE  }
0xb0: {  	s6 =	sor.u32 @!p0 $0x4000, s6;
	s5 =	simm.s32 @!p0 $0x1B8D  }
0xb1: {  	s4 =	sshll.u32 @!p0 s4, $0x11;
	s6 =	sadd.s32 @!p0 $0x11B8D, s6;
	_ =	swait.eq @!p0 [sflag:s5], $0x1  }
0xb2: {  	s4 =	sor.u32 @!p0 s4, s6;
	[sflag:s5] =	ssyncadd.s32 @!p0 $0xFFFFFFFF  }
0xb3: {  	s25 =	simm.s32 $0x1B8E;
	s24 =	sld [smem:$0x3FFE];
	[sflag:s4] =	ssyncadd.remote.s32 @!p0 $0x1  }
0xb4: {  	s26 =	simm.s32 $execute0_lowered;
	[smem:$0x3FD2] =	sst s25  }
0xb5: {  	s5 =	sshll.u32 s26, $0x1;
	_ =	strace $0x80000052;
	[dreg:$0x1] =	wrdreg $0xFFFFFFFF  }
0xb6: {  	s28 =	simm.s32 $_size_execute0_lowered;
	s3 =	sadd.s32 s3, s5;
	[dreg:$0x0] =	wrdreg $0x0  }
0xb7: {  	s5 =	sshll.u32 s28, $0x1;
	[dreg:$0x2] =	wrdreg s3  }
0xb8: {  	[dreg:$0x3] =	wrdreg s5  }
0xb9: {  	[dreg:$0x4] =	wrdreg $0xC0  }
0xba: {  	_ =	task [dreg:s22], $0x5FFFF  }
0xbb: {  	[dreg:$0x1] =	wrdreg $0xFFFFFFFF  }
0xbc: {  	[dreg:$0x0] =	wrdreg $0x60  }
0xbd: {  	[dreg:$0x2] =	wrdreg s24  }
0xbe: {  	[dreg:$0x3] =	wrdreg $0x82000  }
0xbf: {  	[dreg:$0x4] =	wrdreg $0x9  }
0xc0: {  	_ =	task.clear_ibuf [dreg:s22], $0x5FFFF;
	_ =	strace $0x90000052  }
0xc1: {  	s29 =	simm.s32 $0x9;
	_ =	strace $0x80000054  }
0xc2: {  	_ =	swait.ge [sflag:s29], $0x1  }
0xc3: {  	[sflag:s29] =	ssyncadd.s32 $0xFFFFFFFF  }
0xc4: {  	_ =	strace $0x90000054  }
0xc5: {  	_ =	sfence  }
0xc6: {  	s30 =	sld [smem:$0x0];
	_ =	sdelay $0x2  }
0xc7: {  	s31 =	sshll.u32 s1, $0xD;
	s1 =	sshrl.u32 s1, $0x2  }
0xc8: {  	s4 =	sand.u32 $0x4000, s31;
	s1 =	sadd.s32 s1, s30  }
0xc9: {  	s0 =	sor.u32 s4, s0;
	s1 =	sshll.u32 s1, $0x11  }
0xca: {  	s0 =	sor.u32 s1, s0  }
0xcb: {  	s0 =	sadd.s32 $0x8F2B, s0  }
0xcc: {  	[sflag:s0] =	ssyncadd.remote.s32 $0x1  }
0xcd: {  	_ =	sfence.sel $0xFFFF  }
0xce: {  	[dreg:$0x0] =	wrdreg $0xFFFFFFFF;
	(pc) =	sbr.abs _section_cstart, $3  }
0xcf: {  	[dreg:$0x1] =	wrdreg $0xFFFFFFFF  }
0xd0: {  	_ =	task.clear_ibuf [dreg:s22], $0x2FFFF;
	_ =	strace $0x9FFFFFFF  }
0xd1: {  	(tm) =	ssettm $0x7FFFFFFF  }
tec
execute0_lowered:
.L_overlay_start_1:
0x0: {  	(tag) =	ssettag $0x1  }
0x1: {  	s0 =	rddreg [dreg:$0x0]  }
0x2: {  	s2 =	rddreg [dreg:$0x1];
	s3 =	simm.s32 $0x0;
	s1 =	stileid.u32  }
0x3: {  	s4 =	srdreg.scid;
	s19 =	simm.s32 $0x80;
	s6 =	smul.u32 $0x14000, s1  }
0x4: {  	s20 =	simm.s32 $0x200;
	[smem:$0x7FF] =	sst s3;
	s10 =	smul.u32 $0x50000, s1  }
0x5: {  	s7 =	sand.u32 $0x1, s4;
	s4 =	sadd.s32 $0x154600, s0;
	s11 =	smul.u32 $0x2800, s1  }
0x6: {  	s13 =	sadd.s32 $0x9800, s0;
	s5 =	sadd.s32 $0x67200, s0;
	s24 =	smul.u32 $0x5000, s1  }
0x7: {  	s26 =	sshll.u32 s1, $0x6;
	s18 =	smul.u32 $0x500, s1;
	_ =	strace $0x80000053  }
0x8: {  	s8 =	smul.u32 $0x140000, s7;
	s21 =	ssub.s32 $0x2, s7;
	s25 =	sshll.u32 s7, $0x7  }
0x9: {  	s7 =	sor.u32 $0x1C03, s26;
	s26 =	simm.s32 $0x0;
	s9 =	sshrl.u32 s6, $0x3  }
0xa: {  	s22 =	sshrl.u32 s21, $0x1;
	s23 =	sshrl.u32 s10, $0x2;
	s16 =	sor.u32 s25, s24  }
0xb: {  	s28 =	sadd.s32 $0x2780, s11;
	s11 =	sshrl.u32 s11, $0x3;
	s29 =	sadd.s32 s18, s13  }
0xc: {  	s18 =	simm.s32 $0x3;
	s24 =	simm.s32 $0x1;
	s9 =	sadd.s32 s9, s0  }
0xd: {  	s6 =	sadd.s32 s6, s8;
	s14 =	ssub.s32 s21, s22;
	s17 =	sadd.s32 s23, s2  }
0xe: {  	s8 =	sshrl.u32 s16, $0x3;
	s12 =	sshll.u32 s28, $0x1;
	s15 =	sshrl.u32 s28, $0x3  }
0xf: {  	s30 =	sor.u32 $0x100, s16;
	s16 =	sor.u32 $0x200, s16;
	s21 =	simm.s32 $0x100  }
0x10: {  	s22 =	simm.s32 $0x180;
	s23 =	simm.s32 $0x4200;
	s6 =	sshrl.u32 s6, $0x3  }
0x11: {  	s8 =	sadd.s32 s4, s8;
	s31 =	sshrl.u32 s30, $0x3;
	s17 =	sshrl.u32 s17, $0x3  }
0x12: {  	s0 =	sadd.s32 s6, s0;
	s6 =	sadd.s32 $0xDC600, s9;
	s9 =	sor.u32 s25, s12  }
0x13: {  	s25 =	simm.s32 $0x2;
	s12 =	sshrl.u32 s9, $0x3;
	s9 =	sadd.s32 s13, s11  }
0x14: {  	s11 =	sadd.s32 s13, s15;
	s13 =	smax.u32 s14, $0x1;
	s14 =	sadd.s32 $0x10, s29  }
0x15: {  	s15 =	sadd.s32 s31, s4;
	s10 =	sadd.s32 s4, s12;
	s12 =	sadd.s32 $0x15E600, s0  }
.LBB2_1:
0x16: {  	[spmem:s17], [sflag:s7] =	dma.local [hbm:s6], $0x2800  }
0x17: {  	_ =	swait.ge [sflag:s18], $0x2800  }
0x18: {  	[sflag:s18] =	ssyncset.done $0x0  }
0x19: {  	[sflag:s18] =	ssyncadd.s32 $0xFFFFD800  }
0x1a: {  	[bflag:$0x0] =	sbarrier.arrive $0xFFFF  }
0x1b: {  	[tilespmem:s3], [sflag:$0x3] =	stream.linear.gather [hbm4b:s8+s3], $0x80, $0x38;
	[tilespmem:$0x1C200] =	vst v63  }
0x1c: {  	_ =	swait.ge [sflag:s18], $0x80  }
0x1d: {  	[sflag:s18] =	ssyncset.done $0x0  }
0x1e: {  	[sflag:s18] =	ssyncadd.s32 $0xFFFFFF80  }
0x1f: {  	[tilespmem:s19], [sflag:$0x3] =	stream.linear.gather [hbm4b:s9+s3], $0x80, $0x38;
	[tilespmem:$0x1C200] =	vst v63  }
0x20: {  	_ =	swait.ge [sflag:s18], $0x80  }
0x21: {  	[sflag:s18] =	ssyncset.done $0x0  }
0x22: {  	[sflag:s18] =	ssyncadd.s32 $0xFFFFFF80  }
0x23: {  	[tilespmem:s20], [sflag:$0x1] =	stream.indirect.gather [hbm4b:s5+s19], $0x80, s3, s19, $0xb8;
	[tilespmem:$0x1C200] =	vst v63  }
0x24: {  	s0 =	sadd.s32 $0x0, s15  }
0x25: {  	[tilespmem:s21], [sflag:$0x3] =	stream.linear.gather [hbm4b:s0+s3], $0x80, $0x38;
	[tilespmem:$0x1C200] =	vst v63  }
0x26: {  	_ =	swait.ge [sflag:s18], $0x80  }
0x27: {  	[sflag:s18] =	ssyncset.done $0x0  }
0x28: {  	[sflag:s18] =	ssyncadd.s32 $0xFFFFFF80  }
0x29: {  	[tilespmem:s22], [sflag:$0x3] =	stream.linear.gather [hbm4b:s14+s3], $0x80, $0x38;
	[tilespmem:$0x1C200] =	vst v63  }
0x2a: {  	_ =	swait.ge [sflag:s18], $0x80  }
0x2b: {  	[sflag:s18] =	ssyncset.done $0x0  }
0x2c: {  	[sflag:s18] =	ssyncadd.s32 $0xFFFFFF80  }
0x2d: {  	[tilespmem:s23], [sflag:$0x2] =	stream.indirect.gather [hbm4b:s5+s19], $0x80, s21, s19, $0xb8;
	[tilespmem:$0x1C200] =	vst v63  }
0x2e: {  	_ =	swait.ge [sflag:s24], $0x4000  }
0x2f: {  	[sflag:s24] =	ssyncset.done $0x0  }
0x30: {  	[sflag:s24] =	ssyncadd.s32 $0xFFFFC000  }
0x31: {  	[spmem:s2] =	stream.indirect.scatter.add.f32 [tilespmem:s20], [sflag:$0x3], $0x80, s19, s19, $0xb8;
	[tilespmem:$0x1C200] =	vst v63  }
0x32: {  	_ =	swait.ge [sflag:s18], $0x4000  }
0x33: {  	s1 =	sshrl.u32 s16, $0x3;
	[sflag:s18] =	ssyncset.done $0x0  }
0x34: {  	s0 =	sadd.s32 s4, s1;
	[sflag:s18] =	ssyncadd.s32 $0xFFFFC000  }
0x35: {  	[tilespmem:s3], [sflag:$0x3] =	stream.linear.gather [hbm4b:s0+s3], $0x80, $0x38;
	[tilespmem:$0x1C200] =	vst v63  }
0x36: {  	_ =	swait.ge [sflag:s18], $0x80  }
0x37: {  	[sflag:s18] =	ssyncset.done $0x0  }
0x38: {  	s1 =	sadd.s32 $0x10, s14;
	[sflag:s18] =	ssyncadd.s32 $0xFFFFFF80  }
0x39: {  	[tilespmem:s19], [sflag:$0x3] =	stream.linear.gather [hbm4b:s1+s3], $0x80, $0x38;
	[tilespmem:$0x1C200] =	vst v63  }
0x3a: {  	_ =	swait.ge [sflag:s18], $0x80  }
0x3b: {  	[sflag:s18] =	ssyncset.done $0x0  }
0x3c: {  	[sflag:s18] =	ssyncadd.s32 $0xFFFFFF80  }
0x3d: {  	[tilespmem:s20], [sflag:$0x1] =	stream.indirect.gather [hbm4b:s5+s19], $0x80, s3, s19, $0xb8;
	[tilespmem:$0x1C200] =	vst v63  }
0x3e: {  	_ =	swait.ge [sflag:s25], $0x4000  }
0x3f: {  	[sflag:s25] =	ssyncset.done $0x0  }
0x40: {  	[sflag:s25] =	ssyncadd.s32 $0xFFFFC000  }
0x41: {  	[spmem:s2] =	stream.indirect.scatter.add.f32 [tilespmem:s23], [sflag:$0x3], $0x80, s22, s19, $0xb8;
	[tilespmem:$0x1C200] =	vst v63  }
0x42: {  	s30 =	simm.s32 $0x40;
	s31 =	simm.s32 $0x80;
	_ =	swait.ge [sflag:s18], $0x4000  }
0x43: {  	s28 =	sadd.s32 $0x20, s14;
	s29 =	sadd.s32 $0x200, s16;
	[sflag:s18] =	ssyncset.done $0x0  }
.LBB2_2:
0x44: {  	s1 =	sadd.s32 s30, s15  }
0x45: {  	[sflag:s18] =	ssyncadd.s32 $0xFFFFC000;
	s30 =	smov.u32 s31;
	s0 =	sadd.s32 $0x40, s31  }
0x46: {  	[tilespmem:s21], [sflag:$0x3] =	stream.linear.gather [hbm4b:s1+s3], $0x80, $0x38;
	[tilespmem:$0x1C200] =	vst v63  }
0x47: {  	p0 =	sne.s32 s31, $0x980;
	_ =	swait.ge [sflag:s18], $0x80  }
0x48: {  	[sflag:s18] =	ssyncset.done $0x0  }
0x49: {  	[sflag:s18] =	ssyncadd.s32 $0xFFFFFF80  }
0x4a: {  	[tilespmem:s22], [sflag:$0x3] =	stream.linear.gather [hbm4b:s28+s3], $0x80, $0x38;
	[tilespmem:$0x1C200] =	vst v63  }
0x4b: {  	_ =	swait.ge [sflag:s18], $0x80  }
0x4c: {  	[sflag:s18] =	ssyncset.done $0x0  }
0x4d: {  	[sflag:s18] =	ssyncadd.s32 $0xFFFFFF80  }
0x4e: {  	[tilespmem:s23], [sflag:$0x2] =	stream.indirect.gather [hbm4b:s5+s19], $0x80, s21, s19, $0xb8;
	[tilespmem:$0x1C200] =	vst v63  }
0x4f: {  	_ =	swait.ge [sflag:s24], $0x4000  }
0x50: {  	[sflag:s24] =	ssyncset.done $0x0  }
0x51: {  	[sflag:s24] =	ssyncadd.s32 $0xFFFFC000  }
0x52: {  	[spmem:s2] =	stream.indirect.scatter.add.f32 [tilespmem:s20], [sflag:$0x3], $0x80, s19, s19, $0xb8;
	[tilespmem:$0x1C200] =	vst v63  }
0x53: {  	_ =	swait.ge [sflag:s18], $0x4000  }
0x54: {  	s1 =	sshrl.u32 s29, $0x3;
	[sflag:s18] =	ssyncset.done $0x0  }
0x55: {  	s1 =	sadd.s32 s4, s1;
	[sflag:s18] =	ssyncadd.s32 $0xFFFFC000  }
0x56: {  	[tilespmem:s3], [sflag:$0x3] =	stream.linear.gather [hbm4b:s1+s3], $0x80, $0x38;
	[tilespmem:$0x1C200] =	vst v63  }
0x57: {  	_ =	swait.ge [sflag:s18], $0x80  }
0x58: {  	[sflag:s18] =	ssyncset.done $0x0  }
0x59: {  	s1 =	sadd.s32 $0x10, s28;
	[sflag:s18] =	ssyncadd.s32 $0xFFFFFF80  }
0x5a: {  	[tilespmem:s19], [sflag:$0x3] =	stream.linear.gather [hbm4b:s1+s3], $0x80, $0x38;
	[tilespmem:$0x1C200] =	vst v63  }
0x5b: {  	_ =	swait.ge [sflag:s18], $0x80  }
0x5c: {  	[sflag:s18] =	ssyncset.done $0x0  }
0x5d: {  	[sflag:s18] =	ssyncadd.s32 $0xFFFFFF80  }
0x5e: {  	[tilespmem:s20], [sflag:$0x1] =	stream.indirect.gather [hbm4b:s5+s19], $0x80, s3, s19, $0xb8;
	[tilespmem:$0x1C200] =	vst v63  }
0x5f: {  	_ =	swait.ge [sflag:s25], $0x4000  }
.Ltmp0:
0x60: {  	[sflag:s25] =	ssyncset.done $0x0;
	(pc) =	sbr.rel @p0 .LBB2_2-.Ltmp0, $4  }
0x61: {  	[sflag:s25] =	ssyncadd.s32 $0xFFFFC000  }
0x62: {  	[spmem:s2] =	stream.indirect.scatter.add.f32 [tilespmem:s23], [sflag:$0x3], $0x80, s22, s19, $0xb8;
	[tilespmem:$0x1C200] =	vst v63  }
0x63: {  	s29 =	sadd.s32 $0x200, s29;
	_ =	swait.ge [sflag:s18], $0x4000  }
0x64: {  	s31 =	smov.u32 s0;
	s28 =	sadd.s32 $0x20, s28;
	[sflag:s18] =	ssyncset.done $0x0  }
0x65: {  	s0 =	sadd.s32 s30, s15;
	[sflag:s18] =	ssyncadd.s32 $0xFFFFC000  }
0x66: {  	[tilespmem:s21], [sflag:$0x3] =	stream.linear.gather [hbm4b:s0+s3], $0x80, $0x38;
	[tilespmem:$0x1C200] =	vst v63  }
0x67: {  	_ =	swait.ge [sflag:s18], $0x80  }
0x68: {  	[sflag:s18] =	ssyncset.done $0x0  }
0x69: {  	[sflag:s18] =	ssyncadd.s32 $0xFFFFFF80  }
0x6a: {  	[tilespmem:s22], [sflag:$0x3] =	stream.linear.gather [hbm4b:s28+s3], $0x80, $0x38;
	[tilespmem:$0x1C200] =	vst v63  }
0x6b: {  	_ =	swait.ge [sflag:s18], $0x80  }
0x6c: {  	[sflag:s18] =	ssyncset.done $0x0  }
0x6d: {  	[sflag:s18] =	ssyncadd.s32 $0xFFFFFF80  }
0x6e: {  	[tilespmem:s23], [sflag:$0x2] =	stream.indirect.gather [hbm4b:s5+s19], $0x80, s21, s19, $0xb8;
	[tilespmem:$0x1C200] =	vst v63  }
0x6f: {  	_ =	swait.ge [sflag:s24], $0x4000  }
0x70: {  	[sflag:s24] =	ssyncset.done $0x0  }
0x71: {  	[sflag:s24] =	ssyncadd.s32 $0xFFFFC000  }
0x72: {  	[spmem:s2] =	stream.indirect.scatter.add.f32 [tilespmem:s20], [sflag:$0x3], $0x80, s19, s19, $0xb8;
	[tilespmem:$0x1C200] =	vst v63  }
0x73: {  	_ =	swait.ge [sflag:s18], $0x4000  }
0x74: {  	s30 =	sshrl.u32 s29, $0x3;
	[sflag:s18] =	ssyncset.done $0x0  }
0x75: {  	s0 =	sadd.s32 s4, s30;
	[sflag:s18] =	ssyncadd.s32 $0xFFFFC000  }
0x76: {  	[tilespmem:s3], [sflag:$0x3] =	stream.linear.gather [hbm4b:s0+s3], $0x80, $0x38;
	[tilespmem:$0x1C200] =	vst v63  }
0x77: {  	_ =	swait.ge [sflag:s18], $0x80  }
0x78: {  	[sflag:s18] =	ssyncset.done $0x0  }
0x79: {  	s31 =	sadd.s32 $0x10, s28;
	[sflag:s18] =	ssyncadd.s32 $0xFFFFFF80  }
0x7a: {  	[tilespmem:s19], [sflag:$0x3] =	stream.linear.gather [hbm4b:s31+s3], $0x80, $0x38;
	[tilespmem:$0x1C200] =	vst v63  }
0x7b: {  	_ =	swait.ge [sflag:s18], $0x80  }
0x7c: {  	[sflag:s18] =	ssyncset.done $0x0  }
0x7d: {  	[sflag:s18] =	ssyncadd.s32 $0xFFFFFF80  }
0x7e: {  	[tilespmem:s20], [sflag:$0x1] =	stream.indirect.gather [hbm4b:s5+s19], $0x80, s3, s19, $0xb8;
	[tilespmem:$0x1C200] =	vst v63  }
0x7f: {  	_ =	swait.ge [sflag:s25], $0x4000  }
0x80: {  	[sflag:s25] =	ssyncset.done $0x0  }
0x81: {  	[sflag:s25] =	ssyncadd.s32 $0xFFFFC000  }
0x82: {  	[spmem:s2] =	stream.indirect.scatter.add.f32 [tilespmem:s23], [sflag:$0x3], $0x80, s22, s19, $0xb8;
	[tilespmem:$0x1C200] =	vst v63  }
0x83: {  	_ =	swait.ge [sflag:s18], $0x4000  }
0x84: {  	[sflag:s18] =	ssyncset.done $0x0  }
0x85: {  	[sflag:s18] =	ssyncadd.s32 $0xFFFFC000  }
0x86: {  	[tilespmem:s21], [sflag:$0x3] =	stream.linear.gather [hbm4b:s10+s3], $0x80, $0x38;
	[tilespmem:$0x1C200] =	vst v63  }
0x87: {  	_ =	swait.ge [sflag:s18], $0x80  }
0x88: {  	[sflag:s18] =	ssyncset.done $0x0  }
0x89: {  	[sflag:s18] =	ssyncadd.s32 $0xFFFFFF80  }
0x8a: {  	[tilespmem:s22], [sflag:$0x3] =	stream.linear.gather [hbm4b:s11+s3], $0x80, $0x38;
	[tilespmem:$0x1C200] =	vst v63  }
0x8b: {  	_ =	swait.ge [sflag:s18], $0x80  }
0x8c: {  	[sflag:s18] =	ssyncset.done $0x0  }
0x8d: {  	[sflag:s18] =	ssyncadd.s32 $0xFFFFFF80  }
0x8e: {  	[tilespmem:s23], [sflag:$0x2] =	stream.indirect.gather [hbm4b:s5+s19], $0x80, s21, s19, $0xb8;
	[tilespmem:$0x1C200] =	vst v63  }
0x8f: {  	_ =	swait.ge [sflag:s24], $0x4000  }
0x90: {  	[sflag:s24] =	ssyncset.done $0x0  }
0x91: {  	[sflag:s24] =	ssyncadd.s32 $0xFFFFC000  }
0x92: {  	[spmem:s2] =	stream.indirect.scatter.add.f32 [tilespmem:s20], [sflag:$0x3], $0x80, s19, s19, $0xb8;
	[tilespmem:$0x1C200] =	vst v63  }
0x93: {  	_ =	swait.ge [sflag:s18], $0x4000  }
0x94: {  	[sflag:s18] =	ssyncset.done $0x0  }
0x95: {  	[sflag:s18] =	ssyncadd.s32 $0xFFFFC000  }
0x96: {  	_ =	swait.ge [sflag:s25], $0x4000  }
0x97: {  	[sflag:s25] =	ssyncset.done $0x0  }
0x98: {  	[sflag:s25] =	ssyncadd.s32 $0xFFFFC000  }
0x99: {  	[spmem:s2] =	stream.indirect.scatter.add.f32 [tilespmem:s23], [sflag:$0x3], $0x80, s22, s19, $0xb8;
	[tilespmem:$0x1C200] =	vst v63  }
0x9a: {  	_ =	swait.ge [sflag:s18], $0x4000  }
0x9b: {  	s26 =	sadd.s32 $0x1, s26;
	[sflag:s18] =	ssyncset.done $0x0  }
0x9c: {  	p0 =	sne.s32 s26, s13;
	[sflag:s18] =	ssyncadd.s32 $0xFFFFC000  }
.Ltmp1:
0x9d: {  	[bflag:$0x0] =	sbarrier.arrive $0xFFFF;
	(pc) =	sbr.rel @p0 .LBB2_1-.Ltmp1, $4  }
0x9e: {  	[hbm:s12], [sflag:s7] =	dma.local [spmem:s17], $0x2800  }
0x9f: {  	_ =	swait.ge [sflag:s18], $0x2800  }
0xa0: {  	[sflag:s18] =	ssyncset.done $0x0  }
0xa1: {  	[sflag:s18] =	ssyncadd.s32 $0xFFFFD800  }
0xa2: {  	_ =	sfence.sel $0x180000  }
0xa3: {  	[bflag:$0x0] =	sbarrier.arrive $0xFFFF  }
0xa4: {  	_ =	strace $0x90000053  }
0xa5: {  	s0 =	stileid.u32;
	[bflag:$0x2] =	sbarrier.arrive $0xFFFF  }
0xa6: {  	p0 =	sne.s32 s0, $0x0;
	s0 =	rddreg [dreg:$0x2]  }
0xa7: {  	s0 =	sadd.s32 @!p0 $0x100000, s0  }
0xa8: {  	[sflag:s0] =	ssyncadd.tile.s32 @!p0 $0x1;
	_ =	shalt  }
.Lfunc_end2:
_tile_overlayer_lowered:
.L_overlay_start_2:
0xa9: {  	(tag) =	ssettag $0x2  }
0xaa: {  	s0 =	rddreg [dreg:$0x0];
	s2 =	stileid.u32  }
0xab: {  	s1 =	rddreg [dreg:$0x1];
	p0 =	sne.s32 s2, $0x0  }
0xac: {  	s3 =	rddreg [dreg:$0x2];
	[bflag:$0x3] =	sbarrier.arrive $0xFFFF;
	s2 =	simm.s32 @!p0 $0x1C03  }
0xad: {  	[timem:s3], [sflag:s2] =	dma.local @!p0 [hbm:s0], s1  }
0xae: {  	s0 =	simm.s32 @!p0 $0x3  }
0xaf: {  	_ =	swait.ge @!p0 [sflag:s0], s1  }
0xb0: {  	s1 =	ssub.s32 @!p0 $0x0, s1;
	[sflag:s0] =	ssyncset.done @!p0 $0x0  }
0xb1: {  	[sflag:s0] =	ssyncadd.s32 @!p0 s1  }
0xb2: {  	[bflag:$0x3] =	sbarrier.arrive $0xFFFF  }
0xb3: {  	_ =	shalt  }

</sc_bundles>
